<compile_context>
chip_gen: v7x
topology: tpu7x:2x2x1
jax: 0.10.2.dev20260603
libtpu: 0.0.44.dev20260713+nightly
codegen_flags: <defaults>
</compile_context>

<pallas_src>
import functools

import jax
import jax.numpy as jnp
from jax import lax
from jax.experimental import pallas as pl
from jax.experimental.pallas import tpu as pltpu
from jax.experimental.pallas import tpu_sc as plsc

D = 64
K = 20
L = 16
C = 32
GS = 128
TW = 256


@functools.lru_cache(maxsize=None)
def _transpose_build(V):
    info = plsc.get_sparse_core_info()
    NC, NS = info.num_cores, info.num_subcores
    NW = NC * NS
    NBLK = V // TW
    REM = V - NBLK * TW
    BPT = -(-NBLK // NW)
    mesh = plsc.VectorSubcoreMesh(core_axis_name="c", subcore_axis_name="s")

    buf_set = [
        pltpu.VMEM((D, TW), jnp.float32),
        pltpu.VMEM((TW * D,), jnp.float32),
        pltpu.SemaphoreType.DMA,
        pltpu.SemaphoreType.DMA,
    ]

    @functools.partial(
        pl.kernel, mesh=mesh,
        compiler_params=pltpu.CompilerParams(
            needs_layout_passes=False, use_tc_tiling_on_sc=True),
        out_type=[jax.ShapeDtypeStruct((V * D,), jnp.float32),
                  jax.ShapeDtypeStruct((V * D,), jnp.float32)],
        scratch_types=buf_set + buf_set,
    )
    def t_kernel(tin, tout, tin_tail, tout_tail, oin, oout, *scratch):
        wid = lax.axis_index("s") * NC + lax.axis_index("c")
        lanes = lax.iota(jnp.int32, L)
        ph = (scratch[:4], scratch[4:])

        scat_base = [(rg * L + lanes) * D for rg in range(TW // L)]

        def compute(p, nrows):
            in_buf, out_buf = ph[p][0], ph[p][1]

            def dstep(d, carry):
                for rg in range(nrows // L):
                    vals = in_buf[d, pl.ds(rg * L, L)]
                    plsc.store_scatter(out_buf, [scat_base[rg] + d], vals)
                return carry

            lax.fori_loop(0, D, dstep, 0, unroll=2)

        for tab, tail, out in ((tin, tin_tail, oin), (tout, tout_tail, oout)):
            def blk_id(b):
                return jnp.minimum(wid * BPT + b, NBLK - 1)

            def in_cp(b, p):
                c0 = blk_id(b) * TW
                return pltpu.make_async_copy(
                    tab.at[:, pl.ds(c0, TW)], ph[p][0], ph[p][2])

            def out_cp(b, p):
                c0 = blk_id(b) * TW
                return pltpu.make_async_copy(
                    ph[p][1], out.at[pl.ds(c0 * D, TW * D)], ph[p][3])

            in_cp(0, 0).start()
            if BPT > 1:
                in_cp(1, 1).start()

            def body(s, carry):
                A = 2 * s
                for p in (0, 1):
                    b = A + p

                    @pl.when(b < BPT)
                    def _():
                        in_cp(b, p).wait()

                        @pl.when(s > 0)
                        def _():
                            out_cp(b - 2, p).wait()

                        compute(p, TW)
                        out_cp(b, p).start()

                        @pl.when(b + 2 < BPT)
                        def _():
                            in_cp(b + 2, p).start()

                return carry

            lax.fori_loop(0, -(-BPT // 2), body, 0)
            out_cp(BPT - 1, (BPT - 1) % 2).wait()
            if BPT > 1:
                out_cp(BPT - 2, (BPT - 2) % 2).wait()

            if REM:
                @pl.when(wid == 0)
                def _():
                    cp = pltpu.make_async_copy(tail, ph[0][0], ph[0][2])
                    cp.start()
                    cp.wait()
                    compute(0, REM)
                    ocp = pltpu.make_async_copy(
                        ph[0][1].at[pl.ds(0, REM * D)],
                        out.at[pl.ds(NBLK * TW * D, REM * D)], ph[0][3])
                    ocp.start()
                    ocp.wait()

    return t_kernel


@functools.lru_cache(maxsize=None)
def _gather_build(B):
    info = plsc.get_sparse_core_info()
    NC, NS = info.num_cores, info.num_subcores
    NW = NC * NS
    BPW = B // NW
    NCH = BPW // C
    NSL = (C * K) // GS
    mesh = plsc.VectorSubcoreMesh(core_axis_name="c", subcore_axis_name="s")

    buf_set = [
        pltpu.VMEM((C,), jnp.int32),
        pltpu.VMEM((C,), jnp.int32),
        pltpu.VMEM((C * K,), jnp.int32),
        pltpu.VMEM((C, D), jnp.float32),
        pltpu.VMEM((C, D), jnp.float32),
        pltpu.VMEM((C * K, D), jnp.float32),
        pltpu.VMEM((C,), jnp.float32),
        pltpu.VMEM((C * K,), jnp.float32),
        pltpu.SemaphoreType.DMA,
        pltpu.SemaphoreType.DMA,
        pltpu.SemaphoreType.DMA,
    ]

    @functools.partial(
        pl.kernel, mesh=mesh,
        compiler_params=pltpu.CompilerParams(
            needs_layout_passes=False, use_tc_tiling_on_sc=False),
        out_type=[jax.ShapeDtypeStruct((B,), jnp.float32),
                  jax.ShapeDtypeStruct((B * K,), jnp.float32)],
        scratch_types=buf_set + buf_set,
    )
    def sc_kernel(in_lab, pos_lab, neg_lab, in_tab, out_tab,
                  pos_out, neg_out, *scratch):
        wid = lax.axis_index("s") * NC + lax.axis_index("c")
        base = wid * BPW
        lanes = lax.iota(jnp.int32, L)
        ph = (scratch[:11], scratch[11:])

        def bufs(p):
            (in_idx, pos_idx, neg_idx, in_rows, pos_rows, neg_rows,
             pos_buf, neg_buf, sem_i, sem_g, sem_o) = ph[p]
            return dict(in_idx=in_idx, pos_idx=pos_idx, neg_idx=neg_idx,
                        in_rows=in_rows, pos_rows=pos_rows,
                        neg_rows=neg_rows, pos_buf=pos_buf, neg_buf=neg_buf,
                        sem_i=sem_i, sem_g=sem_g, sem_o=sem_o)

        def idx_copies(c, p):
            b = bufs(p)
            off = base + c * C
            return [
                pltpu.make_async_copy(in_lab.at[pl.ds(off, C)], b["in_idx"],
                                      b["sem_i"]),
                pltpu.make_async_copy(pos_lab.at[pl.ds(off, C)], b["pos_idx"],
                                      b["sem_i"]),
                pltpu.make_async_copy(neg_lab.at[pl.ds(off * K, C * K)],
                                      b["neg_idx"], b["sem_i"]),
            ]

        def gather_copies(p):
            b = bufs(p)
            cps = [
                pltpu.make_async_copy(in_tab.at[b["in_idx"]], b["in_rows"],
                                      b["sem_g"]),
                pltpu.make_async_copy(out_tab.at[b["pos_idx"]], b["pos_rows"],
                                      b["sem_g"]),
            ]
            for j in range(NSL):
                cps.append(pltpu.make_async_copy(
                    out_tab.at[b["neg_idx"].at[pl.ds(j * GS, GS)]],
                    b["neg_rows"].at[pl.ds(j * GS, GS)], b["sem_g"]))
            return cps

        def out_copies(c, p):
            b = bufs(p)
            off = base + c * C
            return [
                pltpu.make_async_copy(b["pos_buf"],
                                      pos_out.at[pl.ds(off, C)], b["sem_o"]),
                pltpu.make_async_copy(b["neg_buf"],
                                      neg_out.at[pl.ds(off * K, C * K)],
                                      b["sem_o"]),
            ]

        def fire(cps):
            for cp in cps:
                cp.start()

        def drain(cps):
            for cp in cps:
                cp.wait()

        def compute(p):
            b = bufs(p)
            in_rows, pos_rows, neg_rows = (
                b["in_rows"], b["pos_rows"], b["neg_rows"])
            for g in range(C // L):
                gl = g * L + lanes
                glk = gl * K

                def dstep(d, accs):
                    dcol = jnp.full((L,), d, jnp.int32)
                    iv = plsc.load_gather(in_rows, [gl, dcol])
                    pv = plsc.load_gather(pos_rows, [gl, dcol])
                    out = [accs[0] + iv * pv]
                    for kk in range(K):
                        nv = plsc.load_gather(neg_rows, [glk + kk, dcol])
                        out.append(accs[kk + 1] + nv * iv)
                    return tuple(out)

                zero = jnp.zeros((L,), jnp.float32)
                accs = lax.fori_loop(0, D, dstep, (zero,) * (K + 1))
                b["pos_buf"][pl.ds(g * L, L)] = accs[0]
                for kk in range(K):
                    plsc.store_scatter(b["neg_buf"], [glk + kk], accs[kk + 1])

        fire(idx_copies(0, 0))
        fire(idx_copies(1, 1))
        drain(idx_copies(0, 0))
        fire(gather_copies(0))

        def body(s, carry):
            A = 2 * s
            Bc = A + 1
            drain(idx_copies(Bc, 1))
            fire(gather_copies(1))
            drain(gather_copies(0))

            @pl.when(s > 0)
            def _():
                drain(out_copies(A - 2, 0))

            compute(0)
            fire(out_copies(A, 0))

            @pl.when(s < NCH // 2 - 1)
            def _():
                fire(idx_copies(A + 2, 0))
                drain(idx_copies(A + 2, 0))
                fire(gather_copies(0))

            drain(gather_copies(1))

            @pl.when(s > 0)
            def _():
                drain(out_copies(Bc - 2, 1))

            compute(1)
            fire(out_copies(Bc, 1))

            @pl.when(s < NCH // 2 - 1)
            def _():
                fire(idx_copies(Bc + 2, 1))

            return carry

        lax.fori_loop(0, NCH // 2, body, 0)
        drain(out_copies(NCH - 2, 0))
        drain(out_copies(NCH - 1, 1))

    return sc_kernel


def kernel(input_labels, pos_labels, neg_labels, in_table, out_table):
    B = input_labels.shape[0]
    V = in_table.shape[0]
    il = input_labels.astype(jnp.int32)
    pli = pos_labels.astype(jnp.int32)
    nli = neg_labels.astype(jnp.int32).reshape(-1)
    NBLK = V // TW
    REM = V - NBLK * TW
    if REM:
        tin_tail = jnp.pad(in_table[NBLK * TW:, :].T, ((0, 0), (0, TW - REM)))
        tout_tail = jnp.pad(out_table[NBLK * TW:, :].T, ((0, 0), (0, TW - REM)))
    else:
        tin_tail = jnp.zeros((D, TW), jnp.float32)
        tout_tail = jnp.zeros((D, TW), jnp.float32)
    tin_flat, tout_flat = _transpose_build(V)(
        in_table.T, out_table.T, tin_tail, tout_tail)
    in_lin = tin_flat.reshape(V, D)
    out_lin = tout_flat.reshape(V, D)
    pos_flat, neg_flat = _gather_build(B)(il, pli, nli, in_lin, out_lin)
    return pos_flat.reshape(B, 1), neg_flat.reshape(B, neg_labels.shape[1])

# --- scband reference (transcript-rebuilt; emitter-appended) ---
"""Pipeline reference for scband-skip-gram-model-14800457302487 (READ-ONLY COPY).

The authoritative reference and input builder live on the scoring server;
editing this copy changes nothing except your own understanding.
"""

import jax, jax.numpy as jnp
import numpy as np

VOCAB = 1000000
DIM = 64
BATCH = 16384
NUM_NEG = 20

def setup_inputs(seed: int = 0) -> dict:
    key = jax.random.key(seed)
    k1, k2, k3, k4, k5 = jax.random.split(key, 5)
    initrange = 0.5 / DIM
    in_table = jax.random.uniform(k1, (VOCAB, DIM), dtype=jnp.float32, minval=-initrange, maxval=initrange)
    out_table = jax.random.uniform(k2, (VOCAB, DIM), dtype=jnp.float32, minval=-initrange, maxval=initrange)
    input_labels = jax.random.randint(k3, (BATCH,), 0, VOCAB, dtype=jnp.int64 if jax.config.jax_enable_x64 else jnp.int32)
    pos_labels = jax.random.randint(k4, (BATCH,), 0, VOCAB, dtype=jnp.int64 if jax.config.jax_enable_x64 else jnp.int32)
    neg_labels = jax.random.randint(k5, (BATCH, NUM_NEG), 0, VOCAB, dtype=jnp.int64 if jax.config.jax_enable_x64 else jnp.int32)
    return {"input_labels": input_labels, "pos_labels": pos_labels, "neg_labels": neg_labels, "in_table": in_table, "out_table": out_table}

def reference(input_labels, pos_labels, neg_labels, in_table, out_table):
    # gather embeddings
    input_vectors = jnp.take(in_table, input_labels, axis=0)          # [B, D]
    pos_vectors = jnp.take(out_table, pos_labels, axis=0)             # [B, D]
    neg_vectors = jnp.take(out_table, neg_labels, axis=0)             # [B, K, D]
    pos_score = jnp.sum(input_vectors * pos_vectors, axis=1)[:, None] # [B, 1]
    # bmm: [B, K, D] x [B, D, 1] -> [B, K]
    neg_score = jnp.einsum('bkd,bd->bk', neg_vectors, input_vectors)  # [B, K]
    return (pos_score, neg_score)

if __name__ == "__main__":
    import jax
    _d = setup_inputs()
    print(jax.jit(kernel)(*tuple(_d.values())))

</pallas_src>

<mosaic_0001>
#map = affine_map<(d0, d1) -> (0)>
#map1 = affine_map<(d0, d1) -> (0, 0)>
module attributes {stable_mosaic.version = 14 : i64} {
  func.func @sc_kernel(%arg0: i32, %arg1: i32, %arg2: memref<16384xi32, #tpu.memory_space<hbm>>, %arg3: memref<16384xi32, #tpu.memory_space<hbm>>, %arg4: memref<327680xi32, #tpu.memory_space<hbm>>, %arg5: memref<1000000x64xf32, #tpu.memory_space<hbm>>, %arg6: memref<1000000x64xf32, #tpu.memory_space<hbm>>, %arg7: memref<16384xf32, #tpu.memory_space<hbm>>, %arg8: memref<327680xf32, #tpu.memory_space<hbm>>, %arg9: memref<32xi32, #tpu.memory_space<vmem>>, %arg10: memref<32xi32, #tpu.memory_space<vmem>>, %arg11: memref<640xi32, #tpu.memory_space<vmem>>, %arg12: memref<32x64xf32, #tpu.memory_space<vmem>>, %arg13: memref<32x64xf32, #tpu.memory_space<vmem>>, %arg14: memref<640x64xf32, #tpu.memory_space<vmem>>, %arg15: memref<32xf32, #tpu.memory_space<vmem>>, %arg16: memref<640xf32, #tpu.memory_space<vmem>>, %arg17: memref<!tpu.dma_semaphore, #tpu.memory_space<semaphore_mem>>, %arg18: memref<!tpu.dma_semaphore, #tpu.memory_space<semaphore_mem>>, %arg19: memref<!tpu.dma_semaphore, #tpu.memory_space<semaphore_mem>>, %arg20: memref<32xi32, #tpu.memory_space<vmem>>, %arg21: memref<32xi32, #tpu.memory_space<vmem>>, %arg22: memref<640xi32, #tpu.memory_space<vmem>>, %arg23: memref<32x64xf32, #tpu.memory_space<vmem>>, %arg24: memref<32x64xf32, #tpu.memory_space<vmem>>, %arg25: memref<640x64xf32, #tpu.memory_space<vmem>>, %arg26: memref<32xf32, #tpu.memory_space<vmem>>, %arg27: memref<640xf32, #tpu.memory_space<vmem>>, %arg28: memref<!tpu.dma_semaphore, #tpu.memory_space<semaphore_mem>>, %arg29: memref<!tpu.dma_semaphore, #tpu.memory_space<semaphore_mem>>, %arg30: memref<!tpu.dma_semaphore, #tpu.memory_space<semaphore_mem>>) attributes {dimension_semantics = [#tpu.dimension_semantics<core_parallel>, #tpu.dimension_semantics<subcore_parallel>], iteration_bounds = array<i64: 2, 16>, scalar_prefetch = 0 : i64, scratch_operands = 22 : i64, tpu.core_type = #tpu.core_type<sc_vector_subcore>, window_params = [{transform_indices = #map}, {transform_indices = #map}, {transform_indices = #map}, {transform_indices = #map1}, {transform_indices = #map1}, {transform_indices = #map}, {transform_indices = #map}]} {
    %mul3A = arith.constant 2 : i32
    %mul3A_0 = arith.muli %arg1, %mul3A : i32
    %add3A = arith.addi %mul3A_0, %arg0 : i32
    %mul3A_1 = arith.constant 512 : i32
    %mul3A_2 = arith.muli %add3A, %mul3A_1 : i32
    %iota3A = tpu.iota {dimensions = array<i32: 0>} : vector<16xi32>
    %add3A_3 = arith.constant 0 : i32
    %add3A_4 = arith.addi %mul3A_2, %add3A_3 : i32
    %mul3A_5 = arith.constant 20 : i32
    %mul3A_6 = arith.muli %add3A_4, %mul3A_5 : i32
    %dma_start3A = tpu.memref_slice %arg2[%add3A_4] : memref<16384xi32, #tpu.memory_space<hbm>> -> memref<32xi32, #tpu.memory_space<hbm>>
    %dma_start3A_7 = tpu.memref_slice %arg2[%add3A_4] : memref<16384xi32, #tpu.memory_space<hbm>> -> memref<32xi32, #tpu.memory_space<hbm>>
    tpu.enqueue_dma source(%dma_start3A_7 : memref<32xi32, #tpu.memory_space<hbm>>) target(%arg9 : memref<32xi32, #tpu.memory_space<vmem>>) target_semaphore(%arg17 : memref<!tpu.dma_semaphore, #tpu.memory_space<semaphore_mem>>)
    %dma_start3A_8 = tpu.memref_slice %arg3[%add3A_4] : memref<16384xi32, #tpu.memory_space<hbm>> -> memref<32xi32, #tpu.memory_space<hbm>>
    %dma_start3A_9 = tpu.memref_slice %arg3[%add3A_4] : memref<16384xi32, #tpu.memory_space<hbm>> -> memref<32xi32, #tpu.memory_space<hbm>>
    tpu.enqueue_dma source(%dma_start3A_9 : memref<32xi32, #tpu.memory_space<hbm>>) target(%arg10 : memref<32xi32, #tpu.memory_space<vmem>>) target_semaphore(%arg17 : memref<!tpu.dma_semaphore, #tpu.memory_space<semaphore_mem>>)
    %dma_start3A_10 = tpu.memref_slice %arg4[%mul3A_6] : memref<327680xi32, #tpu.memory_space<hbm>> -> memref<640xi32, #tpu.memory_space<hbm>>
    %dma_start3A_11 = tpu.memref_slice %arg4[%mul3A_6] : memref<327680xi32, #tpu.memory_space<hbm>> -> memref<640xi32, #tpu.memory_space<hbm>>
    tpu.enqueue_dma source(%dma_start3A_11 : memref<640xi32, #tpu.memory_space<hbm>>) target(%arg11 : memref<640xi32, #tpu.memory_space<vmem>>) target_semaphore(%arg17 : memref<!tpu.dma_semaphore, #tpu.memory_space<semaphore_mem>>)
    %add3A_12 = arith.constant 32 : i32
    %add3A_13 = arith.addi %mul3A_2, %add3A_12 : i32
    %mul3A_14 = arith.constant 20 : i32
    %mul3A_15 = arith.muli %add3A_13, %mul3A_14 : i32
    %dma_start3A_16 = tpu.memref_slice %arg2[%add3A_13] : memref<16384xi32, #tpu.memory_space<hbm>> -> memref<32xi32, #tpu.memory_space<hbm>>
    %dma_start3A_17 = tpu.memref_slice %arg2[%add3A_13] : memref<16384xi32, #tpu.memory_space<hbm>> -> memref<32xi32, #tpu.memory_space<hbm>>
    tpu.enqueue_dma source(%dma_start3A_17 : memref<32xi32, #tpu.memory_space<hbm>>) target(%arg20 : memref<32xi32, #tpu.memory_space<vmem>>) target_semaphore(%arg28 : memref<!tpu.dma_semaphore, #tpu.memory_space<semaphore_mem>>)
    %dma_start3A_18 = tpu.memref_slice %arg3[%add3A_13] : memref<16384xi32, #tpu.memory_space<hbm>> -> memref<32xi32, #tpu.memory_space<hbm>>
    %dma_start3A_19 = tpu.memref_slice %arg3[%add3A_13] : memref<16384xi32, #tpu.memory_space<hbm>> -> memref<32xi32, #tpu.memory_space<hbm>>
    tpu.enqueue_dma source(%dma_start3A_19 : memref<32xi32, #tpu.memory_space<hbm>>) target(%arg21 : memref<32xi32, #tpu.memory_space<vmem>>) target_semaphore(%arg28 : memref<!tpu.dma_semaphore, #tpu.memory_space<semaphore_mem>>)
    %dma_start3A_20 = tpu.memref_slice %arg4[%mul3A_15] : memref<327680xi32, #tpu.memory_space<hbm>> -> memref<640xi32, #tpu.memory_space<hbm>>
    %dma_start3A_21 = tpu.memref_slice %arg4[%mul3A_15] : memref<327680xi32, #tpu.memory_space<hbm>> -> memref<640xi32, #tpu.memory_space<hbm>>
    tpu.enqueue_dma source(%dma_start3A_21 : memref<640xi32, #tpu.memory_space<hbm>>) target(%arg22 : memref<640xi32, #tpu.memory_space<vmem>>) target_semaphore(%arg28 : memref<!tpu.dma_semaphore, #tpu.memory_space<semaphore_mem>>)
    %add3A_22 = arith.constant 0 : i32
    %add3A_23 = arith.addi %mul3A_2, %add3A_22 : i32
    %mul3A_24 = arith.constant 20 : i32
    %mul3A_25 = arith.muli %add3A_23, %mul3A_24 : i32
    %dma_wait3A = tpu.memref_slice %arg2[%add3A_23] : memref<16384xi32, #tpu.memory_space<hbm>> -> memref<32xi32, #tpu.memory_space<hbm>>
    %dma_wait3A_26 = tpu.memref_slice %arg2[%add3A_23] : memref<16384xi32, #tpu.memory_space<hbm>> -> memref<32xi32, #tpu.memory_space<hbm>>
    tpu.wait_dma2 semaphore(%arg17 : memref<!tpu.dma_semaphore, #tpu.memory_space<semaphore_mem>>) src(%dma_wait3A_26 : memref<32xi32, #tpu.memory_space<hbm>>) dst(%arg9 : memref<32xi32, #tpu.memory_space<vmem>>)
    %dma_wait3A_27 = tpu.memref_slice %arg3[%add3A_23] : memref<16384xi32, #tpu.memory_space<hbm>> -> memref<32xi32, #tpu.memory_space<hbm>>
    %dma_wait3A_28 = tpu.memref_slice %arg3[%add3A_23] : memref<16384xi32, #tpu.memory_space<hbm>> -> memref<32xi32, #tpu.memory_space<hbm>>
    tpu.wait_dma2 semaphore(%arg17 : memref<!tpu.dma_semaphore, #tpu.memory_space<semaphore_mem>>) src(%dma_wait3A_28 : memref<32xi32, #tpu.memory_space<hbm>>) dst(%arg10 : memref<32xi32, #tpu.memory_space<vmem>>)
    %dma_wait3A_29 = tpu.memref_slice %arg4[%mul3A_25] : memref<327680xi32, #tpu.memory_space<hbm>> -> memref<640xi32, #tpu.memory_space<hbm>>
    %dma_wait3A_30 = tpu.memref_slice %arg4[%mul3A_25] : memref<327680xi32, #tpu.memory_space<hbm>> -> memref<640xi32, #tpu.memory_space<hbm>>
    tpu.wait_dma2 semaphore(%arg17 : memref<!tpu.dma_semaphore, #tpu.memory_space<semaphore_mem>>) src(%dma_wait3A_30 : memref<640xi32, #tpu.memory_space<hbm>>) dst(%arg11 : memref<640xi32, #tpu.memory_space<vmem>>)
    %dma_start3A_31 = arith.constant 0 : i32
    %dma_start3A_32 = arith.constant 0 : i32
    %dma_start3A_33 = tpu.memref_slice %arg5[%dma_start3A_31, %dma_start3A_32] : memref<1000000x64xf32, #tpu.memory_space<hbm>> -> memref<1000000x64xf32, #tpu.memory_space<hbm>>
    tpu.enqueue_indirect_dma source(%dma_start3A_33 : memref<1000000x64xf32, #tpu.memory_space<hbm>>) target(%arg12 : memref<32x64xf32, #tpu.memory_space<vmem>>) offsets(%arg9 : memref<32xi32, #tpu.memory_space<vmem>>) semaphore(%arg18 : memref<!tpu.dma_semaphore, #tpu.memory_space<semaphore_mem>>)
    %dma_start3A_34 = arith.constant 0 : i32
    %dma_start3A_35 = arith.constant 0 : i32
    %dma_start3A_36 = tpu.memref_slice %arg6[%dma_start3A_34, %dma_start3A_35] : memref<1000000x64xf32, #tpu.memory_space<hbm>> -> memref<1000000x64xf32, #tpu.memory_space<hbm>>
    tpu.enqueue_indirect_dma source(%dma_start3A_36 : memref<1000000x64xf32, #tpu.memory_space<hbm>>) target(%arg13 : memref<32x64xf32, #tpu.memory_space<vmem>>) offsets(%arg10 : memref<32xi32, #tpu.memory_space<vmem>>) semaphore(%arg18 : memref<!tpu.dma_semaphore, #tpu.memory_space<semaphore_mem>>)
    %dma_start3A_37 = arith.constant 0 : i32
    %dma_start3A_38 = arith.constant 0 : i32
    %dma_start3A_39 = tpu.memref_slice %arg14[%dma_start3A_37, %dma_start3A_38] : memref<640x64xf32, #tpu.memory_space<vmem>> -> memref<128x64xf32, #tpu.memory_space<vmem>>
    %dma_start3A_40 = arith.constant 0 : i32
    %dma_start3A_41 = tpu.memref_slice %arg11[%dma_start3A_40] : memref<640xi32, #tpu.memory_space<vmem>> -> memref<128xi32, #tpu.memory_space<vmem>>
    %dma_start3A_42 = arith.constant 0 : i32
    %dma_start3A_43 = arith.constant 0 : i32
    %dma_start3A_44 = tpu.memref_slice %arg6[%dma_start3A_42, %dma_start3A_43] : memref<1000000x64xf32, #tpu.memory_space<hbm>> -> memref<1000000x64xf32, #tpu.memory_space<hbm>>
    tpu.enqueue_indirect_dma source(%dma_start3A_44 : memref<1000000x64xf32, #tpu.memory_space<hbm>>) target(%dma_start3A_39 : memref<128x64xf32, #tpu.memory_space<vmem>>) offsets(%dma_start3A_41 : memref<128xi32, #tpu.memory_space<vmem>>) semaphore(%arg18 : memref<!tpu.dma_semaphore, #tpu.memory_space<semaphore_mem>>)
    %dma_start3A_45 = arith.constant 128 : i32
    %dma_start3A_46 = arith.constant 0 : i32
    %dma_start3A_47 = tpu.memref_slice %arg14[%dma_start3A_45, %dma_start3A_46] : memref<640x64xf32, #tpu.memory_space<vmem>> -> memref<128x64xf32, #tpu.memory_space<vmem>>
    %dma_start3A_48 = arith.constant 128 : i32
    %dma_start3A_49 = tpu.memref_slice %arg11[%dma_start3A_48] : memref<640xi32, #tpu.memory_space<vmem>> -> memref<128xi32, #tpu.memory_space<vmem>>
    %dma_start3A_50 = arith.constant 0 : i32
    %dma_start3A_51 = arith.constant 0 : i32
    %dma_start3A_52 = tpu.memref_slice %arg6[%dma_start3A_50, %dma_start3A_51] : memref<1000000x64xf32, #tpu.memory_space<hbm>> -> memref<1000000x64xf32, #tpu.memory_space<hbm>>
    tpu.enqueue_indirect_dma source(%dma_start3A_52 : memref<1000000x64xf32, #tpu.memory_space<hbm>>) target(%dma_start3A_47 : memref<128x64xf32, #tpu.memory_space<vmem>>) offsets(%dma_start3A_49 : memref<128xi32, #tpu.memory_space<vmem>>) semaphore(%arg18 : memref<!tpu.dma_semaphore, #tpu.memory_space<semaphore_mem>>)
    %dma_start3A_53 = arith.constant 256 : i32
    %dma_start3A_54 = arith.constant 0 : i32
    %dma_start3A_55 = tpu.memref_slice %arg14[%dma_start3A_53, %dma_start3A_54] : memref<640x64xf32, #tpu.memory_space<vmem>> -> memref<128x64xf32, #tpu.memory_space<vmem>>
    %dma_start3A_56 = arith.constant 256 : i32
    %dma_start3A_57 = tpu.memref_slice %arg11[%dma_start3A_56] : memref<640xi32, #tpu.memory_space<vmem>> -> memref<128xi32, #tpu.memory_space<vmem>>
    %dma_start3A_58 = arith.constant 0 : i32
    %dma_start3A_59 = arith.constant 0 : i32
    %dma_start3A_60 = tpu.memref_slice %arg6[%dma_start3A_58, %dma_start3A_59] : memref<1000000x64xf32, #tpu.memory_space<hbm>> -> memref<1000000x64xf32, #tpu.memory_space<hbm>>
    tpu.enqueue_indirect_dma source(%dma_start3A_60 : memref<1000000x64xf32, #tpu.memory_space<hbm>>) target(%dma_start3A_55 : memref<128x64xf32, #tpu.memory_space<vmem>>) offsets(%dma_start3A_57 : memref<128xi32, #tpu.memory_space<vmem>>) semaphore(%arg18 : memref<!tpu.dma_semaphore, #tpu.memory_space<semaphore_mem>>)
    %dma_start3A_61 = arith.constant 384 : i32
    %dma_start3A_62 = arith.constant 0 : i32
    %dma_start3A_63 = tpu.memref_slice %arg14[%dma_start3A_61, %dma_start3A_62] : memref<640x64xf32, #tpu.memory_space<vmem>> -> memref<128x64xf32, #tpu.memory_space<vmem>>
    %dma_start3A_64 = arith.constant 384 : i32
    %dma_start3A_65 = tpu.memref_slice %arg11[%dma_start3A_64] : memref<640xi32, #tpu.memory_space<vmem>> -> memref<128xi32, #tpu.memory_space<vmem>>
    %dma_start3A_66 = arith.constant 0 : i32
    %dma_start3A_67 = arith.constant 0 : i32
    %dma_start3A_68 = tpu.memref_slice %arg6[%dma_start3A_66, %dma_start3A_67] : memref<1000000x64xf32, #tpu.memory_space<hbm>> -> memref<1000000x64xf32, #tpu.memory_space<hbm>>
    tpu.enqueue_indirect_dma source(%dma_start3A_68 : memref<1000000x64xf32, #tpu.memory_space<hbm>>) target(%dma_start3A_63 : memref<128x64xf32, #tpu.memory_space<vmem>>) offsets(%dma_start3A_65 : memref<128xi32, #tpu.memory_space<vmem>>) semaphore(%arg18 : memref<!tpu.dma_semaphore, #tpu.memory_space<semaphore_mem>>)
    %dma_start3A_69 = arith.constant 512 : i32
    %dma_start3A_70 = arith.constant 0 : i32
    %dma_start3A_71 = tpu.memref_slice %arg14[%dma_start3A_69, %dma_start3A_70] : memref<640x64xf32, #tpu.memory_space<vmem>> -> memref<128x64xf32, #tpu.memory_space<vmem>>
    %dma_start3A_72 = arith.constant 512 : i32
    %dma_start3A_73 = tpu.memref_slice %arg11[%dma_start3A_72] : memref<640xi32, #tpu.memory_space<vmem>> -> memref<128xi32, #tpu.memory_space<vmem>>
    %dma_start3A_74 = arith.constant 0 : i32
    %dma_start3A_75 = arith.constant 0 : i32
    %dma_start3A_76 = tpu.memref_slice %arg6[%dma_start3A_74, %dma_start3A_75] : memref<1000000x64xf32, #tpu.memory_space<hbm>> -> memref<1000000x64xf32, #tpu.memory_space<hbm>>
    tpu.enqueue_indirect_dma source(%dma_start3A_76 : memref<1000000x64xf32, #tpu.memory_space<hbm>>) target(%dma_start3A_71 : memref<128x64xf32, #tpu.memory_space<vmem>>) offsets(%dma_start3A_73 : memref<128xi32, #tpu.memory_space<vmem>>) semaphore(%arg18 : memref<!tpu.dma_semaphore, #tpu.memory_space<semaphore_mem>>)
    %scan3A = arith.constant 0 : i32
    %scan3A_77 = arith.constant 0 : i32
    %scan3A_78 = arith.constant 8 : i32
    %scan3A_79 = arith.addi %scan3A_77, %scan3A_78 : i32
    %scan3A_80 = arith.constant 1 : i32
    scf.for %scan3A_98 = %scan3A_77 to %scan3A_79 step %scan3A_80  : i32 {
      %mul3A_99 = arith.constant 2 : i32
      %mul3A_100 = arith.muli %mul3A_99, %scan3A_98 : i32
      %add3A_101 = arith.constant 1 : i32
      %add3A_102 = arith.addi %mul3A_100, %add3A_101 : i32
      %mul3A_103 = arith.constant 32 : i32
      %mul3A_104 = arith.muli %add3A_102, %mul3A_103 : i32
      %add3A_105 = arith.addi %mul3A_2, %mul3A_104 : i32
      %mul3A_106 = arith.constant 20 : i32
      %mul3A_107 = arith.muli %add3A_105, %mul3A_106 : i32
      %dma_wait3A_108 = tpu.memref_slice %arg2[%add3A_105] : memref<16384xi32, #tpu.memory_space<hbm>> -> memref<32xi32, #tpu.memory_space<hbm>>
      %dma_wait3A_109 = tpu.memref_slice %arg2[%add3A_105] : memref<16384xi32, #tpu.memory_space<hbm>> -> memref<32xi32, #tpu.memory_space<hbm>>
      tpu.wait_dma2 semaphore(%arg28 : memref<!tpu.dma_semaphore, #tpu.memory_space<semaphore_mem>>) src(%dma_wait3A_109 : memref<32xi32, #tpu.memory_space<hbm>>) dst(%arg20 : memref<32xi32, #tpu.memory_space<vmem>>)
      %dma_wait3A_110 = tpu.memref_slice %arg3[%add3A_105] : memref<16384xi32, #tpu.memory_space<hbm>> -> memref<32xi32, #tpu.memory_space<hbm>>
      %dma_wait3A_111 = tpu.memref_slice %arg3[%add3A_105] : memref<16384xi32, #tpu.memory_space<hbm>> -> memref<32xi32, #tpu.memory_space<hbm>>
      tpu.wait_dma2 semaphore(%arg28 : memref<!tpu.dma_semaphore, #tpu.memory_space<semaphore_mem>>) src(%dma_wait3A_111 : memref<32xi32, #tpu.memory_space<hbm>>) dst(%arg21 : memref<32xi32, #tpu.memory_space<vmem>>)
      %dma_wait3A_112 = tpu.memref_slice %arg4[%mul3A_107] : memref<327680xi32, #tpu.memory_space<hbm>> -> memref<640xi32, #tpu.memory_space<hbm>>
      %dma_wait3A_113 = tpu.memref_slice %arg4[%mul3A_107] : memref<327680xi32, #tpu.memory_space<hbm>> -> memref<640xi32, #tpu.memory_space<hbm>>
      tpu.wait_dma2 semaphore(%arg28 : memref<!tpu.dma_semaphore, #tpu.memory_space<semaphore_mem>>) src(%dma_wait3A_113 : memref<640xi32, #tpu.memory_space<hbm>>) dst(%arg22 : memref<640xi32, #tpu.memory_space<vmem>>)
      %dma_start3A_114 = arith.constant 0 : i32
      %dma_start3A_115 = arith.constant 0 : i32
      %dma_start3A_116 = tpu.memref_slice %arg5[%dma_start3A_114, %dma_start3A_115] : memref<1000000x64xf32, #tpu.memory_space<hbm>> -> memref<1000000x64xf32, #tpu.memory_space<hbm>>
      tpu.enqueue_indirect_dma source(%dma_start3A_116 : memref<1000000x64xf32, #tpu.memory_space<hbm>>) target(%arg23 : memref<32x64xf32, #tpu.memory_space<vmem>>) offsets(%arg20 : memref<32xi32, #tpu.memory_space<vmem>>) semaphore(%arg29 : memref<!tpu.dma_semaphore, #tpu.memory_space<semaphore_mem>>)
      %dma_start3A_117 = arith.constant 0 : i32
      %dma_start3A_118 = arith.constant 0 : i32
      %dma_start3A_119 = tpu.memref_slice %arg6[%dma_start3A_117, %dma_start3A_118] : memref<1000000x64xf32, #tpu.memory_space<hbm>> -> memref<1000000x64xf32, #tpu.memory_space<hbm>>
      tpu.enqueue_indirect_dma source(%dma_start3A_119 : memref<1000000x64xf32, #tpu.memory_space<hbm>>) target(%arg24 : memref<32x64xf32, #tpu.memory_space<vmem>>) offsets(%arg21 : memref<32xi32, #tpu.memory_space<vmem>>) semaphore(%arg29 : memref<!tpu.dma_semaphore, #tpu.memory_space<semaphore_mem>>)
      %dma_start3A_120 = arith.constant 0 : i32
      %dma_start3A_121 = arith.constant 0 : i32
      %dma_start3A_122 = tpu.memref_slice %arg25[%dma_start3A_120, %dma_start3A_121] : memref<640x64xf32, #tpu.memory_space<vmem>> -> memref<128x64xf32, #tpu.memory_space<vmem>>
      %dma_start3A_123 = arith.constant 0 : i32
      %dma_start3A_124 = tpu.memref_slice %arg22[%dma_start3A_123] : memref<640xi32, #tpu.memory_space<vmem>> -> memref<128xi32, #tpu.memory_space<vmem>>
      %dma_start3A_125 = arith.constant 0 : i32
      %dma_start3A_126 = arith.constant 0 : i32
      %dma_start3A_127 = tpu.memref_slice %arg6[%dma_start3A_125, %dma_start3A_126] : memref<1000000x64xf32, #tpu.memory_space<hbm>> -> memref<1000000x64xf32, #tpu.memory_space<hbm>>
      tpu.enqueue_indirect_dma source(%dma_start3A_127 : memref<1000000x64xf32, #tpu.memory_space<hbm>>) target(%dma_start3A_122 : memref<128x64xf32, #tpu.memory_space<vmem>>) offsets(%dma_start3A_124 : memref<128xi32, #tpu.memory_space<vmem>>) semaphore(%arg29 : memref<!tpu.dma_semaphore, #tpu.memory_space<semaphore_mem>>)
      %dma_start3A_128 = arith.constant 128 : i32
      %dma_start3A_129 = arith.constant 0 : i32
      %dma_start3A_130 = tpu.memref_slice %arg25[%dma_start3A_128, %dma_start3A_129] : memref<640x64xf32, #tpu.memory_space<vmem>> -> memref<128x64xf32, #tpu.memory_space<vmem>>
      %dma_start3A_131 = arith.constant 128 : i32
      %dma_start3A_132 = tpu.memref_slice %arg22[%dma_start3A_131] : memref<640xi32, #tpu.memory_space<vmem>> -> memref<128xi32, #tpu.memory_space<vmem>>
      %dma_start3A_133 = arith.constant 0 : i32
      %dma_start3A_134 = arith.constant 0 : i32
      %dma_start3A_135 = tpu.memref_slice %arg6[%dma_start3A_133, %dma_start3A_134] : memref<1000000x64xf32, #tpu.memory_space<hbm>> -> memref<1000000x64xf32, #tpu.memory_space<hbm>>
      tpu.enqueue_indirect_dma source(%dma_start3A_135 : memref<1000000x64xf32, #tpu.memory_space<hbm>>) target(%dma_start3A_130 : memref<128x64xf32, #tpu.memory_space<vmem>>) offsets(%dma_start3A_132 : memref<128xi32, #tpu.memory_space<vmem>>) semaphore(%arg29 : memref<!tpu.dma_semaphore, #tpu.memory_space<semaphore_mem>>)
      %dma_start3A_136 = arith.constant 256 : i32
      %dma_start3A_137 = arith.constant 0 : i32
      %dma_start3A_138 = tpu.memref_slice %arg25[%dma_start3A_136, %dma_start3A_137] : memref<640x64xf32, #tpu.memory_space<vmem>> -> memref<128x64xf32, #tpu.memory_space<vmem>>
      %dma_start3A_139 = arith.constant 256 : i32
      %dma_start3A_140 = tpu.memref_slice %arg22[%dma_start3A_139] : memref<640xi32, #tpu.memory_space<vmem>> -> memref<128xi32, #tpu.memory_space<vmem>>
      %dma_start3A_141 = arith.constant 0 : i32
      %dma_start3A_142 = arith.constant 0 : i32
      %dma_start3A_143 = tpu.memref_slice %arg6[%dma_start3A_141, %dma_start3A_142] : memref<1000000x64xf32, #tpu.memory_space<hbm>> -> memref<1000000x64xf32, #tpu.memory_space<hbm>>
      tpu.enqueue_indirect_dma source(%dma_start3A_143 : memref<1000000x64xf32, #tpu.memory_space<hbm>>) target(%dma_start3A_138 : memref<128x64xf32, #tpu.memory_space<vmem>>) offsets(%dma_start3A_140 : memref<128xi32, #tpu.memory_space<vmem>>) semaphore(%arg29 : memref<!tpu.dma_semaphore, #tpu.memory_space<semaphore_mem>>)
      %dma_start3A_144 = arith.constant 384 : i32
      %dma_start3A_145 = arith.constant 0 : i32
      %dma_start3A_146 = tpu.memref_slice %arg25[%dma_start3A_144, %dma_start3A_145] : memref<640x64xf32, #tpu.memory_space<vmem>> -> memref<128x64xf32, #tpu.memory_space<vmem>>
      %dma_start3A_147 = arith.constant 384 : i32
      %dma_start3A_148 = tpu.memref_slice %arg22[%dma_start3A_147] : memref<640xi32, #tpu.memory_space<vmem>> -> memref<128xi32, #tpu.memory_space<vmem>>
      %dma_start3A_149 = arith.constant 0 : i32
      %dma_start3A_150 = arith.constant 0 : i32
      %dma_start3A_151 = tpu.memref_slice %arg6[%dma_start3A_149, %dma_start3A_150] : memref<1000000x64xf32, #tpu.memory_space<hbm>> -> memref<1000000x64xf32, #tpu.memory_space<hbm>>
      tpu.enqueue_indirect_dma source(%dma_start3A_151 : memref<1000000x64xf32, #tpu.memory_space<hbm>>) target(%dma_start3A_146 : memref<128x64xf32, #tpu.memory_space<vmem>>) offsets(%dma_start3A_148 : memref<128xi32, #tpu.memory_space<vmem>>) semaphore(%arg29 : memref<!tpu.dma_semaphore, #tpu.memory_space<semaphore_mem>>)
      %dma_start3A_152 = arith.constant 512 : i32
      %dma_start3A_153 = arith.constant 0 : i32
      %dma_start3A_154 = tpu.memref_slice %arg25[%dma_start3A_152, %dma_start3A_153] : memref<640x64xf32, #tpu.memory_space<vmem>> -> memref<128x64xf32, #tpu.memory_space<vmem>>
      %dma_start3A_155 = arith.constant 512 : i32
      %dma_start3A_156 = tpu.memref_slice %arg22[%dma_start3A_155] : memref<640xi32, #tpu.memory_space<vmem>> -> memref<128xi32, #tpu.memory_space<vmem>>
      %dma_start3A_157 = arith.constant 0 : i32
      %dma_start3A_158 = arith.constant 0 : i32
      %dma_start3A_159 = tpu.memref_slice %arg6[%dma_start3A_157, %dma_start3A_158] : memref<1000000x64xf32, #tpu.memory_space<hbm>> -> memref<1000000x64xf32, #tpu.memory_space<hbm>>
      tpu.enqueue_indirect_dma source(%dma_start3A_159 : memref<1000000x64xf32, #tpu.memory_space<hbm>>) target(%dma_start3A_154 : memref<128x64xf32, #tpu.memory_space<vmem>>) offsets(%dma_start3A_156 : memref<128xi32, #tpu.memory_space<vmem>>) semaphore(%arg29 : memref<!tpu.dma_semaphore, #tpu.memory_space<semaphore_mem>>)
      %dma_wait3A_160 = arith.constant 0 : i32
      %dma_wait3A_161 = arith.constant 0 : i32
      %dma_wait3A_162 = tpu.memref_slice %arg5[%dma_wait3A_160, %dma_wait3A_161] : memref<1000000x64xf32, #tpu.memory_space<hbm>> -> memref<1000000x64xf32, #tpu.memory_space<hbm>>
      tpu.wait_indirect_dma semaphore(%arg18 : memref<!tpu.dma_semaphore, #tpu.memory_space<semaphore_mem>>) src(%dma_wait3A_162 : memref<1000000x64xf32, #tpu.memory_space<hbm>>) dst(%arg12 : memref<32x64xf32, #tpu.memory_space<vmem>>)
      %dma_wait3A_163 = arith.constant 0 : i32
      %dma_wait3A_164 = arith.constant 0 : i32
      %dma_wait3A_165 = tpu.memref_slice %arg6[%dma_wait3A_163, %dma_wait3A_164] : memref<1000000x64xf32, #tpu.memory_space<hbm>> -> memref<1000000x64xf32, #tpu.memory_space<hbm>>
      tpu.wait_indirect_dma semaphore(%arg18 : memref<!tpu.dma_semaphore, #tpu.memory_space<semaphore_mem>>) src(%dma_wait3A_165 : memref<1000000x64xf32, #tpu.memory_space<hbm>>) dst(%arg13 : memref<32x64xf32, #tpu.memory_space<vmem>>)
      %dma_wait3A_166 = arith.constant 0 : i32
      %dma_wait3A_167 = arith.constant 0 : i32
      %dma_wait3A_168 = tpu.memref_slice %arg14[%dma_wait3A_166, %dma_wait3A_167] : memref<640x64xf32, #tpu.memory_space<vmem>> -> memref<128x64xf32, #tpu.memory_space<vmem>>
      %dma_wait3A_169 = arith.constant 0 : i32
      %dma_wait3A_170 = tpu.memref_slice %arg11[%dma_wait3A_169] : memref<640xi32, #tpu.memory_space<vmem>> -> memref<128xi32, #tpu.memory_space<vmem>>
      %dma_wait3A_171 = arith.constant 0 : i32
      %dma_wait3A_172 = arith.constant 0 : i32
      %dma_wait3A_173 = tpu.memref_slice %arg6[%dma_wait3A_171, %dma_wait3A_172] : memref<1000000x64xf32, #tpu.memory_space<hbm>> -> memref<1000000x64xf32, #tpu.memory_space<hbm>>
      tpu.wait_indirect_dma semaphore(%arg18 : memref<!tpu.dma_semaphore, #tpu.memory_space<semaphore_mem>>) src(%dma_wait3A_173 : memref<1000000x64xf32, #tpu.memory_space<hbm>>) dst(%dma_wait3A_168 : memref<128x64xf32, #tpu.memory_space<vmem>>)
      %dma_wait3A_174 = arith.constant 128 : i32
      %dma_wait3A_175 = arith.constant 0 : i32
      %dma_wait3A_176 = tpu.memref_slice %arg14[%dma_wait3A_174, %dma_wait3A_175] : memref<640x64xf32, #tpu.memory_space<vmem>> -> memref<128x64xf32, #tpu.memory_space<vmem>>
      %dma_wait3A_177 = arith.constant 128 : i32
      %dma_wait3A_178 = tpu.memref_slice %arg11[%dma_wait3A_177] : memref<640xi32, #tpu.memory_space<vmem>> -> memref<128xi32, #tpu.memory_space<vmem>>
      %dma_wait3A_179 = arith.constant 0 : i32
      %dma_wait3A_180 = arith.constant 0 : i32
      %dma_wait3A_181 = tpu.memref_slice %arg6[%dma_wait3A_179, %dma_wait3A_180] : memref<1000000x64xf32, #tpu.memory_space<hbm>> -> memref<1000000x64xf32, #tpu.memory_space<hbm>>
      tpu.wait_indirect_dma semaphore(%arg18 : memref<!tpu.dma_semaphore, #tpu.memory_space<semaphore_mem>>) src(%dma_wait3A_181 : memref<1000000x64xf32, #tpu.memory_space<hbm>>) dst(%dma_wait3A_176 : memref<128x64xf32, #tpu.memory_space<vmem>>)
      %dma_wait3A_182 = arith.constant 256 : i32
      %dma_wait3A_183 = arith.constant 0 : i32
      %dma_wait3A_184 = tpu.memref_slice %arg14[%dma_wait3A_182, %dma_wait3A_183] : memref<640x64xf32, #tpu.memory_space<vmem>> -> memref<128x64xf32, #tpu.memory_space<vmem>>
      %dma_wait3A_185 = arith.constant 256 : i32
      %dma_wait3A_186 = tpu.memref_slice %arg11[%dma_wait3A_185] : memref<640xi32, #tpu.memory_space<vmem>> -> memref<128xi32, #tpu.memory_space<vmem>>
      %dma_wait3A_187 = arith.constant 0 : i32
      %dma_wait3A_188 = arith.constant 0 : i32
      %dma_wait3A_189 = tpu.memref_slice %arg6[%dma_wait3A_187, %dma_wait3A_188] : memref<1000000x64xf32, #tpu.memory_space<hbm>> -> memref<1000000x64xf32, #tpu.memory_space<hbm>>
      tpu.wait_indirect_dma semaphore(%arg18 : memref<!tpu.dma_semaphore, #tpu.memory_space<semaphore_mem>>) src(%dma_wait3A_189 : memref<1000000x64xf32, #tpu.memory_space<hbm>>) dst(%dma_wait3A_184 : memref<128x64xf32, #tpu.memory_space<vmem>>)
      %dma_wait3A_190 = arith.constant 384 : i32
      %dma_wait3A_191 = arith.constant 0 : i32
      %dma_wait3A_192 = tpu.memref_slice %arg14[%dma_wait3A_190, %dma_wait3A_191] : memref<640x64xf32, #tpu.memory_space<vmem>> -> memref<128x64xf32, #tpu.memory_space<vmem>>
      %dma_wait3A_193 = arith.constant 384 : i32
      %dma_wait3A_194 = tpu.memref_slice %arg11[%dma_wait3A_193] : memref<640xi32, #tpu.memory_space<vmem>> -> memref<128xi32, #tpu.memory_space<vmem>>
      %dma_wait3A_195 = arith.constant 0 : i32
      %dma_wait3A_196 = arith.constant 0 : i32
      %dma_wait3A_197 = tpu.memref_slice %arg6[%dma_wait3A_195, %dma_wait3A_196] : memref<1000000x64xf32, #tpu.memory_space<hbm>> -> memref<1000000x64xf32, #tpu.memory_space<hbm>>
      tpu.wait_indirect_dma semaphore(%arg18 : memref<!tpu.dma_semaphore, #tpu.memory_space<semaphore_mem>>) src(%dma_wait3A_197 : memref<1000000x64xf32, #tpu.memory_space<hbm>>) dst(%dma_wait3A_192 : memref<128x64xf32, #tpu.memory_space<vmem>>)
      %dma_wait3A_198 = arith.constant 512 : i32
      %dma_wait3A_199 = arith.constant 0 : i32
      %dma_wait3A_200 = tpu.memref_slice %arg14[%dma_wait3A_198, %dma_wait3A_199] : memref<640x64xf32, #tpu.memory_space<vmem>> -> memref<128x64xf32, #tpu.memory_space<vmem>>
      %dma_wait3A_201 = arith.constant 512 : i32
      %dma_wait3A_202 = tpu.memref_slice %arg11[%dma_wait3A_201] : memref<640xi32, #tpu.memory_space<vmem>> -> memref<128xi32, #tpu.memory_space<vmem>>
      %dma_wait3A_203 = arith.constant 0 : i32
      %dma_wait3A_204 = arith.constant 0 : i32
      %dma_wait3A_205 = tpu.memref_slice %arg6[%dma_wait3A_203, %dma_wait3A_204] : memref<1000000x64xf32, #tpu.memory_space<hbm>> -> memref<1000000x64xf32, #tpu.memory_space<hbm>>
      tpu.wait_indirect_dma semaphore(%arg18 : memref<!tpu.dma_semaphore, #tpu.memory_space<semaphore_mem>>) src(%dma_wait3A_205 : memref<1000000x64xf32, #tpu.memory_space<hbm>>) dst(%dma_wait3A_200 : memref<128x64xf32, #tpu.memory_space<vmem>>)
      %gt3A = arith.constant 0 : i32
      %gt3A_206 = arith.cmpi sgt, %scan3A_98, %gt3A : i32
      %convert_element_type3A = arith.extui %gt3A_206 : i1 to i32
      %cond3A = arith.constant 0 : i32
      %cond3A_207 = arith.cmpi ne, %convert_element_type3A, %cond3A : i32
      scf.if %cond3A_207 {
        %sub3A = arith.constant 2 : i32
        %sub3A_588 = arith.subi %mul3A_100, %sub3A : i32
        %mul3A_589 = arith.constant 32 : i32
        %mul3A_590 = arith.muli %sub3A_588, %mul3A_589 : i32
        %add3A_591 = arith.addi %mul3A_2, %mul3A_590 : i32
        %mul3A_592 = arith.constant 20 : i32
        %mul3A_593 = arith.muli %add3A_591, %mul3A_592 : i32
        %dma_wait3A_594 = tpu.memref_slice %arg7[%add3A_591] : memref<16384xf32, #tpu.memory_space<hbm>> -> memref<32xf32, #tpu.memory_space<hbm>>
        %dma_wait3A_595 = tpu.memref_slice %arg7[%add3A_591] : memref<16384xf32, #tpu.memory_space<hbm>> -> memref<32xf32, #tpu.memory_space<hbm>>
        tpu.wait_dma2 semaphore(%arg19 : memref<!tpu.dma_semaphore, #tpu.memory_space<semaphore_mem>>) src(%arg15 : memref<32xf32, #tpu.memory_space<vmem>>) dst(%dma_wait3A_595 : memref<32xf32, #tpu.memory_space<hbm>>)
        %dma_wait3A_596 = tpu.memref_slice %arg8[%mul3A_593] : memref<327680xf32, #tpu.memory_space<hbm>> -> memref<640xf32, #tpu.memory_space<hbm>>
        %dma_wait3A_597 = tpu.memref_slice %arg8[%mul3A_593] : memref<327680xf32, #tpu.memory_space<hbm>> -> memref<640xf32, #tpu.memory_space<hbm>>
        tpu.wait_dma2 semaphore(%arg19 : memref<!tpu.dma_semaphore, #tpu.memory_space<semaphore_mem>>) src(%arg16 : memref<640xf32, #tpu.memory_space<vmem>>) dst(%dma_wait3A_597 : memref<640xf32, #tpu.memory_space<hbm>>)
      } else {
      }
      %add3A_208 = arith.constant 0 : i32
      %add3A_209 = vector.broadcast %add3A_208 : i32 to vector<16xi32>
      %add3A_210 = arith.addi %add3A_209, %iota3A : vector<16xi32>
      %mul3A_211 = arith.constant 20 : i32
      %mul3A_212 = vector.broadcast %mul3A_211 : i32 to vector<16xi32>
      %mul3A_213 = arith.muli %add3A_210, %mul3A_212 : vector<16xi32>
      %broadcast_in_dim3A = arith.constant 0.000000e+00 : f32
      %broadcast_in_dim3A_214 = vector.broadcast %broadcast_in_dim3A : f32 to vector<16xf32>
      %scan3A_215 = arith.constant 0 : i32
      %scan3A_216 = arith.constant 64 : i32
      %scan3A_217 = arith.addi %scan3A_215, %scan3A_216 : i32
      %scan3A_218 = arith.constant 1 : i32
      %scan3A_219:21 = scf.for %scan3A_588 = %scan3A_215 to %scan3A_217 step %scan3A_218 iter_args(%scan3A_589 = %broadcast_in_dim3A_214, %scan3A_590 = %broadcast_in_dim3A_214, %scan3A_591 = %broadcast_in_dim3A_214, %scan3A_592 = %broadcast_in_dim3A_214, %scan3A_593 = %broadcast_in_dim3A_214, %scan3A_594 = %broadcast_in_dim3A_214, %scan3A_595 = %broadcast_in_dim3A_214, %scan3A_596 = %broadcast_in_dim3A_214, %scan3A_597 = %broadcast_in_dim3A_214, %scan3A_598 = %broadcast_in_dim3A_214, %scan3A_599 = %broadcast_in_dim3A_214, %scan3A_600 = %broadcast_in_dim3A_214, %scan3A_601 = %broadcast_in_dim3A_214, %scan3A_602 = %broadcast_in_dim3A_214, %scan3A_603 = %broadcast_in_dim3A_214, %scan3A_604 = %broadcast_in_dim3A_214, %scan3A_605 = %broadcast_in_dim3A_214, %scan3A_606 = %broadcast_in_dim3A_214, %scan3A_607 = %broadcast_in_dim3A_214, %scan3A_608 = %broadcast_in_dim3A_214, %scan3A_609 = %broadcast_in_dim3A_214) -> (vector<16xf32>, vector<16xf32>, vector<16xf32>, vector<16xf32>, vector<16xf32>, vector<16xf32>, vector<16xf32>, vector<16xf32>, vector<16xf32>, vector<16xf32>, vector<16xf32>, vector<16xf32>, vector<16xf32>, vector<16xf32>, vector<16xf32>, vector<16xf32>, vector<16xf32>, vector<16xf32>, vector<16xf32>, vector<16xf32>, vector<16xf32>)  : i32 {
        %broadcast_in_dim3A_610 = vector.broadcast %scan3A_588 : i32 to vector<16xi32>
        %gather3A = tpu.vector_load_idx %arg12[%add3A_210, %broadcast_in_dim3A_610] : memref<32x64xf32, #tpu.memory_space<vmem>>[vector<16xi32>, vector<16xi32>], vector<16xf32>,
        %gather3A_611 = tpu.vector_load_idx %arg13[%add3A_210, %broadcast_in_dim3A_610] : memref<32x64xf32, #tpu.memory_space<vmem>>[vector<16xi32>, vector<16xi32>], vector<16xf32>,
        %mul3A_612 = arith.mulf %gather3A, %gather3A_611 : vector<16xf32>
        %add3A_613 = arith.addf %scan3A_589, %mul3A_612 : vector<16xf32>
        %add3A_614 = arith.constant 0 : i32
        %add3A_615 = vector.broadcast %add3A_614 : i32 to vector<16xi32>
        %add3A_616 = arith.addi %mul3A_213, %add3A_615 : vector<16xi32>
        %gather3A_617 = tpu.vector_load_idx %arg14[%add3A_616, %broadcast_in_dim3A_610] : memref<640x64xf32, #tpu.memory_space<vmem>>[vector<16xi32>, vector<16xi32>], vector<16xf32>,
        %mul3A_618 = arith.mulf %gather3A_617, %gather3A : vector<16xf32>
        %add3A_619 = arith.addf %scan3A_590, %mul3A_618 : vector<16xf32>
        %add3A_620 = arith.constant 1 : i32
        %add3A_621 = vector.broadcast %add3A_620 : i32 to vector<16xi32>
        %add3A_622 = arith.addi %mul3A_213, %add3A_621 : vector<16xi32>
        %gather3A_623 = tpu.vector_load_idx %arg14[%add3A_622, %broadcast_in_dim3A_610] : memref<640x64xf32, #tpu.memory_space<vmem>>[vector<16xi32>, vector<16xi32>], vector<16xf32>,
        %mul3A_624 = arith.mulf %gather3A_623, %gather3A : vector<16xf32>
        %add3A_625 = arith.addf %scan3A_591, %mul3A_624 : vector<16xf32>
        %add3A_626 = arith.constant 2 : i32
        %add3A_627 = vector.broadcast %add3A_626 : i32 to vector<16xi32>
        %add3A_628 = arith.addi %mul3A_213, %add3A_627 : vector<16xi32>
        %gather3A_629 = tpu.vector_load_idx %arg14[%add3A_628, %broadcast_in_dim3A_610] : memref<640x64xf32, #tpu.memory_space<vmem>>[vector<16xi32>, vector<16xi32>], vector<16xf32>,
        %mul3A_630 = arith.mulf %gather3A_629, %gather3A : vector<16xf32>
        %add3A_631 = arith.addf %scan3A_592, %mul3A_630 : vector<16xf32>
        %add3A_632 = arith.constant 3 : i32
        %add3A_633 = vector.broadcast %add3A_632 : i32 to vector<16xi32>
        %add3A_634 = arith.addi %mul3A_213, %add3A_633 : vector<16xi32>
        %gather3A_635 = tpu.vector_load_idx %arg14[%add3A_634, %broadcast_in_dim3A_610] : memref<640x64xf32, #tpu.memory_space<vmem>>[vector<16xi32>, vector<16xi32>], vector<16xf32>,
        %mul3A_636 = arith.mulf %gather3A_635, %gather3A : vector<16xf32>
        %add3A_637 = arith.addf %scan3A_593, %mul3A_636 : vector<16xf32>
        %add3A_638 = arith.constant 4 : i32
        %add3A_639 = vector.broadcast %add3A_638 : i32 to vector<16xi32>
        %add3A_640 = arith.addi %mul3A_213, %add3A_639 : vector<16xi32>
        %gather3A_641 = tpu.vector_load_idx %arg14[%add3A_640, %broadcast_in_dim3A_610] : memref<640x64xf32, #tpu.memory_space<vmem>>[vector<16xi32>, vector<16xi32>], vector<16xf32>,
        %mul3A_642 = arith.mulf %gather3A_641, %gather3A : vector<16xf32>
        %add3A_643 = arith.addf %scan3A_594, %mul3A_642 : vector<16xf32>
        %add3A_644 = arith.constant 5 : i32
        %add3A_645 = vector.broadcast %add3A_644 : i32 to vector<16xi32>
        %add3A_646 = arith.addi %mul3A_213, %add3A_645 : vector<16xi32>
        %gather3A_647 = tpu.vector_load_idx %arg14[%add3A_646, %broadcast_in_dim3A_610] : memref<640x64xf32, #tpu.memory_space<vmem>>[vector<16xi32>, vector<16xi32>], vector<16xf32>,
        %mul3A_648 = arith.mulf %gather3A_647, %gather3A : vector<16xf32>
        %add3A_649 = arith.addf %scan3A_595, %mul3A_648 : vector<16xf32>
        %add3A_650 = arith.constant 6 : i32
        %add3A_651 = vector.broadcast %add3A_650 : i32 to vector<16xi32>
        %add3A_652 = arith.addi %mul3A_213, %add3A_651 : vector<16xi32>
        %gather3A_653 = tpu.vector_load_idx %arg14[%add3A_652, %broadcast_in_dim3A_610] : memref<640x64xf32, #tpu.memory_space<vmem>>[vector<16xi32>, vector<16xi32>], vector<16xf32>,
        %mul3A_654 = arith.mulf %gather3A_653, %gather3A : vector<16xf32>
        %add3A_655 = arith.addf %scan3A_596, %mul3A_654 : vector<16xf32>
        %add3A_656 = arith.constant 7 : i32
        %add3A_657 = vector.broadcast %add3A_656 : i32 to vector<16xi32>
        %add3A_658 = arith.addi %mul3A_213, %add3A_657 : vector<16xi32>
        %gather3A_659 = tpu.vector_load_idx %arg14[%add3A_658, %broadcast_in_dim3A_610] : memref<640x64xf32, #tpu.memory_space<vmem>>[vector<16xi32>, vector<16xi32>], vector<16xf32>,
        %mul3A_660 = arith.mulf %gather3A_659, %gather3A : vector<16xf32>
        %add3A_661 = arith.addf %scan3A_597, %mul3A_660 : vector<16xf32>
        %add3A_662 = arith.constant 8 : i32
        %add3A_663 = vector.broadcast %add3A_662 : i32 to vector<16xi32>
        %add3A_664 = arith.addi %mul3A_213, %add3A_663 : vector<16xi32>
        %gather3A_665 = tpu.vector_load_idx %arg14[%add3A_664, %broadcast_in_dim3A_610] : memref<640x64xf32, #tpu.memory_space<vmem>>[vector<16xi32>, vector<16xi32>], vector<16xf32>,
        %mul3A_666 = arith.mulf %gather3A_665, %gather3A : vector<16xf32>
        %add3A_667 = arith.addf %scan3A_598, %mul3A_666 : vector<16xf32>
        %add3A_668 = arith.constant 9 : i32
        %add3A_669 = vector.broadcast %add3A_668 : i32 to vector<16xi32>
        %add3A_670 = arith.addi %mul3A_213, %add3A_669 : vector<16xi32>
        %gather3A_671 = tpu.vector_load_idx %arg14[%add3A_670, %broadcast_in_dim3A_610] : memref<640x64xf32, #tpu.memory_space<vmem>>[vector<16xi32>, vector<16xi32>], vector<16xf32>,
        %mul3A_672 = arith.mulf %gather3A_671, %gather3A : vector<16xf32>
        %add3A_673 = arith.addf %scan3A_599, %mul3A_672 : vector<16xf32>
        %add3A_674 = arith.constant 10 : i32
        %add3A_675 = vector.broadcast %add3A_674 : i32 to vector<16xi32>
        %add3A_676 = arith.addi %mul3A_213, %add3A_675 : vector<16xi32>
        %gather3A_677 = tpu.vector_load_idx %arg14[%add3A_676, %broadcast_in_dim3A_610] : memref<640x64xf32, #tpu.memory_space<vmem>>[vector<16xi32>, vector<16xi32>], vector<16xf32>,
        %mul3A_678 = arith.mulf %gather3A_677, %gather3A : vector<16xf32>
        %add3A_679 = arith.addf %scan3A_600, %mul3A_678 : vector<16xf32>
        %add3A_680 = arith.constant 11 : i32
        %add3A_681 = vector.broadcast %add3A_680 : i32 to vector<16xi32>
        %add3A_682 = arith.addi %mul3A_213, %add3A_681 : vector<16xi32>
        %gather3A_683 = tpu.vector_load_idx %arg14[%add3A_682, %broadcast_in_dim3A_610] : memref<640x64xf32, #tpu.memory_space<vmem>>[vector<16xi32>, vector<16xi32>], vector<16xf32>,
        %mul3A_684 = arith.mulf %gather3A_683, %gather3A : vector<16xf32>
        %add3A_685 = arith.addf %scan3A_601, %mul3A_684 : vector<16xf32>
        %add3A_686 = arith.constant 12 : i32
        %add3A_687 = vector.broadcast %add3A_686 : i32 to vector<16xi32>
        %add3A_688 = arith.addi %mul3A_213, %add3A_687 : vector<16xi32>
        %gather3A_689 = tpu.vector_load_idx %arg14[%add3A_688, %broadcast_in_dim3A_610] : memref<640x64xf32, #tpu.memory_space<vmem>>[vector<16xi32>, vector<16xi32>], vector<16xf32>,
        %mul3A_690 = arith.mulf %gather3A_689, %gather3A : vector<16xf32>
        %add3A_691 = arith.addf %scan3A_602, %mul3A_690 : vector<16xf32>
        %add3A_692 = arith.constant 13 : i32
        %add3A_693 = vector.broadcast %add3A_692 : i32 to vector<16xi32>
        %add3A_694 = arith.addi %mul3A_213, %add3A_693 : vector<16xi32>
        %gather3A_695 = tpu.vector_load_idx %arg14[%add3A_694, %broadcast_in_dim3A_610] : memref<640x64xf32, #tpu.memory_space<vmem>>[vector<16xi32>, vector<16xi32>], vector<16xf32>,
        %mul3A_696 = arith.mulf %gather3A_695, %gather3A : vector<16xf32>
        %add3A_697 = arith.addf %scan3A_603, %mul3A_696 : vector<16xf32>
        %add3A_698 = arith.constant 14 : i32
        %add3A_699 = vector.broadcast %add3A_698 : i32 to vector<16xi32>
        %add3A_700 = arith.addi %mul3A_213, %add3A_699 : vector<16xi32>
        %gather3A_701 = tpu.vector_load_idx %arg14[%add3A_700, %broadcast_in_dim3A_610] : memref<640x64xf32, #tpu.memory_space<vmem>>[vector<16xi32>, vector<16xi32>], vector<16xf32>,
        %mul3A_702 = arith.mulf %gather3A_701, %gather3A : vector<16xf32>
        %add3A_703 = arith.addf %scan3A_604, %mul3A_702 : vector<16xf32>
        %add3A_704 = arith.constant 15 : i32
        %add3A_705 = vector.broadcast %add3A_704 : i32 to vector<16xi32>
        %add3A_706 = arith.addi %mul3A_213, %add3A_705 : vector<16xi32>
        %gather3A_707 = tpu.vector_load_idx %arg14[%add3A_706, %broadcast_in_dim3A_610] : memref<640x64xf32, #tpu.memory_space<vmem>>[vector<16xi32>, vector<16xi32>], vector<16xf32>,
        %mul3A_708 = arith.mulf %gather3A_707, %gather3A : vector<16xf32>
        %add3A_709 = arith.addf %scan3A_605, %mul3A_708 : vector<16xf32>
        %add3A_710 = arith.constant 16 : i32
        %add3A_711 = vector.broadcast %add3A_710 : i32 to vector<16xi32>
        %add3A_712 = arith.addi %mul3A_213, %add3A_711 : vector<16xi32>
        %gather3A_713 = tpu.vector_load_idx %arg14[%add3A_712, %broadcast_in_dim3A_610] : memref<640x64xf32, #tpu.memory_space<vmem>>[vector<16xi32>, vector<16xi32>], vector<16xf32>,
        %mul3A_714 = arith.mulf %gather3A_713, %gather3A : vector<16xf32>
        %add3A_715 = arith.addf %scan3A_606, %mul3A_714 : vector<16xf32>
        %add3A_716 = arith.constant 17 : i32
        %add3A_717 = vector.broadcast %add3A_716 : i32 to vector<16xi32>
        %add3A_718 = arith.addi %mul3A_213, %add3A_717 : vector<16xi32>
        %gather3A_719 = tpu.vector_load_idx %arg14[%add3A_718, %broadcast_in_dim3A_610] : memref<640x64xf32, #tpu.memory_space<vmem>>[vector<16xi32>, vector<16xi32>], vector<16xf32>,
        %mul3A_720 = arith.mulf %gather3A_719, %gather3A : vector<16xf32>
        %add3A_721 = arith.addf %scan3A_607, %mul3A_720 : vector<16xf32>
        %add3A_722 = arith.constant 18 : i32
        %add3A_723 = vector.broadcast %add3A_722 : i32 to vector<16xi32>
        %add3A_724 = arith.addi %mul3A_213, %add3A_723 : vector<16xi32>
        %gather3A_725 = tpu.vector_load_idx %arg14[%add3A_724, %broadcast_in_dim3A_610] : memref<640x64xf32, #tpu.memory_space<vmem>>[vector<16xi32>, vector<16xi32>], vector<16xf32>,
        %mul3A_726 = arith.mulf %gather3A_725, %gather3A : vector<16xf32>
        %add3A_727 = arith.addf %scan3A_608, %mul3A_726 : vector<16xf32>
        %add3A_728 = arith.constant 19 : i32
        %add3A_729 = vector.broadcast %add3A_728 : i32 to vector<16xi32>
        %add3A_730 = arith.addi %mul3A_213, %add3A_729 : vector<16xi32>
        %gather3A_731 = tpu.vector_load_idx %arg14[%add3A_730, %broadcast_in_dim3A_610] : memref<640x64xf32, #tpu.memory_space<vmem>>[vector<16xi32>, vector<16xi32>], vector<16xf32>,
        %mul3A_732 = arith.mulf %gather3A_731, %gather3A : vector<16xf32>
        %add3A_733 = arith.addf %scan3A_609, %mul3A_732 : vector<16xf32>
        scf.yield %add3A_613, %add3A_619, %add3A_625, %add3A_631, %add3A_637, %add3A_643, %add3A_649, %add3A_655, %add3A_661, %add3A_667, %add3A_673, %add3A_679, %add3A_685, %add3A_691, %add3A_697, %add3A_703, %add3A_709, %add3A_715, %add3A_721, %add3A_727, %add3A_733 : vector<16xf32>, vector<16xf32>, vector<16xf32>, vector<16xf32>, vector<16xf32>, vector<16xf32>, vector<16xf32>, vector<16xf32>, vector<16xf32>, vector<16xf32>, vector<16xf32>, vector<16xf32>, vector<16xf32>, vector<16xf32>, vector<16xf32>, vector<16xf32>, vector<16xf32>, vector<16xf32>, vector<16xf32>, vector<16xf32>, vector<16xf32>
      }
      %scan3A_220 = arith.constant 64 : i32
      %swap3A = arith.constant 0 : index
      %swap3A_221 = tpu.vector_load %arg15[%swap3A] {strides = array<i32>} : memref<32xf32, #tpu.memory_space<vmem>>, vector<16xf32>,
      tpu.vector_store %arg15[%swap3A], %scan3A_219#0 {strides = array<i32>} : memref<32xf32, #tpu.memory_space<vmem>>, vector<16xf32>,
      %add3A_222 = arith.constant 0 : i32
      %add3A_223 = vector.broadcast %add3A_222 : i32 to vector<16xi32>
      %add3A_224 = arith.addi %mul3A_213, %add3A_223 : vector<16xi32>
      tpu.vector_store_idx %arg16[%add3A_224], %scan3A_219#1 : memref<640xf32, #tpu.memory_space<vmem>>[vector<16xi32>], vector<16xf32>,
      %add3A_225 = arith.constant 1 : i32
      %add3A_226 = vector.broadcast %add3A_225 : i32 to vector<16xi32>
      %add3A_227 = arith.addi %mul3A_213, %add3A_226 : vector<16xi32>
      tpu.vector_store_idx %arg16[%add3A_227], %scan3A_219#2 : memref<640xf32, #tpu.memory_space<vmem>>[vector<16xi32>], vector<16xf32>,
      %add3A_228 = arith.constant 2 : i32
      %add3A_229 = vector.broadcast %add3A_228 : i32 to vector<16xi32>
      %add3A_230 = arith.addi %mul3A_213, %add3A_229 : vector<16xi32>
      tpu.vector_store_idx %arg16[%add3A_230], %scan3A_219#3 : memref<640xf32, #tpu.memory_space<vmem>>[vector<16xi32>], vector<16xf32>,
      %add3A_231 = arith.constant 3 : i32
      %add3A_232 = vector.broadcast %add3A_231 : i32 to vector<16xi32>
      %add3A_233 = arith.addi %mul3A_213, %add3A_232 : vector<16xi32>
      tpu.vector_store_idx %arg16[%add3A_233], %scan3A_219#4 : memref<640xf32, #tpu.memory_space<vmem>>[vector<16xi32>], vector<16xf32>,
      %add3A_234 = arith.constant 4 : i32
      %add3A_235 = vector.broadcast %add3A_234 : i32 to vector<16xi32>
      %add3A_236 = arith.addi %mul3A_213, %add3A_235 : vector<16xi32>
      tpu.vector_store_idx %arg16[%add3A_236], %scan3A_219#5 : memref<640xf32, #tpu.memory_space<vmem>>[vector<16xi32>], vector<16xf32>,
      %add3A_237 = arith.constant 5 : i32
      %add3A_238 = vector.broadcast %add3A_237 : i32 to vector<16xi32>
      %add3A_239 = arith.addi %mul3A_213, %add3A_238 : vector<16xi32>
      tpu.vector_store_idx %arg16[%add3A_239], %scan3A_219#6 : memref<640xf32, #tpu.memory_space<vmem>>[vector<16xi32>], vector<16xf32>,
      %add3A_240 = arith.constant 6 : i32
      %add3A_241 = vector.broadcast %add3A_240 : i32 to vector<16xi32>
      %add3A_242 = arith.addi %mul3A_213, %add3A_241 : vector<16xi32>
      tpu.vector_store_idx %arg16[%add3A_242], %scan3A_219#7 : memref<640xf32, #tpu.memory_space<vmem>>[vector<16xi32>], vector<16xf32>,
      %add3A_243 = arith.constant 7 : i32
      %add3A_244 = vector.broadcast %add3A_243 : i32 to vector<16xi32>
      %add3A_245 = arith.addi %mul3A_213, %add3A_244 : vector<16xi32>
      tpu.vector_store_idx %arg16[%add3A_245], %scan3A_219#8 : memref<640xf32, #tpu.memory_space<vmem>>[vector<16xi32>], vector<16xf32>,
      %add3A_246 = arith.constant 8 : i32
      %add3A_247 = vector.broadcast %add3A_246 : i32 to vector<16xi32>
      %add3A_248 = arith.addi %mul3A_213, %add3A_247 : vector<16xi32>
      tpu.vector_store_idx %arg16[%add3A_248], %scan3A_219#9 : memref<640xf32, #tpu.memory_space<vmem>>[vector<16xi32>], vector<16xf32>,
      %add3A_249 = arith.constant 9 : i32
      %add3A_250 = vector.broadcast %add3A_249 : i32 to vector<16xi32>
      %add3A_251 = arith.addi %mul3A_213, %add3A_250 : vector<16xi32>
      tpu.vector_store_idx %arg16[%add3A_251], %scan3A_219#10 : memref<640xf32, #tpu.memory_space<vmem>>[vector<16xi32>], vector<16xf32>,
      %add3A_252 = arith.constant 10 : i32
      %add3A_253 = vector.broadcast %add3A_252 : i32 to vector<16xi32>
      %add3A_254 = arith.addi %mul3A_213, %add3A_253 : vector<16xi32>
      tpu.vector_store_idx %arg16[%add3A_254], %scan3A_219#11 : memref<640xf32, #tpu.memory_space<vmem>>[vector<16xi32>], vector<16xf32>,
      %add3A_255 = arith.constant 11 : i32
      %add3A_256 = vector.broadcast %add3A_255 : i32 to vector<16xi32>
      %add3A_257 = arith.addi %mul3A_213, %add3A_256 : vector<16xi32>
      tpu.vector_store_idx %arg16[%add3A_257], %scan3A_219#12 : memref<640xf32, #tpu.memory_space<vmem>>[vector<16xi32>], vector<16xf32>,
      %add3A_258 = arith.constant 12 : i32
      %add3A_259 = vector.broadcast %add3A_258 : i32 to vector<16xi32>
      %add3A_260 = arith.addi %mul3A_213, %add3A_259 : vector<16xi32>
      tpu.vector_store_idx %arg16[%add3A_260], %scan3A_219#13 : memref<640xf32, #tpu.memory_space<vmem>>[vector<16xi32>], vector<16xf32>,
      %add3A_261 = arith.constant 13 : i32
      %add3A_262 = vector.broadcast %add3A_261 : i32 to vector<16xi32>
      %add3A_263 = arith.addi %mul3A_213, %add3A_262 : vector<16xi32>
      tpu.vector_store_idx %arg16[%add3A_263], %scan3A_219#14 : memref<640xf32, #tpu.memory_space<vmem>>[vector<16xi32>], vector<16xf32>,
      %add3A_264 = arith.constant 14 : i32
      %add3A_265 = vector.broadcast %add3A_264 : i32 to vector<16xi32>
      %add3A_266 = arith.addi %mul3A_213, %add3A_265 : vector<16xi32>
      tpu.vector_store_idx %arg16[%add3A_266], %scan3A_219#15 : memref<640xf32, #tpu.memory_space<vmem>>[vector<16xi32>], vector<16xf32>,
      %add3A_267 = arith.constant 15 : i32
      %add3A_268 = vector.broadcast %add3A_267 : i32 to vector<16xi32>
      %add3A_269 = arith.addi %mul3A_213, %add3A_268 : vector<16xi32>
      tpu.vector_store_idx %arg16[%add3A_269], %scan3A_219#16 : memref<640xf32, #tpu.memory_space<vmem>>[vector<16xi32>], vector<16xf32>,
      %add3A_270 = arith.constant 16 : i32
      %add3A_271 = vector.broadcast %add3A_270 : i32 to vector<16xi32>
      %add3A_272 = arith.addi %mul3A_213, %add3A_271 : vector<16xi32>
      tpu.vector_store_idx %arg16[%add3A_272], %scan3A_219#17 : memref<640xf32, #tpu.memory_space<vmem>>[vector<16xi32>], vector<16xf32>,
      %add3A_273 = arith.constant 17 : i32
      %add3A_274 = vector.broadcast %add3A_273 : i32 to vector<16xi32>
      %add3A_275 = arith.addi %mul3A_213, %add3A_274 : vector<16xi32>
      tpu.vector_store_idx %arg16[%add3A_275], %scan3A_219#18 : memref<640xf32, #tpu.memory_space<vmem>>[vector<16xi32>], vector<16xf32>,
      %add3A_276 = arith.constant 18 : i32
      %add3A_277 = vector.broadcast %add3A_276 : i32 to vector<16xi32>
      %add3A_278 = arith.addi %mul3A_213, %add3A_277 : vector<16xi32>
      tpu.vector_store_idx %arg16[%add3A_278], %scan3A_219#19 : memref<640xf32, #tpu.memory_space<vmem>>[vector<16xi32>], vector<16xf32>,
      %add3A_279 = arith.constant 19 : i32
      %add3A_280 = vector.broadcast %add3A_279 : i32 to vector<16xi32>
      %add3A_281 = arith.addi %mul3A_213, %add3A_280 : vector<16xi32>
      tpu.vector_store_idx %arg16[%add3A_281], %scan3A_219#20 : memref<640xf32, #tpu.memory_space<vmem>>[vector<16xi32>], vector<16xf32>,
      %add3A_282 = arith.constant 16 : i32
      %add3A_283 = vector.broadcast %add3A_282 : i32 to vector<16xi32>
      %add3A_284 = arith.addi %add3A_283, %iota3A : vector<16xi32>
      %mul3A_285 = arith.constant 20 : i32
      %mul3A_286 = vector.broadcast %mul3A_285 : i32 to vector<16xi32>
      %mul3A_287 = arith.muli %add3A_284, %mul3A_286 : vector<16xi32>
      %broadcast_in_dim3A_288 = arith.constant 0.000000e+00 : f32
      %broadcast_in_dim3A_289 = vector.broadcast %broadcast_in_dim3A_288 : f32 to vector<16xf32>
      %scan3A_290 = arith.constant 0 : i32
      %scan3A_291 = arith.constant 64 : i32
      %scan3A_292 = arith.addi %scan3A_290, %scan3A_291 : i32
      %scan3A_293 = arith.constant 1 : i32
      %scan3A_294:21 = scf.for %scan3A_588 = %scan3A_290 to %scan3A_292 step %scan3A_293 iter_args(%scan3A_589 = %broadcast_in_dim3A_289, %scan3A_590 = %broadcast_in_dim3A_289, %scan3A_591 = %broadcast_in_dim3A_289, %scan3A_592 = %broadcast_in_dim3A_289, %scan3A_593 = %broadcast_in_dim3A_289, %scan3A_594 = %broadcast_in_dim3A_289, %scan3A_595 = %broadcast_in_dim3A_289, %scan3A_596 = %broadcast_in_dim3A_289, %scan3A_597 = %broadcast_in_dim3A_289, %scan3A_598 = %broadcast_in_dim3A_289, %scan3A_599 = %broadcast_in_dim3A_289, %scan3A_600 = %broadcast_in_dim3A_289, %scan3A_601 = %broadcast_in_dim3A_289, %scan3A_602 = %broadcast_in_dim3A_289, %scan3A_603 = %broadcast_in_dim3A_289, %scan3A_604 = %broadcast_in_dim3A_289, %scan3A_605 = %broadcast_in_dim3A_289, %scan3A_606 = %broadcast_in_dim3A_289, %scan3A_607 = %broadcast_in_dim3A_289, %scan3A_608 = %broadcast_in_dim3A_289, %scan3A_609 = %broadcast_in_dim3A_289) -> (vector<16xf32>, vector<16xf32>, vector<16xf32>, vector<16xf32>, vector<16xf32>, vector<16xf32>, vector<16xf32>, vector<16xf32>, vector<16xf32>, vector<16xf32>, vector<16xf32>, vector<16xf32>, vector<16xf32>, vector<16xf32>, vector<16xf32>, vector<16xf32>, vector<16xf32>, vector<16xf32>, vector<16xf32>, vector<16xf32>, vector<16xf32>)  : i32 {
        %broadcast_in_dim3A_610 = vector.broadcast %scan3A_588 : i32 to vector<16xi32>
        %gather3A = tpu.vector_load_idx %arg12[%add3A_284, %broadcast_in_dim3A_610] : memref<32x64xf32, #tpu.memory_space<vmem>>[vector<16xi32>, vector<16xi32>], vector<16xf32>,
        %gather3A_611 = tpu.vector_load_idx %arg13[%add3A_284, %broadcast_in_dim3A_610] : memref<32x64xf32, #tpu.memory_space<vmem>>[vector<16xi32>, vector<16xi32>], vector<16xf32>,
        %mul3A_612 = arith.mulf %gather3A, %gather3A_611 : vector<16xf32>
        %add3A_613 = arith.addf %scan3A_589, %mul3A_612 : vector<16xf32>
        %add3A_614 = arith.constant 0 : i32
        %add3A_615 = vector.broadcast %add3A_614 : i32 to vector<16xi32>
        %add3A_616 = arith.addi %mul3A_287, %add3A_615 : vector<16xi32>
        %gather3A_617 = tpu.vector_load_idx %arg14[%add3A_616, %broadcast_in_dim3A_610] : memref<640x64xf32, #tpu.memory_space<vmem>>[vector<16xi32>, vector<16xi32>], vector<16xf32>,
        %mul3A_618 = arith.mulf %gather3A_617, %gather3A : vector<16xf32>
        %add3A_619 = arith.addf %scan3A_590, %mul3A_618 : vector<16xf32>
        %add3A_620 = arith.constant 1 : i32
        %add3A_621 = vector.broadcast %add3A_620 : i32 to vector<16xi32>
        %add3A_622 = arith.addi %mul3A_287, %add3A_621 : vector<16xi32>
        %gather3A_623 = tpu.vector_load_idx %arg14[%add3A_622, %broadcast_in_dim3A_610] : memref<640x64xf32, #tpu.memory_space<vmem>>[vector<16xi32>, vector<16xi32>], vector<16xf32>,
        %mul3A_624 = arith.mulf %gather3A_623, %gather3A : vector<16xf32>
        %add3A_625 = arith.addf %scan3A_591, %mul3A_624 : vector<16xf32>
        %add3A_626 = arith.constant 2 : i32
        %add3A_627 = vector.broadcast %add3A_626 : i32 to vector<16xi32>
        %add3A_628 = arith.addi %mul3A_287, %add3A_627 : vector<16xi32>
        %gather3A_629 = tpu.vector_load_idx %arg14[%add3A_628, %broadcast_in_dim3A_610] : memref<640x64xf32, #tpu.memory_space<vmem>>[vector<16xi32>, vector<16xi32>], vector<16xf32>,
        %mul3A_630 = arith.mulf %gather3A_629, %gather3A : vector<16xf32>
        %add3A_631 = arith.addf %scan3A_592, %mul3A_630 : vector<16xf32>
        %add3A_632 = arith.constant 3 : i32
        %add3A_633 = vector.broadcast %add3A_632 : i32 to vector<16xi32>
        %add3A_634 = arith.addi %mul3A_287, %add3A_633 : vector<16xi32>
        %gather3A_635 = tpu.vector_load_idx %arg14[%add3A_634, %broadcast_in_dim3A_610] : memref<640x64xf32, #tpu.memory_space<vmem>>[vector<16xi32>, vector<16xi32>], vector<16xf32>,
        %mul3A_636 = arith.mulf %gather3A_635, %gather3A : vector<16xf32>
        %add3A_637 = arith.addf %scan3A_593, %mul3A_636 : vector<16xf32>
        %add3A_638 = arith.constant 4 : i32
        %add3A_639 = vector.broadcast %add3A_638 : i32 to vector<16xi32>
        %add3A_640 = arith.addi %mul3A_287, %add3A_639 : vector<16xi32>
        %gather3A_641 = tpu.vector_load_idx %arg14[%add3A_640, %broadcast_in_dim3A_610] : memref<640x64xf32, #tpu.memory_space<vmem>>[vector<16xi32>, vector<16xi32>], vector<16xf32>,
        %mul3A_642 = arith.mulf %gather3A_641, %gather3A : vector<16xf32>
        %add3A_643 = arith.addf %scan3A_594, %mul3A_642 : vector<16xf32>
        %add3A_644 = arith.constant 5 : i32
        %add3A_645 = vector.broadcast %add3A_644 : i32 to vector<16xi32>
        %add3A_646 = arith.addi %mul3A_287, %add3A_645 : vector<16xi32>
        %gather3A_647 = tpu.vector_load_idx %arg14[%add3A_646, %broadcast_in_dim3A_610] : memref<640x64xf32, #tpu.memory_space<vmem>>[vector<16xi32>, vector<16xi32>], vector<16xf32>,
        %mul3A_648 = arith.mulf %gather3A_647, %gather3A : vector<16xf32>
        %add3A_649 = arith.addf %scan3A_595, %mul3A_648 : vector<16xf32>
        %add3A_650 = arith.constant 6 : i32
        %add3A_651 = vector.broadcast %add3A_650 : i32 to vector<16xi32>
        %add3A_652 = arith.addi %mul3A_287, %add3A_651 : vector<16xi32>
        %gather3A_653 = tpu.vector_load_idx %arg14[%add3A_652, %broadcast_in_dim3A_610] : memref<640x64xf32, #tpu.memory_space<vmem>>[vector<16xi32>, vector<16xi32>], vector<16xf32>,
        %mul3A_654 = arith.mulf %gather3A_653, %gather3A : vector<16xf32>
        %add3A_655 = arith.addf %scan3A_596, %mul3A_654 : vector<16xf32>
        %add3A_656 = arith.constant 7 : i32
        %add3A_657 = vector.broadcast %add3A_656 : i32 to vector<16xi32>
        %add3A_658 = arith.addi %mul3A_287, %add3A_657 : vector<16xi32>
        %gather3A_659 = tpu.vector_load_idx %arg14[%add3A_658, %broadcast_in_dim3A_610] : memref<640x64xf32, #tpu.memory_space<vmem>>[vector<16xi32>, vector<16xi32>], vector<16xf32>,
        %mul3A_660 = arith.mulf %gather3A_659, %gather3A : vector<16xf32>
        %add3A_661 = arith.addf %scan3A_597, %mul3A_660 : vector<16xf32>
        %add3A_662 = arith.constant 8 : i32
        %add3A_663 = vector.broadcast %add3A_662 : i32 to vector<16xi32>
        %add3A_664 = arith.addi %mul3A_287, %add3A_663 : vector<16xi32>
        %gather3A_665 = tpu.vector_load_idx %arg14[%add3A_664, %broadcast_in_dim3A_610] : memref<640x64xf32, #tpu.memory_space<vmem>>[vector<16xi32>, vector<16xi32>], vector<16xf32>,
        %mul3A_666 = arith.mulf %gather3A_665, %gather3A : vector<16xf32>
        %add3A_667 = arith.addf %scan3A_598, %mul3A_666 : vector<16xf32>
        %add3A_668 = arith.constant 9 : i32
        %add3A_669 = vector.broadcast %add3A_668 : i32 to vector<16xi32>
        %add3A_670 = arith.addi %mul3A_287, %add3A_669 : vector<16xi32>
        %gather3A_671 = tpu.vector_load_idx %arg14[%add3A_670, %broadcast_in_dim3A_610] : memref<640x64xf32, #tpu.memory_space<vmem>>[vector<16xi32>, vector<16xi32>], vector<16xf32>,
        %mul3A_672 = arith.mulf %gather3A_671, %gather3A : vector<16xf32>
        %add3A_673 = arith.addf %scan3A_599, %mul3A_672 : vector<16xf32>
        %add3A_674 = arith.constant 10 : i32
        %add3A_675 = vector.broadcast %add3A_674 : i32 to vector<16xi32>
        %add3A_676 = arith.addi %mul3A_287, %add3A_675 : vector<16xi32>
        %gather3A_677 = tpu.vector_load_idx %arg14[%add3A_676, %broadcast_in_dim3A_610] : memref<640x64xf32, #tpu.memory_space<vmem>>[vector<16xi32>, vector<16xi32>], vector<16xf32>,
        %mul3A_678 = arith.mulf %gather3A_677, %gather3A : vector<16xf32>
        %add3A_679 = arith.addf %scan3A_600, %mul3A_678 : vector<16xf32>
        %add3A_680 = arith.constant 11 : i32
        %add3A_681 = vector.broadcast %add3A_680 : i32 to vector<16xi32>
        %add3A_682 = arith.addi %mul3A_287, %add3A_681 : vector<16xi32>
        %gather3A_683 = tpu.vector_load_idx %arg14[%add3A_682, %broadcast_in_dim3A_610] : memref<640x64xf32, #tpu.memory_space<vmem>>[vector<16xi32>, vector<16xi32>], vector<16xf32>,
        %mul3A_684 = arith.mulf %gather3A_683, %gather3A : vector<16xf32>
        %add3A_685 = arith.addf %scan3A_601, %mul3A_684 : vector<16xf32>
        %add3A_686 = arith.constant 12 : i32
        %add3A_687 = vector.broadcast %add3A_686 : i32 to vector<16xi32>
        %add3A_688 = arith.addi %mul3A_287, %add3A_687 : vector<16xi32>
        %gather3A_689 = tpu.vector_load_idx %arg14[%add3A_688, %broadcast_in_dim3A_610] : memref<640x64xf32, #tpu.memory_space<vmem>>[vector<16xi32>, vector<16xi32>], vector<16xf32>,
        %mul3A_690 = arith.mulf %gather3A_689, %gather3A : vector<16xf32>
        %add3A_691 = arith.addf %scan3A_602, %mul3A_690 : vector<16xf32>
        %add3A_692 = arith.constant 13 : i32
        %add3A_693 = vector.broadcast %add3A_692 : i32 to vector<16xi32>
        %add3A_694 = arith.addi %mul3A_287, %add3A_693 : vector<16xi32>
        %gather3A_695 = tpu.vector_load_idx %arg14[%add3A_694, %broadcast_in_dim3A_610] : memref<640x64xf32, #tpu.memory_space<vmem>>[vector<16xi32>, vector<16xi32>], vector<16xf32>,
        %mul3A_696 = arith.mulf %gather3A_695, %gather3A : vector<16xf32>
        %add3A_697 = arith.addf %scan3A_603, %mul3A_696 : vector<16xf32>
        %add3A_698 = arith.constant 14 : i32
        %add3A_699 = vector.broadcast %add3A_698 : i32 to vector<16xi32>
        %add3A_700 = arith.addi %mul3A_287, %add3A_699 : vector<16xi32>
        %gather3A_701 = tpu.vector_load_idx %arg14[%add3A_700, %broadcast_in_dim3A_610] : memref<640x64xf32, #tpu.memory_space<vmem>>[vector<16xi32>, vector<16xi32>], vector<16xf32>,
        %mul3A_702 = arith.mulf %gather3A_701, %gather3A : vector<16xf32>
        %add3A_703 = arith.addf %scan3A_604, %mul3A_702 : vector<16xf32>
        %add3A_704 = arith.constant 15 : i32
        %add3A_705 = vector.broadcast %add3A_704 : i32 to vector<16xi32>
        %add3A_706 = arith.addi %mul3A_287, %add3A_705 : vector<16xi32>
        %gather3A_707 = tpu.vector_load_idx %arg14[%add3A_706, %broadcast_in_dim3A_610] : memref<640x64xf32, #tpu.memory_space<vmem>>[vector<16xi32>, vector<16xi32>], vector<16xf32>,
        %mul3A_708 = arith.mulf %gather3A_707, %gather3A : vector<16xf32>
        %add3A_709 = arith.addf %scan3A_605, %mul3A_708 : vector<16xf32>
        %add3A_710 = arith.constant 16 : i32
        %add3A_711 = vector.broadcast %add3A_710 : i32 to vector<16xi32>
        %add3A_712 = arith.addi %mul3A_287, %add3A_711 : vector<16xi32>
        %gather3A_713 = tpu.vector_load_idx %arg14[%add3A_712, %broadcast_in_dim3A_610] : memref<640x64xf32, #tpu.memory_space<vmem>>[vector<16xi32>, vector<16xi32>], vector<16xf32>,
        %mul3A_714 = arith.mulf %gather3A_713, %gather3A : vector<16xf32>
        %add3A_715 = arith.addf %scan3A_606, %mul3A_714 : vector<16xf32>
        %add3A_716 = arith.constant 17 : i32
        %add3A_717 = vector.broadcast %add3A_716 : i32 to vector<16xi32>
        %add3A_718 = arith.addi %mul3A_287, %add3A_717 : vector<16xi32>
        %gather3A_719 = tpu.vector_load_idx %arg14[%add3A_718, %broadcast_in_dim3A_610] : memref<640x64xf32, #tpu.memory_space<vmem>>[vector<16xi32>, vector<16xi32>], vector<16xf32>,
        %mul3A_720 = arith.mulf %gather3A_719, %gather3A : vector<16xf32>
        %add3A_721 = arith.addf %scan3A_607, %mul3A_720 : vector<16xf32>
        %add3A_722 = arith.constant 18 : i32
        %add3A_723 = vector.broadcast %add3A_722 : i32 to vector<16xi32>
        %add3A_724 = arith.addi %mul3A_287, %add3A_723 : vector<16xi32>
        %gather3A_725 = tpu.vector_load_idx %arg14[%add3A_724, %broadcast_in_dim3A_610] : memref<640x64xf32, #tpu.memory_space<vmem>>[vector<16xi32>, vector<16xi32>], vector<16xf32>,
        %mul3A_726 = arith.mulf %gather3A_725, %gather3A : vector<16xf32>
        %add3A_727 = arith.addf %scan3A_608, %mul3A_726 : vector<16xf32>
        %add3A_728 = arith.constant 19 : i32
        %add3A_729 = vector.broadcast %add3A_728 : i32 to vector<16xi32>
        %add3A_730 = arith.addi %mul3A_287, %add3A_729 : vector<16xi32>
        %gather3A_731 = tpu.vector_load_idx %arg14[%add3A_730, %broadcast_in_dim3A_610] : memref<640x64xf32, #tpu.memory_space<vmem>>[vector<16xi32>, vector<16xi32>], vector<16xf32>,
        %mul3A_732 = arith.mulf %gather3A_731, %gather3A : vector<16xf32>
        %add3A_733 = arith.addf %scan3A_609, %mul3A_732 : vector<16xf32>
        scf.yield %add3A_613, %add3A_619, %add3A_625, %add3A_631, %add3A_637, %add3A_643, %add3A_649, %add3A_655, %add3A_661, %add3A_667, %add3A_673, %add3A_679, %add3A_685, %add3A_691, %add3A_697, %add3A_703, %add3A_709, %add3A_715, %add3A_721, %add3A_727, %add3A_733 : vector<16xf32>, vector<16xf32>, vector<16xf32>, vector<16xf32>, vector<16xf32>, vector<16xf32>, vector<16xf32>, vector<16xf32>, vector<16xf32>, vector<16xf32>, vector<16xf32>, vector<16xf32>, vector<16xf32>, vector<16xf32>, vector<16xf32>, vector<16xf32>, vector<16xf32>, vector<16xf32>, vector<16xf32>, vector<16xf32>, vector<16xf32>
      }
      %scan3A_295 = arith.constant 64 : i32
      %swap3A_296 = arith.constant 16 : index
      %swap3A_297 = tpu.vector_load %arg15[%swap3A_296] {strides = array<i32>} : memref<32xf32, #tpu.memory_space<vmem>>, vector<16xf32>,
      tpu.vector_store %arg15[%swap3A_296], %scan3A_294#0 {strides = array<i32>} : memref<32xf32, #tpu.memory_space<vmem>>, vector<16xf32>,
      %add3A_298 = arith.constant 0 : i32
      %add3A_299 = vector.broadcast %add3A_298 : i32 to vector<16xi32>
      %add3A_300 = arith.addi %mul3A_287, %add3A_299 : vector<16xi32>
      tpu.vector_store_idx %arg16[%add3A_300], %scan3A_294#1 : memref<640xf32, #tpu.memory_space<vmem>>[vector<16xi32>], vector<16xf32>,
      %add3A_301 = arith.constant 1 : i32
      %add3A_302 = vector.broadcast %add3A_301 : i32 to vector<16xi32>
      %add3A_303 = arith.addi %mul3A_287, %add3A_302 : vector<16xi32>
      tpu.vector_store_idx %arg16[%add3A_303], %scan3A_294#2 : memref<640xf32, #tpu.memory_space<vmem>>[vector<16xi32>], vector<16xf32>,
      %add3A_304 = arith.constant 2 : i32
      %add3A_305 = vector.broadcast %add3A_304 : i32 to vector<16xi32>
      %add3A_306 = arith.addi %mul3A_287, %add3A_305 : vector<16xi32>
      tpu.vector_store_idx %arg16[%add3A_306], %scan3A_294#3 : memref<640xf32, #tpu.memory_space<vmem>>[vector<16xi32>], vector<16xf32>,
      %add3A_307 = arith.constant 3 : i32
      %add3A_308 = vector.broadcast %add3A_307 : i32 to vector<16xi32>
      %add3A_309 = arith.addi %mul3A_287, %add3A_308 : vector<16xi32>
      tpu.vector_store_idx %arg16[%add3A_309], %scan3A_294#4 : memref<640xf32, #tpu.memory_space<vmem>>[vector<16xi32>], vector<16xf32>,
      %add3A_310 = arith.constant 4 : i32
      %add3A_311 = vector.broadcast %add3A_310 : i32 to vector<16xi32>
      %add3A_312 = arith.addi %mul3A_287, %add3A_311 : vector<16xi32>
      tpu.vector_store_idx %arg16[%add3A_312], %scan3A_294#5 : memref<640xf32, #tpu.memory_space<vmem>>[vector<16xi32>], vector<16xf32>,
      %add3A_313 = arith.constant 5 : i32
      %add3A_314 = vector.broadcast %add3A_313 : i32 to vector<16xi32>
      %add3A_315 = arith.addi %mul3A_287, %add3A_314 : vector<16xi32>
      tpu.vector_store_idx %arg16[%add3A_315], %scan3A_294#6 : memref<640xf32, #tpu.memory_space<vmem>>[vector<16xi32>], vector<16xf32>,
      %add3A_316 = arith.constant 6 : i32
      %add3A_317 = vector.broadcast %add3A_316 : i32 to vector<16xi32>
      %add3A_318 = arith.addi %mul3A_287, %add3A_317 : vector<16xi32>
      tpu.vector_store_idx %arg16[%add3A_318], %scan3A_294#7 : memref<640xf32, #tpu.memory_space<vmem>>[vector<16xi32>], vector<16xf32>,
      %add3A_319 = arith.constant 7 : i32
      %add3A_320 = vector.broadcast %add3A_319 : i32 to vector<16xi32>
      %add3A_321 = arith.addi %mul3A_287, %add3A_320 : vector<16xi32>
      tpu.vector_store_idx %arg16[%add3A_321], %scan3A_294#8 : memref<640xf32, #tpu.memory_space<vmem>>[vector<16xi32>], vector<16xf32>,
      %add3A_322 = arith.constant 8 : i32
      %add3A_323 = vector.broadcast %add3A_322 : i32 to vector<16xi32>
      %add3A_324 = arith.addi %mul3A_287, %add3A_323 : vector<16xi32>
      tpu.vector_store_idx %arg16[%add3A_324], %scan3A_294#9 : memref<640xf32, #tpu.memory_space<vmem>>[vector<16xi32>], vector<16xf32>,
      %add3A_325 = arith.constant 9 : i32
      %add3A_326 = vector.broadcast %add3A_325 : i32 to vector<16xi32>
      %add3A_327 = arith.addi %mul3A_287, %add3A_326 : vector<16xi32>
      tpu.vector_store_idx %arg16[%add3A_327], %scan3A_294#10 : memref<640xf32, #tpu.memory_space<vmem>>[vector<16xi32>], vector<16xf32>,
      %add3A_328 = arith.constant 10 : i32
      %add3A_329 = vector.broadcast %add3A_328 : i32 to vector<16xi32>
      %add3A_330 = arith.addi %mul3A_287, %add3A_329 : vector<16xi32>
      tpu.vector_store_idx %arg16[%add3A_330], %scan3A_294#11 : memref<640xf32, #tpu.memory_space<vmem>>[vector<16xi32>], vector<16xf32>,
      %add3A_331 = arith.constant 11 : i32
      %add3A_332 = vector.broadcast %add3A_331 : i32 to vector<16xi32>
      %add3A_333 = arith.addi %mul3A_287, %add3A_332 : vector<16xi32>
      tpu.vector_store_idx %arg16[%add3A_333], %scan3A_294#12 : memref<640xf32, #tpu.memory_space<vmem>>[vector<16xi32>], vector<16xf32>,
      %add3A_334 = arith.constant 12 : i32
      %add3A_335 = vector.broadcast %add3A_334 : i32 to vector<16xi32>
      %add3A_336 = arith.addi %mul3A_287, %add3A_335 : vector<16xi32>
      tpu.vector_store_idx %arg16[%add3A_336], %scan3A_294#13 : memref<640xf32, #tpu.memory_space<vmem>>[vector<16xi32>], vector<16xf32>,
      %add3A_337 = arith.constant 13 : i32
      %add3A_338 = vector.broadcast %add3A_337 : i32 to vector<16xi32>
      %add3A_339 = arith.addi %mul3A_287, %add3A_338 : vector<16xi32>
      tpu.vector_store_idx %arg16[%add3A_339], %scan3A_294#14 : memref<640xf32, #tpu.memory_space<vmem>>[vector<16xi32>], vector<16xf32>,
      %add3A_340 = arith.constant 14 : i32
      %add3A_341 = vector.broadcast %add3A_340 : i32 to vector<16xi32>
      %add3A_342 = arith.addi %mul3A_287, %add3A_341 : vector<16xi32>
      tpu.vector_store_idx %arg16[%add3A_342], %scan3A_294#15 : memref<640xf32, #tpu.memory_space<vmem>>[vector<16xi32>], vector<16xf32>,
      %add3A_343 = arith.constant 15 : i32
      %add3A_344 = vector.broadcast %add3A_343 : i32 to vector<16xi32>
      %add3A_345 = arith.addi %mul3A_287, %add3A_344 : vector<16xi32>
      tpu.vector_store_idx %arg16[%add3A_345], %scan3A_294#16 : memref<640xf32, #tpu.memory_space<vmem>>[vector<16xi32>], vector<16xf32>,
      %add3A_346 = arith.constant 16 : i32
      %add3A_347 = vector.broadcast %add3A_346 : i32 to vector<16xi32>
      %add3A_348 = arith.addi %mul3A_287, %add3A_347 : vector<16xi32>
      tpu.vector_store_idx %arg16[%add3A_348], %scan3A_294#17 : memref<640xf32, #tpu.memory_space<vmem>>[vector<16xi32>], vector<16xf32>,
      %add3A_349 = arith.constant 17 : i32
      %add3A_350 = vector.broadcast %add3A_349 : i32 to vector<16xi32>
      %add3A_351 = arith.addi %mul3A_287, %add3A_350 : vector<16xi32>
      tpu.vector_store_idx %arg16[%add3A_351], %scan3A_294#18 : memref<640xf32, #tpu.memory_space<vmem>>[vector<16xi32>], vector<16xf32>,
      %add3A_352 = arith.constant 18 : i32
      %add3A_353 = vector.broadcast %add3A_352 : i32 to vector<16xi32>
      %add3A_354 = arith.addi %mul3A_287, %add3A_353 : vector<16xi32>
      tpu.vector_store_idx %arg16[%add3A_354], %scan3A_294#19 : memref<640xf32, #tpu.memory_space<vmem>>[vector<16xi32>], vector<16xf32>,
      %add3A_355 = arith.constant 19 : i32
      %add3A_356 = vector.broadcast %add3A_355 : i32 to vector<16xi32>
      %add3A_357 = arith.addi %mul3A_287, %add3A_356 : vector<16xi32>
      tpu.vector_store_idx %arg16[%add3A_357], %scan3A_294#20 : memref<640xf32, #tpu.memory_space<vmem>>[vector<16xi32>], vector<16xf32>,
      %mul3A_358 = arith.constant 32 : i32
      %mul3A_359 = arith.muli %mul3A_100, %mul3A_358 : i32
      %add3A_360 = arith.addi %mul3A_2, %mul3A_359 : i32
      %mul3A_361 = arith.constant 20 : i32
      %mul3A_362 = arith.muli %add3A_360, %mul3A_361 : i32
      %dma_start3A_363 = tpu.memref_slice %arg7[%add3A_360] : memref<16384xf32, #tpu.memory_space<hbm>> -> memref<32xf32, #tpu.memory_space<hbm>>
      %dma_start3A_364 = tpu.memref_slice %arg7[%add3A_360] : memref<16384xf32, #tpu.memory_space<hbm>> -> memref<32xf32, #tpu.memory_space<hbm>>
      tpu.enqueue_dma source(%arg15 : memref<32xf32, #tpu.memory_space<vmem>>) target(%dma_start3A_364 : memref<32xf32, #tpu.memory_space<hbm>>) target_semaphore(%arg19 : memref<!tpu.dma_semaphore, #tpu.memory_space<semaphore_mem>>)
      %dma_start3A_365 = tpu.memref_slice %arg8[%mul3A_362] : memref<327680xf32, #tpu.memory_space<hbm>> -> memref<640xf32, #tpu.memory_space<hbm>>
      %dma_start3A_366 = tpu.memref_slice %arg8[%mul3A_362] : memref<327680xf32, #tpu.memory_space<hbm>> -> memref<640xf32, #tpu.memory_space<hbm>>
      tpu.enqueue_dma source(%arg16 : memref<640xf32, #tpu.memory_space<vmem>>) target(%dma_start3A_366 : memref<640xf32, #tpu.memory_space<hbm>>) target_semaphore(%arg19 : memref<!tpu.dma_semaphore, #tpu.memory_space<semaphore_mem>>)
      %lt3A = arith.constant 7 : i32
      %lt3A_367 = arith.cmpi slt, %scan3A_98, %lt3A : i32
      %convert_element_type3A_368 = arith.extui %lt3A_367 : i1 to i32
      %cond3A_369 = arith.constant 0 : i32
      %cond3A_370 = arith.cmpi ne, %convert_element_type3A_368, %cond3A_369 : i32
      scf.if %cond3A_370 {
        %add3A_588 = arith.constant 2 : i32
        %add3A_589 = arith.addi %mul3A_100, %add3A_588 : i32
        %mul3A_590 = arith.constant 32 : i32
        %mul3A_591 = arith.muli %add3A_589, %mul3A_590 : i32
        %add3A_592 = arith.addi %mul3A_2, %mul3A_591 : i32
        %mul3A_593 = arith.constant 20 : i32
        %mul3A_594 = arith.muli %add3A_592, %mul3A_593 : i32
        %dma_start3A_595 = tpu.memref_slice %arg2[%add3A_592] : memref<16384xi32, #tpu.memory_space<hbm>> -> memref<32xi32, #tpu.memory_space<hbm>>
        %dma_start3A_596 = tpu.memref_slice %arg2[%add3A_592] : memref<16384xi32, #tpu.memory_space<hbm>> -> memref<32xi32, #tpu.memory_space<hbm>>
        tpu.enqueue_dma source(%dma_start3A_596 : memref<32xi32, #tpu.memory_space<hbm>>) target(%arg9 : memref<32xi32, #tpu.memory_space<vmem>>) target_semaphore(%arg17 : memref<!tpu.dma_semaphore, #tpu.memory_space<semaphore_mem>>)
        %dma_start3A_597 = tpu.memref_slice %arg3[%add3A_592] : memref<16384xi32, #tpu.memory_space<hbm>> -> memref<32xi32, #tpu.memory_space<hbm>>
        %dma_start3A_598 = tpu.memref_slice %arg3[%add3A_592] : memref<16384xi32, #tpu.memory_space<hbm>> -> memref<32xi32, #tpu.memory_space<hbm>>
        tpu.enqueue_dma source(%dma_start3A_598 : memref<32xi32, #tpu.memory_space<hbm>>) target(%arg10 : memref<32xi32, #tpu.memory_space<vmem>>) target_semaphore(%arg17 : memref<!tpu.dma_semaphore, #tpu.memory_space<semaphore_mem>>)
        %dma_start3A_599 = tpu.memref_slice %arg4[%mul3A_594] : memref<327680xi32, #tpu.memory_space<hbm>> -> memref<640xi32, #tpu.memory_space<hbm>>
        %dma_start3A_600 = tpu.memref_slice %arg4[%mul3A_594] : memref<327680xi32, #tpu.memory_space<hbm>> -> memref<640xi32, #tpu.memory_space<hbm>>
        tpu.enqueue_dma source(%dma_start3A_600 : memref<640xi32, #tpu.memory_space<hbm>>) target(%arg11 : memref<640xi32, #tpu.memory_space<vmem>>) target_semaphore(%arg17 : memref<!tpu.dma_semaphore, #tpu.memory_space<semaphore_mem>>)
        %add3A_601 = arith.constant 2 : i32
        %add3A_602 = arith.addi %mul3A_100, %add3A_601 : i32
        %mul3A_603 = arith.constant 32 : i32
        %mul3A_604 = arith.muli %add3A_602, %mul3A_603 : i32
        %add3A_605 = arith.addi %mul3A_2, %mul3A_604 : i32
        %mul3A_606 = arith.constant 20 : i32
        %mul3A_607 = arith.muli %add3A_605, %mul3A_606 : i32
        %dma_wait3A_608 = tpu.memref_slice %arg2[%add3A_605] : memref<16384xi32, #tpu.memory_space<hbm>> -> memref<32xi32, #tpu.memory_space<hbm>>
        %dma_wait3A_609 = tpu.memref_slice %arg2[%add3A_605] : memref<16384xi32, #tpu.memory_space<hbm>> -> memref<32xi32, #tpu.memory_space<hbm>>
        tpu.wait_dma2 semaphore(%arg17 : memref<!tpu.dma_semaphore, #tpu.memory_space<semaphore_mem>>) src(%dma_wait3A_609 : memref<32xi32, #tpu.memory_space<hbm>>) dst(%arg9 : memref<32xi32, #tpu.memory_space<vmem>>)
        %dma_wait3A_610 = tpu.memref_slice %arg3[%add3A_605] : memref<16384xi32, #tpu.memory_space<hbm>> -> memref<32xi32, #tpu.memory_space<hbm>>
        %dma_wait3A_611 = tpu.memref_slice %arg3[%add3A_605] : memref<16384xi32, #tpu.memory_space<hbm>> -> memref<32xi32, #tpu.memory_space<hbm>>
        tpu.wait_dma2 semaphore(%arg17 : memref<!tpu.dma_semaphore, #tpu.memory_space<semaphore_mem>>) src(%dma_wait3A_611 : memref<32xi32, #tpu.memory_space<hbm>>) dst(%arg10 : memref<32xi32, #tpu.memory_space<vmem>>)
        %dma_wait3A_612 = tpu.memref_slice %arg4[%mul3A_607] : memref<327680xi32, #tpu.memory_space<hbm>> -> memref<640xi32, #tpu.memory_space<hbm>>
        %dma_wait3A_613 = tpu.memref_slice %arg4[%mul3A_607] : memref<327680xi32, #tpu.memory_space<hbm>> -> memref<640xi32, #tpu.memory_space<hbm>>
        tpu.wait_dma2 semaphore(%arg17 : memref<!tpu.dma_semaphore, #tpu.memory_space<semaphore_mem>>) src(%dma_wait3A_613 : memref<640xi32, #tpu.memory_space<hbm>>) dst(%arg11 : memref<640xi32, #tpu.memory_space<vmem>>)
        %dma_start3A_614 = arith.constant 0 : i32
        %dma_start3A_615 = arith.constant 0 : i32
        %dma_start3A_616 = tpu.memref_slice %arg5[%dma_start3A_614, %dma_start3A_615] : memref<1000000x64xf32, #tpu.memory_space<hbm>> -> memref<1000000x64xf32, #tpu.memory_space<hbm>>
        tpu.enqueue_indirect_dma source(%dma_start3A_616 : memref<1000000x64xf32, #tpu.memory_space<hbm>>) target(%arg12 : memref<32x64xf32, #tpu.memory_space<vmem>>) offsets(%arg9 : memref<32xi32, #tpu.memory_space<vmem>>) semaphore(%arg18 : memref<!tpu.dma_semaphore, #tpu.memory_space<semaphore_mem>>)
        %dma_start3A_617 = arith.constant 0 : i32
        %dma_start3A_618 = arith.constant 0 : i32
        %dma_start3A_619 = tpu.memref_slice %arg6[%dma_start3A_617, %dma_start3A_618] : memref<1000000x64xf32, #tpu.memory_space<hbm>> -> memref<1000000x64xf32, #tpu.memory_space<hbm>>
        tpu.enqueue_indirect_dma source(%dma_start3A_619 : memref<1000000x64xf32, #tpu.memory_space<hbm>>) target(%arg13 : memref<32x64xf32, #tpu.memory_space<vmem>>) offsets(%arg10 : memref<32xi32, #tpu.memory_space<vmem>>) semaphore(%arg18 : memref<!tpu.dma_semaphore, #tpu.memory_space<semaphore_mem>>)
        %dma_start3A_620 = arith.constant 0 : i32
        %dma_start3A_621 = arith.constant 0 : i32
        %dma_start3A_622 = tpu.memref_slice %arg14[%dma_start3A_620, %dma_start3A_621] : memref<640x64xf32, #tpu.memory_space<vmem>> -> memref<128x64xf32, #tpu.memory_space<vmem>>
        %dma_start3A_623 = arith.constant 0 : i32
        %dma_start3A_624 = tpu.memref_slice %arg11[%dma_start3A_623] : memref<640xi32, #tpu.memory_space<vmem>> -> memref<128xi32, #tpu.memory_space<vmem>>
        %dma_start3A_625 = arith.constant 0 : i32
        %dma_start3A_626 = arith.constant 0 : i32
        %dma_start3A_627 = tpu.memref_slice %arg6[%dma_start3A_625, %dma_start3A_626] : memref<1000000x64xf32, #tpu.memory_space<hbm>> -> memref<1000000x64xf32, #tpu.memory_space<hbm>>
        tpu.enqueue_indirect_dma source(%dma_start3A_627 : memref<1000000x64xf32, #tpu.memory_space<hbm>>) target(%dma_start3A_622 : memref<128x64xf32, #tpu.memory_space<vmem>>) offsets(%dma_start3A_624 : memref<128xi32, #tpu.memory_space<vmem>>) semaphore(%arg18 : memref<!tpu.dma_semaphore, #tpu.memory_space<semaphore_mem>>)
        %dma_start3A_628 = arith.constant 128 : i32
        %dma_start3A_629 = arith.constant 0 : i32
        %dma_start3A_630 = tpu.memref_slice %arg14[%dma_start3A_628, %dma_start3A_629] : memref<640x64xf32, #tpu.memory_space<vmem>> -> memref<128x64xf32, #tpu.memory_space<vmem>>
        %dma_start3A_631 = arith.constant 128 : i32
        %dma_start3A_632 = tpu.memref_slice %arg11[%dma_start3A_631] : memref<640xi32, #tpu.memory_space<vmem>> -> memref<128xi32, #tpu.memory_space<vmem>>
        %dma_start3A_633 = arith.constant 0 : i32
        %dma_start3A_634 = arith.constant 0 : i32
        %dma_start3A_635 = tpu.memref_slice %arg6[%dma_start3A_633, %dma_start3A_634] : memref<1000000x64xf32, #tpu.memory_space<hbm>> -> memref<1000000x64xf32, #tpu.memory_space<hbm>>
        tpu.enqueue_indirect_dma source(%dma_start3A_635 : memref<1000000x64xf32, #tpu.memory_space<hbm>>) target(%dma_start3A_630 : memref<128x64xf32, #tpu.memory_space<vmem>>) offsets(%dma_start3A_632 : memref<128xi32, #tpu.memory_space<vmem>>) semaphore(%arg18 : memref<!tpu.dma_semaphore, #tpu.memory_space<semaphore_mem>>)
        %dma_start3A_636 = arith.constant 256 : i32
        %dma_start3A_637 = arith.constant 0 : i32
        %dma_start3A_638 = tpu.memref_slice %arg14[%dma_start3A_636, %dma_start3A_637] : memref<640x64xf32, #tpu.memory_space<vmem>> -> memref<128x64xf32, #tpu.memory_space<vmem>>
        %dma_start3A_639 = arith.constant 256 : i32
        %dma_start3A_640 = tpu.memref_slice %arg11[%dma_start3A_639] : memref<640xi32, #tpu.memory_space<vmem>> -> memref<128xi32, #tpu.memory_space<vmem>>
        %dma_start3A_641 = arith.constant 0 : i32
        %dma_start3A_642 = arith.constant 0 : i32
        %dma_start3A_643 = tpu.memref_slice %arg6[%dma_start3A_641, %dma_start3A_642] : memref<1000000x64xf32, #tpu.memory_space<hbm>> -> memref<1000000x64xf32, #tpu.memory_space<hbm>>
        tpu.enqueue_indirect_dma source(%dma_start3A_643 : memref<1000000x64xf32, #tpu.memory_space<hbm>>) target(%dma_start3A_638 : memref<128x64xf32, #tpu.memory_space<vmem>>) offsets(%dma_start3A_640 : memref<128xi32, #tpu.memory_space<vmem>>) semaphore(%arg18 : memref<!tpu.dma_semaphore, #tpu.memory_space<semaphore_mem>>)
        %dma_start3A_644 = arith.constant 384 : i32
        %dma_start3A_645 = arith.constant 0 : i32
        %dma_start3A_646 = tpu.memref_slice %arg14[%dma_start3A_644, %dma_start3A_645] : memref<640x64xf32, #tpu.memory_space<vmem>> -> memref<128x64xf32, #tpu.memory_space<vmem>>
        %dma_start3A_647 = arith.constant 384 : i32
        %dma_start3A_648 = tpu.memref_slice %arg11[%dma_start3A_647] : memref<640xi32, #tpu.memory_space<vmem>> -> memref<128xi32, #tpu.memory_space<vmem>>
        %dma_start3A_649 = arith.constant 0 : i32
        %dma_start3A_650 = arith.constant 0 : i32
        %dma_start3A_651 = tpu.memref_slice %arg6[%dma_start3A_649, %dma_start3A_650] : memref<1000000x64xf32, #tpu.memory_space<hbm>> -> memref<1000000x64xf32, #tpu.memory_space<hbm>>
        tpu.enqueue_indirect_dma source(%dma_start3A_651 : memref<1000000x64xf32, #tpu.memory_space<hbm>>) target(%dma_start3A_646 : memref<128x64xf32, #tpu.memory_space<vmem>>) offsets(%dma_start3A_648 : memref<128xi32, #tpu.memory_space<vmem>>) semaphore(%arg18 : memref<!tpu.dma_semaphore, #tpu.memory_space<semaphore_mem>>)
        %dma_start3A_652 = arith.constant 512 : i32
        %dma_start3A_653 = arith.constant 0 : i32
        %dma_start3A_654 = tpu.memref_slice %arg14[%dma_start3A_652, %dma_start3A_653] : memref<640x64xf32, #tpu.memory_space<vmem>> -> memref<128x64xf32, #tpu.memory_space<vmem>>
        %dma_start3A_655 = arith.constant 512 : i32
        %dma_start3A_656 = tpu.memref_slice %arg11[%dma_start3A_655] : memref<640xi32, #tpu.memory_space<vmem>> -> memref<128xi32, #tpu.memory_space<vmem>>
        %dma_start3A_657 = arith.constant 0 : i32
        %dma_start3A_658 = arith.constant 0 : i32
        %dma_start3A_659 = tpu.memref_slice %arg6[%dma_start3A_657, %dma_start3A_658] : memref<1000000x64xf32, #tpu.memory_space<hbm>> -> memref<1000000x64xf32, #tpu.memory_space<hbm>>
        tpu.enqueue_indirect_dma source(%dma_start3A_659 : memref<1000000x64xf32, #tpu.memory_space<hbm>>) target(%dma_start3A_654 : memref<128x64xf32, #tpu.memory_space<vmem>>) offsets(%dma_start3A_656 : memref<128xi32, #tpu.memory_space<vmem>>) semaphore(%arg18 : memref<!tpu.dma_semaphore, #tpu.memory_space<semaphore_mem>>)
      } else {
      }
      %dma_wait3A_371 = arith.constant 0 : i32
      %dma_wait3A_372 = arith.constant 0 : i32
      %dma_wait3A_373 = tpu.memref_slice %arg5[%dma_wait3A_371, %dma_wait3A_372] : memref<1000000x64xf32, #tpu.memory_space<hbm>> -> memref<1000000x64xf32, #tpu.memory_space<hbm>>
      tpu.wait_indirect_dma semaphore(%arg29 : memref<!tpu.dma_semaphore, #tpu.memory_space<semaphore_mem>>) src(%dma_wait3A_373 : memref<1000000x64xf32, #tpu.memory_space<hbm>>) dst(%arg23 : memref<32x64xf32, #tpu.memory_space<vmem>>)
      %dma_wait3A_374 = arith.constant 0 : i32
      %dma_wait3A_375 = arith.constant 0 : i32
      %dma_wait3A_376 = tpu.memref_slice %arg6[%dma_wait3A_374, %dma_wait3A_375] : memref<1000000x64xf32, #tpu.memory_space<hbm>> -> memref<1000000x64xf32, #tpu.memory_space<hbm>>
      tpu.wait_indirect_dma semaphore(%arg29 : memref<!tpu.dma_semaphore, #tpu.memory_space<semaphore_mem>>) src(%dma_wait3A_376 : memref<1000000x64xf32, #tpu.memory_space<hbm>>) dst(%arg24 : memref<32x64xf32, #tpu.memory_space<vmem>>)
      %dma_wait3A_377 = arith.constant 0 : i32
      %dma_wait3A_378 = arith.constant 0 : i32
      %dma_wait3A_379 = tpu.memref_slice %arg25[%dma_wait3A_377, %dma_wait3A_378] : memref<640x64xf32, #tpu.memory_space<vmem>> -> memref<128x64xf32, #tpu.memory_space<vmem>>
      %dma_wait3A_380 = arith.constant 0 : i32
      %dma_wait3A_381 = tpu.memref_slice %arg22[%dma_wait3A_380] : memref<640xi32, #tpu.memory_space<vmem>> -> memref<128xi32, #tpu.memory_space<vmem>>
      %dma_wait3A_382 = arith.constant 0 : i32
      %dma_wait3A_383 = arith.constant 0 : i32
      %dma_wait3A_384 = tpu.memref_slice %arg6[%dma_wait3A_382, %dma_wait3A_383] : memref<1000000x64xf32, #tpu.memory_space<hbm>> -> memref<1000000x64xf32, #tpu.memory_space<hbm>>
      tpu.wait_indirect_dma semaphore(%arg29 : memref<!tpu.dma_semaphore, #tpu.memory_space<semaphore_mem>>) src(%dma_wait3A_384 : memref<1000000x64xf32, #tpu.memory_space<hbm>>) dst(%dma_wait3A_379 : memref<128x64xf32, #tpu.memory_space<vmem>>)
      %dma_wait3A_385 = arith.constant 128 : i32
      %dma_wait3A_386 = arith.constant 0 : i32
      %dma_wait3A_387 = tpu.memref_slice %arg25[%dma_wait3A_385, %dma_wait3A_386] : memref<640x64xf32, #tpu.memory_space<vmem>> -> memref<128x64xf32, #tpu.memory_space<vmem>>
      %dma_wait3A_388 = arith.constant 128 : i32
      %dma_wait3A_389 = tpu.memref_slice %arg22[%dma_wait3A_388] : memref<640xi32, #tpu.memory_space<vmem>> -> memref<128xi32, #tpu.memory_space<vmem>>
      %dma_wait3A_390 = arith.constant 0 : i32
      %dma_wait3A_391 = arith.constant 0 : i32
      %dma_wait3A_392 = tpu.memref_slice %arg6[%dma_wait3A_390, %dma_wait3A_391] : memref<1000000x64xf32, #tpu.memory_space<hbm>> -> memref<1000000x64xf32, #tpu.memory_space<hbm>>
      tpu.wait_indirect_dma semaphore(%arg29 : memref<!tpu.dma_semaphore, #tpu.memory_space<semaphore_mem>>) src(%dma_wait3A_392 : memref<1000000x64xf32, #tpu.memory_space<hbm>>) dst(%dma_wait3A_387 : memref<128x64xf32, #tpu.memory_space<vmem>>)
      %dma_wait3A_393 = arith.constant 256 : i32
      %dma_wait3A_394 = arith.constant 0 : i32
      %dma_wait3A_395 = tpu.memref_slice %arg25[%dma_wait3A_393, %dma_wait3A_394] : memref<640x64xf32, #tpu.memory_space<vmem>> -> memref<128x64xf32, #tpu.memory_space<vmem>>
      %dma_wait3A_396 = arith.constant 256 : i32
      %dma_wait3A_397 = tpu.memref_slice %arg22[%dma_wait3A_396] : memref<640xi32, #tpu.memory_space<vmem>> -> memref<128xi32, #tpu.memory_space<vmem>>
      %dma_wait3A_398 = arith.constant 0 : i32
      %dma_wait3A_399 = arith.constant 0 : i32
      %dma_wait3A_400 = tpu.memref_slice %arg6[%dma_wait3A_398, %dma_wait3A_399] : memref<1000000x64xf32, #tpu.memory_space<hbm>> -> memref<1000000x64xf32, #tpu.memory_space<hbm>>
      tpu.wait_indirect_dma semaphore(%arg29 : memref<!tpu.dma_semaphore, #tpu.memory_space<semaphore_mem>>) src(%dma_wait3A_400 : memref<1000000x64xf32, #tpu.memory_space<hbm>>) dst(%dma_wait3A_395 : memref<128x64xf32, #tpu.memory_space<vmem>>)
      %dma_wait3A_401 = arith.constant 384 : i32
      %dma_wait3A_402 = arith.constant 0 : i32
      %dma_wait3A_403 = tpu.memref_slice %arg25[%dma_wait3A_401, %dma_wait3A_402] : memref<640x64xf32, #tpu.memory_space<vmem>> -> memref<128x64xf32, #tpu.memory_space<vmem>>
      %dma_wait3A_404 = arith.constant 384 : i32
      %dma_wait3A_405 = tpu.memref_slice %arg22[%dma_wait3A_404] : memref<640xi32, #tpu.memory_space<vmem>> -> memref<128xi32, #tpu.memory_space<vmem>>
      %dma_wait3A_406 = arith.constant 0 : i32
      %dma_wait3A_407 = arith.constant 0 : i32
      %dma_wait3A_408 = tpu.memref_slice %arg6[%dma_wait3A_406, %dma_wait3A_407] : memref<1000000x64xf32, #tpu.memory_space<hbm>> -> memref<1000000x64xf32, #tpu.memory_space<hbm>>
      tpu.wait_indirect_dma semaphore(%arg29 : memref<!tpu.dma_semaphore, #tpu.memory_space<semaphore_mem>>) src(%dma_wait3A_408 : memref<1000000x64xf32, #tpu.memory_space<hbm>>) dst(%dma_wait3A_403 : memref<128x64xf32, #tpu.memory_space<vmem>>)
      %dma_wait3A_409 = arith.constant 512 : i32
      %dma_wait3A_410 = arith.constant 0 : i32
      %dma_wait3A_411 = tpu.memref_slice %arg25[%dma_wait3A_409, %dma_wait3A_410] : memref<640x64xf32, #tpu.memory_space<vmem>> -> memref<128x64xf32, #tpu.memory_space<vmem>>
      %dma_wait3A_412 = arith.constant 512 : i32
      %dma_wait3A_413 = tpu.memref_slice %arg22[%dma_wait3A_412] : memref<640xi32, #tpu.memory_space<vmem>> -> memref<128xi32, #tpu.memory_space<vmem>>
      %dma_wait3A_414 = arith.constant 0 : i32
      %dma_wait3A_415 = arith.constant 0 : i32
      %dma_wait3A_416 = tpu.memref_slice %arg6[%dma_wait3A_414, %dma_wait3A_415] : memref<1000000x64xf32, #tpu.memory_space<hbm>> -> memref<1000000x64xf32, #tpu.memory_space<hbm>>
      tpu.wait_indirect_dma semaphore(%arg29 : memref<!tpu.dma_semaphore, #tpu.memory_space<semaphore_mem>>) src(%dma_wait3A_416 : memref<1000000x64xf32, #tpu.memory_space<hbm>>) dst(%dma_wait3A_411 : memref<128x64xf32, #tpu.memory_space<vmem>>)
      %gt3A_417 = arith.constant 0 : i32
      %gt3A_418 = arith.cmpi sgt, %scan3A_98, %gt3A_417 : i32
      %convert_element_type3A_419 = arith.extui %gt3A_418 : i1 to i32
      %cond3A_420 = arith.constant 0 : i32
      %cond3A_421 = arith.cmpi ne, %convert_element_type3A_419, %cond3A_420 : i32
      scf.if %cond3A_421 {
        %sub3A = arith.constant 2 : i32
        %sub3A_588 = arith.subi %add3A_102, %sub3A : i32
        %mul3A_589 = arith.constant 32 : i32
        %mul3A_590 = arith.muli %sub3A_588, %mul3A_589 : i32
        %add3A_591 = arith.addi %mul3A_2, %mul3A_590 : i32
        %mul3A_592 = arith.constant 20 : i32
        %mul3A_593 = arith.muli %add3A_591, %mul3A_592 : i32
        %dma_wait3A_594 = tpu.memref_slice %arg7[%add3A_591] : memref<16384xf32, #tpu.memory_space<hbm>> -> memref<32xf32, #tpu.memory_space<hbm>>
        %dma_wait3A_595 = tpu.memref_slice %arg7[%add3A_591] : memref<16384xf32, #tpu.memory_space<hbm>> -> memref<32xf32, #tpu.memory_space<hbm>>
        tpu.wait_dma2 semaphore(%arg30 : memref<!tpu.dma_semaphore, #tpu.memory_space<semaphore_mem>>) src(%arg26 : memref<32xf32, #tpu.memory_space<vmem>>) dst(%dma_wait3A_595 : memref<32xf32, #tpu.memory_space<hbm>>)
        %dma_wait3A_596 = tpu.memref_slice %arg8[%mul3A_593] : memref<327680xf32, #tpu.memory_space<hbm>> -> memref<640xf32, #tpu.memory_space<hbm>>
        %dma_wait3A_597 = tpu.memref_slice %arg8[%mul3A_593] : memref<327680xf32, #tpu.memory_space<hbm>> -> memref<640xf32, #tpu.memory_space<hbm>>
        tpu.wait_dma2 semaphore(%arg30 : memref<!tpu.dma_semaphore, #tpu.memory_space<semaphore_mem>>) src(%arg27 : memref<640xf32, #tpu.memory_space<vmem>>) dst(%dma_wait3A_597 : memref<640xf32, #tpu.memory_space<hbm>>)
      } else {
      }
      %add3A_422 = arith.constant 0 : i32
      %add3A_423 = vector.broadcast %add3A_422 : i32 to vector<16xi32>
      %add3A_424 = arith.addi %add3A_423, %iota3A : vector<16xi32>
      %mul3A_425 = arith.constant 20 : i32
      %mul3A_426 = vector.broadcast %mul3A_425 : i32 to vector<16xi32>
      %mul3A_427 = arith.muli %add3A_424, %mul3A_426 : vector<16xi32>
      %broadcast_in_dim3A_428 = arith.constant 0.000000e+00 : f32
      %broadcast_in_dim3A_429 = vector.broadcast %broadcast_in_dim3A_428 : f32 to vector<16xf32>
      %scan3A_430 = arith.constant 0 : i32
      %scan3A_431 = arith.constant 64 : i32
      %scan3A_432 = arith.addi %scan3A_430, %scan3A_431 : i32
      %scan3A_433 = arith.constant 1 : i32
      %scan3A_434:21 = scf.for %scan3A_588 = %scan3A_430 to %scan3A_432 step %scan3A_433 iter_args(%scan3A_589 = %broadcast_in_dim3A_429, %scan3A_590 = %broadcast_in_dim3A_429, %scan3A_591 = %broadcast_in_dim3A_429, %scan3A_592 = %broadcast_in_dim3A_429, %scan3A_593 = %broadcast_in_dim3A_429, %scan3A_594 = %broadcast_in_dim3A_429, %scan3A_595 = %broadcast_in_dim3A_429, %scan3A_596 = %broadcast_in_dim3A_429, %scan3A_597 = %broadcast_in_dim3A_429, %scan3A_598 = %broadcast_in_dim3A_429, %scan3A_599 = %broadcast_in_dim3A_429, %scan3A_600 = %broadcast_in_dim3A_429, %scan3A_601 = %broadcast_in_dim3A_429, %scan3A_602 = %broadcast_in_dim3A_429, %scan3A_603 = %broadcast_in_dim3A_429, %scan3A_604 = %broadcast_in_dim3A_429, %scan3A_605 = %broadcast_in_dim3A_429, %scan3A_606 = %broadcast_in_dim3A_429, %scan3A_607 = %broadcast_in_dim3A_429, %scan3A_608 = %broadcast_in_dim3A_429, %scan3A_609 = %broadcast_in_dim3A_429) -> (vector<16xf32>, vector<16xf32>, vector<16xf32>, vector<16xf32>, vector<16xf32>, vector<16xf32>, vector<16xf32>, vector<16xf32>, vector<16xf32>, vector<16xf32>, vector<16xf32>, vector<16xf32>, vector<16xf32>, vector<16xf32>, vector<16xf32>, vector<16xf32>, vector<16xf32>, vector<16xf32>, vector<16xf32>, vector<16xf32>, vector<16xf32>)  : i32 {
        %broadcast_in_dim3A_610 = vector.broadcast %scan3A_588 : i32 to vector<16xi32>
        %gather3A = tpu.vector_load_idx %arg23[%add3A_424, %broadcast_in_dim3A_610] : memref<32x64xf32, #tpu.memory_space<vmem>>[vector<16xi32>, vector<16xi32>], vector<16xf32>,
        %gather3A_611 = tpu.vector_load_idx %arg24[%add3A_424, %broadcast_in_dim3A_610] : memref<32x64xf32, #tpu.memory_space<vmem>>[vector<16xi32>, vector<16xi32>], vector<16xf32>,
        %mul3A_612 = arith.mulf %gather3A, %gather3A_611 : vector<16xf32>
        %add3A_613 = arith.addf %scan3A_589, %mul3A_612 : vector<16xf32>
        %add3A_614 = arith.constant 0 : i32
        %add3A_615 = vector.broadcast %add3A_614 : i32 to vector<16xi32>
        %add3A_616 = arith.addi %mul3A_427, %add3A_615 : vector<16xi32>
        %gather3A_617 = tpu.vector_load_idx %arg25[%add3A_616, %broadcast_in_dim3A_610] : memref<640x64xf32, #tpu.memory_space<vmem>>[vector<16xi32>, vector<16xi32>], vector<16xf32>,
        %mul3A_618 = arith.mulf %gather3A_617, %gather3A : vector<16xf32>
        %add3A_619 = arith.addf %scan3A_590, %mul3A_618 : vector<16xf32>
        %add3A_620 = arith.constant 1 : i32
        %add3A_621 = vector.broadcast %add3A_620 : i32 to vector<16xi32>
        %add3A_622 = arith.addi %mul3A_427, %add3A_621 : vector<16xi32>
        %gather3A_623 = tpu.vector_load_idx %arg25[%add3A_622, %broadcast_in_dim3A_610] : memref<640x64xf32, #tpu.memory_space<vmem>>[vector<16xi32>, vector<16xi32>], vector<16xf32>,
        %mul3A_624 = arith.mulf %gather3A_623, %gather3A : vector<16xf32>
        %add3A_625 = arith.addf %scan3A_591, %mul3A_624 : vector<16xf32>
        %add3A_626 = arith.constant 2 : i32
        %add3A_627 = vector.broadcast %add3A_626 : i32 to vector<16xi32>
        %add3A_628 = arith.addi %mul3A_427, %add3A_627 : vector<16xi32>
        %gather3A_629 = tpu.vector_load_idx %arg25[%add3A_628, %broadcast_in_dim3A_610] : memref<640x64xf32, #tpu.memory_space<vmem>>[vector<16xi32>, vector<16xi32>], vector<16xf32>,
        %mul3A_630 = arith.mulf %gather3A_629, %gather3A : vector<16xf32>
        %add3A_631 = arith.addf %scan3A_592, %mul3A_630 : vector<16xf32>
        %add3A_632 = arith.constant 3 : i32
        %add3A_633 = vector.broadcast %add3A_632 : i32 to vector<16xi32>
        %add3A_634 = arith.addi %mul3A_427, %add3A_633 : vector<16xi32>
        %gather3A_635 = tpu.vector_load_idx %arg25[%add3A_634, %broadcast_in_dim3A_610] : memref<640x64xf32, #tpu.memory_space<vmem>>[vector<16xi32>, vector<16xi32>], vector<16xf32>,
        %mul3A_636 = arith.mulf %gather3A_635, %gather3A : vector<16xf32>
        %add3A_637 = arith.addf %scan3A_593, %mul3A_636 : vector<16xf32>
        %add3A_638 = arith.constant 4 : i32
        %add3A_639 = vector.broadcast %add3A_638 : i32 to vector<16xi32>
        %add3A_640 = arith.addi %mul3A_427, %add3A_639 : vector<16xi32>
        %gather3A_641 = tpu.vector_load_idx %arg25[%add3A_640, %broadcast_in_dim3A_610] : memref<640x64xf32, #tpu.memory_space<vmem>>[vector<16xi32>, vector<16xi32>], vector<16xf32>,
        %mul3A_642 = arith.mulf %gather3A_641, %gather3A : vector<16xf32>
        %add3A_643 = arith.addf %scan3A_594, %mul3A_642 : vector<16xf32>
        %add3A_644 = arith.constant 5 : i32
        %add3A_645 = vector.broadcast %add3A_644 : i32 to vector<16xi32>
        %add3A_646 = arith.addi %mul3A_427, %add3A_645 : vector<16xi32>
        %gather3A_647 = tpu.vector_load_idx %arg25[%add3A_646, %broadcast_in_dim3A_610] : memref<640x64xf32, #tpu.memory_space<vmem>>[vector<16xi32>, vector<16xi32>], vector<16xf32>,
        %mul3A_648 = arith.mulf %gather3A_647, %gather3A : vector<16xf32>
        %add3A_649 = arith.addf %scan3A_595, %mul3A_648 : vector<16xf32>
        %add3A_650 = arith.constant 6 : i32
        %add3A_651 = vector.broadcast %add3A_650 : i32 to vector<16xi32>
        %add3A_652 = arith.addi %mul3A_427, %add3A_651 : vector<16xi32>
        %gather3A_653 = tpu.vector_load_idx %arg25[%add3A_652, %broadcast_in_dim3A_610] : memref<640x64xf32, #tpu.memory_space<vmem>>[vector<16xi32>, vector<16xi32>], vector<16xf32>,
        %mul3A_654 = arith.mulf %gather3A_653, %gather3A : vector<16xf32>
        %add3A_655 = arith.addf %scan3A_596, %mul3A_654 : vector<16xf32>
        %add3A_656 = arith.constant 7 : i32
        %add3A_657 = vector.broadcast %add3A_656 : i32 to vector<16xi32>
        %add3A_658 = arith.addi %mul3A_427, %add3A_657 : vector<16xi32>
        %gather3A_659 = tpu.vector_load_idx %arg25[%add3A_658, %broadcast_in_dim3A_610] : memref<640x64xf32, #tpu.memory_space<vmem>>[vector<16xi32>, vector<16xi32>], vector<16xf32>,
        %mul3A_660 = arith.mulf %gather3A_659, %gather3A : vector<16xf32>
        %add3A_661 = arith.addf %scan3A_597, %mul3A_660 : vector<16xf32>
        %add3A_662 = arith.constant 8 : i32
        %add3A_663 = vector.broadcast %add3A_662 : i32 to vector<16xi32>
        %add3A_664 = arith.addi %mul3A_427, %add3A_663 : vector<16xi32>
        %gather3A_665 = tpu.vector_load_idx %arg25[%add3A_664, %broadcast_in_dim3A_610] : memref<640x64xf32, #tpu.memory_space<vmem>>[vector<16xi32>, vector<16xi32>], vector<16xf32>,
        %mul3A_666 = arith.mulf %gather3A_665, %gather3A : vector<16xf32>
        %add3A_667 = arith.addf %scan3A_598, %mul3A_666 : vector<16xf32>
        %add3A_668 = arith.constant 9 : i32
        %add3A_669 = vector.broadcast %add3A_668 : i32 to vector<16xi32>
        %add3A_670 = arith.addi %mul3A_427, %add3A_669 : vector<16xi32>
        %gather3A_671 = tpu.vector_load_idx %arg25[%add3A_670, %broadcast_in_dim3A_610] : memref<640x64xf32, #tpu.memory_space<vmem>>[vector<16xi32>, vector<16xi32>], vector<16xf32>,
        %mul3A_672 = arith.mulf %gather3A_671, %gather3A : vector<16xf32>
        %add3A_673 = arith.addf %scan3A_599, %mul3A_672 : vector<16xf32>
        %add3A_674 = arith.constant 10 : i32
        %add3A_675 = vector.broadcast %add3A_674 : i32 to vector<16xi32>
        %add3A_676 = arith.addi %mul3A_427, %add3A_675 : vector<16xi32>
        %gather3A_677 = tpu.vector_load_idx %arg25[%add3A_676, %broadcast_in_dim3A_610] : memref<640x64xf32, #tpu.memory_space<vmem>>[vector<16xi32>, vector<16xi32>], vector<16xf32>,
        %mul3A_678 = arith.mulf %gather3A_677, %gather3A : vector<16xf32>
        %add3A_679 = arith.addf %scan3A_600, %mul3A_678 : vector<16xf32>
        %add3A_680 = arith.constant 11 : i32
        %add3A_681 = vector.broadcast %add3A_680 : i32 to vector<16xi32>
        %add3A_682 = arith.addi %mul3A_427, %add3A_681 : vector<16xi32>
        %gather3A_683 = tpu.vector_load_idx %arg25[%add3A_682, %broadcast_in_dim3A_610] : memref<640x64xf32, #tpu.memory_space<vmem>>[vector<16xi32>, vector<16xi32>], vector<16xf32>,
        %mul3A_684 = arith.mulf %gather3A_683, %gather3A : vector<16xf32>
        %add3A_685 = arith.addf %scan3A_601, %mul3A_684 : vector<16xf32>
        %add3A_686 = arith.constant 12 : i32
        %add3A_687 = vector.broadcast %add3A_686 : i32 to vector<16xi32>
        %add3A_688 = arith.addi %mul3A_427, %add3A_687 : vector<16xi32>
        %gather3A_689 = tpu.vector_load_idx %arg25[%add3A_688, %broadcast_in_dim3A_610] : memref<640x64xf32, #tpu.memory_space<vmem>>[vector<16xi32>, vector<16xi32>], vector<16xf32>,
        %mul3A_690 = arith.mulf %gather3A_689, %gather3A : vector<16xf32>
        %add3A_691 = arith.addf %scan3A_602, %mul3A_690 : vector<16xf32>
        %add3A_692 = arith.constant 13 : i32
        %add3A_693 = vector.broadcast %add3A_692 : i32 to vector<16xi32>
        %add3A_694 = arith.addi %mul3A_427, %add3A_693 : vector<16xi32>
        %gather3A_695 = tpu.vector_load_idx %arg25[%add3A_694, %broadcast_in_dim3A_610] : memref<640x64xf32, #tpu.memory_space<vmem>>[vector<16xi32>, vector<16xi32>], vector<16xf32>,
        %mul3A_696 = arith.mulf %gather3A_695, %gather3A : vector<16xf32>
        %add3A_697 = arith.addf %scan3A_603, %mul3A_696 : vector<16xf32>
        %add3A_698 = arith.constant 14 : i32
        %add3A_699 = vector.broadcast %add3A_698 : i32 to vector<16xi32>
        %add3A_700 = arith.addi %mul3A_427, %add3A_699 : vector<16xi32>
        %gather3A_701 = tpu.vector_load_idx %arg25[%add3A_700, %broadcast_in_dim3A_610] : memref<640x64xf32, #tpu.memory_space<vmem>>[vector<16xi32>, vector<16xi32>], vector<16xf32>,
        %mul3A_702 = arith.mulf %gather3A_701, %gather3A : vector<16xf32>
        %add3A_703 = arith.addf %scan3A_604, %mul3A_702 : vector<16xf32>
        %add3A_704 = arith.constant 15 : i32
        %add3A_705 = vector.broadcast %add3A_704 : i32 to vector<16xi32>
        %add3A_706 = arith.addi %mul3A_427, %add3A_705 : vector<16xi32>
        %gather3A_707 = tpu.vector_load_idx %arg25[%add3A_706, %broadcast_in_dim3A_610] : memref<640x64xf32, #tpu.memory_space<vmem>>[vector<16xi32>, vector<16xi32>], vector<16xf32>,
        %mul3A_708 = arith.mulf %gather3A_707, %gather3A : vector<16xf32>
        %add3A_709 = arith.addf %scan3A_605, %mul3A_708 : vector<16xf32>
        %add3A_710 = arith.constant 16 : i32
        %add3A_711 = vector.broadcast %add3A_710 : i32 to vector<16xi32>
        %add3A_712 = arith.addi %mul3A_427, %add3A_711 : vector<16xi32>
        %gather3A_713 = tpu.vector_load_idx %arg25[%add3A_712, %broadcast_in_dim3A_610] : memref<640x64xf32, #tpu.memory_space<vmem>>[vector<16xi32>, vector<16xi32>], vector<16xf32>,
        %mul3A_714 = arith.mulf %gather3A_713, %gather3A : vector<16xf32>
        %add3A_715 = arith.addf %scan3A_606, %mul3A_714 : vector<16xf32>
        %add3A_716 = arith.constant 17 : i32
        %add3A_717 = vector.broadcast %add3A_716 : i32 to vector<16xi32>
        %add3A_718 = arith.addi %mul3A_427, %add3A_717 : vector<16xi32>
        %gather3A_719 = tpu.vector_load_idx %arg25[%add3A_718, %broadcast_in_dim3A_610] : memref<640x64xf32, #tpu.memory_space<vmem>>[vector<16xi32>, vector<16xi32>], vector<16xf32>,
        %mul3A_720 = arith.mulf %gather3A_719, %gather3A : vector<16xf32>
        %add3A_721 = arith.addf %scan3A_607, %mul3A_720 : vector<16xf32>
        %add3A_722 = arith.constant 18 : i32
        %add3A_723 = vector.broadcast %add3A_722 : i32 to vector<16xi32>
        %add3A_724 = arith.addi %mul3A_427, %add3A_723 : vector<16xi32>
        %gather3A_725 = tpu.vector_load_idx %arg25[%add3A_724, %broadcast_in_dim3A_610] : memref<640x64xf32, #tpu.memory_space<vmem>>[vector<16xi32>, vector<16xi32>], vector<16xf32>,
        %mul3A_726 = arith.mulf %gather3A_725, %gather3A : vector<16xf32>
        %add3A_727 = arith.addf %scan3A_608, %mul3A_726 : vector<16xf32>
        %add3A_728 = arith.constant 19 : i32
        %add3A_729 = vector.broadcast %add3A_728 : i32 to vector<16xi32>
        %add3A_730 = arith.addi %mul3A_427, %add3A_729 : vector<16xi32>
        %gather3A_731 = tpu.vector_load_idx %arg25[%add3A_730, %broadcast_in_dim3A_610] : memref<640x64xf32, #tpu.memory_space<vmem>>[vector<16xi32>, vector<16xi32>], vector<16xf32>,
        %mul3A_732 = arith.mulf %gather3A_731, %gather3A : vector<16xf32>
        %add3A_733 = arith.addf %scan3A_609, %mul3A_732 : vector<16xf32>
        scf.yield %add3A_613, %add3A_619, %add3A_625, %add3A_631, %add3A_637, %add3A_643, %add3A_649, %add3A_655, %add3A_661, %add3A_667, %add3A_673, %add3A_679, %add3A_685, %add3A_691, %add3A_697, %add3A_703, %add3A_709, %add3A_715, %add3A_721, %add3A_727, %add3A_733 : vector<16xf32>, vector<16xf32>, vector<16xf32>, vector<16xf32>, vector<16xf32>, vector<16xf32>, vector<16xf32>, vector<16xf32>, vector<16xf32>, vector<16xf32>, vector<16xf32>, vector<16xf32>, vector<16xf32>, vector<16xf32>, vector<16xf32>, vector<16xf32>, vector<16xf32>, vector<16xf32>, vector<16xf32>, vector<16xf32>, vector<16xf32>
      }
      %scan3A_435 = arith.constant 64 : i32
      %swap3A_436 = arith.constant 0 : index
      %swap3A_437 = tpu.vector_load %arg26[%swap3A_436] {strides = array<i32>} : memref<32xf32, #tpu.memory_space<vmem>>, vector<16xf32>,
      tpu.vector_store %arg26[%swap3A_436], %scan3A_434#0 {strides = array<i32>} : memref<32xf32, #tpu.memory_space<vmem>>, vector<16xf32>,
      %add3A_438 = arith.constant 0 : i32
      %add3A_439 = vector.broadcast %add3A_438 : i32 to vector<16xi32>
      %add3A_440 = arith.addi %mul3A_427, %add3A_439 : vector<16xi32>
      tpu.vector_store_idx %arg27[%add3A_440], %scan3A_434#1 : memref<640xf32, #tpu.memory_space<vmem>>[vector<16xi32>], vector<16xf32>,
      %add3A_441 = arith.constant 1 : i32
      %add3A_442 = vector.broadcast %add3A_441 : i32 to vector<16xi32>
      %add3A_443 = arith.addi %mul3A_427, %add3A_442 : vector<16xi32>
      tpu.vector_store_idx %arg27[%add3A_443], %scan3A_434#2 : memref<640xf32, #tpu.memory_space<vmem>>[vector<16xi32>], vector<16xf32>,
      %add3A_444 = arith.constant 2 : i32
      %add3A_445 = vector.broadcast %add3A_444 : i32 to vector<16xi32>
      %add3A_446 = arith.addi %mul3A_427, %add3A_445 : vector<16xi32>
      tpu.vector_store_idx %arg27[%add3A_446], %scan3A_434#3 : memref<640xf32, #tpu.memory_space<vmem>>[vector<16xi32>], vector<16xf32>,
      %add3A_447 = arith.constant 3 : i32
      %add3A_448 = vector.broadcast %add3A_447 : i32 to vector<16xi32>
      %add3A_449 = arith.addi %mul3A_427, %add3A_448 : vector<16xi32>
      tpu.vector_store_idx %arg27[%add3A_449], %scan3A_434#4 : memref<640xf32, #tpu.memory_space<vmem>>[vector<16xi32>], vector<16xf32>,
      %add3A_450 = arith.constant 4 : i32
      %add3A_451 = vector.broadcast %add3A_450 : i32 to vector<16xi32>
      %add3A_452 = arith.addi %mul3A_427, %add3A_451 : vector<16xi32>
      tpu.vector_store_idx %arg27[%add3A_452], %scan3A_434#5 : memref<640xf32, #tpu.memory_space<vmem>>[vector<16xi32>], vector<16xf32>,
      %add3A_453 = arith.constant 5 : i32
      %add3A_454 = vector.broadcast %add3A_453 : i32 to vector<16xi32>
      %add3A_455 = arith.addi %mul3A_427, %add3A_454 : vector<16xi32>
      tpu.vector_store_idx %arg27[%add3A_455], %scan3A_434#6 : memref<640xf32, #tpu.memory_space<vmem>>[vector<16xi32>], vector<16xf32>,
      %add3A_456 = arith.constant 6 : i32
      %add3A_457 = vector.broadcast %add3A_456 : i32 to vector<16xi32>
      %add3A_458 = arith.addi %mul3A_427, %add3A_457 : vector<16xi32>
      tpu.vector_store_idx %arg27[%add3A_458], %scan3A_434#7 : memref<640xf32, #tpu.memory_space<vmem>>[vector<16xi32>], vector<16xf32>,
      %add3A_459 = arith.constant 7 : i32
      %add3A_460 = vector.broadcast %add3A_459 : i32 to vector<16xi32>
      %add3A_461 = arith.addi %mul3A_427, %add3A_460 : vector<16xi32>
      tpu.vector_store_idx %arg27[%add3A_461], %scan3A_434#8 : memref<640xf32, #tpu.memory_space<vmem>>[vector<16xi32>], vector<16xf32>,
      %add3A_462 = arith.constant 8 : i32
      %add3A_463 = vector.broadcast %add3A_462 : i32 to vector<16xi32>
      %add3A_464 = arith.addi %mul3A_427, %add3A_463 : vector<16xi32>
      tpu.vector_store_idx %arg27[%add3A_464], %scan3A_434#9 : memref<640xf32, #tpu.memory_space<vmem>>[vector<16xi32>], vector<16xf32>,
      %add3A_465 = arith.constant 9 : i32
      %add3A_466 = vector.broadcast %add3A_465 : i32 to vector<16xi32>
      %add3A_467 = arith.addi %mul3A_427, %add3A_466 : vector<16xi32>
      tpu.vector_store_idx %arg27[%add3A_467], %scan3A_434#10 : memref<640xf32, #tpu.memory_space<vmem>>[vector<16xi32>], vector<16xf32>,
      %add3A_468 = arith.constant 10 : i32
      %add3A_469 = vector.broadcast %add3A_468 : i32 to vector<16xi32>
      %add3A_470 = arith.addi %mul3A_427, %add3A_469 : vector<16xi32>
      tpu.vector_store_idx %arg27[%add3A_470], %scan3A_434#11 : memref<640xf32, #tpu.memory_space<vmem>>[vector<16xi32>], vector<16xf32>,
      %add3A_471 = arith.constant 11 : i32
      %add3A_472 = vector.broadcast %add3A_471 : i32 to vector<16xi32>
      %add3A_473 = arith.addi %mul3A_427, %add3A_472 : vector<16xi32>
      tpu.vector_store_idx %arg27[%add3A_473], %scan3A_434#12 : memref<640xf32, #tpu.memory_space<vmem>>[vector<16xi32>], vector<16xf32>,
      %add3A_474 = arith.constant 12 : i32
      %add3A_475 = vector.broadcast %add3A_474 : i32 to vector<16xi32>
      %add3A_476 = arith.addi %mul3A_427, %add3A_475 : vector<16xi32>
      tpu.vector_store_idx %arg27[%add3A_476], %scan3A_434#13 : memref<640xf32, #tpu.memory_space<vmem>>[vector<16xi32>], vector<16xf32>,
      %add3A_477 = arith.constant 13 : i32
      %add3A_478 = vector.broadcast %add3A_477 : i32 to vector<16xi32>
      %add3A_479 = arith.addi %mul3A_427, %add3A_478 : vector<16xi32>
      tpu.vector_store_idx %arg27[%add3A_479], %scan3A_434#14 : memref<640xf32, #tpu.memory_space<vmem>>[vector<16xi32>], vector<16xf32>,
      %add3A_480 = arith.constant 14 : i32
      %add3A_481 = vector.broadcast %add3A_480 : i32 to vector<16xi32>
      %add3A_482 = arith.addi %mul3A_427, %add3A_481 : vector<16xi32>
      tpu.vector_store_idx %arg27[%add3A_482], %scan3A_434#15 : memref<640xf32, #tpu.memory_space<vmem>>[vector<16xi32>], vector<16xf32>,
      %add3A_483 = arith.constant 15 : i32
      %add3A_484 = vector.broadcast %add3A_483 : i32 to vector<16xi32>
      %add3A_485 = arith.addi %mul3A_427, %add3A_484 : vector<16xi32>
      tpu.vector_store_idx %arg27[%add3A_485], %scan3A_434#16 : memref<640xf32, #tpu.memory_space<vmem>>[vector<16xi32>], vector<16xf32>,
      %add3A_486 = arith.constant 16 : i32
      %add3A_487 = vector.broadcast %add3A_486 : i32 to vector<16xi32>
      %add3A_488 = arith.addi %mul3A_427, %add3A_487 : vector<16xi32>
      tpu.vector_store_idx %arg27[%add3A_488], %scan3A_434#17 : memref<640xf32, #tpu.memory_space<vmem>>[vector<16xi32>], vector<16xf32>,
      %add3A_489 = arith.constant 17 : i32
      %add3A_490 = vector.broadcast %add3A_489 : i32 to vector<16xi32>
      %add3A_491 = arith.addi %mul3A_427, %add3A_490 : vector<16xi32>
      tpu.vector_store_idx %arg27[%add3A_491], %scan3A_434#18 : memref<640xf32, #tpu.memory_space<vmem>>[vector<16xi32>], vector<16xf32>,
      %add3A_492 = arith.constant 18 : i32
      %add3A_493 = vector.broadcast %add3A_492 : i32 to vector<16xi32>
      %add3A_494 = arith.addi %mul3A_427, %add3A_493 : vector<16xi32>
      tpu.vector_store_idx %arg27[%add3A_494], %scan3A_434#19 : memref<640xf32, #tpu.memory_space<vmem>>[vector<16xi32>], vector<16xf32>,
      %add3A_495 = arith.constant 19 : i32
      %add3A_496 = vector.broadcast %add3A_495 : i32 to vector<16xi32>
      %add3A_497 = arith.addi %mul3A_427, %add3A_496 : vector<16xi32>
      tpu.vector_store_idx %arg27[%add3A_497], %scan3A_434#20 : memref<640xf32, #tpu.memory_space<vmem>>[vector<16xi32>], vector<16xf32>,
      %add3A_498 = arith.constant 16 : i32
      %add3A_499 = vector.broadcast %add3A_498 : i32 to vector<16xi32>
      %add3A_500 = arith.addi %add3A_499, %iota3A : vector<16xi32>
      %mul3A_501 = arith.constant 20 : i32
      %mul3A_502 = vector.broadcast %mul3A_501 : i32 to vector<16xi32>
      %mul3A_503 = arith.muli %add3A_500, %mul3A_502 : vector<16xi32>
      %broadcast_in_dim3A_504 = arith.constant 0.000000e+00 : f32
      %broadcast_in_dim3A_505 = vector.broadcast %broadcast_in_dim3A_504 : f32 to vector<16xf32>
      %scan3A_506 = arith.constant 0 : i32
      %scan3A_507 = arith.constant 64 : i32
      %scan3A_508 = arith.addi %scan3A_506, %scan3A_507 : i32
      %scan3A_509 = arith.constant 1 : i32
      %scan3A_510:21 = scf.for %scan3A_588 = %scan3A_506 to %scan3A_508 step %scan3A_509 iter_args(%scan3A_589 = %broadcast_in_dim3A_505, %scan3A_590 = %broadcast_in_dim3A_505, %scan3A_591 = %broadcast_in_dim3A_505, %scan3A_592 = %broadcast_in_dim3A_505, %scan3A_593 = %broadcast_in_dim3A_505, %scan3A_594 = %broadcast_in_dim3A_505, %scan3A_595 = %broadcast_in_dim3A_505, %scan3A_596 = %broadcast_in_dim3A_505, %scan3A_597 = %broadcast_in_dim3A_505, %scan3A_598 = %broadcast_in_dim3A_505, %scan3A_599 = %broadcast_in_dim3A_505, %scan3A_600 = %broadcast_in_dim3A_505, %scan3A_601 = %broadcast_in_dim3A_505, %scan3A_602 = %broadcast_in_dim3A_505, %scan3A_603 = %broadcast_in_dim3A_505, %scan3A_604 = %broadcast_in_dim3A_505, %scan3A_605 = %broadcast_in_dim3A_505, %scan3A_606 = %broadcast_in_dim3A_505, %scan3A_607 = %broadcast_in_dim3A_505, %scan3A_608 = %broadcast_in_dim3A_505, %scan3A_609 = %broadcast_in_dim3A_505) -> (vector<16xf32>, vector<16xf32>, vector<16xf32>, vector<16xf32>, vector<16xf32>, vector<16xf32>, vector<16xf32>, vector<16xf32>, vector<16xf32>, vector<16xf32>, vector<16xf32>, vector<16xf32>, vector<16xf32>, vector<16xf32>, vector<16xf32>, vector<16xf32>, vector<16xf32>, vector<16xf32>, vector<16xf32>, vector<16xf32>, vector<16xf32>)  : i32 {
        %broadcast_in_dim3A_610 = vector.broadcast %scan3A_588 : i32 to vector<16xi32>
        %gather3A = tpu.vector_load_idx %arg23[%add3A_500, %broadcast_in_dim3A_610] : memref<32x64xf32, #tpu.memory_space<vmem>>[vector<16xi32>, vector<16xi32>], vector<16xf32>,
        %gather3A_611 = tpu.vector_load_idx %arg24[%add3A_500, %broadcast_in_dim3A_610] : memref<32x64xf32, #tpu.memory_space<vmem>>[vector<16xi32>, vector<16xi32>], vector<16xf32>,
        %mul3A_612 = arith.mulf %gather3A, %gather3A_611 : vector<16xf32>
        %add3A_613 = arith.addf %scan3A_589, %mul3A_612 : vector<16xf32>
        %add3A_614 = arith.constant 0 : i32
        %add3A_615 = vector.broadcast %add3A_614 : i32 to vector<16xi32>
        %add3A_616 = arith.addi %mul3A_503, %add3A_615 : vector<16xi32>
        %gather3A_617 = tpu.vector_load_idx %arg25[%add3A_616, %broadcast_in_dim3A_610] : memref<640x64xf32, #tpu.memory_space<vmem>>[vector<16xi32>, vector<16xi32>], vector<16xf32>,
        %mul3A_618 = arith.mulf %gather3A_617, %gather3A : vector<16xf32>
        %add3A_619 = arith.addf %scan3A_590, %mul3A_618 : vector<16xf32>
        %add3A_620 = arith.constant 1 : i32
        %add3A_621 = vector.broadcast %add3A_620 : i32 to vector<16xi32>
        %add3A_622 = arith.addi %mul3A_503, %add3A_621 : vector<16xi32>
        %gather3A_623 = tpu.vector_load_idx %arg25[%add3A_622, %broadcast_in_dim3A_610] : memref<640x64xf32, #tpu.memory_space<vmem>>[vector<16xi32>, vector<16xi32>], vector<16xf32>,
        %mul3A_624 = arith.mulf %gather3A_623, %gather3A : vector<16xf32>
        %add3A_625 = arith.addf %scan3A_591, %mul3A_624 : vector<16xf32>
        %add3A_626 = arith.constant 2 : i32
        %add3A_627 = vector.broadcast %add3A_626 : i32 to vector<16xi32>
        %add3A_628 = arith.addi %mul3A_503, %add3A_627 : vector<16xi32>
        %gather3A_629 = tpu.vector_load_idx %arg25[%add3A_628, %broadcast_in_dim3A_610] : memref<640x64xf32, #tpu.memory_space<vmem>>[vector<16xi32>, vector<16xi32>], vector<16xf32>,
        %mul3A_630 = arith.mulf %gather3A_629, %gather3A : vector<16xf32>
        %add3A_631 = arith.addf %scan3A_592, %mul3A_630 : vector<16xf32>
        %add3A_632 = arith.constant 3 : i32
        %add3A_633 = vector.broadcast %add3A_632 : i32 to vector<16xi32>
        %add3A_634 = arith.addi %mul3A_503, %add3A_633 : vector<16xi32>
        %gather3A_635 = tpu.vector_load_idx %arg25[%add3A_634, %broadcast_in_dim3A_610] : memref<640x64xf32, #tpu.memory_space<vmem>>[vector<16xi32>, vector<16xi32>], vector<16xf32>,
        %mul3A_636 = arith.mulf %gather3A_635, %gather3A : vector<16xf32>
        %add3A_637 = arith.addf %scan3A_593, %mul3A_636 : vector<16xf32>
        %add3A_638 = arith.constant 4 : i32
        %add3A_639 = vector.broadcast %add3A_638 : i32 to vector<16xi32>
        %add3A_640 = arith.addi %mul3A_503, %add3A_639 : vector<16xi32>
        %gather3A_641 = tpu.vector_load_idx %arg25[%add3A_640, %broadcast_in_dim3A_610] : memref<640x64xf32, #tpu.memory_space<vmem>>[vector<16xi32>, vector<16xi32>], vector<16xf32>,
        %mul3A_642 = arith.mulf %gather3A_641, %gather3A : vector<16xf32>
        %add3A_643 = arith.addf %scan3A_594, %mul3A_642 : vector<16xf32>
        %add3A_644 = arith.constant 5 : i32
        %add3A_645 = vector.broadcast %add3A_644 : i32 to vector<16xi32>
        %add3A_646 = arith.addi %mul3A_503, %add3A_645 : vector<16xi32>
        %gather3A_647 = tpu.vector_load_idx %arg25[%add3A_646, %broadcast_in_dim3A_610] : memref<640x64xf32, #tpu.memory_space<vmem>>[vector<16xi32>, vector<16xi32>], vector<16xf32>,
        %mul3A_648 = arith.mulf %gather3A_647, %gather3A : vector<16xf32>
        %add3A_649 = arith.addf %scan3A_595, %mul3A_648 : vector<16xf32>
        %add3A_650 = arith.constant 6 : i32
        %add3A_651 = vector.broadcast %add3A_650 : i32 to vector<16xi32>
        %add3A_652 = arith.addi %mul3A_503, %add3A_651 : vector<16xi32>
        %gather3A_653 = tpu.vector_load_idx %arg25[%add3A_652, %broadcast_in_dim3A_610] : memref<640x64xf32, #tpu.memory_space<vmem>>[vector<16xi32>, vector<16xi32>], vector<16xf32>,
        %mul3A_654 = arith.mulf %gather3A_653, %gather3A : vector<16xf32>
        %add3A_655 = arith.addf %scan3A_596, %mul3A_654 : vector<16xf32>
        %add3A_656 = arith.constant 7 : i32
        %add3A_657 = vector.broadcast %add3A_656 : i32 to vector<16xi32>
        %add3A_658 = arith.addi %mul3A_503, %add3A_657 : vector<16xi32>
        %gather3A_659 = tpu.vector_load_idx %arg25[%add3A_658, %broadcast_in_dim3A_610] : memref<640x64xf32, #tpu.memory_space<vmem>>[vector<16xi32>, vector<16xi32>], vector<16xf32>,
        %mul3A_660 = arith.mulf %gather3A_659, %gather3A : vector<16xf32>
        %add3A_661 = arith.addf %scan3A_597, %mul3A_660 : vector<16xf32>
        %add3A_662 = arith.constant 8 : i32
        %add3A_663 = vector.broadcast %add3A_662 : i32 to vector<16xi32>
        %add3A_664 = arith.addi %mul3A_503, %add3A_663 : vector<16xi32>
        %gather3A_665 = tpu.vector_load_idx %arg25[%add3A_664, %broadcast_in_dim3A_610] : memref<640x64xf32, #tpu.memory_space<vmem>>[vector<16xi32>, vector<16xi32>], vector<16xf32>,
        %mul3A_666 = arith.mulf %gather3A_665, %gather3A : vector<16xf32>
        %add3A_667 = arith.addf %scan3A_598, %mul3A_666 : vector<16xf32>
        %add3A_668 = arith.constant 9 : i32
        %add3A_669 = vector.broadcast %add3A_668 : i32 to vector<16xi32>
        %add3A_670 = arith.addi %mul3A_503, %add3A_669 : vector<16xi32>
        %gather3A_671 = tpu.vector_load_idx %arg25[%add3A_670, %broadcast_in_dim3A_610] : memref<640x64xf32, #tpu.memory_space<vmem>>[vector<16xi32>, vector<16xi32>], vector<16xf32>,
        %mul3A_672 = arith.mulf %gather3A_671, %gather3A : vector<16xf32>
        %add3A_673 = arith.addf %scan3A_599, %mul3A_672 : vector<16xf32>
        %add3A_674 = arith.constant 10 : i32
        %add3A_675 = vector.broadcast %add3A_674 : i32 to vector<16xi32>
        %add3A_676 = arith.addi %mul3A_503, %add3A_675 : vector<16xi32>
        %gather3A_677 = tpu.vector_load_idx %arg25[%add3A_676, %broadcast_in_dim3A_610] : memref<640x64xf32, #tpu.memory_space<vmem>>[vector<16xi32>, vector<16xi32>], vector<16xf32>,
        %mul3A_678 = arith.mulf %gather3A_677, %gather3A : vector<16xf32>
        %add3A_679 = arith.addf %scan3A_600, %mul3A_678 : vector<16xf32>
        %add3A_680 = arith.constant 11 : i32
        %add3A_681 = vector.broadcast %add3A_680 : i32 to vector<16xi32>
        %add3A_682 = arith.addi %mul3A_503, %add3A_681 : vector<16xi32>
        %gather3A_683 = tpu.vector_load_idx %arg25[%add3A_682, %broadcast_in_dim3A_610] : memref<640x64xf32, #tpu.memory_space<vmem>>[vector<16xi32>, vector<16xi32>], vector<16xf32>,
        %mul3A_684 = arith.mulf %gather3A_683, %gather3A : vector<16xf32>
        %add3A_685 = arith.addf %scan3A_601, %mul3A_684 : vector<16xf32>
        %add3A_686 = arith.constant 12 : i32
        %add3A_687 = vector.broadcast %add3A_686 : i32 to vector<16xi32>
        %add3A_688 = arith.addi %mul3A_503, %add3A_687 : vector<16xi32>
        %gather3A_689 = tpu.vector_load_idx %arg25[%add3A_688, %broadcast_in_dim3A_610] : memref<640x64xf32, #tpu.memory_space<vmem>>[vector<16xi32>, vector<16xi32>], vector<16xf32>,
        %mul3A_690 = arith.mulf %gather3A_689, %gather3A : vector<16xf32>
        %add3A_691 = arith.addf %scan3A_602, %mul3A_690 : vector<16xf32>
        %add3A_692 = arith.constant 13 : i32
        %add3A_693 = vector.broadcast %add3A_692 : i32 to vector<16xi32>
        %add3A_694 = arith.addi %mul3A_503, %add3A_693 : vector<16xi32>
        %gather3A_695 = tpu.vector_load_idx %arg25[%add3A_694, %broadcast_in_dim3A_610] : memref<640x64xf32, #tpu.memory_space<vmem>>[vector<16xi32>, vector<16xi32>], vector<16xf32>,
        %mul3A_696 = arith.mulf %gather3A_695, %gather3A : vector<16xf32>
        %add3A_697 = arith.addf %scan3A_603, %mul3A_696 : vector<16xf32>
        %add3A_698 = arith.constant 14 : i32
        %add3A_699 = vector.broadcast %add3A_698 : i32 to vector<16xi32>
        %add3A_700 = arith.addi %mul3A_503, %add3A_699 : vector<16xi32>
        %gather3A_701 = tpu.vector_load_idx %arg25[%add3A_700, %broadcast_in_dim3A_610] : memref<640x64xf32, #tpu.memory_space<vmem>>[vector<16xi32>, vector<16xi32>], vector<16xf32>,
        %mul3A_702 = arith.mulf %gather3A_701, %gather3A : vector<16xf32>
        %add3A_703 = arith.addf %scan3A_604, %mul3A_702 : vector<16xf32>
        %add3A_704 = arith.constant 15 : i32
        %add3A_705 = vector.broadcast %add3A_704 : i32 to vector<16xi32>
        %add3A_706 = arith.addi %mul3A_503, %add3A_705 : vector<16xi32>
        %gather3A_707 = tpu.vector_load_idx %arg25[%add3A_706, %broadcast_in_dim3A_610] : memref<640x64xf32, #tpu.memory_space<vmem>>[vector<16xi32>, vector<16xi32>], vector<16xf32>,
        %mul3A_708 = arith.mulf %gather3A_707, %gather3A : vector<16xf32>
        %add3A_709 = arith.addf %scan3A_605, %mul3A_708 : vector<16xf32>
        %add3A_710 = arith.constant 16 : i32
        %add3A_711 = vector.broadcast %add3A_710 : i32 to vector<16xi32>
        %add3A_712 = arith.addi %mul3A_503, %add3A_711 : vector<16xi32>
        %gather3A_713 = tpu.vector_load_idx %arg25[%add3A_712, %broadcast_in_dim3A_610] : memref<640x64xf32, #tpu.memory_space<vmem>>[vector<16xi32>, vector<16xi32>], vector<16xf32>,
        %mul3A_714 = arith.mulf %gather3A_713, %gather3A : vector<16xf32>
        %add3A_715 = arith.addf %scan3A_606, %mul3A_714 : vector<16xf32>
        %add3A_716 = arith.constant 17 : i32
        %add3A_717 = vector.broadcast %add3A_716 : i32 to vector<16xi32>
        %add3A_718 = arith.addi %mul3A_503, %add3A_717 : vector<16xi32>
        %gather3A_719 = tpu.vector_load_idx %arg25[%add3A_718, %broadcast_in_dim3A_610] : memref<640x64xf32, #tpu.memory_space<vmem>>[vector<16xi32>, vector<16xi32>], vector<16xf32>,
        %mul3A_720 = arith.mulf %gather3A_719, %gather3A : vector<16xf32>
        %add3A_721 = arith.addf %scan3A_607, %mul3A_720 : vector<16xf32>
        %add3A_722 = arith.constant 18 : i32
        %add3A_723 = vector.broadcast %add3A_722 : i32 to vector<16xi32>
        %add3A_724 = arith.addi %mul3A_503, %add3A_723 : vector<16xi32>
        %gather3A_725 = tpu.vector_load_idx %arg25[%add3A_724, %broadcast_in_dim3A_610] : memref<640x64xf32, #tpu.memory_space<vmem>>[vector<16xi32>, vector<16xi32>], vector<16xf32>,
        %mul3A_726 = arith.mulf %gather3A_725, %gather3A : vector<16xf32>
        %add3A_727 = arith.addf %scan3A_608, %mul3A_726 : vector<16xf32>
        %add3A_728 = arith.constant 19 : i32
        %add3A_729 = vector.broadcast %add3A_728 : i32 to vector<16xi32>
        %add3A_730 = arith.addi %mul3A_503, %add3A_729 : vector<16xi32>
        %gather3A_731 = tpu.vector_load_idx %arg25[%add3A_730, %broadcast_in_dim3A_610] : memref<640x64xf32, #tpu.memory_space<vmem>>[vector<16xi32>, vector<16xi32>], vector<16xf32>,
        %mul3A_732 = arith.mulf %gather3A_731, %gather3A : vector<16xf32>
        %add3A_733 = arith.addf %scan3A_609, %mul3A_732 : vector<16xf32>
        scf.yield %add3A_613, %add3A_619, %add3A_625, %add3A_631, %add3A_637, %add3A_643, %add3A_649, %add3A_655, %add3A_661, %add3A_667, %add3A_673, %add3A_679, %add3A_685, %add3A_691, %add3A_697, %add3A_703, %add3A_709, %add3A_715, %add3A_721, %add3A_727, %add3A_733 : vector<16xf32>, vector<16xf32>, vector<16xf32>, vector<16xf32>, vector<16xf32>, vector<16xf32>, vector<16xf32>, vector<16xf32>, vector<16xf32>, vector<16xf32>, vector<16xf32>, vector<16xf32>, vector<16xf32>, vector<16xf32>, vector<16xf32>, vector<16xf32>, vector<16xf32>, vector<16xf32>, vector<16xf32>, vector<16xf32>, vector<16xf32>
      }
      %scan3A_511 = arith.constant 64 : i32
      %swap3A_512 = arith.constant 16 : index
      %swap3A_513 = tpu.vector_load %arg26[%swap3A_512] {strides = array<i32>} : memref<32xf32, #tpu.memory_space<vmem>>, vector<16xf32>,
      tpu.vector_store %arg26[%swap3A_512], %scan3A_510#0 {strides = array<i32>} : memref<32xf32, #tpu.memory_space<vmem>>, vector<16xf32>,
      %add3A_514 = arith.constant 0 : i32
      %add3A_515 = vector.broadcast %add3A_514 : i32 to vector<16xi32>
      %add3A_516 = arith.addi %mul3A_503, %add3A_515 : vector<16xi32>
      tpu.vector_store_idx %arg27[%add3A_516], %scan3A_510#1 : memref<640xf32, #tpu.memory_space<vmem>>[vector<16xi32>], vector<16xf32>,
      %add3A_517 = arith.constant 1 : i32
      %add3A_518 = vector.broadcast %add3A_517 : i32 to vector<16xi32>
      %add3A_519 = arith.addi %mul3A_503, %add3A_518 : vector<16xi32>
      tpu.vector_store_idx %arg27[%add3A_519], %scan3A_510#2 : memref<640xf32, #tpu.memory_space<vmem>>[vector<16xi32>], vector<16xf32>,
      %add3A_520 = arith.constant 2 : i32
      %add3A_521 = vector.broadcast %add3A_520 : i32 to vector<16xi32>
      %add3A_522 = arith.addi %mul3A_503, %add3A_521 : vector<16xi32>
      tpu.vector_store_idx %arg27[%add3A_522], %scan3A_510#3 : memref<640xf32, #tpu.memory_space<vmem>>[vector<16xi32>], vector<16xf32>,
      %add3A_523 = arith.constant 3 : i32
      %add3A_524 = vector.broadcast %add3A_523 : i32 to vector<16xi32>
      %add3A_525 = arith.addi %mul3A_503, %add3A_524 : vector<16xi32>
      tpu.vector_store_idx %arg27[%add3A_525], %scan3A_510#4 : memref<640xf32, #tpu.memory_space<vmem>>[vector<16xi32>], vector<16xf32>,
      %add3A_526 = arith.constant 4 : i32
      %add3A_527 = vector.broadcast %add3A_526 : i32 to vector<16xi32>
      %add3A_528 = arith.addi %mul3A_503, %add3A_527 : vector<16xi32>
      tpu.vector_store_idx %arg27[%add3A_528], %scan3A_510#5 : memref<640xf32, #tpu.memory_space<vmem>>[vector<16xi32>], vector<16xf32>,
      %add3A_529 = arith.constant 5 : i32
      %add3A_530 = vector.broadcast %add3A_529 : i32 to vector<16xi32>
      %add3A_531 = arith.addi %mul3A_503, %add3A_530 : vector<16xi32>
      tpu.vector_store_idx %arg27[%add3A_531], %scan3A_510#6 : memref<640xf32, #tpu.memory_space<vmem>>[vector<16xi32>], vector<16xf32>,
      %add3A_532 = arith.constant 6 : i32
      %add3A_533 = vector.broadcast %add3A_532 : i32 to vector<16xi32>
      %add3A_534 = arith.addi %mul3A_503, %add3A_533 : vector<16xi32>
      tpu.vector_store_idx %arg27[%add3A_534], %scan3A_510#7 : memref<640xf32, #tpu.memory_space<vmem>>[vector<16xi32>], vector<16xf32>,
      %add3A_535 = arith.constant 7 : i32
      %add3A_536 = vector.broadcast %add3A_535 : i32 to vector<16xi32>
      %add3A_537 = arith.addi %mul3A_503, %add3A_536 : vector<16xi32>
      tpu.vector_store_idx %arg27[%add3A_537], %scan3A_510#8 : memref<640xf32, #tpu.memory_space<vmem>>[vector<16xi32>], vector<16xf32>,
      %add3A_538 = arith.constant 8 : i32
      %add3A_539 = vector.broadcast %add3A_538 : i32 to vector<16xi32>
      %add3A_540 = arith.addi %mul3A_503, %add3A_539 : vector<16xi32>
      tpu.vector_store_idx %arg27[%add3A_540], %scan3A_510#9 : memref<640xf32, #tpu.memory_space<vmem>>[vector<16xi32>], vector<16xf32>,
      %add3A_541 = arith.constant 9 : i32
      %add3A_542 = vector.broadcast %add3A_541 : i32 to vector<16xi32>
      %add3A_543 = arith.addi %mul3A_503, %add3A_542 : vector<16xi32>
      tpu.vector_store_idx %arg27[%add3A_543], %scan3A_510#10 : memref<640xf32, #tpu.memory_space<vmem>>[vector<16xi32>], vector<16xf32>,
      %add3A_544 = arith.constant 10 : i32
      %add3A_545 = vector.broadcast %add3A_544 : i32 to vector<16xi32>
      %add3A_546 = arith.addi %mul3A_503, %add3A_545 : vector<16xi32>
      tpu.vector_store_idx %arg27[%add3A_546], %scan3A_510#11 : memref<640xf32, #tpu.memory_space<vmem>>[vector<16xi32>], vector<16xf32>,
      %add3A_547 = arith.constant 11 : i32
      %add3A_548 = vector.broadcast %add3A_547 : i32 to vector<16xi32>
      %add3A_549 = arith.addi %mul3A_503, %add3A_548 : vector<16xi32>
      tpu.vector_store_idx %arg27[%add3A_549], %scan3A_510#12 : memref<640xf32, #tpu.memory_space<vmem>>[vector<16xi32>], vector<16xf32>,
      %add3A_550 = arith.constant 12 : i32
      %add3A_551 = vector.broadcast %add3A_550 : i32 to vector<16xi32>
      %add3A_552 = arith.addi %mul3A_503, %add3A_551 : vector<16xi32>
      tpu.vector_store_idx %arg27[%add3A_552], %scan3A_510#13 : memref<640xf32, #tpu.memory_space<vmem>>[vector<16xi32>], vector<16xf32>,
      %add3A_553 = arith.constant 13 : i32
      %add3A_554 = vector.broadcast %add3A_553 : i32 to vector<16xi32>
      %add3A_555 = arith.addi %mul3A_503, %add3A_554 : vector<16xi32>
      tpu.vector_store_idx %arg27[%add3A_555], %scan3A_510#14 : memref<640xf32, #tpu.memory_space<vmem>>[vector<16xi32>], vector<16xf32>,
      %add3A_556 = arith.constant 14 : i32
      %add3A_557 = vector.broadcast %add3A_556 : i32 to vector<16xi32>
      %add3A_558 = arith.addi %mul3A_503, %add3A_557 : vector<16xi32>
      tpu.vector_store_idx %arg27[%add3A_558], %scan3A_510#15 : memref<640xf32, #tpu.memory_space<vmem>>[vector<16xi32>], vector<16xf32>,
      %add3A_559 = arith.constant 15 : i32
      %add3A_560 = vector.broadcast %add3A_559 : i32 to vector<16xi32>
      %add3A_561 = arith.addi %mul3A_503, %add3A_560 : vector<16xi32>
      tpu.vector_store_idx %arg27[%add3A_561], %scan3A_510#16 : memref<640xf32, #tpu.memory_space<vmem>>[vector<16xi32>], vector<16xf32>,
      %add3A_562 = arith.constant 16 : i32
      %add3A_563 = vector.broadcast %add3A_562 : i32 to vector<16xi32>
      %add3A_564 = arith.addi %mul3A_503, %add3A_563 : vector<16xi32>
      tpu.vector_store_idx %arg27[%add3A_564], %scan3A_510#17 : memref<640xf32, #tpu.memory_space<vmem>>[vector<16xi32>], vector<16xf32>,
      %add3A_565 = arith.constant 17 : i32
      %add3A_566 = vector.broadcast %add3A_565 : i32 to vector<16xi32>
      %add3A_567 = arith.addi %mul3A_503, %add3A_566 : vector<16xi32>
      tpu.vector_store_idx %arg27[%add3A_567], %scan3A_510#18 : memref<640xf32, #tpu.memory_space<vmem>>[vector<16xi32>], vector<16xf32>,
      %add3A_568 = arith.constant 18 : i32
      %add3A_569 = vector.broadcast %add3A_568 : i32 to vector<16xi32>
      %add3A_570 = arith.addi %mul3A_503, %add3A_569 : vector<16xi32>
      tpu.vector_store_idx %arg27[%add3A_570], %scan3A_510#19 : memref<640xf32, #tpu.memory_space<vmem>>[vector<16xi32>], vector<16xf32>,
      %add3A_571 = arith.constant 19 : i32
      %add3A_572 = vector.broadcast %add3A_571 : i32 to vector<16xi32>
      %add3A_573 = arith.addi %mul3A_503, %add3A_572 : vector<16xi32>
      tpu.vector_store_idx %arg27[%add3A_573], %scan3A_510#20 : memref<640xf32, #tpu.memory_space<vmem>>[vector<16xi32>], vector<16xf32>,
      %mul3A_574 = arith.constant 32 : i32
      %mul3A_575 = arith.muli %add3A_102, %mul3A_574 : i32
      %add3A_576 = arith.addi %mul3A_2, %mul3A_575 : i32
      %mul3A_577 = arith.constant 20 : i32
      %mul3A_578 = arith.muli %add3A_576, %mul3A_577 : i32
      %dma_start3A_579 = tpu.memref_slice %arg7[%add3A_576] : memref<16384xf32, #tpu.memory_space<hbm>> -> memref<32xf32, #tpu.memory_space<hbm>>
      %dma_start3A_580 = tpu.memref_slice %arg7[%add3A_576] : memref<16384xf32, #tpu.memory_space<hbm>> -> memref<32xf32, #tpu.memory_space<hbm>>
      tpu.enqueue_dma source(%arg26 : memref<32xf32, #tpu.memory_space<vmem>>) target(%dma_start3A_580 : memref<32xf32, #tpu.memory_space<hbm>>) target_semaphore(%arg30 : memref<!tpu.dma_semaphore, #tpu.memory_space<semaphore_mem>>)
      %dma_start3A_581 = tpu.memref_slice %arg8[%mul3A_578] : memref<327680xf32, #tpu.memory_space<hbm>> -> memref<640xf32, #tpu.memory_space<hbm>>
      %dma_start3A_582 = tpu.memref_slice %arg8[%mul3A_578] : memref<327680xf32, #tpu.memory_space<hbm>> -> memref<640xf32, #tpu.memory_space<hbm>>
      tpu.enqueue_dma source(%arg27 : memref<640xf32, #tpu.memory_space<vmem>>) target(%dma_start3A_582 : memref<640xf32, #tpu.memory_space<hbm>>) target_semaphore(%arg30 : memref<!tpu.dma_semaphore, #tpu.memory_space<semaphore_mem>>)
      %lt3A_583 = arith.constant 7 : i32
      %lt3A_584 = arith.cmpi slt, %scan3A_98, %lt3A_583 : i32
      %convert_element_type3A_585 = arith.extui %lt3A_584 : i1 to i32
      %cond3A_586 = arith.constant 0 : i32
      %cond3A_587 = arith.cmpi ne, %convert_element_type3A_585, %cond3A_586 : i32
      scf.if %cond3A_587 {
        %add3A_588 = arith.constant 2 : i32
        %add3A_589 = arith.addi %add3A_102, %add3A_588 : i32
        %mul3A_590 = arith.constant 32 : i32
        %mul3A_591 = arith.muli %add3A_589, %mul3A_590 : i32
        %add3A_592 = arith.addi %mul3A_2, %mul3A_591 : i32
        %mul3A_593 = arith.constant 20 : i32
        %mul3A_594 = arith.muli %add3A_592, %mul3A_593 : i32
        %dma_start3A_595 = tpu.memref_slice %arg2[%add3A_592] : memref<16384xi32, #tpu.memory_space<hbm>> -> memref<32xi32, #tpu.memory_space<hbm>>
        %dma_start3A_596 = tpu.memref_slice %arg2[%add3A_592] : memref<16384xi32, #tpu.memory_space<hbm>> -> memref<32xi32, #tpu.memory_space<hbm>>
        tpu.enqueue_dma source(%dma_start3A_596 : memref<32xi32, #tpu.memory_space<hbm>>) target(%arg20 : memref<32xi32, #tpu.memory_space<vmem>>) target_semaphore(%arg28 : memref<!tpu.dma_semaphore, #tpu.memory_space<semaphore_mem>>)
        %dma_start3A_597 = tpu.memref_slice %arg3[%add3A_592] : memref<16384xi32, #tpu.memory_space<hbm>> -> memref<32xi32, #tpu.memory_space<hbm>>
        %dma_start3A_598 = tpu.memref_slice %arg3[%add3A_592] : memref<16384xi32, #tpu.memory_space<hbm>> -> memref<32xi32, #tpu.memory_space<hbm>>
        tpu.enqueue_dma source(%dma_start3A_598 : memref<32xi32, #tpu.memory_space<hbm>>) target(%arg21 : memref<32xi32, #tpu.memory_space<vmem>>) target_semaphore(%arg28 : memref<!tpu.dma_semaphore, #tpu.memory_space<semaphore_mem>>)
        %dma_start3A_599 = tpu.memref_slice %arg4[%mul3A_594] : memref<327680xi32, #tpu.memory_space<hbm>> -> memref<640xi32, #tpu.memory_space<hbm>>
        %dma_start3A_600 = tpu.memref_slice %arg4[%mul3A_594] : memref<327680xi32, #tpu.memory_space<hbm>> -> memref<640xi32, #tpu.memory_space<hbm>>
        tpu.enqueue_dma source(%dma_start3A_600 : memref<640xi32, #tpu.memory_space<hbm>>) target(%arg22 : memref<640xi32, #tpu.memory_space<vmem>>) target_semaphore(%arg28 : memref<!tpu.dma_semaphore, #tpu.memory_space<semaphore_mem>>)
      } else {
      }
    }
    %scan3A_81 = arith.constant 8 : i32
    %add3A_82 = arith.constant 448 : i32
    %add3A_83 = arith.addi %mul3A_2, %add3A_82 : i32
    %mul3A_84 = arith.constant 20 : i32
    %mul3A_85 = arith.muli %add3A_83, %mul3A_84 : i32
    %dma_wait3A_86 = tpu.memref_slice %arg7[%add3A_83] : memref<16384xf32, #tpu.memory_space<hbm>> -> memref<32xf32, #tpu.memory_space<hbm>>
    %dma_wait3A_87 = tpu.memref_slice %arg7[%add3A_83] : memref<16384xf32, #tpu.memory_space<hbm>> -> memref<32xf32, #tpu.memory_space<hbm>>
    tpu.wait_dma2 semaphore(%arg19 : memref<!tpu.dma_semaphore, #tpu.memory_space<semaphore_mem>>) src(%arg15 : memref<32xf32, #tpu.memory_space<vmem>>) dst(%dma_wait3A_87 : memref<32xf32, #tpu.memory_space<hbm>>)
    %dma_wait3A_88 = tpu.memref_slice %arg8[%mul3A_85] : memref<327680xf32, #tpu.memory_space<hbm>> -> memref<640xf32, #tpu.memory_space<hbm>>
    %dma_wait3A_89 = tpu.memref_slice %arg8[%mul3A_85] : memref<327680xf32, #tpu.memory_space<hbm>> -> memref<640xf32, #tpu.memory_space<hbm>>
    tpu.wait_dma2 semaphore(%arg19 : memref<!tpu.dma_semaphore, #tpu.memory_space<semaphore_mem>>) src(%arg16 : memref<640xf32, #tpu.memory_space<vmem>>) dst(%dma_wait3A_89 : memref<640xf32, #tpu.memory_space<hbm>>)
    %add3A_90 = arith.constant 480 : i32
    %add3A_91 = arith.addi %mul3A_2, %add3A_90 : i32
    %mul3A_92 = arith.constant 20 : i32
    %mul3A_93 = arith.muli %add3A_91, %mul3A_92 : i32
    %dma_wait3A_94 = tpu.memref_slice %arg7[%add3A_91] : memref<16384xf32, #tpu.memory_space<hbm>> -> memref<32xf32, #tpu.memory_space<hbm>>
    %dma_wait3A_95 = tpu.memref_slice %arg7[%add3A_91] : memref<16384xf32, #tpu.memory_space<hbm>> -> memref<32xf32, #tpu.memory_space<hbm>>
    tpu.wait_dma2 semaphore(%arg30 : memref<!tpu.dma_semaphore, #tpu.memory_space<semaphore_mem>>) src(%arg26 : memref<32xf32, #tpu.memory_space<vmem>>) dst(%dma_wait3A_95 : memref<32xf32, #tpu.memory_space<hbm>>)
    %dma_wait3A_96 = tpu.memref_slice %arg8[%mul3A_93] : memref<327680xf32, #tpu.memory_space<hbm>> -> memref<640xf32, #tpu.memory_space<hbm>>
    %dma_wait3A_97 = tpu.memref_slice %arg8[%mul3A_93] : memref<327680xf32, #tpu.memory_space<hbm>> -> memref<640xf32, #tpu.memory_space<hbm>>
    tpu.wait_dma2 semaphore(%arg30 : memref<!tpu.dma_semaphore, #tpu.memory_space<semaphore_mem>>) src(%arg27 : memref<640xf32, #tpu.memory_space<vmem>>) dst(%dma_wait3A_97 : memref<640xf32, #tpu.memory_space<hbm>>)
    return
  }
}

#map = affine_map<(d0, d1) -> (0, 0)>
#map1 = affine_map<(d0, d1) -> (0)>
module attributes {stable_mosaic.version = 14 : i64} {
  func.func @t_kernel(%arg0: i32, %arg1: i32, %arg2: memref<64x1000000xf32, #tpu.memory_space<hbm>>, %arg3: memref<64x1000000xf32, #tpu.memory_space<hbm>>, %arg4: memref<64x256xf32, #tpu.memory_space<hbm>>, %arg5: memref<64x256xf32, #tpu.memory_space<hbm>>, %arg6: memref<64000000xf32, #tpu.memory_space<hbm>>, %arg7: memref<64000000xf32, #tpu.memory_space<hbm>>, %arg8: memref<64x256xf32, #tpu.memory_space<vmem>>, %arg9: memref<16384xf32, #tpu.memory_space<vmem>>, %arg10: memref<!tpu.dma_semaphore, #tpu.memory_space<semaphore_mem>>, %arg11: memref<!tpu.dma_semaphore, #tpu.memory_space<semaphore_mem>>, %arg12: memref<64x256xf32, #tpu.memory_space<vmem>>, %arg13: memref<16384xf32, #tpu.memory_space<vmem>>, %arg14: memref<!tpu.dma_semaphore, #tpu.memory_space<semaphore_mem>>, %arg15: memref<!tpu.dma_semaphore, #tpu.memory_space<semaphore_mem>>) attributes {dimension_semantics = [#tpu.dimension_semantics<core_parallel>, #tpu.dimension_semantics<subcore_parallel>], iteration_bounds = array<i64: 2, 16>, scalar_prefetch = 0 : i64, scratch_operands = 8 : i64, tpu.core_type = #tpu.core_type<sc_vector_subcore>, window_params = [{transform_indices = #map}, {transform_indices = #map}, {transform_indices = #map}, {transform_indices = #map}, {transform_indices = #map1}, {transform_indices = #map1}]} {
    %mul3A = arith.constant 2 : i32
    %mul3A_0 = arith.muli %arg1, %mul3A : i32
    %add3A = arith.addi %mul3A_0, %arg0 : i32
    %iota3A = tpu.iota {dimensions = array<i32: 0>} : vector<16xi32>
    %add3A_1 = arith.constant 0 : i32
    %add3A_2 = vector.broadcast %add3A_1 : i32 to vector<16xi32>
    %add3A_3 = arith.addi %add3A_2, %iota3A : vector<16xi32>
    %mul3A_4 = arith.constant 64 : i32
    %mul3A_5 = vector.broadcast %mul3A_4 : i32 to vector<16xi32>
    %mul3A_6 = arith.muli %add3A_3, %mul3A_5 : vector<16xi32>
    %add3A_7 = arith.constant 16 : i32
    %add3A_8 = vector.broadcast %add3A_7 : i32 to vector<16xi32>
    %add3A_9 = arith.addi %add3A_8, %iota3A : vector<16xi32>
    %mul3A_10 = arith.constant 64 : i32
    %mul3A_11 = vector.broadcast %mul3A_10 : i32 to vector<16xi32>
    %mul3A_12 = arith.muli %add3A_9, %mul3A_11 : vector<16xi32>
    %add3A_13 = arith.constant 32 : i32
    %add3A_14 = vector.broadcast %add3A_13 : i32 to vector<16xi32>
    %add3A_15 = arith.addi %add3A_14, %iota3A : vector<16xi32>
    %mul3A_16 = arith.constant 64 : i32
    %mul3A_17 = vector.broadcast %mul3A_16 : i32 to vector<16xi32>
    %mul3A_18 = arith.muli %add3A_15, %mul3A_17 : vector<16xi32>
    %add3A_19 = arith.constant 48 : i32
    %add3A_20 = vector.broadcast %add3A_19 : i32 to vector<16xi32>
    %add3A_21 = arith.addi %add3A_20, %iota3A : vector<16xi32>
    %mul3A_22 = arith.constant 64 : i32
    %mul3A_23 = vector.broadcast %mul3A_22 : i32 to vector<16xi32>
    %mul3A_24 = arith.muli %add3A_21, %mul3A_23 : vector<16xi32>
    %add3A_25 = arith.constant 64 : i32
    %add3A_26 = vector.broadcast %add3A_25 : i32 to vector<16xi32>
    %add3A_27 = arith.addi %add3A_26, %iota3A : vector<16xi32>
    %mul3A_28 = arith.constant 64 : i32
    %mul3A_29 = vector.broadcast %mul3A_28 : i32 to vector<16xi32>
    %mul3A_30 = arith.muli %add3A_27, %mul3A_29 : vector<16xi32>
    %add3A_31 = arith.constant 80 : i32
    %add3A_32 = vector.broadcast %add3A_31 : i32 to vector<16xi32>
    %add3A_33 = arith.addi %add3A_32, %iota3A : vector<16xi32>
    %mul3A_34 = arith.constant 64 : i32
    %mul3A_35 = vector.broadcast %mul3A_34 : i32 to vector<16xi32>
    %mul3A_36 = arith.muli %add3A_33, %mul3A_35 : vector<16xi32>
    %add3A_37 = arith.constant 96 : i32
    %add3A_38 = vector.broadcast %add3A_37 : i32 to vector<16xi32>
    %add3A_39 = arith.addi %add3A_38, %iota3A : vector<16xi32>
    %mul3A_40 = arith.constant 64 : i32
    %mul3A_41 = vector.broadcast %mul3A_40 : i32 to vector<16xi32>
    %mul3A_42 = arith.muli %add3A_39, %mul3A_41 : vector<16xi32>
    %add3A_43 = arith.constant 112 : i32
    %add3A_44 = vector.broadcast %add3A_43 : i32 to vector<16xi32>
    %add3A_45 = arith.addi %add3A_44, %iota3A : vector<16xi32>
    %mul3A_46 = arith.constant 64 : i32
    %mul3A_47 = vector.broadcast %mul3A_46 : i32 to vector<16xi32>
    %mul3A_48 = arith.muli %add3A_45, %mul3A_47 : vector<16xi32>
    %add3A_49 = arith.constant 128 : i32
    %add3A_50 = vector.broadcast %add3A_49 : i32 to vector<16xi32>
    %add3A_51 = arith.addi %add3A_50, %iota3A : vector<16xi32>
    %mul3A_52 = arith.constant 64 : i32
    %mul3A_53 = vector.broadcast %mul3A_52 : i32 to vector<16xi32>
    %mul3A_54 = arith.muli %add3A_51, %mul3A_53 : vector<16xi32>
    %add3A_55 = arith.constant 144 : i32
    %add3A_56 = vector.broadcast %add3A_55 : i32 to vector<16xi32>
    %add3A_57 = arith.addi %add3A_56, %iota3A : vector<16xi32>
    %mul3A_58 = arith.constant 64 : i32
    %mul3A_59 = vector.broadcast %mul3A_58 : i32 to vector<16xi32>
    %mul3A_60 = arith.muli %add3A_57, %mul3A_59 : vector<16xi32>
    %add3A_61 = arith.constant 160 : i32
    %add3A_62 = vector.broadcast %add3A_61 : i32 to vector<16xi32>
    %add3A_63 = arith.addi %add3A_62, %iota3A : vector<16xi32>
    %mul3A_64 = arith.constant 64 : i32
    %mul3A_65 = vector.broadcast %mul3A_64 : i32 to vector<16xi32>
    %mul3A_66 = arith.muli %add3A_63, %mul3A_65 : vector<16xi32>
    %add3A_67 = arith.constant 176 : i32
    %add3A_68 = vector.broadcast %add3A_67 : i32 to vector<16xi32>
    %add3A_69 = arith.addi %add3A_68, %iota3A : vector<16xi32>
    %mul3A_70 = arith.constant 64 : i32
    %mul3A_71 = vector.broadcast %mul3A_70 : i32 to vector<16xi32>
    %mul3A_72 = arith.muli %add3A_69, %mul3A_71 : vector<16xi32>
    %add3A_73 = arith.constant 192 : i32
    %add3A_74 = vector.broadcast %add3A_73 : i32 to vector<16xi32>
    %add3A_75 = arith.addi %add3A_74, %iota3A : vector<16xi32>
    %mul3A_76 = arith.constant 64 : i32
    %mul3A_77 = vector.broadcast %mul3A_76 : i32 to vector<16xi32>
    %mul3A_78 = arith.muli %add3A_75, %mul3A_77 : vector<16xi32>
    %add3A_79 = arith.constant 208 : i32
    %add3A_80 = vector.broadcast %add3A_79 : i32 to vector<16xi32>
    %add3A_81 = arith.addi %add3A_80, %iota3A : vector<16xi32>
    %mul3A_82 = arith.constant 64 : i32
    %mul3A_83 = vector.broadcast %mul3A_82 : i32 to vector<16xi32>
    %mul3A_84 = arith.muli %add3A_81, %mul3A_83 : vector<16xi32>
    %add3A_85 = arith.constant 224 : i32
    %add3A_86 = vector.broadcast %add3A_85 : i32 to vector<16xi32>
    %add3A_87 = arith.addi %add3A_86, %iota3A : vector<16xi32>
    %mul3A_88 = arith.constant 64 : i32
    %mul3A_89 = vector.broadcast %mul3A_88 : i32 to vector<16xi32>
    %mul3A_90 = arith.muli %add3A_87, %mul3A_89 : vector<16xi32>
    %add3A_91 = arith.constant 240 : i32
    %add3A_92 = vector.broadcast %add3A_91 : i32 to vector<16xi32>
    %add3A_93 = arith.addi %add3A_92, %iota3A : vector<16xi32>
    %mul3A_94 = arith.constant 64 : i32
    %mul3A_95 = vector.broadcast %mul3A_94 : i32 to vector<16xi32>
    %mul3A_96 = arith.muli %add3A_93, %mul3A_95 : vector<16xi32>
    %mul3A_97 = arith.constant 123 : i32
    %mul3A_98 = arith.muli %add3A, %mul3A_97 : i32
    %add3A_99 = arith.constant 0 : i32
    %add3A_100 = arith.addi %mul3A_98, %add3A_99 : i32
    %min3A = arith.constant 3905 : i32
    %min3A_101 = arith.minsi %add3A_100, %min3A : i32
    %mul3A_102 = arith.constant 256 : i32
    %mul3A_103 = arith.muli %min3A_101, %mul3A_102 : i32
    %dma_start3A = arith.constant 0 : i32
    %dma_start3A_104 = tpu.memref_slice %arg2[%dma_start3A, %mul3A_103] : memref<64x1000000xf32, #tpu.memory_space<hbm>> -> memref<64x256xf32, #tpu.memory_space<hbm>>
    %dma_start3A_105 = arith.constant 0 : i32
    %dma_start3A_106 = tpu.memref_slice %arg2[%dma_start3A_105, %mul3A_103] : memref<64x1000000xf32, #tpu.memory_space<hbm>> -> memref<64x256xf32, #tpu.memory_space<hbm>>
    tpu.enqueue_dma source(%dma_start3A_106 : memref<64x256xf32, #tpu.memory_space<hbm>>) target(%arg8 : memref<64x256xf32, #tpu.memory_space<vmem>>) target_semaphore(%arg10 : memref<!tpu.dma_semaphore, #tpu.memory_space<semaphore_mem>>)
    %mul3A_107 = arith.constant 123 : i32
    %mul3A_108 = arith.muli %add3A, %mul3A_107 : i32
    %add3A_109 = arith.constant 1 : i32
    %add3A_110 = arith.addi %mul3A_108, %add3A_109 : i32
    %min3A_111 = arith.constant 3905 : i32
    %min3A_112 = arith.minsi %add3A_110, %min3A_111 : i32
    %mul3A_113 = arith.constant 256 : i32
    %mul3A_114 = arith.muli %min3A_112, %mul3A_113 : i32
    %dma_start3A_115 = arith.constant 0 : i32
    %dma_start3A_116 = tpu.memref_slice %arg2[%dma_start3A_115, %mul3A_114] : memref<64x1000000xf32, #tpu.memory_space<hbm>> -> memref<64x256xf32, #tpu.memory_space<hbm>>
    %dma_start3A_117 = arith.constant 0 : i32
    %dma_start3A_118 = tpu.memref_slice %arg2[%dma_start3A_117, %mul3A_114] : memref<64x1000000xf32, #tpu.memory_space<hbm>> -> memref<64x256xf32, #tpu.memory_space<hbm>>
    tpu.enqueue_dma source(%dma_start3A_118 : memref<64x256xf32, #tpu.memory_space<hbm>>) target(%arg12 : memref<64x256xf32, #tpu.memory_space<vmem>>) target_semaphore(%arg14 : memref<!tpu.dma_semaphore, #tpu.memory_space<semaphore_mem>>)
    %scan3A = arith.constant 0 : i32
    %scan3A_119 = arith.constant 0 : i32
    %scan3A_120 = arith.constant 62 : i32
    %scan3A_121 = arith.addi %scan3A_119, %scan3A_120 : i32
    %scan3A_122 = arith.constant 1 : i32
    scf.for %scan3A_208 = %scan3A_119 to %scan3A_121 step %scan3A_122  : i32 {
      %mul3A_209 = arith.constant 2 : i32
      %mul3A_210 = arith.muli %mul3A_209, %scan3A_208 : i32
      %add3A_211 = arith.constant 0 : i32
      %add3A_212 = arith.addi %mul3A_210, %add3A_211 : i32
      %lt3A = arith.constant 123 : i32
      %lt3A_213 = arith.cmpi slt, %add3A_212, %lt3A : i32
      %convert_element_type3A_214 = arith.extui %lt3A_213 : i1 to i32
      %cond3A_215 = arith.constant 0 : i32
      %cond3A_216 = arith.cmpi ne, %convert_element_type3A_214, %cond3A_215 : i32
      scf.if %cond3A_216 {
        %mul3A_224 = arith.constant 123 : i32
        %mul3A_225 = arith.muli %add3A, %mul3A_224 : i32
        %add3A_226 = arith.addi %mul3A_225, %add3A_212 : i32
        %min3A_227 = arith.constant 3905 : i32
        %min3A_228 = arith.minsi %add3A_226, %min3A_227 : i32
        %mul3A_229 = arith.constant 256 : i32
        %mul3A_230 = arith.muli %min3A_228, %mul3A_229 : i32
        %dma_wait3A_231 = arith.constant 0 : i32
        %dma_wait3A_232 = tpu.memref_slice %arg2[%dma_wait3A_231, %mul3A_230] : memref<64x1000000xf32, #tpu.memory_space<hbm>> -> memref<64x256xf32, #tpu.memory_space<hbm>>
        %dma_wait3A_233 = arith.constant 0 : i32
        %dma_wait3A_234 = tpu.memref_slice %arg2[%dma_wait3A_233, %mul3A_230] : memref<64x1000000xf32, #tpu.memory_space<hbm>> -> memref<64x256xf32, #tpu.memory_space<hbm>>
        tpu.wait_dma2 semaphore(%arg10 : memref<!tpu.dma_semaphore, #tpu.memory_space<semaphore_mem>>) src(%dma_wait3A_234 : memref<64x256xf32, #tpu.memory_space<hbm>>) dst(%arg8 : memref<64x256xf32, #tpu.memory_space<vmem>>)
        %gt3A = arith.constant 0 : i32
        %gt3A_235 = arith.cmpi sgt, %scan3A_208, %gt3A : i32
        %convert_element_type3A_236 = arith.extui %gt3A_235 : i1 to i32
        %cond3A_237 = arith.constant 0 : i32
        %cond3A_238 = arith.cmpi ne, %convert_element_type3A_236, %cond3A_237 : i32
        scf.if %cond3A_238 {
          %sub3A = arith.constant 2 : i32
          %sub3A_263 = arith.subi %add3A_212, %sub3A : i32
          %mul3A_264 = arith.constant 123 : i32
          %mul3A_265 = arith.muli %add3A, %mul3A_264 : i32
          %add3A_266 = arith.addi %mul3A_265, %sub3A_263 : i32
          %min3A_267 = arith.constant 3905 : i32
          %min3A_268 = arith.minsi %add3A_266, %min3A_267 : i32
          %mul3A_269 = arith.constant 256 : i32
          %mul3A_270 = arith.muli %min3A_268, %mul3A_269 : i32
          %mul3A_271 = arith.constant 64 : i32
          %mul3A_272 = arith.muli %mul3A_270, %mul3A_271 : i32
          %dma_wait3A_273 = tpu.memref_slice %arg6[%mul3A_272] : memref<64000000xf32, #tpu.memory_space<hbm>> -> memref<16384xf32, #tpu.memory_space<hbm>>
          %dma_wait3A_274 = tpu.memref_slice %arg6[%mul3A_272] : memref<64000000xf32, #tpu.memory_space<hbm>> -> memref<16384xf32, #tpu.memory_space<hbm>>
          tpu.wait_dma2 semaphore(%arg11 : memref<!tpu.dma_semaphore, #tpu.memory_space<semaphore_mem>>) src(%arg9 : memref<16384xf32, #tpu.memory_space<vmem>>) dst(%dma_wait3A_274 : memref<16384xf32, #tpu.memory_space<hbm>>)
        } else {
        }
        %scan3A_239 = arith.constant 0 : i32
        %scan3A_240 = arith.constant 0 : i32
        %scan3A_241 = arith.constant 64 : i32
        %scan3A_242 = arith.addi %scan3A_240, %scan3A_241 : i32
        %scan3A_243 = arith.constant 2 : i32
        scf.for %scan3A_263 = %scan3A_240 to %scan3A_242 step %scan3A_243  : i32 {
          %get3A = arith.index_cast %scan3A_263 : i32 to index
          %get3A_264 = arith.constant 0 : index
          %get3A_265 = tpu.vector_load %arg8[%get3A, %get3A_264] {strides = array<i32>} : memref<64x256xf32, #tpu.memory_space<vmem>>, vector<16xf32>,
          %add3A_266 = vector.broadcast %scan3A_263 : i32 to vector<16xi32>
          %add3A_267 = arith.addi %mul3A_6, %add3A_266 : vector<16xi32>
          tpu.vector_store_idx %arg9[%add3A_267], %get3A_265 : memref<16384xf32, #tpu.memory_space<vmem>>[vector<16xi32>], vector<16xf32>,
          %get3A_268 = arith.index_cast %scan3A_263 : i32 to index
          %get3A_269 = arith.constant 16 : index
          %get3A_270 = tpu.vector_load %arg8[%get3A_268, %get3A_269] {strides = array<i32>} : memref<64x256xf32, #tpu.memory_space<vmem>>, vector<16xf32>,
          %add3A_271 = vector.broadcast %scan3A_263 : i32 to vector<16xi32>
          %add3A_272 = arith.addi %mul3A_12, %add3A_271 : vector<16xi32>
          tpu.vector_store_idx %arg9[%add3A_272], %get3A_270 : memref<16384xf32, #tpu.memory_space<vmem>>[vector<16xi32>], vector<16xf32>,
          %get3A_273 = arith.index_cast %scan3A_263 : i32 to index
          %get3A_274 = arith.constant 32 : index
          %get3A_275 = tpu.vector_load %arg8[%get3A_273, %get3A_274] {strides = array<i32>} : memref<64x256xf32, #tpu.memory_space<vmem>>, vector<16xf32>,
          %add3A_276 = vector.broadcast %scan3A_263 : i32 to vector<16xi32>
          %add3A_277 = arith.addi %mul3A_18, %add3A_276 : vector<16xi32>
          tpu.vector_store_idx %arg9[%add3A_277], %get3A_275 : memref<16384xf32, #tpu.memory_space<vmem>>[vector<16xi32>], vector<16xf32>,
          %get3A_278 = arith.index_cast %scan3A_263 : i32 to index
          %get3A_279 = arith.constant 48 : index
          %get3A_280 = tpu.vector_load %arg8[%get3A_278, %get3A_279] {strides = array<i32>} : memref<64x256xf32, #tpu.memory_space<vmem>>, vector<16xf32>,
          %add3A_281 = vector.broadcast %scan3A_263 : i32 to vector<16xi32>
          %add3A_282 = arith.addi %mul3A_24, %add3A_281 : vector<16xi32>
          tpu.vector_store_idx %arg9[%add3A_282], %get3A_280 : memref<16384xf32, #tpu.memory_space<vmem>>[vector<16xi32>], vector<16xf32>,
          %get3A_283 = arith.index_cast %scan3A_263 : i32 to index
          %get3A_284 = arith.constant 64 : index
          %get3A_285 = tpu.vector_load %arg8[%get3A_283, %get3A_284] {strides = array<i32>} : memref<64x256xf32, #tpu.memory_space<vmem>>, vector<16xf32>,
          %add3A_286 = vector.broadcast %scan3A_263 : i32 to vector<16xi32>
          %add3A_287 = arith.addi %mul3A_30, %add3A_286 : vector<16xi32>
          tpu.vector_store_idx %arg9[%add3A_287], %get3A_285 : memref<16384xf32, #tpu.memory_space<vmem>>[vector<16xi32>], vector<16xf32>,
          %get3A_288 = arith.index_cast %scan3A_263 : i32 to index
          %get3A_289 = arith.constant 80 : index
          %get3A_290 = tpu.vector_load %arg8[%get3A_288, %get3A_289] {strides = array<i32>} : memref<64x256xf32, #tpu.memory_space<vmem>>, vector<16xf32>,
          %add3A_291 = vector.broadcast %scan3A_263 : i32 to vector<16xi32>
          %add3A_292 = arith.addi %mul3A_36, %add3A_291 : vector<16xi32>
          tpu.vector_store_idx %arg9[%add3A_292], %get3A_290 : memref<16384xf32, #tpu.memory_space<vmem>>[vector<16xi32>], vector<16xf32>,
          %get3A_293 = arith.index_cast %scan3A_263 : i32 to index
          %get3A_294 = arith.constant 96 : index
          %get3A_295 = tpu.vector_load %arg8[%get3A_293, %get3A_294] {strides = array<i32>} : memref<64x256xf32, #tpu.memory_space<vmem>>, vector<16xf32>,
          %add3A_296 = vector.broadcast %scan3A_263 : i32 to vector<16xi32>
          %add3A_297 = arith.addi %mul3A_42, %add3A_296 : vector<16xi32>
          tpu.vector_store_idx %arg9[%add3A_297], %get3A_295 : memref<16384xf32, #tpu.memory_space<vmem>>[vector<16xi32>], vector<16xf32>,
          %get3A_298 = arith.index_cast %scan3A_263 : i32 to index
          %get3A_299 = arith.constant 112 : index
          %get3A_300 = tpu.vector_load %arg8[%get3A_298, %get3A_299] {strides = array<i32>} : memref<64x256xf32, #tpu.memory_space<vmem>>, vector<16xf32>,
          %add3A_301 = vector.broadcast %scan3A_263 : i32 to vector<16xi32>
          %add3A_302 = arith.addi %mul3A_48, %add3A_301 : vector<16xi32>
          tpu.vector_store_idx %arg9[%add3A_302], %get3A_300 : memref<16384xf32, #tpu.memory_space<vmem>>[vector<16xi32>], vector<16xf32>,
          %get3A_303 = arith.index_cast %scan3A_263 : i32 to index
          %get3A_304 = arith.constant 128 : index
          %get3A_305 = tpu.vector_load %arg8[%get3A_303, %get3A_304] {strides = array<i32>} : memref<64x256xf32, #tpu.memory_space<vmem>>, vector<16xf32>,
          %add3A_306 = vector.broadcast %scan3A_263 : i32 to vector<16xi32>
          %add3A_307 = arith.addi %mul3A_54, %add3A_306 : vector<16xi32>
          tpu.vector_store_idx %arg9[%add3A_307], %get3A_305 : memref<16384xf32, #tpu.memory_space<vmem>>[vector<16xi32>], vector<16xf32>,
          %get3A_308 = arith.index_cast %scan3A_263 : i32 to index
          %get3A_309 = arith.constant 144 : index
          %get3A_310 = tpu.vector_load %arg8[%get3A_308, %get3A_309] {strides = array<i32>} : memref<64x256xf32, #tpu.memory_space<vmem>>, vector<16xf32>,
          %add3A_311 = vector.broadcast %scan3A_263 : i32 to vector<16xi32>
          %add3A_312 = arith.addi %mul3A_60, %add3A_311 : vector<16xi32>
          tpu.vector_store_idx %arg9[%add3A_312], %get3A_310 : memref<16384xf32, #tpu.memory_space<vmem>>[vector<16xi32>], vector<16xf32>,
          %get3A_313 = arith.index_cast %scan3A_263 : i32 to index
          %get3A_314 = arith.constant 160 : index
          %get3A_315 = tpu.vector_load %arg8[%get3A_313, %get3A_314] {strides = array<i32>} : memref<64x256xf32, #tpu.memory_space<vmem>>, vector<16xf32>,
          %add3A_316 = vector.broadcast %scan3A_263 : i32 to vector<16xi32>
          %add3A_317 = arith.addi %mul3A_66, %add3A_316 : vector<16xi32>
          tpu.vector_store_idx %arg9[%add3A_317], %get3A_315 : memref<16384xf32, #tpu.memory_space<vmem>>[vector<16xi32>], vector<16xf32>,
          %get3A_318 = arith.index_cast %scan3A_263 : i32 to index
          %get3A_319 = arith.constant 176 : index
          %get3A_320 = tpu.vector_load %arg8[%get3A_318, %get3A_319] {strides = array<i32>} : memref<64x256xf32, #tpu.memory_space<vmem>>, vector<16xf32>,
          %add3A_321 = vector.broadcast %scan3A_263 : i32 to vector<16xi32>
          %add3A_322 = arith.addi %mul3A_72, %add3A_321 : vector<16xi32>
          tpu.vector_store_idx %arg9[%add3A_322], %get3A_320 : memref<16384xf32, #tpu.memory_space<vmem>>[vector<16xi32>], vector<16xf32>,
          %get3A_323 = arith.index_cast %scan3A_263 : i32 to index
          %get3A_324 = arith.constant 192 : index
          %get3A_325 = tpu.vector_load %arg8[%get3A_323, %get3A_324] {strides = array<i32>} : memref<64x256xf32, #tpu.memory_space<vmem>>, vector<16xf32>,
          %add3A_326 = vector.broadcast %scan3A_263 : i32 to vector<16xi32>
          %add3A_327 = arith.addi %mul3A_78, %add3A_326 : vector<16xi32>
          tpu.vector_store_idx %arg9[%add3A_327], %get3A_325 : memref<16384xf32, #tpu.memory_space<vmem>>[vector<16xi32>], vector<16xf32>,
          %get3A_328 = arith.index_cast %scan3A_263 : i32 to index
          %get3A_329 = arith.constant 208 : index
          %get3A_330 = tpu.vector_load %arg8[%get3A_328, %get3A_329] {strides = array<i32>} : memref<64x256xf32, #tpu.memory_space<vmem>>, vector<16xf32>,
          %add3A_331 = vector.broadcast %scan3A_263 : i32 to vector<16xi32>
          %add3A_332 = arith.addi %mul3A_84, %add3A_331 : vector<16xi32>
          tpu.vector_store_idx %arg9[%add3A_332], %get3A_330 : memref<16384xf32, #tpu.memory_space<vmem>>[vector<16xi32>], vector<16xf32>,
          %get3A_333 = arith.index_cast %scan3A_263 : i32 to index
          %get3A_334 = arith.constant 224 : index
          %get3A_335 = tpu.vector_load %arg8[%get3A_333, %get3A_334] {strides = array<i32>} : memref<64x256xf32, #tpu.memory_space<vmem>>, vector<16xf32>,
          %add3A_336 = vector.broadcast %scan3A_263 : i32 to vector<16xi32>
          %add3A_337 = arith.addi %mul3A_90, %add3A_336 : vector<16xi32>
          tpu.vector_store_idx %arg9[%add3A_337], %get3A_335 : memref<16384xf32, #tpu.memory_space<vmem>>[vector<16xi32>], vector<16xf32>,
          %get3A_338 = arith.index_cast %scan3A_263 : i32 to index
          %get3A_339 = arith.constant 240 : index
          %get3A_340 = tpu.vector_load %arg8[%get3A_338, %get3A_339] {strides = array<i32>} : memref<64x256xf32, #tpu.memory_space<vmem>>, vector<16xf32>,
          %add3A_341 = vector.broadcast %scan3A_263 : i32 to vector<16xi32>
          %add3A_342 = arith.addi %mul3A_96, %add3A_341 : vector<16xi32>
          tpu.vector_store_idx %arg9[%add3A_342], %get3A_340 : memref<16384xf32, #tpu.memory_space<vmem>>[vector<16xi32>], vector<16xf32>,
          %scan3A_343 = arith.constant 1 : i32
          %scan3A_344 = arith.addi %scan3A_263, %scan3A_343 : i32
          %get3A_345 = arith.index_cast %scan3A_344 : i32 to index
          %get3A_346 = arith.constant 0 : index
          %get3A_347 = tpu.vector_load %arg8[%get3A_345, %get3A_346] {strides = array<i32>} : memref<64x256xf32, #tpu.memory_space<vmem>>, vector<16xf32>,
          %add3A_348 = vector.broadcast %scan3A_344 : i32 to vector<16xi32>
          %add3A_349 = arith.addi %mul3A_6, %add3A_348 : vector<16xi32>
          tpu.vector_store_idx %arg9[%add3A_349], %get3A_347 : memref<16384xf32, #tpu.memory_space<vmem>>[vector<16xi32>], vector<16xf32>,
          %get3A_350 = arith.index_cast %scan3A_344 : i32 to index
          %get3A_351 = arith.constant 16 : index
          %get3A_352 = tpu.vector_load %arg8[%get3A_350, %get3A_351] {strides = array<i32>} : memref<64x256xf32, #tpu.memory_space<vmem>>, vector<16xf32>,
          %add3A_353 = vector.broadcast %scan3A_344 : i32 to vector<16xi32>
          %add3A_354 = arith.addi %mul3A_12, %add3A_353 : vector<16xi32>
          tpu.vector_store_idx %arg9[%add3A_354], %get3A_352 : memref<16384xf32, #tpu.memory_space<vmem>>[vector<16xi32>], vector<16xf32>,
          %get3A_355 = arith.index_cast %scan3A_344 : i32 to index
          %get3A_356 = arith.constant 32 : index
          %get3A_357 = tpu.vector_load %arg8[%get3A_355, %get3A_356] {strides = array<i32>} : memref<64x256xf32, #tpu.memory_space<vmem>>, vector<16xf32>,
          %add3A_358 = vector.broadcast %scan3A_344 : i32 to vector<16xi32>
          %add3A_359 = arith.addi %mul3A_18, %add3A_358 : vector<16xi32>
          tpu.vector_store_idx %arg9[%add3A_359], %get3A_357 : memref<16384xf32, #tpu.memory_space<vmem>>[vector<16xi32>], vector<16xf32>,
          %get3A_360 = arith.index_cast %scan3A_344 : i32 to index
          %get3A_361 = arith.constant 48 : index
          %get3A_362 = tpu.vector_load %arg8[%get3A_360, %get3A_361] {strides = array<i32>} : memref<64x256xf32, #tpu.memory_space<vmem>>, vector<16xf32>,
          %add3A_363 = vector.broadcast %scan3A_344 : i32 to vector<16xi32>
          %add3A_364 = arith.addi %mul3A_24, %add3A_363 : vector<16xi32>
          tpu.vector_store_idx %arg9[%add3A_364], %get3A_362 : memref<16384xf32, #tpu.memory_space<vmem>>[vector<16xi32>], vector<16xf32>,
          %get3A_365 = arith.index_cast %scan3A_344 : i32 to index
          %get3A_366 = arith.constant 64 : index
          %get3A_367 = tpu.vector_load %arg8[%get3A_365, %get3A_366] {strides = array<i32>} : memref<64x256xf32, #tpu.memory_space<vmem>>, vector<16xf32>,
          %add3A_368 = vector.broadcast %scan3A_344 : i32 to vector<16xi32>
          %add3A_369 = arith.addi %mul3A_30, %add3A_368 : vector<16xi32>
          tpu.vector_store_idx %arg9[%add3A_369], %get3A_367 : memref<16384xf32, #tpu.memory_space<vmem>>[vector<16xi32>], vector<16xf32>,
          %get3A_370 = arith.index_cast %scan3A_344 : i32 to index
          %get3A_371 = arith.constant 80 : index
          %get3A_372 = tpu.vector_load %arg8[%get3A_370, %get3A_371] {strides = array<i32>} : memref<64x256xf32, #tpu.memory_space<vmem>>, vector<16xf32>,
          %add3A_373 = vector.broadcast %scan3A_344 : i32 to vector<16xi32>
          %add3A_374 = arith.addi %mul3A_36, %add3A_373 : vector<16xi32>
          tpu.vector_store_idx %arg9[%add3A_374], %get3A_372 : memref<16384xf32, #tpu.memory_space<vmem>>[vector<16xi32>], vector<16xf32>,
          %get3A_375 = arith.index_cast %scan3A_344 : i32 to index
          %get3A_376 = arith.constant 96 : index
          %get3A_377 = tpu.vector_load %arg8[%get3A_375, %get3A_376] {strides = array<i32>} : memref<64x256xf32, #tpu.memory_space<vmem>>, vector<16xf32>,
          %add3A_378 = vector.broadcast %scan3A_344 : i32 to vector<16xi32>
          %add3A_379 = arith.addi %mul3A_42, %add3A_378 : vector<16xi32>
          tpu.vector_store_idx %arg9[%add3A_379], %get3A_377 : memref<16384xf32, #tpu.memory_space<vmem>>[vector<16xi32>], vector<16xf32>,
          %get3A_380 = arith.index_cast %scan3A_344 : i32 to index
          %get3A_381 = arith.constant 112 : index
          %get3A_382 = tpu.vector_load %arg8[%get3A_380, %get3A_381] {strides = array<i32>} : memref<64x256xf32, #tpu.memory_space<vmem>>, vector<16xf32>,
          %add3A_383 = vector.broadcast %scan3A_344 : i32 to vector<16xi32>
          %add3A_384 = arith.addi %mul3A_48, %add3A_383 : vector<16xi32>
          tpu.vector_store_idx %arg9[%add3A_384], %get3A_382 : memref<16384xf32, #tpu.memory_space<vmem>>[vector<16xi32>], vector<16xf32>,
          %get3A_385 = arith.index_cast %scan3A_344 : i32 to index
          %get3A_386 = arith.constant 128 : index
          %get3A_387 = tpu.vector_load %arg8[%get3A_385, %get3A_386] {strides = array<i32>} : memref<64x256xf32, #tpu.memory_space<vmem>>, vector<16xf32>,
          %add3A_388 = vector.broadcast %scan3A_344 : i32 to vector<16xi32>
          %add3A_389 = arith.addi %mul3A_54, %add3A_388 : vector<16xi32>
          tpu.vector_store_idx %arg9[%add3A_389], %get3A_387 : memref<16384xf32, #tpu.memory_space<vmem>>[vector<16xi32>], vector<16xf32>,
          %get3A_390 = arith.index_cast %scan3A_344 : i32 to index
          %get3A_391 = arith.constant 144 : index
          %get3A_392 = tpu.vector_load %arg8[%get3A_390, %get3A_391] {strides = array<i32>} : memref<64x256xf32, #tpu.memory_space<vmem>>, vector<16xf32>,
          %add3A_393 = vector.broadcast %scan3A_344 : i32 to vector<16xi32>
          %add3A_394 = arith.addi %mul3A_60, %add3A_393 : vector<16xi32>
          tpu.vector_store_idx %arg9[%add3A_394], %get3A_392 : memref<16384xf32, #tpu.memory_space<vmem>>[vector<16xi32>], vector<16xf32>,
          %get3A_395 = arith.index_cast %scan3A_344 : i32 to index
          %get3A_396 = arith.constant 160 : index
          %get3A_397 = tpu.vector_load %arg8[%get3A_395, %get3A_396] {strides = array<i32>} : memref<64x256xf32, #tpu.memory_space<vmem>>, vector<16xf32>,
          %add3A_398 = vector.broadcast %scan3A_344 : i32 to vector<16xi32>
          %add3A_399 = arith.addi %mul3A_66, %add3A_398 : vector<16xi32>
          tpu.vector_store_idx %arg9[%add3A_399], %get3A_397 : memref<16384xf32, #tpu.memory_space<vmem>>[vector<16xi32>], vector<16xf32>,
          %get3A_400 = arith.index_cast %scan3A_344 : i32 to index
          %get3A_401 = arith.constant 176 : index
          %get3A_402 = tpu.vector_load %arg8[%get3A_400, %get3A_401] {strides = array<i32>} : memref<64x256xf32, #tpu.memory_space<vmem>>, vector<16xf32>,
          %add3A_403 = vector.broadcast %scan3A_344 : i32 to vector<16xi32>
          %add3A_404 = arith.addi %mul3A_72, %add3A_403 : vector<16xi32>
          tpu.vector_store_idx %arg9[%add3A_404], %get3A_402 : memref<16384xf32, #tpu.memory_space<vmem>>[vector<16xi32>], vector<16xf32>,
          %get3A_405 = arith.index_cast %scan3A_344 : i32 to index
          %get3A_406 = arith.constant 192 : index
          %get3A_407 = tpu.vector_load %arg8[%get3A_405, %get3A_406] {strides = array<i32>} : memref<64x256xf32, #tpu.memory_space<vmem>>, vector<16xf32>,
          %add3A_408 = vector.broadcast %scan3A_344 : i32 to vector<16xi32>
          %add3A_409 = arith.addi %mul3A_78, %add3A_408 : vector<16xi32>
          tpu.vector_store_idx %arg9[%add3A_409], %get3A_407 : memref<16384xf32, #tpu.memory_space<vmem>>[vector<16xi32>], vector<16xf32>,
          %get3A_410 = arith.index_cast %scan3A_344 : i32 to index
          %get3A_411 = arith.constant 208 : index
          %get3A_412 = tpu.vector_load %arg8[%get3A_410, %get3A_411] {strides = array<i32>} : memref<64x256xf32, #tpu.memory_space<vmem>>, vector<16xf32>,
          %add3A_413 = vector.broadcast %scan3A_344 : i32 to vector<16xi32>
          %add3A_414 = arith.addi %mul3A_84, %add3A_413 : vector<16xi32>
          tpu.vector_store_idx %arg9[%add3A_414], %get3A_412 : memref<16384xf32, #tpu.memory_space<vmem>>[vector<16xi32>], vector<16xf32>,
          %get3A_415 = arith.index_cast %scan3A_344 : i32 to index
          %get3A_416 = arith.constant 224 : index
          %get3A_417 = tpu.vector_load %arg8[%get3A_415, %get3A_416] {strides = array<i32>} : memref<64x256xf32, #tpu.memory_space<vmem>>, vector<16xf32>,
          %add3A_418 = vector.broadcast %scan3A_344 : i32 to vector<16xi32>
          %add3A_419 = arith.addi %mul3A_90, %add3A_418 : vector<16xi32>
          tpu.vector_store_idx %arg9[%add3A_419], %get3A_417 : memref<16384xf32, #tpu.memory_space<vmem>>[vector<16xi32>], vector<16xf32>,
          %get3A_420 = arith.index_cast %scan3A_344 : i32 to index
          %get3A_421 = arith.constant 240 : index
          %get3A_422 = tpu.vector_load %arg8[%get3A_420, %get3A_421] {strides = array<i32>} : memref<64x256xf32, #tpu.memory_space<vmem>>, vector<16xf32>,
          %add3A_423 = vector.broadcast %scan3A_344 : i32 to vector<16xi32>
          %add3A_424 = arith.addi %mul3A_96, %add3A_423 : vector<16xi32>
          tpu.vector_store_idx %arg9[%add3A_424], %get3A_422 : memref<16384xf32, #tpu.memory_space<vmem>>[vector<16xi32>], vector<16xf32>,
        }
        %scan3A_244 = arith.constant 64 : i32
        %mul3A_245 = arith.constant 123 : i32
        %mul3A_246 = arith.muli %add3A, %mul3A_245 : i32
        %add3A_247 = arith.addi %mul3A_246, %add3A_212 : i32
        %min3A_248 = arith.constant 3905 : i32
        %min3A_249 = arith.minsi %add3A_247, %min3A_248 : i32
        %mul3A_250 = arith.constant 256 : i32
        %mul3A_251 = arith.muli %min3A_249, %mul3A_250 : i32
        %mul3A_252 = arith.constant 64 : i32
        %mul3A_253 = arith.muli %mul3A_251, %mul3A_252 : i32
        %dma_start3A_254 = tpu.memref_slice %arg6[%mul3A_253] : memref<64000000xf32, #tpu.memory_space<hbm>> -> memref<16384xf32, #tpu.memory_space<hbm>>
        %dma_start3A_255 = tpu.memref_slice %arg6[%mul3A_253] : memref<64000000xf32, #tpu.memory_space<hbm>> -> memref<16384xf32, #tpu.memory_space<hbm>>
        tpu.enqueue_dma source(%arg9 : memref<16384xf32, #tpu.memory_space<vmem>>) target(%dma_start3A_255 : memref<16384xf32, #tpu.memory_space<hbm>>) target_semaphore(%arg11 : memref<!tpu.dma_semaphore, #tpu.memory_space<semaphore_mem>>)
        %add3A_256 = arith.constant 2 : i32
        %add3A_257 = arith.addi %add3A_212, %add3A_256 : i32
        %lt3A_258 = arith.constant 123 : i32
        %lt3A_259 = arith.cmpi slt, %add3A_257, %lt3A_258 : i32
        %convert_element_type3A_260 = arith.extui %lt3A_259 : i1 to i32
        %cond3A_261 = arith.constant 0 : i32
        %cond3A_262 = arith.cmpi ne, %convert_element_type3A_260, %cond3A_261 : i32
        scf.if %cond3A_262 {
          %add3A_263 = arith.constant 2 : i32
          %add3A_264 = arith.addi %add3A_212, %add3A_263 : i32
          %mul3A_265 = arith.constant 123 : i32
          %mul3A_266 = arith.muli %add3A, %mul3A_265 : i32
          %add3A_267 = arith.addi %mul3A_266, %add3A_264 : i32
          %min3A_268 = arith.constant 3905 : i32
          %min3A_269 = arith.minsi %add3A_267, %min3A_268 : i32
          %mul3A_270 = arith.constant 256 : i32
          %mul3A_271 = arith.muli %min3A_269, %mul3A_270 : i32
          %dma_start3A_272 = arith.constant 0 : i32
          %dma_start3A_273 = tpu.memref_slice %arg2[%dma_start3A_272, %mul3A_271] : memref<64x1000000xf32, #tpu.memory_space<hbm>> -> memref<64x256xf32, #tpu.memory_space<hbm>>
          %dma_start3A_274 = arith.constant 0 : i32
          %dma_start3A_275 = tpu.memref_slice %arg2[%dma_start3A_274, %mul3A_271] : memref<64x1000000xf32, #tpu.memory_space<hbm>> -> memref<64x256xf32, #tpu.memory_space<hbm>>
          tpu.enqueue_dma source(%dma_start3A_275 : memref<64x256xf32, #tpu.memory_space<hbm>>) target(%arg8 : memref<64x256xf32, #tpu.memory_space<vmem>>) target_semaphore(%arg10 : memref<!tpu.dma_semaphore, #tpu.memory_space<semaphore_mem>>)
        } else {
        }
      } else {
      }
      %add3A_217 = arith.constant 1 : i32
      %add3A_218 = arith.addi %mul3A_210, %add3A_217 : i32
      %lt3A_219 = arith.constant 123 : i32
      %lt3A_220 = arith.cmpi slt, %add3A_218, %lt3A_219 : i32
      %convert_element_type3A_221 = arith.extui %lt3A_220 : i1 to i32
      %cond3A_222 = arith.constant 0 : i32
      %cond3A_223 = arith.cmpi ne, %convert_element_type3A_221, %cond3A_222 : i32
      scf.if %cond3A_223 {
        %mul3A_224 = arith.constant 123 : i32
        %mul3A_225 = arith.muli %add3A, %mul3A_224 : i32
        %add3A_226 = arith.addi %mul3A_225, %add3A_218 : i32
        %min3A_227 = arith.constant 3905 : i32
        %min3A_228 = arith.minsi %add3A_226, %min3A_227 : i32
        %mul3A_229 = arith.constant 256 : i32
        %mul3A_230 = arith.muli %min3A_228, %mul3A_229 : i32
        %dma_wait3A_231 = arith.constant 0 : i32
        %dma_wait3A_232 = tpu.memref_slice %arg2[%dma_wait3A_231, %mul3A_230] : memref<64x1000000xf32, #tpu.memory_space<hbm>> -> memref<64x256xf32, #tpu.memory_space<hbm>>
        %dma_wait3A_233 = arith.constant 0 : i32
        %dma_wait3A_234 = tpu.memref_slice %arg2[%dma_wait3A_233, %mul3A_230] : memref<64x1000000xf32, #tpu.memory_space<hbm>> -> memref<64x256xf32, #tpu.memory_space<hbm>>
        tpu.wait_dma2 semaphore(%arg14 : memref<!tpu.dma_semaphore, #tpu.memory_space<semaphore_mem>>) src(%dma_wait3A_234 : memref<64x256xf32, #tpu.memory_space<hbm>>) dst(%arg12 : memref<64x256xf32, #tpu.memory_space<vmem>>)
        %gt3A = arith.constant 0 : i32
        %gt3A_235 = arith.cmpi sgt, %scan3A_208, %gt3A : i32
        %convert_element_type3A_236 = arith.extui %gt3A_235 : i1 to i32
        %cond3A_237 = arith.constant 0 : i32
        %cond3A_238 = arith.cmpi ne, %convert_element_type3A_236, %cond3A_237 : i32
        scf.if %cond3A_238 {
          %sub3A = arith.constant 2 : i32
          %sub3A_263 = arith.subi %add3A_218, %sub3A : i32
          %mul3A_264 = arith.constant 123 : i32
          %mul3A_265 = arith.muli %add3A, %mul3A_264 : i32
          %add3A_266 = arith.addi %mul3A_265, %sub3A_263 : i32
          %min3A_267 = arith.constant 3905 : i32
          %min3A_268 = arith.minsi %add3A_266, %min3A_267 : i32
          %mul3A_269 = arith.constant 256 : i32
          %mul3A_270 = arith.muli %min3A_268, %mul3A_269 : i32
          %mul3A_271 = arith.constant 64 : i32
          %mul3A_272 = arith.muli %mul3A_270, %mul3A_271 : i32
          %dma_wait3A_273 = tpu.memref_slice %arg6[%mul3A_272] : memref<64000000xf32, #tpu.memory_space<hbm>> -> memref<16384xf32, #tpu.memory_space<hbm>>
          %dma_wait3A_274 = tpu.memref_slice %arg6[%mul3A_272] : memref<64000000xf32, #tpu.memory_space<hbm>> -> memref<16384xf32, #tpu.memory_space<hbm>>
          tpu.wait_dma2 semaphore(%arg15 : memref<!tpu.dma_semaphore, #tpu.memory_space<semaphore_mem>>) src(%arg13 : memref<16384xf32, #tpu.memory_space<vmem>>) dst(%dma_wait3A_274 : memref<16384xf32, #tpu.memory_space<hbm>>)
        } else {
        }
        %scan3A_239 = arith.constant 0 : i32
        %scan3A_240 = arith.constant 0 : i32
        %scan3A_241 = arith.constant 64 : i32
        %scan3A_242 = arith.addi %scan3A_240, %scan3A_241 : i32
        %scan3A_243 = arith.constant 2 : i32
        scf.for %scan3A_263 = %scan3A_240 to %scan3A_242 step %scan3A_243  : i32 {
          %get3A = arith.index_cast %scan3A_263 : i32 to index
          %get3A_264 = arith.constant 0 : index
          %get3A_265 = tpu.vector_load %arg12[%get3A, %get3A_264] {strides = array<i32>} : memref<64x256xf32, #tpu.memory_space<vmem>>, vector<16xf32>,
          %add3A_266 = vector.broadcast %scan3A_263 : i32 to vector<16xi32>
          %add3A_267 = arith.addi %mul3A_6, %add3A_266 : vector<16xi32>
          tpu.vector_store_idx %arg13[%add3A_267], %get3A_265 : memref<16384xf32, #tpu.memory_space<vmem>>[vector<16xi32>], vector<16xf32>,
          %get3A_268 = arith.index_cast %scan3A_263 : i32 to index
          %get3A_269 = arith.constant 16 : index
          %get3A_270 = tpu.vector_load %arg12[%get3A_268, %get3A_269] {strides = array<i32>} : memref<64x256xf32, #tpu.memory_space<vmem>>, vector<16xf32>,
          %add3A_271 = vector.broadcast %scan3A_263 : i32 to vector<16xi32>
          %add3A_272 = arith.addi %mul3A_12, %add3A_271 : vector<16xi32>
          tpu.vector_store_idx %arg13[%add3A_272], %get3A_270 : memref<16384xf32, #tpu.memory_space<vmem>>[vector<16xi32>], vector<16xf32>,
          %get3A_273 = arith.index_cast %scan3A_263 : i32 to index
          %get3A_274 = arith.constant 32 : index
          %get3A_275 = tpu.vector_load %arg12[%get3A_273, %get3A_274] {strides = array<i32>} : memref<64x256xf32, #tpu.memory_space<vmem>>, vector<16xf32>,
          %add3A_276 = vector.broadcast %scan3A_263 : i32 to vector<16xi32>
          %add3A_277 = arith.addi %mul3A_18, %add3A_276 : vector<16xi32>
          tpu.vector_store_idx %arg13[%add3A_277], %get3A_275 : memref<16384xf32, #tpu.memory_space<vmem>>[vector<16xi32>], vector<16xf32>,
          %get3A_278 = arith.index_cast %scan3A_263 : i32 to index
          %get3A_279 = arith.constant 48 : index
          %get3A_280 = tpu.vector_load %arg12[%get3A_278, %get3A_279] {strides = array<i32>} : memref<64x256xf32, #tpu.memory_space<vmem>>, vector<16xf32>,
          %add3A_281 = vector.broadcast %scan3A_263 : i32 to vector<16xi32>
          %add3A_282 = arith.addi %mul3A_24, %add3A_281 : vector<16xi32>
          tpu.vector_store_idx %arg13[%add3A_282], %get3A_280 : memref<16384xf32, #tpu.memory_space<vmem>>[vector<16xi32>], vector<16xf32>,
          %get3A_283 = arith.index_cast %scan3A_263 : i32 to index
          %get3A_284 = arith.constant 64 : index
          %get3A_285 = tpu.vector_load %arg12[%get3A_283, %get3A_284] {strides = array<i32>} : memref<64x256xf32, #tpu.memory_space<vmem>>, vector<16xf32>,
          %add3A_286 = vector.broadcast %scan3A_263 : i32 to vector<16xi32>
          %add3A_287 = arith.addi %mul3A_30, %add3A_286 : vector<16xi32>
          tpu.vector_store_idx %arg13[%add3A_287], %get3A_285 : memref<16384xf32, #tpu.memory_space<vmem>>[vector<16xi32>], vector<16xf32>,
          %get3A_288 = arith.index_cast %scan3A_263 : i32 to index
          %get3A_289 = arith.constant 80 : index
          %get3A_290 = tpu.vector_load %arg12[%get3A_288, %get3A_289] {strides = array<i32>} : memref<64x256xf32, #tpu.memory_space<vmem>>, vector<16xf32>,
          %add3A_291 = vector.broadcast %scan3A_263 : i32 to vector<16xi32>
          %add3A_292 = arith.addi %mul3A_36, %add3A_291 : vector<16xi32>
          tpu.vector_store_idx %arg13[%add3A_292], %get3A_290 : memref<16384xf32, #tpu.memory_space<vmem>>[vector<16xi32>], vector<16xf32>,
          %get3A_293 = arith.index_cast %scan3A_263 : i32 to index
          %get3A_294 = arith.constant 96 : index
          %get3A_295 = tpu.vector_load %arg12[%get3A_293, %get3A_294] {strides = array<i32>} : memref<64x256xf32, #tpu.memory_space<vmem>>, vector<16xf32>,
          %add3A_296 = vector.broadcast %scan3A_263 : i32 to vector<16xi32>
          %add3A_297 = arith.addi %mul3A_42, %add3A_296 : vector<16xi32>
          tpu.vector_store_idx %arg13[%add3A_297], %get3A_295 : memref<16384xf32, #tpu.memory_space<vmem>>[vector<16xi32>], vector<16xf32>,
          %get3A_298 = arith.index_cast %scan3A_263 : i32 to index
          %get3A_299 = arith.constant 112 : index
          %get3A_300 = tpu.vector_load %arg12[%get3A_298, %get3A_299] {strides = array<i32>} : memref<64x256xf32, #tpu.memory_space<vmem>>, vector<16xf32>,
          %add3A_301 = vector.broadcast %scan3A_263 : i32 to vector<16xi32>
          %add3A_302 = arith.addi %mul3A_48, %add3A_301 : vector<16xi32>
          tpu.vector_store_idx %arg13[%add3A_302], %get3A_300 : memref<16384xf32, #tpu.memory_space<vmem>>[vector<16xi32>], vector<16xf32>,
          %get3A_303 = arith.index_cast %scan3A_263 : i32 to index
          %get3A_304 = arith.constant 128 : index
          %get3A_305 = tpu.vector_load %arg12[%get3A_303, %get3A_304] {strides = array<i32>} : memref<64x256xf32, #tpu.memory_space<vmem>>, vector<16xf32>,
          %add3A_306 = vector.broadcast %scan3A_263 : i32 to vector<16xi32>
          %add3A_307 = arith.addi %mul3A_54, %add3A_306 : vector<16xi32>
          tpu.vector_store_idx %arg13[%add3A_307], %get3A_305 : memref<16384xf32, #tpu.memory_space<vmem>>[vector<16xi32>], vector<16xf32>,
          %get3A_308 = arith.index_cast %scan3A_263 : i32 to index
          %get3A_309 = arith.constant 144 : index
          %get3A_310 = tpu.vector_load %arg12[%get3A_308, %get3A_309] {strides = array<i32>} : memref<64x256xf32, #tpu.memory_space<vmem>>, vector<16xf32>,
          %add3A_311 = vector.broadcast %scan3A_263 : i32 to vector<16xi32>
          %add3A_312 = arith.addi %mul3A_60, %add3A_311 : vector<16xi32>
          tpu.vector_store_idx %arg13[%add3A_312], %get3A_310 : memref<16384xf32, #tpu.memory_space<vmem>>[vector<16xi32>], vector<16xf32>,
          %get3A_313 = arith.index_cast %scan3A_263 : i32 to index
          %get3A_314 = arith.constant 160 : index
          %get3A_315 = tpu.vector_load %arg12[%get3A_313, %get3A_314] {strides = array<i32>} : memref<64x256xf32, #tpu.memory_space<vmem>>, vector<16xf32>,
          %add3A_316 = vector.broadcast %scan3A_263 : i32 to vector<16xi32>
          %add3A_317 = arith.addi %mul3A_66, %add3A_316 : vector<16xi32>
          tpu.vector_store_idx %arg13[%add3A_317], %get3A_315 : memref<16384xf32, #tpu.memory_space<vmem>>[vector<16xi32>], vector<16xf32>,
          %get3A_318 = arith.index_cast %scan3A_263 : i32 to index
          %get3A_319 = arith.constant 176 : index
          %get3A_320 = tpu.vector_load %arg12[%get3A_318, %get3A_319] {strides = array<i32>} : memref<64x256xf32, #tpu.memory_space<vmem>>, vector<16xf32>,
          %add3A_321 = vector.broadcast %scan3A_263 : i32 to vector<16xi32>
          %add3A_322 = arith.addi %mul3A_72, %add3A_321 : vector<16xi32>
          tpu.vector_store_idx %arg13[%add3A_322], %get3A_320 : memref<16384xf32, #tpu.memory_space<vmem>>[vector<16xi32>], vector<16xf32>,
          %get3A_323 = arith.index_cast %scan3A_263 : i32 to index
          %get3A_324 = arith.constant 192 : index
          %get3A_325 = tpu.vector_load %arg12[%get3A_323, %get3A_324] {strides = array<i32>} : memref<64x256xf32, #tpu.memory_space<vmem>>, vector<16xf32>,
          %add3A_326 = vector.broadcast %scan3A_263 : i32 to vector<16xi32>
          %add3A_327 = arith.addi %mul3A_78, %add3A_326 : vector<16xi32>
          tpu.vector_store_idx %arg13[%add3A_327], %get3A_325 : memref<16384xf32, #tpu.memory_space<vmem>>[vector<16xi32>], vector<16xf32>,
          %get3A_328 = arith.index_cast %scan3A_263 : i32 to index
          %get3A_329 = arith.constant 208 : index
          %get3A_330 = tpu.vector_load %arg12[%get3A_328, %get3A_329] {strides = array<i32>} : memref<64x256xf32, #tpu.memory_space<vmem>>, vector<16xf32>,
          %add3A_331 = vector.broadcast %scan3A_263 : i32 to vector<16xi32>
          %add3A_332 = arith.addi %mul3A_84, %add3A_331 : vector<16xi32>
          tpu.vector_store_idx %arg13[%add3A_332], %get3A_330 : memref<16384xf32, #tpu.memory_space<vmem>>[vector<16xi32>], vector<16xf32>,
          %get3A_333 = arith.index_cast %scan3A_263 : i32 to index
          %get3A_334 = arith.constant 224 : index
          %get3A_335 = tpu.vector_load %arg12[%get3A_333, %get3A_334] {strides = array<i32>} : memref<64x256xf32, #tpu.memory_space<vmem>>, vector<16xf32>,
          %add3A_336 = vector.broadcast %scan3A_263 : i32 to vector<16xi32>
          %add3A_337 = arith.addi %mul3A_90, %add3A_336 : vector<16xi32>
          tpu.vector_store_idx %arg13[%add3A_337], %get3A_335 : memref<16384xf32, #tpu.memory_space<vmem>>[vector<16xi32>], vector<16xf32>,
          %get3A_338 = arith.index_cast %scan3A_263 : i32 to index
          %get3A_339 = arith.constant 240 : index
          %get3A_340 = tpu.vector_load %arg12[%get3A_338, %get3A_339] {strides = array<i32>} : memref<64x256xf32, #tpu.memory_space<vmem>>, vector<16xf32>,
          %add3A_341 = vector.broadcast %scan3A_263 : i32 to vector<16xi32>
          %add3A_342 = arith.addi %mul3A_96, %add3A_341 : vector<16xi32>
          tpu.vector_store_idx %arg13[%add3A_342], %get3A_340 : memref<16384xf32, #tpu.memory_space<vmem>>[vector<16xi32>], vector<16xf32>,
          %scan3A_343 = arith.constant 1 : i32
          %scan3A_344 = arith.addi %scan3A_263, %scan3A_343 : i32
          %get3A_345 = arith.index_cast %scan3A_344 : i32 to index
          %get3A_346 = arith.constant 0 : index
          %get3A_347 = tpu.vector_load %arg12[%get3A_345, %get3A_346] {strides = array<i32>} : memref<64x256xf32, #tpu.memory_space<vmem>>, vector<16xf32>,
          %add3A_348 = vector.broadcast %scan3A_344 : i32 to vector<16xi32>
          %add3A_349 = arith.addi %mul3A_6, %add3A_348 : vector<16xi32>
          tpu.vector_store_idx %arg13[%add3A_349], %get3A_347 : memref<16384xf32, #tpu.memory_space<vmem>>[vector<16xi32>], vector<16xf32>,
          %get3A_350 = arith.index_cast %scan3A_344 : i32 to index
          %get3A_351 = arith.constant 16 : index
          %get3A_352 = tpu.vector_load %arg12[%get3A_350, %get3A_351] {strides = array<i32>} : memref<64x256xf32, #tpu.memory_space<vmem>>, vector<16xf32>,
          %add3A_353 = vector.broadcast %scan3A_344 : i32 to vector<16xi32>
          %add3A_354 = arith.addi %mul3A_12, %add3A_353 : vector<16xi32>
          tpu.vector_store_idx %arg13[%add3A_354], %get3A_352 : memref<16384xf32, #tpu.memory_space<vmem>>[vector<16xi32>], vector<16xf32>,
          %get3A_355 = arith.index_cast %scan3A_344 : i32 to index
          %get3A_356 = arith.constant 32 : index
          %get3A_357 = tpu.vector_load %arg12[%get3A_355, %get3A_356] {strides = array<i32>} : memref<64x256xf32, #tpu.memory_space<vmem>>, vector<16xf32>,
          %add3A_358 = vector.broadcast %scan3A_344 : i32 to vector<16xi32>
          %add3A_359 = arith.addi %mul3A_18, %add3A_358 : vector<16xi32>
          tpu.vector_store_idx %arg13[%add3A_359], %get3A_357 : memref<16384xf32, #tpu.memory_space<vmem>>[vector<16xi32>], vector<16xf32>,
          %get3A_360 = arith.index_cast %scan3A_344 : i32 to index
          %get3A_361 = arith.constant 48 : index
          %get3A_362 = tpu.vector_load %arg12[%get3A_360, %get3A_361] {strides = array<i32>} : memref<64x256xf32, #tpu.memory_space<vmem>>, vector<16xf32>,
          %add3A_363 = vector.broadcast %scan3A_344 : i32 to vector<16xi32>
          %add3A_364 = arith.addi %mul3A_24, %add3A_363 : vector<16xi32>
          tpu.vector_store_idx %arg13[%add3A_364], %get3A_362 : memref<16384xf32, #tpu.memory_space<vmem>>[vector<16xi32>], vector<16xf32>,
          %get3A_365 = arith.index_cast %scan3A_344 : i32 to index
          %get3A_366 = arith.constant 64 : index
          %get3A_367 = tpu.vector_load %arg12[%get3A_365, %get3A_366] {strides = array<i32>} : memref<64x256xf32, #tpu.memory_space<vmem>>, vector<16xf32>,
          %add3A_368 = vector.broadcast %scan3A_344 : i32 to vector<16xi32>
          %add3A_369 = arith.addi %mul3A_30, %add3A_368 : vector<16xi32>
          tpu.vector_store_idx %arg13[%add3A_369], %get3A_367 : memref<16384xf32, #tpu.memory_space<vmem>>[vector<16xi32>], vector<16xf32>,
          %get3A_370 = arith.index_cast %scan3A_344 : i32 to index
          %get3A_371 = arith.constant 80 : index
          %get3A_372 = tpu.vector_load %arg12[%get3A_370, %get3A_371] {strides = array<i32>} : memref<64x256xf32, #tpu.memory_space<vmem>>, vector<16xf32>,
          %add3A_373 = vector.broadcast %scan3A_344 : i32 to vector<16xi32>
          %add3A_374 = arith.addi %mul3A_36, %add3A_373 : vector<16xi32>
          tpu.vector_store_idx %arg13[%add3A_374], %get3A_372 : memref<16384xf32, #tpu.memory_space<vmem>>[vector<16xi32>], vector<16xf32>,
          %get3A_375 = arith.index_cast %scan3A_344 : i32 to index
          %get3A_376 = arith.constant 96 : index
          %get3A_377 = tpu.vector_load %arg12[%get3A_375, %get3A_376] {strides = array<i32>} : memref<64x256xf32, #tpu.memory_space<vmem>>, vector<16xf32>,
          %add3A_378 = vector.broadcast %scan3A_344 : i32 to vector<16xi32>
          %add3A_379 = arith.addi %mul3A_42, %add3A_378 : vector<16xi32>
          tpu.vector_store_idx %arg13[%add3A_379], %get3A_377 : memref<16384xf32, #tpu.memory_space<vmem>>[vector<16xi32>], vector<16xf32>,
          %get3A_380 = arith.index_cast %scan3A_344 : i32 to index
          %get3A_381 = arith.constant 112 : index
          %get3A_382 = tpu.vector_load %arg12[%get3A_380, %get3A_381] {strides = array<i32>} : memref<64x256xf32, #tpu.memory_space<vmem>>, vector<16xf32>,
          %add3A_383 = vector.broadcast %scan3A_344 : i32 to vector<16xi32>
          %add3A_384 = arith.addi %mul3A_48, %add3A_383 : vector<16xi32>
          tpu.vector_store_idx %arg13[%add3A_384], %get3A_382 : memref<16384xf32, #tpu.memory_space<vmem>>[vector<16xi32>], vector<16xf32>,
          %get3A_385 = arith.index_cast %scan3A_344 : i32 to index
          %get3A_386 = arith.constant 128 : index
          %get3A_387 = tpu.vector_load %arg12[%get3A_385, %get3A_386] {strides = array<i32>} : memref<64x256xf32, #tpu.memory_space<vmem>>, vector<16xf32>,
          %add3A_388 = vector.broadcast %scan3A_344 : i32 to vector<16xi32>
          %add3A_389 = arith.addi %mul3A_54, %add3A_388 : vector<16xi32>
          tpu.vector_store_idx %arg13[%add3A_389], %get3A_387 : memref<16384xf32, #tpu.memory_space<vmem>>[vector<16xi32>], vector<16xf32>,
          %get3A_390 = arith.index_cast %scan3A_344 : i32 to index
          %get3A_391 = arith.constant 144 : index
          %get3A_392 = tpu.vector_load %arg12[%get3A_390, %get3A_391] {strides = array<i32>} : memref<64x256xf32, #tpu.memory_space<vmem>>, vector<16xf32>,
          %add3A_393 = vector.broadcast %scan3A_344 : i32 to vector<16xi32>
          %add3A_394 = arith.addi %mul3A_60, %add3A_393 : vector<16xi32>
          tpu.vector_store_idx %arg13[%add3A_394], %get3A_392 : memref<16384xf32, #tpu.memory_space<vmem>>[vector<16xi32>], vector<16xf32>,
          %get3A_395 = arith.index_cast %scan3A_344 : i32 to index
          %get3A_396 = arith.constant 160 : index
          %get3A_397 = tpu.vector_load %arg12[%get3A_395, %get3A_396] {strides = array<i32>} : memref<64x256xf32, #tpu.memory_space<vmem>>, vector<16xf32>,
          %add3A_398 = vector.broadcast %scan3A_344 : i32 to vector<16xi32>
          %add3A_399 = arith.addi %mul3A_66, %add3A_398 : vector<16xi32>
          tpu.vector_store_idx %arg13[%add3A_399], %get3A_397 : memref<16384xf32, #tpu.memory_space<vmem>>[vector<16xi32>], vector<16xf32>,
          %get3A_400 = arith.index_cast %scan3A_344 : i32 to index
          %get3A_401 = arith.constant 176 : index
          %get3A_402 = tpu.vector_load %arg12[%get3A_400, %get3A_401] {strides = array<i32>} : memref<64x256xf32, #tpu.memory_space<vmem>>, vector<16xf32>,
          %add3A_403 = vector.broadcast %scan3A_344 : i32 to vector<16xi32>
          %add3A_404 = arith.addi %mul3A_72, %add3A_403 : vector<16xi32>
          tpu.vector_store_idx %arg13[%add3A_404], %get3A_402 : memref<16384xf32, #tpu.memory_space<vmem>>[vector<16xi32>], vector<16xf32>,
          %get3A_405 = arith.index_cast %scan3A_344 : i32 to index
          %get3A_406 = arith.constant 192 : index
          %get3A_407 = tpu.vector_load %arg12[%get3A_405, %get3A_406] {strides = array<i32>} : memref<64x256xf32, #tpu.memory_space<vmem>>, vector<16xf32>,
          %add3A_408 = vector.broadcast %scan3A_344 : i32 to vector<16xi32>
          %add3A_409 = arith.addi %mul3A_78, %add3A_408 : vector<16xi32>
          tpu.vector_store_idx %arg13[%add3A_409], %get3A_407 : memref<16384xf32, #tpu.memory_space<vmem>>[vector<16xi32>], vector<16xf32>,
          %get3A_410 = arith.index_cast %scan3A_344 : i32 to index
          %get3A_411 = arith.constant 208 : index
          %get3A_412 = tpu.vector_load %arg12[%get3A_410, %get3A_411] {strides = array<i32>} : memref<64x256xf32, #tpu.memory_space<vmem>>, vector<16xf32>,
          %add3A_413 = vector.broadcast %scan3A_344 : i32 to vector<16xi32>
          %add3A_414 = arith.addi %mul3A_84, %add3A_413 : vector<16xi32>
          tpu.vector_store_idx %arg13[%add3A_414], %get3A_412 : memref<16384xf32, #tpu.memory_space<vmem>>[vector<16xi32>], vector<16xf32>,
          %get3A_415 = arith.index_cast %scan3A_344 : i32 to index
          %get3A_416 = arith.constant 224 : index
          %get3A_417 = tpu.vector_load %arg12[%get3A_415, %get3A_416] {strides = array<i32>} : memref<64x256xf32, #tpu.memory_space<vmem>>, vector<16xf32>,
          %add3A_418 = vector.broadcast %scan3A_344 : i32 to vector<16xi32>
          %add3A_419 = arith.addi %mul3A_90, %add3A_418 : vector<16xi32>
          tpu.vector_store_idx %arg13[%add3A_419], %get3A_417 : memref<16384xf32, #tpu.memory_space<vmem>>[vector<16xi32>], vector<16xf32>,
          %get3A_420 = arith.index_cast %scan3A_344 : i32 to index
          %get3A_421 = arith.constant 240 : index
          %get3A_422 = tpu.vector_load %arg12[%get3A_420, %get3A_421] {strides = array<i32>} : memref<64x256xf32, #tpu.memory_space<vmem>>, vector<16xf32>,
          %add3A_423 = vector.broadcast %scan3A_344 : i32 to vector<16xi32>
          %add3A_424 = arith.addi %mul3A_96, %add3A_423 : vector<16xi32>
          tpu.vector_store_idx %arg13[%add3A_424], %get3A_422 : memref<16384xf32, #tpu.memory_space<vmem>>[vector<16xi32>], vector<16xf32>,
        }
        %scan3A_244 = arith.constant 64 : i32
        %mul3A_245 = arith.constant 123 : i32
        %mul3A_246 = arith.muli %add3A, %mul3A_245 : i32
        %add3A_247 = arith.addi %mul3A_246, %add3A_218 : i32
        %min3A_248 = arith.constant 3905 : i32
        %min3A_249 = arith.minsi %add3A_247, %min3A_248 : i32
        %mul3A_250 = arith.constant 256 : i32
        %mul3A_251 = arith.muli %min3A_249, %mul3A_250 : i32
        %mul3A_252 = arith.constant 64 : i32
        %mul3A_253 = arith.muli %mul3A_251, %mul3A_252 : i32
        %dma_start3A_254 = tpu.memref_slice %arg6[%mul3A_253] : memref<64000000xf32, #tpu.memory_space<hbm>> -> memref<16384xf32, #tpu.memory_space<hbm>>
        %dma_start3A_255 = tpu.memref_slice %arg6[%mul3A_253] : memref<64000000xf32, #tpu.memory_space<hbm>> -> memref<16384xf32, #tpu.memory_space<hbm>>
        tpu.enqueue_dma source(%arg13 : memref<16384xf32, #tpu.memory_space<vmem>>) target(%dma_start3A_255 : memref<16384xf32, #tpu.memory_space<hbm>>) target_semaphore(%arg15 : memref<!tpu.dma_semaphore, #tpu.memory_space<semaphore_mem>>)
        %add3A_256 = arith.constant 2 : i32
        %add3A_257 = arith.addi %add3A_218, %add3A_256 : i32
        %lt3A_258 = arith.constant 123 : i32
        %lt3A_259 = arith.cmpi slt, %add3A_257, %lt3A_258 : i32
        %convert_element_type3A_260 = arith.extui %lt3A_259 : i1 to i32
        %cond3A_261 = arith.constant 0 : i32
        %cond3A_262 = arith.cmpi ne, %convert_element_type3A_260, %cond3A_261 : i32
        scf.if %cond3A_262 {
          %add3A_263 = arith.constant 2 : i32
          %add3A_264 = arith.addi %add3A_218, %add3A_263 : i32
          %mul3A_265 = arith.constant 123 : i32
          %mul3A_266 = arith.muli %add3A, %mul3A_265 : i32
          %add3A_267 = arith.addi %mul3A_266, %add3A_264 : i32
          %min3A_268 = arith.constant 3905 : i32
          %min3A_269 = arith.minsi %add3A_267, %min3A_268 : i32
          %mul3A_270 = arith.constant 256 : i32
          %mul3A_271 = arith.muli %min3A_269, %mul3A_270 : i32
          %dma_start3A_272 = arith.constant 0 : i32
          %dma_start3A_273 = tpu.memref_slice %arg2[%dma_start3A_272, %mul3A_271] : memref<64x1000000xf32, #tpu.memory_space<hbm>> -> memref<64x256xf32, #tpu.memory_space<hbm>>
          %dma_start3A_274 = arith.constant 0 : i32
          %dma_start3A_275 = tpu.memref_slice %arg2[%dma_start3A_274, %mul3A_271] : memref<64x1000000xf32, #tpu.memory_space<hbm>> -> memref<64x256xf32, #tpu.memory_space<hbm>>
          tpu.enqueue_dma source(%dma_start3A_275 : memref<64x256xf32, #tpu.memory_space<hbm>>) target(%arg12 : memref<64x256xf32, #tpu.memory_space<vmem>>) target_semaphore(%arg14 : memref<!tpu.dma_semaphore, #tpu.memory_space<semaphore_mem>>)
        } else {
        }
      } else {
      }
    }
    %scan3A_123 = arith.constant 62 : i32
    %mul3A_124 = arith.constant 123 : i32
    %mul3A_125 = arith.muli %add3A, %mul3A_124 : i32
    %add3A_126 = arith.constant 122 : i32
    %add3A_127 = arith.addi %mul3A_125, %add3A_126 : i32
    %min3A_128 = arith.constant 3905 : i32
    %min3A_129 = arith.minsi %add3A_127, %min3A_128 : i32
    %mul3A_130 = arith.constant 256 : i32
    %mul3A_131 = arith.muli %min3A_129, %mul3A_130 : i32
    %mul3A_132 = arith.constant 64 : i32
    %mul3A_133 = arith.muli %mul3A_131, %mul3A_132 : i32
    %dma_wait3A = tpu.memref_slice %arg6[%mul3A_133] : memref<64000000xf32, #tpu.memory_space<hbm>> -> memref<16384xf32, #tpu.memory_space<hbm>>
    %dma_wait3A_134 = tpu.memref_slice %arg6[%mul3A_133] : memref<64000000xf32, #tpu.memory_space<hbm>> -> memref<16384xf32, #tpu.memory_space<hbm>>
    tpu.wait_dma2 semaphore(%arg11 : memref<!tpu.dma_semaphore, #tpu.memory_space<semaphore_mem>>) src(%arg9 : memref<16384xf32, #tpu.memory_space<vmem>>) dst(%dma_wait3A_134 : memref<16384xf32, #tpu.memory_space<hbm>>)
    %mul3A_135 = arith.constant 123 : i32
    %mul3A_136 = arith.muli %add3A, %mul3A_135 : i32
    %add3A_137 = arith.constant 121 : i32
    %add3A_138 = arith.addi %mul3A_136, %add3A_137 : i32
    %min3A_139 = arith.constant 3905 : i32
    %min3A_140 = arith.minsi %add3A_138, %min3A_139 : i32
    %mul3A_141 = arith.constant 256 : i32
    %mul3A_142 = arith.muli %min3A_140, %mul3A_141 : i32
    %mul3A_143 = arith.constant 64 : i32
    %mul3A_144 = arith.muli %mul3A_142, %mul3A_143 : i32
    %dma_wait3A_145 = tpu.memref_slice %arg6[%mul3A_144] : memref<64000000xf32, #tpu.memory_space<hbm>> -> memref<16384xf32, #tpu.memory_space<hbm>>
    %dma_wait3A_146 = tpu.memref_slice %arg6[%mul3A_144] : memref<64000000xf32, #tpu.memory_space<hbm>> -> memref<16384xf32, #tpu.memory_space<hbm>>
    tpu.wait_dma2 semaphore(%arg15 : memref<!tpu.dma_semaphore, #tpu.memory_space<semaphore_mem>>) src(%arg13 : memref<16384xf32, #tpu.memory_space<vmem>>) dst(%dma_wait3A_146 : memref<16384xf32, #tpu.memory_space<hbm>>)
    %eq3A = arith.constant 0 : i32
    %eq3A_147 = arith.cmpi eq, %add3A, %eq3A : i32
    %convert_element_type3A = arith.extui %eq3A_147 : i1 to i32
    %cond3A = arith.constant 0 : i32
    %cond3A_148 = arith.cmpi ne, %convert_element_type3A, %cond3A : i32
    scf.if %cond3A_148 {
      tpu.enqueue_dma source(%arg4 : memref<64x256xf32, #tpu.memory_space<hbm>>) target(%arg8 : memref<64x256xf32, #tpu.memory_space<vmem>>) target_semaphore(%arg10 : memref<!tpu.dma_semaphore, #tpu.memory_space<semaphore_mem>>)
      tpu.wait_dma2 semaphore(%arg10 : memref<!tpu.dma_semaphore, #tpu.memory_space<semaphore_mem>>) src(%arg4 : memref<64x256xf32, #tpu.memory_space<hbm>>) dst(%arg8 : memref<64x256xf32, #tpu.memory_space<vmem>>)
      %scan3A_208 = arith.constant 0 : i32
      %scan3A_209 = arith.constant 0 : i32
      %scan3A_210 = arith.constant 64 : i32
      %scan3A_211 = arith.addi %scan3A_209, %scan3A_210 : i32
      %scan3A_212 = arith.constant 2 : i32
      scf.for %scan3A_230 = %scan3A_209 to %scan3A_211 step %scan3A_212  : i32 {
        %get3A = arith.index_cast %scan3A_230 : i32 to index
        %get3A_231 = arith.constant 0 : index
        %get3A_232 = tpu.vector_load %arg8[%get3A, %get3A_231] {strides = array<i32>} : memref<64x256xf32, #tpu.memory_space<vmem>>, vector<16xf32>,
        %add3A_233 = vector.broadcast %scan3A_230 : i32 to vector<16xi32>
        %add3A_234 = arith.addi %mul3A_6, %add3A_233 : vector<16xi32>
        tpu.vector_store_idx %arg9[%add3A_234], %get3A_232 : memref<16384xf32, #tpu.memory_space<vmem>>[vector<16xi32>], vector<16xf32>,
        %get3A_235 = arith.index_cast %scan3A_230 : i32 to index
        %get3A_236 = arith.constant 16 : index
        %get3A_237 = tpu.vector_load %arg8[%get3A_235, %get3A_236] {strides = array<i32>} : memref<64x256xf32, #tpu.memory_space<vmem>>, vector<16xf32>,
        %add3A_238 = vector.broadcast %scan3A_230 : i32 to vector<16xi32>
        %add3A_239 = arith.addi %mul3A_12, %add3A_238 : vector<16xi32>
        tpu.vector_store_idx %arg9[%add3A_239], %get3A_237 : memref<16384xf32, #tpu.memory_space<vmem>>[vector<16xi32>], vector<16xf32>,
        %get3A_240 = arith.index_cast %scan3A_230 : i32 to index
        %get3A_241 = arith.constant 32 : index
        %get3A_242 = tpu.vector_load %arg8[%get3A_240, %get3A_241] {strides = array<i32>} : memref<64x256xf32, #tpu.memory_space<vmem>>, vector<16xf32>,
        %add3A_243 = vector.broadcast %scan3A_230 : i32 to vector<16xi32>
        %add3A_244 = arith.addi %mul3A_18, %add3A_243 : vector<16xi32>
        tpu.vector_store_idx %arg9[%add3A_244], %get3A_242 : memref<16384xf32, #tpu.memory_space<vmem>>[vector<16xi32>], vector<16xf32>,
        %get3A_245 = arith.index_cast %scan3A_230 : i32 to index
        %get3A_246 = arith.constant 48 : index
        %get3A_247 = tpu.vector_load %arg8[%get3A_245, %get3A_246] {strides = array<i32>} : memref<64x256xf32, #tpu.memory_space<vmem>>, vector<16xf32>,
        %add3A_248 = vector.broadcast %scan3A_230 : i32 to vector<16xi32>
        %add3A_249 = arith.addi %mul3A_24, %add3A_248 : vector<16xi32>
        tpu.vector_store_idx %arg9[%add3A_249], %get3A_247 : memref<16384xf32, #tpu.memory_space<vmem>>[vector<16xi32>], vector<16xf32>,
        %scan3A_250 = arith.constant 1 : i32
        %scan3A_251 = arith.addi %scan3A_230, %scan3A_250 : i32
        %get3A_252 = arith.index_cast %scan3A_251 : i32 to index
        %get3A_253 = arith.constant 0 : index
        %get3A_254 = tpu.vector_load %arg8[%get3A_252, %get3A_253] {strides = array<i32>} : memref<64x256xf32, #tpu.memory_space<vmem>>, vector<16xf32>,
        %add3A_255 = vector.broadcast %scan3A_251 : i32 to vector<16xi32>
        %add3A_256 = arith.addi %mul3A_6, %add3A_255 : vector<16xi32>
        tpu.vector_store_idx %arg9[%add3A_256], %get3A_254 : memref<16384xf32, #tpu.memory_space<vmem>>[vector<16xi32>], vector<16xf32>,
        %get3A_257 = arith.index_cast %scan3A_251 : i32 to index
        %get3A_258 = arith.constant 16 : index
        %get3A_259 = tpu.vector_load %arg8[%get3A_257, %get3A_258] {strides = array<i32>} : memref<64x256xf32, #tpu.memory_space<vmem>>, vector<16xf32>,
        %add3A_260 = vector.broadcast %scan3A_251 : i32 to vector<16xi32>
        %add3A_261 = arith.addi %mul3A_12, %add3A_260 : vector<16xi32>
        tpu.vector_store_idx %arg9[%add3A_261], %get3A_259 : memref<16384xf32, #tpu.memory_space<vmem>>[vector<16xi32>], vector<16xf32>,
        %get3A_262 = arith.index_cast %scan3A_251 : i32 to index
        %get3A_263 = arith.constant 32 : index
        %get3A_264 = tpu.vector_load %arg8[%get3A_262, %get3A_263] {strides = array<i32>} : memref<64x256xf32, #tpu.memory_space<vmem>>, vector<16xf32>,
        %add3A_265 = vector.broadcast %scan3A_251 : i32 to vector<16xi32>
        %add3A_266 = arith.addi %mul3A_18, %add3A_265 : vector<16xi32>
        tpu.vector_store_idx %arg9[%add3A_266], %get3A_264 : memref<16384xf32, #tpu.memory_space<vmem>>[vector<16xi32>], vector<16xf32>,
        %get3A_267 = arith.index_cast %scan3A_251 : i32 to index
        %get3A_268 = arith.constant 48 : index
        %get3A_269 = tpu.vector_load %arg8[%get3A_267, %get3A_268] {strides = array<i32>} : memref<64x256xf32, #tpu.memory_space<vmem>>, vector<16xf32>,
        %add3A_270 = vector.broadcast %scan3A_251 : i32 to vector<16xi32>
        %add3A_271 = arith.addi %mul3A_24, %add3A_270 : vector<16xi32>
        tpu.vector_store_idx %arg9[%add3A_271], %get3A_269 : memref<16384xf32, #tpu.memory_space<vmem>>[vector<16xi32>], vector<16xf32>,
      }
      %scan3A_213 = arith.constant 64 : i32
      %dma_start3A_214 = arith.constant 0 : i32
      %dma_start3A_215 = tpu.memref_slice %arg9[%dma_start3A_214] : memref<16384xf32, #tpu.memory_space<vmem>> -> memref<4096xf32, #tpu.memory_space<vmem>>
      %dma_start3A_216 = arith.constant 63995904 : i32
      %dma_start3A_217 = tpu.memref_slice %arg6[%dma_start3A_216] : memref<64000000xf32, #tpu.memory_space<hbm>> -> memref<4096xf32, #tpu.memory_space<hbm>>
      %dma_start3A_218 = arith.constant 63995904 : i32
      %dma_start3A_219 = tpu.memref_slice %arg6[%dma_start3A_218] : memref<64000000xf32, #tpu.memory_space<hbm>> -> memref<4096xf32, #tpu.memory_space<hbm>>
      %dma_start3A_220 = arith.constant 0 : i32
      %dma_start3A_221 = tpu.memref_slice %arg9[%dma_start3A_220] : memref<16384xf32, #tpu.memory_space<vmem>> -> memref<4096xf32, #tpu.memory_space<vmem>>
      tpu.enqueue_dma source(%dma_start3A_221 : memref<4096xf32, #tpu.memory_space<vmem>>) target(%dma_start3A_219 : memref<4096xf32, #tpu.memory_space<hbm>>) target_semaphore(%arg11 : memref<!tpu.dma_semaphore, #tpu.memory_space<semaphore_mem>>)
      %dma_wait3A_222 = arith.constant 0 : i32
      %dma_wait3A_223 = tpu.memref_slice %arg9[%dma_wait3A_222] : memref<16384xf32, #tpu.memory_space<vmem>> -> memref<4096xf32, #tpu.memory_space<vmem>>
      %dma_wait3A_224 = arith.constant 63995904 : i32
      %dma_wait3A_225 = tpu.memref_slice %arg6[%dma_wait3A_224] : memref<64000000xf32, #tpu.memory_space<hbm>> -> memref<4096xf32, #tpu.memory_space<hbm>>
      %dma_wait3A_226 = arith.constant 63995904 : i32
      %dma_wait3A_227 = tpu.memref_slice %arg6[%dma_wait3A_226] : memref<64000000xf32, #tpu.memory_space<hbm>> -> memref<4096xf32, #tpu.memory_space<hbm>>
      %dma_wait3A_228 = arith.constant 0 : i32
      %dma_wait3A_229 = tpu.memref_slice %arg9[%dma_wait3A_228] : memref<16384xf32, #tpu.memory_space<vmem>> -> memref<4096xf32, #tpu.memory_space<vmem>>
      tpu.wait_dma2 semaphore(%arg11 : memref<!tpu.dma_semaphore, #tpu.memory_space<semaphore_mem>>) src(%dma_wait3A_229 : memref<4096xf32, #tpu.memory_space<vmem>>) dst(%dma_wait3A_227 : memref<4096xf32, #tpu.memory_space<hbm>>)
    } else {
    }
    %mul3A_149 = arith.constant 123 : i32
    %mul3A_150 = arith.muli %add3A, %mul3A_149 : i32
    %add3A_151 = arith.constant 0 : i32
    %add3A_152 = arith.addi %mul3A_150, %add3A_151 : i32
    %min3A_153 = arith.constant 3905 : i32
    %min3A_154 = arith.minsi %add3A_152, %min3A_153 : i32
    %mul3A_155 = arith.constant 256 : i32
    %mul3A_156 = arith.muli %min3A_154, %mul3A_155 : i32
    %dma_start3A_157 = arith.constant 0 : i32
    %dma_start3A_158 = tpu.memref_slice %arg3[%dma_start3A_157, %mul3A_156] : memref<64x1000000xf32, #tpu.memory_space<hbm>> -> memref<64x256xf32, #tpu.memory_space<hbm>>
    %dma_start3A_159 = arith.constant 0 : i32
    %dma_start3A_160 = tpu.memref_slice %arg3[%dma_start3A_159, %mul3A_156] : memref<64x1000000xf32, #tpu.memory_space<hbm>> -> memref<64x256xf32, #tpu.memory_space<hbm>>
    tpu.enqueue_dma source(%dma_start3A_160 : memref<64x256xf32, #tpu.memory_space<hbm>>) target(%arg8 : memref<64x256xf32, #tpu.memory_space<vmem>>) target_semaphore(%arg10 : memref<!tpu.dma_semaphore, #tpu.memory_space<semaphore_mem>>)
    %mul3A_161 = arith.constant 123 : i32
    %mul3A_162 = arith.muli %add3A, %mul3A_161 : i32
    %add3A_163 = arith.constant 1 : i32
    %add3A_164 = arith.addi %mul3A_162, %add3A_163 : i32
    %min3A_165 = arith.constant 3905 : i32
    %min3A_166 = arith.minsi %add3A_164, %min3A_165 : i32
    %mul3A_167 = arith.constant 256 : i32
    %mul3A_168 = arith.muli %min3A_166, %mul3A_167 : i32
    %dma_start3A_169 = arith.constant 0 : i32
    %dma_start3A_170 = tpu.memref_slice %arg3[%dma_start3A_169, %mul3A_168] : memref<64x1000000xf32, #tpu.memory_space<hbm>> -> memref<64x256xf32, #tpu.memory_space<hbm>>
    %dma_start3A_171 = arith.constant 0 : i32
    %dma_start3A_172 = tpu.memref_slice %arg3[%dma_start3A_171, %mul3A_168] : memref<64x1000000xf32, #tpu.memory_space<hbm>> -> memref<64x256xf32, #tpu.memory_space<hbm>>
    tpu.enqueue_dma source(%dma_start3A_172 : memref<64x256xf32, #tpu.memory_space<hbm>>) target(%arg12 : memref<64x256xf32, #tpu.memory_space<vmem>>) target_semaphore(%arg14 : memref<!tpu.dma_semaphore, #tpu.memory_space<semaphore_mem>>)
    %scan3A_173 = arith.constant 0 : i32
    %scan3A_174 = arith.constant 0 : i32
    %scan3A_175 = arith.constant 62 : i32
    %scan3A_176 = arith.addi %scan3A_174, %scan3A_175 : i32
    %scan3A_177 = arith.constant 1 : i32
    scf.for %scan3A_208 = %scan3A_174 to %scan3A_176 step %scan3A_177  : i32 {
      %mul3A_209 = arith.constant 2 : i32
      %mul3A_210 = arith.muli %mul3A_209, %scan3A_208 : i32
      %add3A_211 = arith.constant 0 : i32
      %add3A_212 = arith.addi %mul3A_210, %add3A_211 : i32
      %lt3A = arith.constant 123 : i32
      %lt3A_213 = arith.cmpi slt, %add3A_212, %lt3A : i32
      %convert_element_type3A_214 = arith.extui %lt3A_213 : i1 to i32
      %cond3A_215 = arith.constant 0 : i32
      %cond3A_216 = arith.cmpi ne, %convert_element_type3A_214, %cond3A_215 : i32
      scf.if %cond3A_216 {
        %mul3A_224 = arith.constant 123 : i32
        %mul3A_225 = arith.muli %add3A, %mul3A_224 : i32
        %add3A_226 = arith.addi %mul3A_225, %add3A_212 : i32
        %min3A_227 = arith.constant 3905 : i32
        %min3A_228 = arith.minsi %add3A_226, %min3A_227 : i32
        %mul3A_229 = arith.constant 256 : i32
        %mul3A_230 = arith.muli %min3A_228, %mul3A_229 : i32
        %dma_wait3A_231 = arith.constant 0 : i32
        %dma_wait3A_232 = tpu.memref_slice %arg3[%dma_wait3A_231, %mul3A_230] : memref<64x1000000xf32, #tpu.memory_space<hbm>> -> memref<64x256xf32, #tpu.memory_space<hbm>>
        %dma_wait3A_233 = arith.constant 0 : i32
        %dma_wait3A_234 = tpu.memref_slice %arg3[%dma_wait3A_233, %mul3A_230] : memref<64x1000000xf32, #tpu.memory_space<hbm>> -> memref<64x256xf32, #tpu.memory_space<hbm>>
        tpu.wait_dma2 semaphore(%arg10 : memref<!tpu.dma_semaphore, #tpu.memory_space<semaphore_mem>>) src(%dma_wait3A_234 : memref<64x256xf32, #tpu.memory_space<hbm>>) dst(%arg8 : memref<64x256xf32, #tpu.memory_space<vmem>>)
        %gt3A = arith.constant 0 : i32
        %gt3A_235 = arith.cmpi sgt, %scan3A_208, %gt3A : i32
        %convert_element_type3A_236 = arith.extui %gt3A_235 : i1 to i32
        %cond3A_237 = arith.constant 0 : i32
        %cond3A_238 = arith.cmpi ne, %convert_element_type3A_236, %cond3A_237 : i32
        scf.if %cond3A_238 {
          %sub3A = arith.constant 2 : i32
          %sub3A_263 = arith.subi %add3A_212, %sub3A : i32
          %mul3A_264 = arith.constant 123 : i32
          %mul3A_265 = arith.muli %add3A, %mul3A_264 : i32
          %add3A_266 = arith.addi %mul3A_265, %sub3A_263 : i32
          %min3A_267 = arith.constant 3905 : i32
          %min3A_268 = arith.minsi %add3A_266, %min3A_267 : i32
          %mul3A_269 = arith.constant 256 : i32
          %mul3A_270 = arith.muli %min3A_268, %mul3A_269 : i32
          %mul3A_271 = arith.constant 64 : i32
          %mul3A_272 = arith.muli %mul3A_270, %mul3A_271 : i32
          %dma_wait3A_273 = tpu.memref_slice %arg7[%mul3A_272] : memref<64000000xf32, #tpu.memory_space<hbm>> -> memref<16384xf32, #tpu.memory_space<hbm>>
          %dma_wait3A_274 = tpu.memref_slice %arg7[%mul3A_272] : memref<64000000xf32, #tpu.memory_space<hbm>> -> memref<16384xf32, #tpu.memory_space<hbm>>
          tpu.wait_dma2 semaphore(%arg11 : memref<!tpu.dma_semaphore, #tpu.memory_space<semaphore_mem>>) src(%arg9 : memref<16384xf32, #tpu.memory_space<vmem>>) dst(%dma_wait3A_274 : memref<16384xf32, #tpu.memory_space<hbm>>)
        } else {
        }
        %scan3A_239 = arith.constant 0 : i32
        %scan3A_240 = arith.constant 0 : i32
        %scan3A_241 = arith.constant 64 : i32
        %scan3A_242 = arith.addi %scan3A_240, %scan3A_241 : i32
        %scan3A_243 = arith.constant 2 : i32
        scf.for %scan3A_263 = %scan3A_240 to %scan3A_242 step %scan3A_243  : i32 {
          %get3A = arith.index_cast %scan3A_263 : i32 to index
          %get3A_264 = arith.constant 0 : index
          %get3A_265 = tpu.vector_load %arg8[%get3A, %get3A_264] {strides = array<i32>} : memref<64x256xf32, #tpu.memory_space<vmem>>, vector<16xf32>,
          %add3A_266 = vector.broadcast %scan3A_263 : i32 to vector<16xi32>
          %add3A_267 = arith.addi %mul3A_6, %add3A_266 : vector<16xi32>
          tpu.vector_store_idx %arg9[%add3A_267], %get3A_265 : memref<16384xf32, #tpu.memory_space<vmem>>[vector<16xi32>], vector<16xf32>,
          %get3A_268 = arith.index_cast %scan3A_263 : i32 to index
          %get3A_269 = arith.constant 16 : index
          %get3A_270 = tpu.vector_load %arg8[%get3A_268, %get3A_269] {strides = array<i32>} : memref<64x256xf32, #tpu.memory_space<vmem>>, vector<16xf32>,
          %add3A_271 = vector.broadcast %scan3A_263 : i32 to vector<16xi32>
          %add3A_272 = arith.addi %mul3A_12, %add3A_271 : vector<16xi32>
          tpu.vector_store_idx %arg9[%add3A_272], %get3A_270 : memref<16384xf32, #tpu.memory_space<vmem>>[vector<16xi32>], vector<16xf32>,
          %get3A_273 = arith.index_cast %scan3A_263 : i32 to index
          %get3A_274 = arith.constant 32 : index
          %get3A_275 = tpu.vector_load %arg8[%get3A_273, %get3A_274] {strides = array<i32>} : memref<64x256xf32, #tpu.memory_space<vmem>>, vector<16xf32>,
          %add3A_276 = vector.broadcast %scan3A_263 : i32 to vector<16xi32>
          %add3A_277 = arith.addi %mul3A_18, %add3A_276 : vector<16xi32>
          tpu.vector_store_idx %arg9[%add3A_277], %get3A_275 : memref<16384xf32, #tpu.memory_space<vmem>>[vector<16xi32>], vector<16xf32>,
          %get3A_278 = arith.index_cast %scan3A_263 : i32 to index
          %get3A_279 = arith.constant 48 : index
          %get3A_280 = tpu.vector_load %arg8[%get3A_278, %get3A_279] {strides = array<i32>} : memref<64x256xf32, #tpu.memory_space<vmem>>, vector<16xf32>,
          %add3A_281 = vector.broadcast %scan3A_263 : i32 to vector<16xi32>
          %add3A_282 = arith.addi %mul3A_24, %add3A_281 : vector<16xi32>
          tpu.vector_store_idx %arg9[%add3A_282], %get3A_280 : memref<16384xf32, #tpu.memory_space<vmem>>[vector<16xi32>], vector<16xf32>,
          %get3A_283 = arith.index_cast %scan3A_263 : i32 to index
          %get3A_284 = arith.constant 64 : index
          %get3A_285 = tpu.vector_load %arg8[%get3A_283, %get3A_284] {strides = array<i32>} : memref<64x256xf32, #tpu.memory_space<vmem>>, vector<16xf32>,
          %add3A_286 = vector.broadcast %scan3A_263 : i32 to vector<16xi32>
          %add3A_287 = arith.addi %mul3A_30, %add3A_286 : vector<16xi32>
          tpu.vector_store_idx %arg9[%add3A_287], %get3A_285 : memref<16384xf32, #tpu.memory_space<vmem>>[vector<16xi32>], vector<16xf32>,
          %get3A_288 = arith.index_cast %scan3A_263 : i32 to index
          %get3A_289 = arith.constant 80 : index
          %get3A_290 = tpu.vector_load %arg8[%get3A_288, %get3A_289] {strides = array<i32>} : memref<64x256xf32, #tpu.memory_space<vmem>>, vector<16xf32>,
          %add3A_291 = vector.broadcast %scan3A_263 : i32 to vector<16xi32>
          %add3A_292 = arith.addi %mul3A_36, %add3A_291 : vector<16xi32>
          tpu.vector_store_idx %arg9[%add3A_292], %get3A_290 : memref<16384xf32, #tpu.memory_space<vmem>>[vector<16xi32>], vector<16xf32>,
          %get3A_293 = arith.index_cast %scan3A_263 : i32 to index
          %get3A_294 = arith.constant 96 : index
          %get3A_295 = tpu.vector_load %arg8[%get3A_293, %get3A_294] {strides = array<i32>} : memref<64x256xf32, #tpu.memory_space<vmem>>, vector<16xf32>,
          %add3A_296 = vector.broadcast %scan3A_263 : i32 to vector<16xi32>
          %add3A_297 = arith.addi %mul3A_42, %add3A_296 : vector<16xi32>
          tpu.vector_store_idx %arg9[%add3A_297], %get3A_295 : memref<16384xf32, #tpu.memory_space<vmem>>[vector<16xi32>], vector<16xf32>,
          %get3A_298 = arith.index_cast %scan3A_263 : i32 to index
          %get3A_299 = arith.constant 112 : index
          %get3A_300 = tpu.vector_load %arg8[%get3A_298, %get3A_299] {strides = array<i32>} : memref<64x256xf32, #tpu.memory_space<vmem>>, vector<16xf32>,
          %add3A_301 = vector.broadcast %scan3A_263 : i32 to vector<16xi32>
          %add3A_302 = arith.addi %mul3A_48, %add3A_301 : vector<16xi32>
          tpu.vector_store_idx %arg9[%add3A_302], %get3A_300 : memref<16384xf32, #tpu.memory_space<vmem>>[vector<16xi32>], vector<16xf32>,
          %get3A_303 = arith.index_cast %scan3A_263 : i32 to index
          %get3A_304 = arith.constant 128 : index
          %get3A_305 = tpu.vector_load %arg8[%get3A_303, %get3A_304] {strides = array<i32>} : memref<64x256xf32, #tpu.memory_space<vmem>>, vector<16xf32>,
          %add3A_306 = vector.broadcast %scan3A_263 : i32 to vector<16xi32>
          %add3A_307 = arith.addi %mul3A_54, %add3A_306 : vector<16xi32>
          tpu.vector_store_idx %arg9[%add3A_307], %get3A_305 : memref<16384xf32, #tpu.memory_space<vmem>>[vector<16xi32>], vector<16xf32>,
          %get3A_308 = arith.index_cast %scan3A_263 : i32 to index
          %get3A_309 = arith.constant 144 : index
          %get3A_310 = tpu.vector_load %arg8[%get3A_308, %get3A_309] {strides = array<i32>} : memref<64x256xf32, #tpu.memory_space<vmem>>, vector<16xf32>,
          %add3A_311 = vector.broadcast %scan3A_263 : i32 to vector<16xi32>
          %add3A_312 = arith.addi %mul3A_60, %add3A_311 : vector<16xi32>
          tpu.vector_store_idx %arg9[%add3A_312], %get3A_310 : memref<16384xf32, #tpu.memory_space<vmem>>[vector<16xi32>], vector<16xf32>,
          %get3A_313 = arith.index_cast %scan3A_263 : i32 to index
          %get3A_314 = arith.constant 160 : index
          %get3A_315 = tpu.vector_load %arg8[%get3A_313, %get3A_314] {strides = array<i32>} : memref<64x256xf32, #tpu.memory_space<vmem>>, vector<16xf32>,
          %add3A_316 = vector.broadcast %scan3A_263 : i32 to vector<16xi32>
          %add3A_317 = arith.addi %mul3A_66, %add3A_316 : vector<16xi32>
          tpu.vector_store_idx %arg9[%add3A_317], %get3A_315 : memref<16384xf32, #tpu.memory_space<vmem>>[vector<16xi32>], vector<16xf32>,
          %get3A_318 = arith.index_cast %scan3A_263 : i32 to index
          %get3A_319 = arith.constant 176 : index
          %get3A_320 = tpu.vector_load %arg8[%get3A_318, %get3A_319] {strides = array<i32>} : memref<64x256xf32, #tpu.memory_space<vmem>>, vector<16xf32>,
          %add3A_321 = vector.broadcast %scan3A_263 : i32 to vector<16xi32>
          %add3A_322 = arith.addi %mul3A_72, %add3A_321 : vector<16xi32>
          tpu.vector_store_idx %arg9[%add3A_322], %get3A_320 : memref<16384xf32, #tpu.memory_space<vmem>>[vector<16xi32>], vector<16xf32>,
          %get3A_323 = arith.index_cast %scan3A_263 : i32 to index
          %get3A_324 = arith.constant 192 : index
          %get3A_325 = tpu.vector_load %arg8[%get3A_323, %get3A_324] {strides = array<i32>} : memref<64x256xf32, #tpu.memory_space<vmem>>, vector<16xf32>,
          %add3A_326 = vector.broadcast %scan3A_263 : i32 to vector<16xi32>
          %add3A_327 = arith.addi %mul3A_78, %add3A_326 : vector<16xi32>
          tpu.vector_store_idx %arg9[%add3A_327], %get3A_325 : memref<16384xf32, #tpu.memory_space<vmem>>[vector<16xi32>], vector<16xf32>,
          %get3A_328 = arith.index_cast %scan3A_263 : i32 to index
          %get3A_329 = arith.constant 208 : index
          %get3A_330 = tpu.vector_load %arg8[%get3A_328, %get3A_329] {strides = array<i32>} : memref<64x256xf32, #tpu.memory_space<vmem>>, vector<16xf32>,
          %add3A_331 = vector.broadcast %scan3A_263 : i32 to vector<16xi32>
          %add3A_332 = arith.addi %mul3A_84, %add3A_331 : vector<16xi32>
          tpu.vector_store_idx %arg9[%add3A_332], %get3A_330 : memref<16384xf32, #tpu.memory_space<vmem>>[vector<16xi32>], vector<16xf32>,
          %get3A_333 = arith.index_cast %scan3A_263 : i32 to index
          %get3A_334 = arith.constant 224 : index
          %get3A_335 = tpu.vector_load %arg8[%get3A_333, %get3A_334] {strides = array<i32>} : memref<64x256xf32, #tpu.memory_space<vmem>>, vector<16xf32>,
          %add3A_336 = vector.broadcast %scan3A_263 : i32 to vector<16xi32>
          %add3A_337 = arith.addi %mul3A_90, %add3A_336 : vector<16xi32>
          tpu.vector_store_idx %arg9[%add3A_337], %get3A_335 : memref<16384xf32, #tpu.memory_space<vmem>>[vector<16xi32>], vector<16xf32>,
          %get3A_338 = arith.index_cast %scan3A_263 : i32 to index
          %get3A_339 = arith.constant 240 : index
          %get3A_340 = tpu.vector_load %arg8[%get3A_338, %get3A_339] {strides = array<i32>} : memref<64x256xf32, #tpu.memory_space<vmem>>, vector<16xf32>,
          %add3A_341 = vector.broadcast %scan3A_263 : i32 to vector<16xi32>
          %add3A_342 = arith.addi %mul3A_96, %add3A_341 : vector<16xi32>
          tpu.vector_store_idx %arg9[%add3A_342], %get3A_340 : memref<16384xf32, #tpu.memory_space<vmem>>[vector<16xi32>], vector<16xf32>,
          %scan3A_343 = arith.constant 1 : i32
          %scan3A_344 = arith.addi %scan3A_263, %scan3A_343 : i32
          %get3A_345 = arith.index_cast %scan3A_344 : i32 to index
          %get3A_346 = arith.constant 0 : index
          %get3A_347 = tpu.vector_load %arg8[%get3A_345, %get3A_346] {strides = array<i32>} : memref<64x256xf32, #tpu.memory_space<vmem>>, vector<16xf32>,
          %add3A_348 = vector.broadcast %scan3A_344 : i32 to vector<16xi32>
          %add3A_349 = arith.addi %mul3A_6, %add3A_348 : vector<16xi32>
          tpu.vector_store_idx %arg9[%add3A_349], %get3A_347 : memref<16384xf32, #tpu.memory_space<vmem>>[vector<16xi32>], vector<16xf32>,
          %get3A_350 = arith.index_cast %scan3A_344 : i32 to index
          %get3A_351 = arith.constant 16 : index
          %get3A_352 = tpu.vector_load %arg8[%get3A_350, %get3A_351] {strides = array<i32>} : memref<64x256xf32, #tpu.memory_space<vmem>>, vector<16xf32>,
          %add3A_353 = vector.broadcast %scan3A_344 : i32 to vector<16xi32>
          %add3A_354 = arith.addi %mul3A_12, %add3A_353 : vector<16xi32>
          tpu.vector_store_idx %arg9[%add3A_354], %get3A_352 : memref<16384xf32, #tpu.memory_space<vmem>>[vector<16xi32>], vector<16xf32>,
          %get3A_355 = arith.index_cast %scan3A_344 : i32 to index
          %get3A_356 = arith.constant 32 : index
          %get3A_357 = tpu.vector_load %arg8[%get3A_355, %get3A_356] {strides = array<i32>} : memref<64x256xf32, #tpu.memory_space<vmem>>, vector<16xf32>,
          %add3A_358 = vector.broadcast %scan3A_344 : i32 to vector<16xi32>
          %add3A_359 = arith.addi %mul3A_18, %add3A_358 : vector<16xi32>
          tpu.vector_store_idx %arg9[%add3A_359], %get3A_357 : memref<16384xf32, #tpu.memory_space<vmem>>[vector<16xi32>], vector<16xf32>,
          %get3A_360 = arith.index_cast %scan3A_344 : i32 to index
          %get3A_361 = arith.constant 48 : index
          %get3A_362 = tpu.vector_load %arg8[%get3A_360, %get3A_361] {strides = array<i32>} : memref<64x256xf32, #tpu.memory_space<vmem>>, vector<16xf32>,
          %add3A_363 = vector.broadcast %scan3A_344 : i32 to vector<16xi32>
          %add3A_364 = arith.addi %mul3A_24, %add3A_363 : vector<16xi32>
          tpu.vector_store_idx %arg9[%add3A_364], %get3A_362 : memref<16384xf32, #tpu.memory_space<vmem>>[vector<16xi32>], vector<16xf32>,
          %get3A_365 = arith.index_cast %scan3A_344 : i32 to index
          %get3A_366 = arith.constant 64 : index
          %get3A_367 = tpu.vector_load %arg8[%get3A_365, %get3A_366] {strides = array<i32>} : memref<64x256xf32, #tpu.memory_space<vmem>>, vector<16xf32>,
          %add3A_368 = vector.broadcast %scan3A_344 : i32 to vector<16xi32>
          %add3A_369 = arith.addi %mul3A_30, %add3A_368 : vector<16xi32>
          tpu.vector_store_idx %arg9[%add3A_369], %get3A_367 : memref<16384xf32, #tpu.memory_space<vmem>>[vector<16xi32>], vector<16xf32>,
          %get3A_370 = arith.index_cast %scan3A_344 : i32 to index
          %get3A_371 = arith.constant 80 : index
          %get3A_372 = tpu.vector_load %arg8[%get3A_370, %get3A_371] {strides = array<i32>} : memref<64x256xf32, #tpu.memory_space<vmem>>, vector<16xf32>,
          %add3A_373 = vector.broadcast %scan3A_344 : i32 to vector<16xi32>
          %add3A_374 = arith.addi %mul3A_36, %add3A_373 : vector<16xi32>
          tpu.vector_store_idx %arg9[%add3A_374], %get3A_372 : memref<16384xf32, #tpu.memory_space<vmem>>[vector<16xi32>], vector<16xf32>,
          %get3A_375 = arith.index_cast %scan3A_344 : i32 to index
          %get3A_376 = arith.constant 96 : index
          %get3A_377 = tpu.vector_load %arg8[%get3A_375, %get3A_376] {strides = array<i32>} : memref<64x256xf32, #tpu.memory_space<vmem>>, vector<16xf32>,
          %add3A_378 = vector.broadcast %scan3A_344 : i32 to vector<16xi32>
          %add3A_379 = arith.addi %mul3A_42, %add3A_378 : vector<16xi32>
          tpu.vector_store_idx %arg9[%add3A_379], %get3A_377 : memref<16384xf32, #tpu.memory_space<vmem>>[vector<16xi32>], vector<16xf32>,
          %get3A_380 = arith.index_cast %scan3A_344 : i32 to index
          %get3A_381 = arith.constant 112 : index
          %get3A_382 = tpu.vector_load %arg8[%get3A_380, %get3A_381] {strides = array<i32>} : memref<64x256xf32, #tpu.memory_space<vmem>>, vector<16xf32>,
          %add3A_383 = vector.broadcast %scan3A_344 : i32 to vector<16xi32>
          %add3A_384 = arith.addi %mul3A_48, %add3A_383 : vector<16xi32>
          tpu.vector_store_idx %arg9[%add3A_384], %get3A_382 : memref<16384xf32, #tpu.memory_space<vmem>>[vector<16xi32>], vector<16xf32>,
          %get3A_385 = arith.index_cast %scan3A_344 : i32 to index
          %get3A_386 = arith.constant 128 : index
          %get3A_387 = tpu.vector_load %arg8[%get3A_385, %get3A_386] {strides = array<i32>} : memref<64x256xf32, #tpu.memory_space<vmem>>, vector<16xf32>,
          %add3A_388 = vector.broadcast %scan3A_344 : i32 to vector<16xi32>
          %add3A_389 = arith.addi %mul3A_54, %add3A_388 : vector<16xi32>
          tpu.vector_store_idx %arg9[%add3A_389], %get3A_387 : memref<16384xf32, #tpu.memory_space<vmem>>[vector<16xi32>], vector<16xf32>,
          %get3A_390 = arith.index_cast %scan3A_344 : i32 to index
          %get3A_391 = arith.constant 144 : index
          %get3A_392 = tpu.vector_load %arg8[%get3A_390, %get3A_391] {strides = array<i32>} : memref<64x256xf32, #tpu.memory_space<vmem>>, vector<16xf32>,
          %add3A_393 = vector.broadcast %scan3A_344 : i32 to vector<16xi32>
          %add3A_394 = arith.addi %mul3A_60, %add3A_393 : vector<16xi32>
          tpu.vector_store_idx %arg9[%add3A_394], %get3A_392 : memref<16384xf32, #tpu.memory_space<vmem>>[vector<16xi32>], vector<16xf32>,
          %get3A_395 = arith.index_cast %scan3A_344 : i32 to index
          %get3A_396 = arith.constant 160 : index
          %get3A_397 = tpu.vector_load %arg8[%get3A_395, %get3A_396] {strides = array<i32>} : memref<64x256xf32, #tpu.memory_space<vmem>>, vector<16xf32>,
          %add3A_398 = vector.broadcast %scan3A_344 : i32 to vector<16xi32>
          %add3A_399 = arith.addi %mul3A_66, %add3A_398 : vector<16xi32>
          tpu.vector_store_idx %arg9[%add3A_399], %get3A_397 : memref<16384xf32, #tpu.memory_space<vmem>>[vector<16xi32>], vector<16xf32>,
          %get3A_400 = arith.index_cast %scan3A_344 : i32 to index
          %get3A_401 = arith.constant 176 : index
          %get3A_402 = tpu.vector_load %arg8[%get3A_400, %get3A_401] {strides = array<i32>} : memref<64x256xf32, #tpu.memory_space<vmem>>, vector<16xf32>,
          %add3A_403 = vector.broadcast %scan3A_344 : i32 to vector<16xi32>
          %add3A_404 = arith.addi %mul3A_72, %add3A_403 : vector<16xi32>
          tpu.vector_store_idx %arg9[%add3A_404], %get3A_402 : memref<16384xf32, #tpu.memory_space<vmem>>[vector<16xi32>], vector<16xf32>,
          %get3A_405 = arith.index_cast %scan3A_344 : i32 to index
          %get3A_406 = arith.constant 192 : index
          %get3A_407 = tpu.vector_load %arg8[%get3A_405, %get3A_406] {strides = array<i32>} : memref<64x256xf32, #tpu.memory_space<vmem>>, vector<16xf32>,
          %add3A_408 = vector.broadcast %scan3A_344 : i32 to vector<16xi32>
          %add3A_409 = arith.addi %mul3A_78, %add3A_408 : vector<16xi32>
          tpu.vector_store_idx %arg9[%add3A_409], %get3A_407 : memref<16384xf32, #tpu.memory_space<vmem>>[vector<16xi32>], vector<16xf32>,
          %get3A_410 = arith.index_cast %scan3A_344 : i32 to index
          %get3A_411 = arith.constant 208 : index
          %get3A_412 = tpu.vector_load %arg8[%get3A_410, %get3A_411] {strides = array<i32>} : memref<64x256xf32, #tpu.memory_space<vmem>>, vector<16xf32>,
          %add3A_413 = vector.broadcast %scan3A_344 : i32 to vector<16xi32>
          %add3A_414 = arith.addi %mul3A_84, %add3A_413 : vector<16xi32>
          tpu.vector_store_idx %arg9[%add3A_414], %get3A_412 : memref<16384xf32, #tpu.memory_space<vmem>>[vector<16xi32>], vector<16xf32>,
          %get3A_415 = arith.index_cast %scan3A_344 : i32 to index
          %get3A_416 = arith.constant 224 : index
          %get3A_417 = tpu.vector_load %arg8[%get3A_415, %get3A_416] {strides = array<i32>} : memref<64x256xf32, #tpu.memory_space<vmem>>, vector<16xf32>,
          %add3A_418 = vector.broadcast %scan3A_344 : i32 to vector<16xi32>
          %add3A_419 = arith.addi %mul3A_90, %add3A_418 : vector<16xi32>
          tpu.vector_store_idx %arg9[%add3A_419], %get3A_417 : memref<16384xf32, #tpu.memory_space<vmem>>[vector<16xi32>], vector<16xf32>,
          %get3A_420 = arith.index_cast %scan3A_344 : i32 to index
          %get3A_421 = arith.constant 240 : index
          %get3A_422 = tpu.vector_load %arg8[%get3A_420, %get3A_421] {strides = array<i32>} : memref<64x256xf32, #tpu.memory_space<vmem>>, vector<16xf32>,
          %add3A_423 = vector.broadcast %scan3A_344 : i32 to vector<16xi32>
          %add3A_424 = arith.addi %mul3A_96, %add3A_423 : vector<16xi32>
          tpu.vector_store_idx %arg9[%add3A_424], %get3A_422 : memref<16384xf32, #tpu.memory_space<vmem>>[vector<16xi32>], vector<16xf32>,
        }
        %scan3A_244 = arith.constant 64 : i32
        %mul3A_245 = arith.constant 123 : i32
        %mul3A_246 = arith.muli %add3A, %mul3A_245 : i32
        %add3A_247 = arith.addi %mul3A_246, %add3A_212 : i32
        %min3A_248 = arith.constant 3905 : i32
        %min3A_249 = arith.minsi %add3A_247, %min3A_248 : i32
        %mul3A_250 = arith.constant 256 : i32
        %mul3A_251 = arith.muli %min3A_249, %mul3A_250 : i32
        %mul3A_252 = arith.constant 64 : i32
        %mul3A_253 = arith.muli %mul3A_251, %mul3A_252 : i32
        %dma_start3A_254 = tpu.memref_slice %arg7[%mul3A_253] : memref<64000000xf32, #tpu.memory_space<hbm>> -> memref<16384xf32, #tpu.memory_space<hbm>>
        %dma_start3A_255 = tpu.memref_slice %arg7[%mul3A_253] : memref<64000000xf32, #tpu.memory_space<hbm>> -> memref<16384xf32, #tpu.memory_space<hbm>>
        tpu.enqueue_dma source(%arg9 : memref<16384xf32, #tpu.memory_space<vmem>>) target(%dma_start3A_255 : memref<16384xf32, #tpu.memory_space<hbm>>) target_semaphore(%arg11 : memref<!tpu.dma_semaphore, #tpu.memory_space<semaphore_mem>>)
        %add3A_256 = arith.constant 2 : i32
        %add3A_257 = arith.addi %add3A_212, %add3A_256 : i32
        %lt3A_258 = arith.constant 123 : i32
        %lt3A_259 = arith.cmpi slt, %add3A_257, %lt3A_258 : i32
        %convert_element_type3A_260 = arith.extui %lt3A_259 : i1 to i32
        %cond3A_261 = arith.constant 0 : i32
        %cond3A_262 = arith.cmpi ne, %convert_element_type3A_260, %cond3A_261 : i32
        scf.if %cond3A_262 {
          %add3A_263 = arith.constant 2 : i32
          %add3A_264 = arith.addi %add3A_212, %add3A_263 : i32
          %mul3A_265 = arith.constant 123 : i32
          %mul3A_266 = arith.muli %add3A, %mul3A_265 : i32
          %add3A_267 = arith.addi %mul3A_266, %add3A_264 : i32
          %min3A_268 = arith.constant 3905 : i32
          %min3A_269 = arith.minsi %add3A_267, %min3A_268 : i32
          %mul3A_270 = arith.constant 256 : i32
          %mul3A_271 = arith.muli %min3A_269, %mul3A_270 : i32
          %dma_start3A_272 = arith.constant 0 : i32
          %dma_start3A_273 = tpu.memref_slice %arg3[%dma_start3A_272, %mul3A_271] : memref<64x1000000xf32, #tpu.memory_space<hbm>> -> memref<64x256xf32, #tpu.memory_space<hbm>>
          %dma_start3A_274 = arith.constant 0 : i32
          %dma_start3A_275 = tpu.memref_slice %arg3[%dma_start3A_274, %mul3A_271] : memref<64x1000000xf32, #tpu.memory_space<hbm>> -> memref<64x256xf32, #tpu.memory_space<hbm>>
          tpu.enqueue_dma source(%dma_start3A_275 : memref<64x256xf32, #tpu.memory_space<hbm>>) target(%arg8 : memref<64x256xf32, #tpu.memory_space<vmem>>) target_semaphore(%arg10 : memref<!tpu.dma_semaphore, #tpu.memory_space<semaphore_mem>>)
        } else {
        }
      } else {
      }
      %add3A_217 = arith.constant 1 : i32
      %add3A_218 = arith.addi %mul3A_210, %add3A_217 : i32
      %lt3A_219 = arith.constant 123 : i32
      %lt3A_220 = arith.cmpi slt, %add3A_218, %lt3A_219 : i32
      %convert_element_type3A_221 = arith.extui %lt3A_220 : i1 to i32
      %cond3A_222 = arith.constant 0 : i32
      %cond3A_223 = arith.cmpi ne, %convert_element_type3A_221, %cond3A_222 : i32
      scf.if %cond3A_223 {
        %mul3A_224 = arith.constant 123 : i32
        %mul3A_225 = arith.muli %add3A, %mul3A_224 : i32
        %add3A_226 = arith.addi %mul3A_225, %add3A_218 : i32
        %min3A_227 = arith.constant 3905 : i32
        %min3A_228 = arith.minsi %add3A_226, %min3A_227 : i32
        %mul3A_229 = arith.constant 256 : i32
        %mul3A_230 = arith.muli %min3A_228, %mul3A_229 : i32
        %dma_wait3A_231 = arith.constant 0 : i32
        %dma_wait3A_232 = tpu.memref_slice %arg3[%dma_wait3A_231, %mul3A_230] : memref<64x1000000xf32, #tpu.memory_space<hbm>> -> memref<64x256xf32, #tpu.memory_space<hbm>>
        %dma_wait3A_233 = arith.constant 0 : i32
        %dma_wait3A_234 = tpu.memref_slice %arg3[%dma_wait3A_233, %mul3A_230] : memref<64x1000000xf32, #tpu.memory_space<hbm>> -> memref<64x256xf32, #tpu.memory_space<hbm>>
        tpu.wait_dma2 semaphore(%arg14 : memref<!tpu.dma_semaphore, #tpu.memory_space<semaphore_mem>>) src(%dma_wait3A_234 : memref<64x256xf32, #tpu.memory_space<hbm>>) dst(%arg12 : memref<64x256xf32, #tpu.memory_space<vmem>>)
        %gt3A = arith.constant 0 : i32
        %gt3A_235 = arith.cmpi sgt, %scan3A_208, %gt3A : i32
        %convert_element_type3A_236 = arith.extui %gt3A_235 : i1 to i32
        %cond3A_237 = arith.constant 0 : i32
        %cond3A_238 = arith.cmpi ne, %convert_element_type3A_236, %cond3A_237 : i32
        scf.if %cond3A_238 {
          %sub3A = arith.constant 2 : i32
          %sub3A_263 = arith.subi %add3A_218, %sub3A : i32
          %mul3A_264 = arith.constant 123 : i32
          %mul3A_265 = arith.muli %add3A, %mul3A_264 : i32
          %add3A_266 = arith.addi %mul3A_265, %sub3A_263 : i32
          %min3A_267 = arith.constant 3905 : i32
          %min3A_268 = arith.minsi %add3A_266, %min3A_267 : i32
          %mul3A_269 = arith.constant 256 : i32
          %mul3A_270 = arith.muli %min3A_268, %mul3A_269 : i32
          %mul3A_271 = arith.constant 64 : i32
          %mul3A_272 = arith.muli %mul3A_270, %mul3A_271 : i32
          %dma_wait3A_273 = tpu.memref_slice %arg7[%mul3A_272] : memref<64000000xf32, #tpu.memory_space<hbm>> -> memref<16384xf32, #tpu.memory_space<hbm>>
          %dma_wait3A_274 = tpu.memref_slice %arg7[%mul3A_272] : memref<64000000xf32, #tpu.memory_space<hbm>> -> memref<16384xf32, #tpu.memory_space<hbm>>
          tpu.wait_dma2 semaphore(%arg15 : memref<!tpu.dma_semaphore, #tpu.memory_space<semaphore_mem>>) src(%arg13 : memref<16384xf32, #tpu.memory_space<vmem>>) dst(%dma_wait3A_274 : memref<16384xf32, #tpu.memory_space<hbm>>)
        } else {
        }
        %scan3A_239 = arith.constant 0 : i32
        %scan3A_240 = arith.constant 0 : i32
        %scan3A_241 = arith.constant 64 : i32
        %scan3A_242 = arith.addi %scan3A_240, %scan3A_241 : i32
        %scan3A_243 = arith.constant 2 : i32
        scf.for %scan3A_263 = %scan3A_240 to %scan3A_242 step %scan3A_243  : i32 {
          %get3A = arith.index_cast %scan3A_263 : i32 to index
          %get3A_264 = arith.constant 0 : index
          %get3A_265 = tpu.vector_load %arg12[%get3A, %get3A_264] {strides = array<i32>} : memref<64x256xf32, #tpu.memory_space<vmem>>, vector<16xf32>,
          %add3A_266 = vector.broadcast %scan3A_263 : i32 to vector<16xi32>
          %add3A_267 = arith.addi %mul3A_6, %add3A_266 : vector<16xi32>
          tpu.vector_store_idx %arg13[%add3A_267], %get3A_265 : memref<16384xf32, #tpu.memory_space<vmem>>[vector<16xi32>], vector<16xf32>,
          %get3A_268 = arith.index_cast %scan3A_263 : i32 to index
          %get3A_269 = arith.constant 16 : index
          %get3A_270 = tpu.vector_load %arg12[%get3A_268, %get3A_269] {strides = array<i32>} : memref<64x256xf32, #tpu.memory_space<vmem>>, vector<16xf32>,
          %add3A_271 = vector.broadcast %scan3A_263 : i32 to vector<16xi32>
          %add3A_272 = arith.addi %mul3A_12, %add3A_271 : vector<16xi32>
          tpu.vector_store_idx %arg13[%add3A_272], %get3A_270 : memref<16384xf32, #tpu.memory_space<vmem>>[vector<16xi32>], vector<16xf32>,
          %get3A_273 = arith.index_cast %scan3A_263 : i32 to index
          %get3A_274 = arith.constant 32 : index
          %get3A_275 = tpu.vector_load %arg12[%get3A_273, %get3A_274] {strides = array<i32>} : memref<64x256xf32, #tpu.memory_space<vmem>>, vector<16xf32>,
          %add3A_276 = vector.broadcast %scan3A_263 : i32 to vector<16xi32>
          %add3A_277 = arith.addi %mul3A_18, %add3A_276 : vector<16xi32>
          tpu.vector_store_idx %arg13[%add3A_277], %get3A_275 : memref<16384xf32, #tpu.memory_space<vmem>>[vector<16xi32>], vector<16xf32>,
          %get3A_278 = arith.index_cast %scan3A_263 : i32 to index
          %get3A_279 = arith.constant 48 : index
          %get3A_280 = tpu.vector_load %arg12[%get3A_278, %get3A_279] {strides = array<i32>} : memref<64x256xf32, #tpu.memory_space<vmem>>, vector<16xf32>,
          %add3A_281 = vector.broadcast %scan3A_263 : i32 to vector<16xi32>
          %add3A_282 = arith.addi %mul3A_24, %add3A_281 : vector<16xi32>
          tpu.vector_store_idx %arg13[%add3A_282], %get3A_280 : memref<16384xf32, #tpu.memory_space<vmem>>[vector<16xi32>], vector<16xf32>,
          %get3A_283 = arith.index_cast %scan3A_263 : i32 to index
          %get3A_284 = arith.constant 64 : index
          %get3A_285 = tpu.vector_load %arg12[%get3A_283, %get3A_284] {strides = array<i32>} : memref<64x256xf32, #tpu.memory_space<vmem>>, vector<16xf32>,
          %add3A_286 = vector.broadcast %scan3A_263 : i32 to vector<16xi32>
          %add3A_287 = arith.addi %mul3A_30, %add3A_286 : vector<16xi32>
          tpu.vector_store_idx %arg13[%add3A_287], %get3A_285 : memref<16384xf32, #tpu.memory_space<vmem>>[vector<16xi32>], vector<16xf32>,
          %get3A_288 = arith.index_cast %scan3A_263 : i32 to index
          %get3A_289 = arith.constant 80 : index
          %get3A_290 = tpu.vector_load %arg12[%get3A_288, %get3A_289] {strides = array<i32>} : memref<64x256xf32, #tpu.memory_space<vmem>>, vector<16xf32>,
          %add3A_291 = vector.broadcast %scan3A_263 : i32 to vector<16xi32>
          %add3A_292 = arith.addi %mul3A_36, %add3A_291 : vector<16xi32>
          tpu.vector_store_idx %arg13[%add3A_292], %get3A_290 : memref<16384xf32, #tpu.memory_space<vmem>>[vector<16xi32>], vector<16xf32>,
          %get3A_293 = arith.index_cast %scan3A_263 : i32 to index
          %get3A_294 = arith.constant 96 : index
          %get3A_295 = tpu.vector_load %arg12[%get3A_293, %get3A_294] {strides = array<i32>} : memref<64x256xf32, #tpu.memory_space<vmem>>, vector<16xf32>,
          %add3A_296 = vector.broadcast %scan3A_263 : i32 to vector<16xi32>
          %add3A_297 = arith.addi %mul3A_42, %add3A_296 : vector<16xi32>
          tpu.vector_store_idx %arg13[%add3A_297], %get3A_295 : memref<16384xf32, #tpu.memory_space<vmem>>[vector<16xi32>], vector<16xf32>,
          %get3A_298 = arith.index_cast %scan3A_263 : i32 to index
          %get3A_299 = arith.constant 112 : index
          %get3A_300 = tpu.vector_load %arg12[%get3A_298, %get3A_299] {strides = array<i32>} : memref<64x256xf32, #tpu.memory_space<vmem>>, vector<16xf32>,
          %add3A_301 = vector.broadcast %scan3A_263 : i32 to vector<16xi32>
          %add3A_302 = arith.addi %mul3A_48, %add3A_301 : vector<16xi32>
          tpu.vector_store_idx %arg13[%add3A_302], %get3A_300 : memref<16384xf32, #tpu.memory_space<vmem>>[vector<16xi32>], vector<16xf32>,
          %get3A_303 = arith.index_cast %scan3A_263 : i32 to index
          %get3A_304 = arith.constant 128 : index
          %get3A_305 = tpu.vector_load %arg12[%get3A_303, %get3A_304] {strides = array<i32>} : memref<64x256xf32, #tpu.memory_space<vmem>>, vector<16xf32>,
          %add3A_306 = vector.broadcast %scan3A_263 : i32 to vector<16xi32>
          %add3A_307 = arith.addi %mul3A_54, %add3A_306 : vector<16xi32>
          tpu.vector_store_idx %arg13[%add3A_307], %get3A_305 : memref<16384xf32, #tpu.memory_space<vmem>>[vector<16xi32>], vector<16xf32>,
          %get3A_308 = arith.index_cast %scan3A_263 : i32 to index
          %get3A_309 = arith.constant 144 : index
          %get3A_310 = tpu.vector_load %arg12[%get3A_308, %get3A_309] {strides = array<i32>} : memref<64x256xf32, #tpu.memory_space<vmem>>, vector<16xf32>,
          %add3A_311 = vector.broadcast %scan3A_263 : i32 to vector<16xi32>
          %add3A_312 = arith.addi %mul3A_60, %add3A_311 : vector<16xi32>
          tpu.vector_store_idx %arg13[%add3A_312], %get3A_310 : memref<16384xf32, #tpu.memory_space<vmem>>[vector<16xi32>], vector<16xf32>,
          %get3A_313 = arith.index_cast %scan3A_263 : i32 to index
          %get3A_314 = arith.constant 160 : index
          %get3A_315 = tpu.vector_load %arg12[%get3A_313, %get3A_314] {strides = array<i32>} : memref<64x256xf32, #tpu.memory_space<vmem>>, vector<16xf32>,
          %add3A_316 = vector.broadcast %scan3A_263 : i32 to vector<16xi32>
          %add3A_317 = arith.addi %mul3A_66, %add3A_316 : vector<16xi32>
          tpu.vector_store_idx %arg13[%add3A_317], %get3A_315 : memref<16384xf32, #tpu.memory_space<vmem>>[vector<16xi32>], vector<16xf32>,
          %get3A_318 = arith.index_cast %scan3A_263 : i32 to index
          %get3A_319 = arith.constant 176 : index
          %get3A_320 = tpu.vector_load %arg12[%get3A_318, %get3A_319] {strides = array<i32>} : memref<64x256xf32, #tpu.memory_space<vmem>>, vector<16xf32>,
          %add3A_321 = vector.broadcast %scan3A_263 : i32 to vector<16xi32>
          %add3A_322 = arith.addi %mul3A_72, %add3A_321 : vector<16xi32>
          tpu.vector_store_idx %arg13[%add3A_322], %get3A_320 : memref<16384xf32, #tpu.memory_space<vmem>>[vector<16xi32>], vector<16xf32>,
          %get3A_323 = arith.index_cast %scan3A_263 : i32 to index
          %get3A_324 = arith.constant 192 : index
          %get3A_325 = tpu.vector_load %arg12[%get3A_323, %get3A_324] {strides = array<i32>} : memref<64x256xf32, #tpu.memory_space<vmem>>, vector<16xf32>,
          %add3A_326 = vector.broadcast %scan3A_263 : i32 to vector<16xi32>
          %add3A_327 = arith.addi %mul3A_78, %add3A_326 : vector<16xi32>
          tpu.vector_store_idx %arg13[%add3A_327], %get3A_325 : memref<16384xf32, #tpu.memory_space<vmem>>[vector<16xi32>], vector<16xf32>,
          %get3A_328 = arith.index_cast %scan3A_263 : i32 to index
          %get3A_329 = arith.constant 208 : index
          %get3A_330 = tpu.vector_load %arg12[%get3A_328, %get3A_329] {strides = array<i32>} : memref<64x256xf32, #tpu.memory_space<vmem>>, vector<16xf32>,
          %add3A_331 = vector.broadcast %scan3A_263 : i32 to vector<16xi32>
          %add3A_332 = arith.addi %mul3A_84, %add3A_331 : vector<16xi32>
          tpu.vector_store_idx %arg13[%add3A_332], %get3A_330 : memref<16384xf32, #tpu.memory_space<vmem>>[vector<16xi32>], vector<16xf32>,
          %get3A_333 = arith.index_cast %scan3A_263 : i32 to index
          %get3A_334 = arith.constant 224 : index
          %get3A_335 = tpu.vector_load %arg12[%get3A_333, %get3A_334] {strides = array<i32>} : memref<64x256xf32, #tpu.memory_space<vmem>>, vector<16xf32>,
          %add3A_336 = vector.broadcast %scan3A_263 : i32 to vector<16xi32>
          %add3A_337 = arith.addi %mul3A_90, %add3A_336 : vector<16xi32>
          tpu.vector_store_idx %arg13[%add3A_337], %get3A_335 : memref<16384xf32, #tpu.memory_space<vmem>>[vector<16xi32>], vector<16xf32>,
          %get3A_338 = arith.index_cast %scan3A_263 : i32 to index
          %get3A_339 = arith.constant 240 : index
          %get3A_340 = tpu.vector_load %arg12[%get3A_338, %get3A_339] {strides = array<i32>} : memref<64x256xf32, #tpu.memory_space<vmem>>, vector<16xf32>,
          %add3A_341 = vector.broadcast %scan3A_263 : i32 to vector<16xi32>
          %add3A_342 = arith.addi %mul3A_96, %add3A_341 : vector<16xi32>
          tpu.vector_store_idx %arg13[%add3A_342], %get3A_340 : memref<16384xf32, #tpu.memory_space<vmem>>[vector<16xi32>], vector<16xf32>,
          %scan3A_343 = arith.constant 1 : i32
          %scan3A_344 = arith.addi %scan3A_263, %scan3A_343 : i32
          %get3A_345 = arith.index_cast %scan3A_344 : i32 to index
          %get3A_346 = arith.constant 0 : index
          %get3A_347 = tpu.vector_load %arg12[%get3A_345, %get3A_346] {strides = array<i32>} : memref<64x256xf32, #tpu.memory_space<vmem>>, vector<16xf32>,
          %add3A_348 = vector.broadcast %scan3A_344 : i32 to vector<16xi32>
          %add3A_349 = arith.addi %mul3A_6, %add3A_348 : vector<16xi32>
          tpu.vector_store_idx %arg13[%add3A_349], %get3A_347 : memref<16384xf32, #tpu.memory_space<vmem>>[vector<16xi32>], vector<16xf32>,
          %get3A_350 = arith.index_cast %scan3A_344 : i32 to index
          %get3A_351 = arith.constant 16 : index
          %get3A_352 = tpu.vector_load %arg12[%get3A_350, %get3A_351] {strides = array<i32>} : memref<64x256xf32, #tpu.memory_space<vmem>>, vector<16xf32>,
          %add3A_353 = vector.broadcast %scan3A_344 : i32 to vector<16xi32>
          %add3A_354 = arith.addi %mul3A_12, %add3A_353 : vector<16xi32>
          tpu.vector_store_idx %arg13[%add3A_354], %get3A_352 : memref<16384xf32, #tpu.memory_space<vmem>>[vector<16xi32>], vector<16xf32>,
          %get3A_355 = arith.index_cast %scan3A_344 : i32 to index
          %get3A_356 = arith.constant 32 : index
          %get3A_357 = tpu.vector_load %arg12[%get3A_355, %get3A_356] {strides = array<i32>} : memref<64x256xf32, #tpu.memory_space<vmem>>, vector<16xf32>,
          %add3A_358 = vector.broadcast %scan3A_344 : i32 to vector<16xi32>
          %add3A_359 = arith.addi %mul3A_18, %add3A_358 : vector<16xi32>
          tpu.vector_store_idx %arg13[%add3A_359], %get3A_357 : memref<16384xf32, #tpu.memory_space<vmem>>[vector<16xi32>], vector<16xf32>,
          %get3A_360 = arith.index_cast %scan3A_344 : i32 to index
          %get3A_361 = arith.constant 48 : index
          %get3A_362 = tpu.vector_load %arg12[%get3A_360, %get3A_361] {strides = array<i32>} : memref<64x256xf32, #tpu.memory_space<vmem>>, vector<16xf32>,
          %add3A_363 = vector.broadcast %scan3A_344 : i32 to vector<16xi32>
          %add3A_364 = arith.addi %mul3A_24, %add3A_363 : vector<16xi32>
          tpu.vector_store_idx %arg13[%add3A_364], %get3A_362 : memref<16384xf32, #tpu.memory_space<vmem>>[vector<16xi32>], vector<16xf32>,
          %get3A_365 = arith.index_cast %scan3A_344 : i32 to index
          %get3A_366 = arith.constant 64 : index
          %get3A_367 = tpu.vector_load %arg12[%get3A_365, %get3A_366] {strides = array<i32>} : memref<64x256xf32, #tpu.memory_space<vmem>>, vector<16xf32>,
          %add3A_368 = vector.broadcast %scan3A_344 : i32 to vector<16xi32>
          %add3A_369 = arith.addi %mul3A_30, %add3A_368 : vector<16xi32>
          tpu.vector_store_idx %arg13[%add3A_369], %get3A_367 : memref<16384xf32, #tpu.memory_space<vmem>>[vector<16xi32>], vector<16xf32>,
          %get3A_370 = arith.index_cast %scan3A_344 : i32 to index
          %get3A_371 = arith.constant 80 : index
          %get3A_372 = tpu.vector_load %arg12[%get3A_370, %get3A_371] {strides = array<i32>} : memref<64x256xf32, #tpu.memory_space<vmem>>, vector<16xf32>,
          %add3A_373 = vector.broadcast %scan3A_344 : i32 to vector<16xi32>
          %add3A_374 = arith.addi %mul3A_36, %add3A_373 : vector<16xi32>
          tpu.vector_store_idx %arg13[%add3A_374], %get3A_372 : memref<16384xf32, #tpu.memory_space<vmem>>[vector<16xi32>], vector<16xf32>,
          %get3A_375 = arith.index_cast %scan3A_344 : i32 to index
          %get3A_376 = arith.constant 96 : index
          %get3A_377 = tpu.vector_load %arg12[%get3A_375, %get3A_376] {strides = array<i32>} : memref<64x256xf32, #tpu.memory_space<vmem>>, vector<16xf32>,
          %add3A_378 = vector.broadcast %scan3A_344 : i32 to vector<16xi32>
          %add3A_379 = arith.addi %mul3A_42, %add3A_378 : vector<16xi32>
          tpu.vector_store_idx %arg13[%add3A_379], %get3A_377 : memref<16384xf32, #tpu.memory_space<vmem>>[vector<16xi32>], vector<16xf32>,
          %get3A_380 = arith.index_cast %scan3A_344 : i32 to index
          %get3A_381 = arith.constant 112 : index
          %get3A_382 = tpu.vector_load %arg12[%get3A_380, %get3A_381] {strides = array<i32>} : memref<64x256xf32, #tpu.memory_space<vmem>>, vector<16xf32>,
          %add3A_383 = vector.broadcast %scan3A_344 : i32 to vector<16xi32>
          %add3A_384 = arith.addi %mul3A_48, %add3A_383 : vector<16xi32>
          tpu.vector_store_idx %arg13[%add3A_384], %get3A_382 : memref<16384xf32, #tpu.memory_space<vmem>>[vector<16xi32>], vector<16xf32>,
          %get3A_385 = arith.index_cast %scan3A_344 : i32 to index
          %get3A_386 = arith.constant 128 : index
          %get3A_387 = tpu.vector_load %arg12[%get3A_385, %get3A_386] {strides = array<i32>} : memref<64x256xf32, #tpu.memory_space<vmem>>, vector<16xf32>,
          %add3A_388 = vector.broadcast %scan3A_344 : i32 to vector<16xi32>
          %add3A_389 = arith.addi %mul3A_54, %add3A_388 : vector<16xi32>
          tpu.vector_store_idx %arg13[%add3A_389], %get3A_387 : memref<16384xf32, #tpu.memory_space<vmem>>[vector<16xi32>], vector<16xf32>,
          %get3A_390 = arith.index_cast %scan3A_344 : i32 to index
          %get3A_391 = arith.constant 144 : index
          %get3A_392 = tpu.vector_load %arg12[%get3A_390, %get3A_391] {strides = array<i32>} : memref<64x256xf32, #tpu.memory_space<vmem>>, vector<16xf32>,
          %add3A_393 = vector.broadcast %scan3A_344 : i32 to vector<16xi32>
          %add3A_394 = arith.addi %mul3A_60, %add3A_393 : vector<16xi32>
          tpu.vector_store_idx %arg13[%add3A_394], %get3A_392 : memref<16384xf32, #tpu.memory_space<vmem>>[vector<16xi32>], vector<16xf32>,
          %get3A_395 = arith.index_cast %scan3A_344 : i32 to index
          %get3A_396 = arith.constant 160 : index
          %get3A_397 = tpu.vector_load %arg12[%get3A_395, %get3A_396] {strides = array<i32>} : memref<64x256xf32, #tpu.memory_space<vmem>>, vector<16xf32>,
          %add3A_398 = vector.broadcast %scan3A_344 : i32 to vector<16xi32>
          %add3A_399 = arith.addi %mul3A_66, %add3A_398 : vector<16xi32>
          tpu.vector_store_idx %arg13[%add3A_399], %get3A_397 : memref<16384xf32, #tpu.memory_space<vmem>>[vector<16xi32>], vector<16xf32>,
          %get3A_400 = arith.index_cast %scan3A_344 : i32 to index
          %get3A_401 = arith.constant 176 : index
          %get3A_402 = tpu.vector_load %arg12[%get3A_400, %get3A_401] {strides = array<i32>} : memref<64x256xf32, #tpu.memory_space<vmem>>, vector<16xf32>,
          %add3A_403 = vector.broadcast %scan3A_344 : i32 to vector<16xi32>
          %add3A_404 = arith.addi %mul3A_72, %add3A_403 : vector<16xi32>
          tpu.vector_store_idx %arg13[%add3A_404], %get3A_402 : memref<16384xf32, #tpu.memory_space<vmem>>[vector<16xi32>], vector<16xf32>,
          %get3A_405 = arith.index_cast %scan3A_344 : i32 to index
          %get3A_406 = arith.constant 192 : index
          %get3A_407 = tpu.vector_load %arg12[%get3A_405, %get3A_406] {strides = array<i32>} : memref<64x256xf32, #tpu.memory_space<vmem>>, vector<16xf32>,
          %add3A_408 = vector.broadcast %scan3A_344 : i32 to vector<16xi32>
          %add3A_409 = arith.addi %mul3A_78, %add3A_408 : vector<16xi32>
          tpu.vector_store_idx %arg13[%add3A_409], %get3A_407 : memref<16384xf32, #tpu.memory_space<vmem>>[vector<16xi32>], vector<16xf32>,
          %get3A_410 = arith.index_cast %scan3A_344 : i32 to index
          %get3A_411 = arith.constant 208 : index
          %get3A_412 = tpu.vector_load %arg12[%get3A_410, %get3A_411] {strides = array<i32>} : memref<64x256xf32, #tpu.memory_space<vmem>>, vector<16xf32>,
          %add3A_413 = vector.broadcast %scan3A_344 : i32 to vector<16xi32>
          %add3A_414 = arith.addi %mul3A_84, %add3A_413 : vector<16xi32>
          tpu.vector_store_idx %arg13[%add3A_414], %get3A_412 : memref<16384xf32, #tpu.memory_space<vmem>>[vector<16xi32>], vector<16xf32>,
          %get3A_415 = arith.index_cast %scan3A_344 : i32 to index
          %get3A_416 = arith.constant 224 : index
          %get3A_417 = tpu.vector_load %arg12[%get3A_415, %get3A_416] {strides = array<i32>} : memref<64x256xf32, #tpu.memory_space<vmem>>, vector<16xf32>,
          %add3A_418 = vector.broadcast %scan3A_344 : i32 to vector<16xi32>
          %add3A_419 = arith.addi %mul3A_90, %add3A_418 : vector<16xi32>
          tpu.vector_store_idx %arg13[%add3A_419], %get3A_417 : memref<16384xf32, #tpu.memory_space<vmem>>[vector<16xi32>], vector<16xf32>,
          %get3A_420 = arith.index_cast %scan3A_344 : i32 to index
          %get3A_421 = arith.constant 240 : index
          %get3A_422 = tpu.vector_load %arg12[%get3A_420, %get3A_421] {strides = array<i32>} : memref<64x256xf32, #tpu.memory_space<vmem>>, vector<16xf32>,
          %add3A_423 = vector.broadcast %scan3A_344 : i32 to vector<16xi32>
          %add3A_424 = arith.addi %mul3A_96, %add3A_423 : vector<16xi32>
          tpu.vector_store_idx %arg13[%add3A_424], %get3A_422 : memref<16384xf32, #tpu.memory_space<vmem>>[vector<16xi32>], vector<16xf32>,
        }
        %scan3A_244 = arith.constant 64 : i32
        %mul3A_245 = arith.constant 123 : i32
        %mul3A_246 = arith.muli %add3A, %mul3A_245 : i32
        %add3A_247 = arith.addi %mul3A_246, %add3A_218 : i32
        %min3A_248 = arith.constant 3905 : i32
        %min3A_249 = arith.minsi %add3A_247, %min3A_248 : i32
        %mul3A_250 = arith.constant 256 : i32
        %mul3A_251 = arith.muli %min3A_249, %mul3A_250 : i32
        %mul3A_252 = arith.constant 64 : i32
        %mul3A_253 = arith.muli %mul3A_251, %mul3A_252 : i32
        %dma_start3A_254 = tpu.memref_slice %arg7[%mul3A_253] : memref<64000000xf32, #tpu.memory_space<hbm>> -> memref<16384xf32, #tpu.memory_space<hbm>>
        %dma_start3A_255 = tpu.memref_slice %arg7[%mul3A_253] : memref<64000000xf32, #tpu.memory_space<hbm>> -> memref<16384xf32, #tpu.memory_space<hbm>>
        tpu.enqueue_dma source(%arg13 : memref<16384xf32, #tpu.memory_space<vmem>>) target(%dma_start3A_255 : memref<16384xf32, #tpu.memory_space<hbm>>) target_semaphore(%arg15 : memref<!tpu.dma_semaphore, #tpu.memory_space<semaphore_mem>>)
        %add3A_256 = arith.constant 2 : i32
        %add3A_257 = arith.addi %add3A_218, %add3A_256 : i32
        %lt3A_258 = arith.constant 123 : i32
        %lt3A_259 = arith.cmpi slt, %add3A_257, %lt3A_258 : i32
        %convert_element_type3A_260 = arith.extui %lt3A_259 : i1 to i32
        %cond3A_261 = arith.constant 0 : i32
        %cond3A_262 = arith.cmpi ne, %convert_element_type3A_260, %cond3A_261 : i32
        scf.if %cond3A_262 {
          %add3A_263 = arith.constant 2 : i32
          %add3A_264 = arith.addi %add3A_218, %add3A_263 : i32
          %mul3A_265 = arith.constant 123 : i32
          %mul3A_266 = arith.muli %add3A, %mul3A_265 : i32
          %add3A_267 = arith.addi %mul3A_266, %add3A_264 : i32
          %min3A_268 = arith.constant 3905 : i32
          %min3A_269 = arith.minsi %add3A_267, %min3A_268 : i32
          %mul3A_270 = arith.constant 256 : i32
          %mul3A_271 = arith.muli %min3A_269, %mul3A_270 : i32
          %dma_start3A_272 = arith.constant 0 : i32
          %dma_start3A_273 = tpu.memref_slice %arg3[%dma_start3A_272, %mul3A_271] : memref<64x1000000xf32, #tpu.memory_space<hbm>> -> memref<64x256xf32, #tpu.memory_space<hbm>>
          %dma_start3A_274 = arith.constant 0 : i32
          %dma_start3A_275 = tpu.memref_slice %arg3[%dma_start3A_274, %mul3A_271] : memref<64x1000000xf32, #tpu.memory_space<hbm>> -> memref<64x256xf32, #tpu.memory_space<hbm>>
          tpu.enqueue_dma source(%dma_start3A_275 : memref<64x256xf32, #tpu.memory_space<hbm>>) target(%arg12 : memref<64x256xf32, #tpu.memory_space<vmem>>) target_semaphore(%arg14 : memref<!tpu.dma_semaphore, #tpu.memory_space<semaphore_mem>>)
        } else {
        }
      } else {
      }
    }
    %scan3A_178 = arith.constant 62 : i32
    %mul3A_179 = arith.constant 123 : i32
    %mul3A_180 = arith.muli %add3A, %mul3A_179 : i32
    %add3A_181 = arith.constant 122 : i32
    %add3A_182 = arith.addi %mul3A_180, %add3A_181 : i32
    %min3A_183 = arith.constant 3905 : i32
    %min3A_184 = arith.minsi %add3A_182, %min3A_183 : i32
    %mul3A_185 = arith.constant 256 : i32
    %mul3A_186 = arith.muli %min3A_184, %mul3A_185 : i32
    %mul3A_187 = arith.constant 64 : i32
    %mul3A_188 = arith.muli %mul3A_186, %mul3A_187 : i32
    %dma_wait3A_189 = tpu.memref_slice %arg7[%mul3A_188] : memref<64000000xf32, #tpu.memory_space<hbm>> -> memref<16384xf32, #tpu.memory_space<hbm>>
    %dma_wait3A_190 = tpu.memref_slice %arg7[%mul3A_188] : memref<64000000xf32, #tpu.memory_space<hbm>> -> memref<16384xf32, #tpu.memory_space<hbm>>
    tpu.wait_dma2 semaphore(%arg11 : memref<!tpu.dma_semaphore, #tpu.memory_space<semaphore_mem>>) src(%arg9 : memref<16384xf32, #tpu.memory_space<vmem>>) dst(%dma_wait3A_190 : memref<16384xf32, #tpu.memory_space<hbm>>)
    %mul3A_191 = arith.constant 123 : i32
    %mul3A_192 = arith.muli %add3A, %mul3A_191 : i32
    %add3A_193 = arith.constant 121 : i32
    %add3A_194 = arith.addi %mul3A_192, %add3A_193 : i32
    %min3A_195 = arith.constant 3905 : i32
    %min3A_196 = arith.minsi %add3A_194, %min3A_195 : i32
    %mul3A_197 = arith.constant 256 : i32
    %mul3A_198 = arith.muli %min3A_196, %mul3A_197 : i32
    %mul3A_199 = arith.constant 64 : i32
    %mul3A_200 = arith.muli %mul3A_198, %mul3A_199 : i32
    %dma_wait3A_201 = tpu.memref_slice %arg7[%mul3A_200] : memref<64000000xf32, #tpu.memory_space<hbm>> -> memref<16384xf32, #tpu.memory_space<hbm>>
    %dma_wait3A_202 = tpu.memref_slice %arg7[%mul3A_200] : memref<64000000xf32, #tpu.memory_space<hbm>> -> memref<16384xf32, #tpu.memory_space<hbm>>
    tpu.wait_dma2 semaphore(%arg15 : memref<!tpu.dma_semaphore, #tpu.memory_space<semaphore_mem>>) src(%arg13 : memref<16384xf32, #tpu.memory_space<vmem>>) dst(%dma_wait3A_202 : memref<16384xf32, #tpu.memory_space<hbm>>)
    %eq3A_203 = arith.constant 0 : i32
    %eq3A_204 = arith.cmpi eq, %add3A, %eq3A_203 : i32
    %convert_element_type3A_205 = arith.extui %eq3A_204 : i1 to i32
    %cond3A_206 = arith.constant 0 : i32
    %cond3A_207 = arith.cmpi ne, %convert_element_type3A_205, %cond3A_206 : i32
    scf.if %cond3A_207 {
      tpu.enqueue_dma source(%arg5 : memref<64x256xf32, #tpu.memory_space<hbm>>) target(%arg8 : memref<64x256xf32, #tpu.memory_space<vmem>>) target_semaphore(%arg10 : memref<!tpu.dma_semaphore, #tpu.memory_space<semaphore_mem>>)
      tpu.wait_dma2 semaphore(%arg10 : memref<!tpu.dma_semaphore, #tpu.memory_space<semaphore_mem>>) src(%arg5 : memref<64x256xf32, #tpu.memory_space<hbm>>) dst(%arg8 : memref<64x256xf32, #tpu.memory_space<vmem>>)
      %scan3A_208 = arith.constant 0 : i32
      %scan3A_209 = arith.constant 0 : i32
      %scan3A_210 = arith.constant 64 : i32
      %scan3A_211 = arith.addi %scan3A_209, %scan3A_210 : i32
      %scan3A_212 = arith.constant 2 : i32
      scf.for %scan3A_230 = %scan3A_209 to %scan3A_211 step %scan3A_212  : i32 {
        %get3A = arith.index_cast %scan3A_230 : i32 to index
        %get3A_231 = arith.constant 0 : index
        %get3A_232 = tpu.vector_load %arg8[%get3A, %get3A_231] {strides = array<i32>} : memref<64x256xf32, #tpu.memory_space<vmem>>, vector<16xf32>,
        %add3A_233 = vector.broadcast %scan3A_230 : i32 to vector<16xi32>
        %add3A_234 = arith.addi %mul3A_6, %add3A_233 : vector<16xi32>
        tpu.vector_store_idx %arg9[%add3A_234], %get3A_232 : memref<16384xf32, #tpu.memory_space<vmem>>[vector<16xi32>], vector<16xf32>,
        %get3A_235 = arith.index_cast %scan3A_230 : i32 to index
        %get3A_236 = arith.constant 16 : index
        %get3A_237 = tpu.vector_load %arg8[%get3A_235, %get3A_236] {strides = array<i32>} : memref<64x256xf32, #tpu.memory_space<vmem>>, vector<16xf32>,
        %add3A_238 = vector.broadcast %scan3A_230 : i32 to vector<16xi32>
        %add3A_239 = arith.addi %mul3A_12, %add3A_238 : vector<16xi32>
        tpu.vector_store_idx %arg9[%add3A_239], %get3A_237 : memref<16384xf32, #tpu.memory_space<vmem>>[vector<16xi32>], vector<16xf32>,
        %get3A_240 = arith.index_cast %scan3A_230 : i32 to index
        %get3A_241 = arith.constant 32 : index
        %get3A_242 = tpu.vector_load %arg8[%get3A_240, %get3A_241] {strides = array<i32>} : memref<64x256xf32, #tpu.memory_space<vmem>>, vector<16xf32>,
        %add3A_243 = vector.broadcast %scan3A_230 : i32 to vector<16xi32>
        %add3A_244 = arith.addi %mul3A_18, %add3A_243 : vector<16xi32>
        tpu.vector_store_idx %arg9[%add3A_244], %get3A_242 : memref<16384xf32, #tpu.memory_space<vmem>>[vector<16xi32>], vector<16xf32>,
        %get3A_245 = arith.index_cast %scan3A_230 : i32 to index
        %get3A_246 = arith.constant 48 : index
        %get3A_247 = tpu.vector_load %arg8[%get3A_245, %get3A_246] {strides = array<i32>} : memref<64x256xf32, #tpu.memory_space<vmem>>, vector<16xf32>,
        %add3A_248 = vector.broadcast %scan3A_230 : i32 to vector<16xi32>
        %add3A_249 = arith.addi %mul3A_24, %add3A_248 : vector<16xi32>
        tpu.vector_store_idx %arg9[%add3A_249], %get3A_247 : memref<16384xf32, #tpu.memory_space<vmem>>[vector<16xi32>], vector<16xf32>,
        %scan3A_250 = arith.constant 1 : i32
        %scan3A_251 = arith.addi %scan3A_230, %scan3A_250 : i32
        %get3A_252 = arith.index_cast %scan3A_251 : i32 to index
        %get3A_253 = arith.constant 0 : index
        %get3A_254 = tpu.vector_load %arg8[%get3A_252, %get3A_253] {strides = array<i32>} : memref<64x256xf32, #tpu.memory_space<vmem>>, vector<16xf32>,
        %add3A_255 = vector.broadcast %scan3A_251 : i32 to vector<16xi32>
        %add3A_256 = arith.addi %mul3A_6, %add3A_255 : vector<16xi32>
        tpu.vector_store_idx %arg9[%add3A_256], %get3A_254 : memref<16384xf32, #tpu.memory_space<vmem>>[vector<16xi32>], vector<16xf32>,
        %get3A_257 = arith.index_cast %scan3A_251 : i32 to index
        %get3A_258 = arith.constant 16 : index
        %get3A_259 = tpu.vector_load %arg8[%get3A_257, %get3A_258] {strides = array<i32>} : memref<64x256xf32, #tpu.memory_space<vmem>>, vector<16xf32>,
        %add3A_260 = vector.broadcast %scan3A_251 : i32 to vector<16xi32>
        %add3A_261 = arith.addi %mul3A_12, %add3A_260 : vector<16xi32>
        tpu.vector_store_idx %arg9[%add3A_261], %get3A_259 : memref<16384xf32, #tpu.memory_space<vmem>>[vector<16xi32>], vector<16xf32>,
        %get3A_262 = arith.index_cast %scan3A_251 : i32 to index
        %get3A_263 = arith.constant 32 : index
        %get3A_264 = tpu.vector_load %arg8[%get3A_262, %get3A_263] {strides = array<i32>} : memref<64x256xf32, #tpu.memory_space<vmem>>, vector<16xf32>,
        %add3A_265 = vector.broadcast %scan3A_251 : i32 to vector<16xi32>
        %add3A_266 = arith.addi %mul3A_18, %add3A_265 : vector<16xi32>
        tpu.vector_store_idx %arg9[%add3A_266], %get3A_264 : memref<16384xf32, #tpu.memory_space<vmem>>[vector<16xi32>], vector<16xf32>,
        %get3A_267 = arith.index_cast %scan3A_251 : i32 to index
        %get3A_268 = arith.constant 48 : index
        %get3A_269 = tpu.vector_load %arg8[%get3A_267, %get3A_268] {strides = array<i32>} : memref<64x256xf32, #tpu.memory_space<vmem>>, vector<16xf32>,
        %add3A_270 = vector.broadcast %scan3A_251 : i32 to vector<16xi32>
        %add3A_271 = arith.addi %mul3A_24, %add3A_270 : vector<16xi32>
        tpu.vector_store_idx %arg9[%add3A_271], %get3A_269 : memref<16384xf32, #tpu.memory_space<vmem>>[vector<16xi32>], vector<16xf32>,
      }
      %scan3A_213 = arith.constant 64 : i32
      %dma_start3A_214 = arith.constant 0 : i32
      %dma_start3A_215 = tpu.memref_slice %arg9[%dma_start3A_214] : memref<16384xf32, #tpu.memory_space<vmem>> -> memref<4096xf32, #tpu.memory_space<vmem>>
      %dma_start3A_216 = arith.constant 63995904 : i32
      %dma_start3A_217 = tpu.memref_slice %arg7[%dma_start3A_216] : memref<64000000xf32, #tpu.memory_space<hbm>> -> memref<4096xf32, #tpu.memory_space<hbm>>
      %dma_start3A_218 = arith.constant 63995904 : i32
      %dma_start3A_219 = tpu.memref_slice %arg7[%dma_start3A_218] : memref<64000000xf32, #tpu.memory_space<hbm>> -> memref<4096xf32, #tpu.memory_space<hbm>>
      %dma_start3A_220 = arith.constant 0 : i32
      %dma_start3A_221 = tpu.memref_slice %arg9[%dma_start3A_220] : memref<16384xf32, #tpu.memory_space<vmem>> -> memref<4096xf32, #tpu.memory_space<vmem>>
      tpu.enqueue_dma source(%dma_start3A_221 : memref<4096xf32, #tpu.memory_space<vmem>>) target(%dma_start3A_219 : memref<4096xf32, #tpu.memory_space<hbm>>) target_semaphore(%arg11 : memref<!tpu.dma_semaphore, #tpu.memory_space<semaphore_mem>>)
      %dma_wait3A_222 = arith.constant 0 : i32
      %dma_wait3A_223 = tpu.memref_slice %arg9[%dma_wait3A_222] : memref<16384xf32, #tpu.memory_space<vmem>> -> memref<4096xf32, #tpu.memory_space<vmem>>
      %dma_wait3A_224 = arith.constant 63995904 : i32
      %dma_wait3A_225 = tpu.memref_slice %arg7[%dma_wait3A_224] : memref<64000000xf32, #tpu.memory_space<hbm>> -> memref<4096xf32, #tpu.memory_space<hbm>>
      %dma_wait3A_226 = arith.constant 63995904 : i32
      %dma_wait3A_227 = tpu.memref_slice %arg7[%dma_wait3A_226] : memref<64000000xf32, #tpu.memory_space<hbm>> -> memref<4096xf32, #tpu.memory_space<hbm>>
      %dma_wait3A_228 = arith.constant 0 : i32
      %dma_wait3A_229 = tpu.memref_slice %arg9[%dma_wait3A_228] : memref<16384xf32, #tpu.memory_space<vmem>> -> memref<4096xf32, #tpu.memory_space<vmem>>
      tpu.wait_dma2 semaphore(%arg11 : memref<!tpu.dma_semaphore, #tpu.memory_space<semaphore_mem>>) src(%dma_wait3A_229 : memref<4096xf32, #tpu.memory_space<vmem>>) dst(%dma_wait3A_227 : memref<4096xf32, #tpu.memory_space<hbm>>)
    } else {
    }
    return
  }
}

</mosaic_0001>

<sc_bundles>
// kernel: kernel.4.cloned.1.call-start
scs
__scs_entry_jumppad:
0x0: {  	(pc) =	sbr.rel $0x88, $3  }
0x1: {  	(tag) =	ssettag $0x0;
	lr =	simm.s32 $0x1  }
0x2: {  	[smem:$0x3F9C] =	sst lr;
	_ =	strace $0xD0000000  }
0x3: {  	_ = 	snop  }
0x4: {  	_ = 	snop  }
0x5: {  	_ = 	snop  }
0x6: {  	_ = 	snop  }
0x7: {  	_ = 	snop  }
__scs_overlays_trampoline_lowered:
0x8: {  	[smem:$0x3FAB] =	sst s0  }
0x9: {  	[smem:$0x3FAC] =	sst s1  }
0xa: {  	[smem:$0x3FAD] =	sst s2  }
0xb: {  	[smem:$0x3FAE] =	sst s3  }
0xc: {  	[smem:$0x3FAF] =	sst s4  }
0xd: {  	[smem:$0x3FB0] =	sst s5  }
0xe: {  	[smem:$0x3FB1] =	sst s6  }
0xf: {  	[smem:$0x3FB2] =	sst s7  }
0x10: {  	[smem:$0x3FB3] =	sst s8  }
0x11: {  	[smem:$0x3FB4] =	sst s9;
	s0 =	simm.s32 @!p0 $0x0  }
0x12: {  	s1 =	sld [smem:$0x3F9A];
	s0 =	simm.s32 @p0 $0x1  }
0x13: {  	[smem:$0x3FB5] =	sst s0;
	s0 =	simm.s32 @!p1 $0x0  }
0x14: {  	s2 =	sld [smem:$0x3F99];
	s0 =	simm.s32 @p1 $0x1  }
0x15: {  	[smem:$0x3FB6] =	sst s0;
	s0 =	simm.s32 @!p2 $0x0  }
0x16: {  	s3 =	sld [smem:$0x3FDB];
	s0 =	simm.s32 @p2 $0x1  }
0x17: {  	s4 =	simm.s32 $0x1BF5;
	[smem:$0x3FB8] =	sst s0  }
0x18: {  	s0 =	sld [smem:$0x3F9B];
	_ =	swait.ge [sflag:s4], $0x0  }
0x19: {  	s7 =	sld [smem:$0x3F9C]  }
0x1a: {  	s8 =	sadd.s32 $0xFFFFE003, lr  }
0x1b: {  	s9 =	sadd.s32 $0xFFFFFEF7, lr;
	s5 =	simm.s32 $0xFFFFFFFF;
	p2 =	slt.u32 s8, $0xFFFFF086  }
0x1c: {  	p1 =	slt.u32 s9, $0xF7A;
	s5 =	simm.s32 @!p2 $0x0  }
0x1d: {  	s5 =	simm.s32 @p1 $0x1;
	p0 =	seq.s32 s7, s2  }
0x1e: {  	s7 =	smul.u32 @!p0 $0xF7A, s2;
	p2 =	seq.s32 @!p0 s5, $0x0  }
0x1f: {  	s9 =	smul.u32 $0xF7A, s1;
	s8 =	simm.s32 @!p0 $0x1BF5;
	p2 =	por !p2, p0  }
0x20: {  	[sflag:s8] =	ssyncset.s32 @!p0 $0xFFFFF086;
	s6 =	sadd.s32 @!p0 s3, s7;
	s7 =	simm.s32 @!p0 $0x108  }
0x21: {  	s3 =	sadd.s32 s3, s9;
	s6 =	sadd.s32 @!p0 $0x88, s6;
	s7 =	simm.s32 @p2 $0x1082  }
0x22: {  	[simem:s7], [sflag:s8] =	dma.local @!p0 [hbm:s6], $0xF7A  }
0x23: {  	s9 =	sor.u32 $0xD0000000, s2;
	s6 =	simm.s32 $0x108;
	_ =	swait.ge @!p0 [sflag:s8], $0x0  }
0x24: {  	s3 =	sadd.s32 $0x88, s3;
	s6 =	simm.s32 @!p1 $0x1082;
	[sflag:s4] =	ssyncset.s32 $0xFFFFF086  }
0x25: {  	[simem:s6], [sflag:s4] =	dma.local [hbm:s3], $0xF7A  }
0x26: {  	[smem:$0x3F9C] =	sst s1;
	(tag) =	ssettag s2;
	_ =	strace s9  }
0x27: {  	s1 =	sld [smem:$0x3FAC]  }
0x28: {  	s2 =	sld [smem:$0x3FAD]  }
0x29: {  	s4 =	sld [smem:$0x3FAF]  }
0x2a: {  	p0 =	seq.s32 s5, $0x0;
	s5 =	sld [smem:$0x3FB0]  }
0x2b: {  	s6 =	sld [smem:$0x3FB1]  }
0x2c: {  	s7 =	sld [smem:$0x3FB2]  }
0x2d: {  	s3 =	simm.s32 $0x108;
	s8 =	sld [smem:$0x3FB3]  }
0x2e: {  	s3 =	simm.s32 @!p0 $0x1082;
	s9 =	sld [smem:$0x3FB4]  }
0x2f: {  	lr =	sadd.s32 s0, s3;
	s0 =	sld [smem:$0x3FAB]  }
0x30: {  	s3 =	sld [smem:$0x3FAE]  }
0x31: {  	[smem:$0x3FB7] =	sst s10  }
0x32: {  	s10 =	sld [smem:$0x3FB5];
	_ =	sdelay $0x3  }
0x33: {  	p0 =	seq.s32 s10, $0x1;
	s10 =	sld [smem:$0x3FB7];
	_ =	sdelay $0x3  }
0x34: {  	[smem:$0x3FB7] =	sst s10  }
0x35: {  	s10 =	sld [smem:$0x3FB6];
	_ =	sdelay $0x3  }
0x36: {  	p1 =	seq.s32 s10, $0x1;
	s10 =	sld [smem:$0x3FB7];
	_ =	sdelay $0x3  }
0x37: {  	[smem:$0x3FB7] =	sst s10  }
0x38: {  	s10 =	sld [smem:$0x3FB8]  }
0x39: {  	_ = 	snop;
	(pc) =	sbr.ind lr, $3  }
0x3a: {  	_ = 	snop  }
0x3b: {  	_ = 	snop  }
0x3c: {  	p2 =	seq.s32 s10, $0x1;
	s10 =	sld [smem:$0x3FB7]  }
0x3d: {  	_ =	shalt  }
0x3e: {  	_ =	shalt  }
0x3f: {  	_ =	shalt  }
0x40: {  	_ =	shalt  }
0x41: {  	_ =	shalt  }
0x42: {  	_ =	shalt  }
0x43: {  	_ =	shalt  }
0x44: {  	_ =	shalt  }
0x45: {  	_ =	shalt  }
0x46: {  	_ =	shalt  }
0x47: {  	_ =	shalt  }
0x48: {  	_ =	shalt  }
0x49: {  	_ =	shalt  }
0x4a: {  	_ =	shalt  }
0x4b: {  	_ =	shalt  }
0x4c: {  	_ =	shalt  }
0x4d: {  	_ =	shalt  }
0x4e: {  	_ =	shalt  }
0x4f: {  	_ =	shalt  }
0x50: {  	_ =	shalt  }
0x51: {  	_ =	shalt  }
0x52: {  	_ =	shalt  }
0x53: {  	_ =	shalt  }
0x54: {  	_ =	shalt  }
0x55: {  	_ =	shalt  }
0x56: {  	_ =	shalt  }
0x57: {  	_ =	shalt  }
0x58: {  	_ =	shalt  }
0x59: {  	_ =	shalt  }
0x5a: {  	_ =	shalt  }
0x5b: {  	_ =	shalt  }
0x5c: {  	_ =	shalt  }
0x5d: {  	_ =	shalt  }
0x5e: {  	_ =	shalt  }
0x5f: {  	_ =	shalt  }
0x60: {  	_ =	shalt  }
0x61: {  	_ =	shalt  }
0x62: {  	_ =	shalt  }
0x63: {  	_ =	shalt  }
0x64: {  	_ =	shalt  }
0x65: {  	_ =	shalt  }
0x66: {  	_ =	shalt  }
0x67: {  	_ =	shalt  }
0x68: {  	_ =	shalt  }
0x69: {  	_ =	shalt  }
0x6a: {  	_ =	shalt  }
0x6b: {  	_ =	shalt  }
0x6c: {  	_ =	shalt  }
0x6d: {  	_ =	shalt  }
0x6e: {  	_ =	shalt  }
0x6f: {  	_ =	shalt  }
0x70: {  	_ =	shalt  }
0x71: {  	_ =	shalt  }
0x72: {  	_ =	shalt  }
0x73: {  	_ =	shalt  }
0x74: {  	_ =	shalt  }
0x75: {  	_ =	shalt  }
0x76: {  	_ =	shalt  }
0x77: {  	_ =	shalt  }
0x78: {  	_ =	shalt  }
0x79: {  	_ =	shalt  }
0x7a: {  	_ =	shalt  }
0x7b: {  	_ =	shalt  }
0x7c: {  	_ =	shalt  }
0x7d: {  	_ =	shalt  }
0x7e: {  	_ =	shalt  }
0x7f: {  	_ =	shalt  }
0x80: {  	_ =	shalt  }
0x81: {  	_ =	shalt  }
0x82: {  	_ =	shalt  }
0x83: {  	_ =	shalt  }
0x84: {  	_ =	shalt  }
0x85: {  	_ =	shalt  }
0x86: {  	_ =	shalt  }
0x87: {  	_ =	shalt  }
.Lfunc_end0:
.L_simem_size_0:
called_computation_lowered:
.L_overlay_start_0:
0x88: {  	s2 =	sld [smem:$0x3FD9]  }
0x89: {  	s3 =	sld [smem:$0x3FFE];
	_ =	sdelay $0x1  }
0x8a: {  	s1 =	srdreg.scid  }
0x8b: {  	s0 =	sand.u32 $0x1, s1  }
0x8c: {  	s14 =	sshll.u32 s0, $0xA;
	s2 =	sadd.s32 s3, s2  }
0x8d: {  	s2 =	sadd.s32 s2, s14  }
0x8e: {  	[smem:$0x3FC3] =	sst s2  }
0x8f: {  	_ = 	snop  }
0x90: {  	s2 =	sld [smem:$0x3FD0];
	_ =	sdelay $0x1  }
0x91: {  	s15 =	sld [smem:$0x3FC6]  }
0x92: {  	s5 =	simm.s32 $0xA;
	s6 =	simm.s32 $0x10;
	s4 =	sld [smem:$0x3FC5]  }
0x93: {  	[smem:s6], [sflag:s5] =	dma.local [hbm:s2], $0x1  }
0x94: {  	_ =	swait.eq [sflag:s5], $0x1  }
0x95: {  	[sflag:s5] =	ssyncset.done $0x0  }
0x96: {  	[sflag:s5] =	ssyncadd.s32 $0xFFFFFFFF  }
0x97: {  	s16 =	sld [smem:$0x10];
	(tm) =	ssettm $0x1  }
0x98: {  	s17 =	sld [smem:$0x3FFB];
	_ =	sdelay $0x3  }
0x99: {  	_ =	strace s17  }
0x9a: {  	s5 =	sld [smem:$0x3FFC];
	_ =	sdelay $0x3  }
0x9b: {  	_ =	strace s5  }
0x9c: {  	s5 =	sld [smem:$0x3FFD];
	_ =	sdelay $0x3  }
0x9d: {  	_ =	strace s5  }
0x9e: {  	_ =	strace $0x8FFFFFFF  }
0x9f: {  	s18 =	sld [smem:$0x3FDB];
	_ =	sdelay $0x1  }
0xa0: {  	s19 =	simm.s32 $_scs_section_size  }
0xa1: {  	s7 =	simm.s32 $_size__tile_overlayer_lowered;
	s8 =	simm.s32 $_tile_overlayer_lowered  }
0xa2: {  	s22 =	simm.s32 $0x1BFF;
	s21 =	sshll.u32 s8, $0x1;
	s5 =	sadd.s32 s19, s18  }
0xa3: {  	s9 =	simm.s32 $0x0;
	s20 =	sshll.u32 s7, $0x1;
	s7 =	sadd.s32 s21, s5  }
0xa4: {  	[timem:s9], [sflag:s22] =	dma.local [hbm:s7], s20  }
0xa5: {  	_ =	swait.ge [sflag:s22], s20  }
0xa6: {  	s6 =	ssub.s32 $0x0, s20;
	[sflag:s22] =	ssyncset.done $0x0  }
0xa7: {  	[sflag:s22] =	ssyncadd.s32 s6;
	_ =	sdelay $0x1  }
0xa8: {  	s23 =	simm.s32 $0x1B8B  }
0xa9: {  	_ =	swait.ge [sflag:s23], $0x1  }
0xaa: {  	[sflag:s23] =	ssyncset.done $0x0  }
0xab: {  	s25 =	simm.s32 $0x1B8E;
	s24 =	sld [smem:$0x3FFE];
	[sflag:s23] =	ssyncadd.s32 $0xFFFFFFFF  }
0xac: {  	s26 =	simm.s32 $execute0_lowered;
	[smem:$0x3FD2] =	sst s25  }
0xad: {  	s7 =	sshll.u32 s26, $0x1;
	_ =	strace $0x80000046;
	[dreg:$0x1] =	wrdreg $0xFFFFFFFF  }
0xae: {  	s28 =	simm.s32 $_size_execute0_lowered;
	s5 =	sadd.s32 s5, s7;
	[dreg:$0x0] =	wrdreg $0x0  }
0xaf: {  	s7 =	sshll.u32 s28, $0x1;
	[dreg:$0x2] =	wrdreg s5  }
0xb0: {  	[dreg:$0x3] =	wrdreg s7  }
0xb1: {  	[dreg:$0x4] =	wrdreg $0xC0  }
0xb2: {  	_ =	task [dreg:s9], $0x5FFFF  }
0xb3: {  	[dreg:$0x1] =	wrdreg $0xFFFFFFFF  }
0xb4: {  	[dreg:$0x0] =	wrdreg $0x60  }
0xb5: {  	[dreg:$0x2] =	wrdreg s15  }
0xb6: {  	[dreg:$0x3] =	wrdreg s4  }
0xb7: {  	[dreg:$0x4] =	wrdreg s16  }
0xb8: {  	[dreg:$0x5] =	wrdreg s24  }
0xb9: {  	[dreg:$0x6] =	wrdreg $0x9  }
0xba: {  	_ =	task.clear_ibuf [dreg:s9], $0x7FFFF;
	_ =	strace $0x90000046  }
0xbb: {  	s29 =	simm.s32 $0x9;
	_ =	strace $0x80000048  }
0xbc: {  	_ =	swait.ge [sflag:s29], $0x1  }
0xbd: {  	[sflag:s29] =	ssyncadd.s32 $0xFFFFFFFF  }
0xbe: {  	_ =	strace $0x90000048  }
0xbf: {  	_ =	sfence  }
0xc0: {  	s30 =	sld [smem:$0x0];
	_ =	sdelay $0x2  }
0xc1: {  	s31 =	sshll.u32 s1, $0xD;
	s1 =	sshrl.u32 s1, $0x2  }
0xc2: {  	s3 =	sand.u32 $0x4000, s31;
	s1 =	sadd.s32 s1, s30  }
0xc3: {  	s0 =	sor.u32 s3, s0;
	s1 =	sshll.u32 s1, $0x11  }
0xc4: {  	s0 =	sor.u32 s1, s0  }
0xc5: {  	s0 =	sadd.s32 $0x8F2B, s0  }
0xc6: {  	[sflag:s0] =	ssyncadd.remote.s32 $0x1  }
0xc7: {  	_ =	sfence.sel $0xFFFF  }
0xc8: {  	[dreg:$0x0] =	wrdreg $0xFFFFFFFF;
	(pc) =	sbr.abs _section_cstart, $3  }
0xc9: {  	[dreg:$0x1] =	wrdreg $0xFFFFFFFF  }
0xca: {  	_ =	task.clear_ibuf [dreg:s9], $0x2FFFF;
	_ =	strace $0x9FFFFFFF  }
0xcb: {  	(tm) =	ssettm $0x7FFFFFFF  }
tec
execute0_lowered:
.L_overlay_start_1:
0x0: {  	(tag) =	ssettag $0x1  }
0x1: {  	s1 =	rddreg [dreg:$0x0]  }
0x2: {  	s2 =	rddreg [dreg:$0x1]  }
0x3: {  	s0 =	rddreg [dreg:$0x3]  }
0x4: {  	s3 =	srdreg.scid;
	s4 =	stileid.u32;
	s5 =	simm.s32 $0x0  }
0x5: {  	s19 =	simm.s32 $0x800;
	s20 =	simm.s32 $0x7A1400;
	s22 =	simm.s32 $0x1  }
0x6: {  	s23 =	simm.s32 $0x4000;
	s24 =	simm.s32 $0x2;
	s28 =	simm.s32 $0xC000  }
0x7: {  	s29 =	simm.s32 $0x0;
	s3 =	sand.u32 $0x1, s3;
	[smem:$0x7FF] =	sst s5  }
0x8: {  	s6 =	sadd.s32 $0x1200, s0;
	s7 =	sadd.s32 $0x1A00, s0;
	s8 =	sadd.s32 $0x7A2C00, s0  }
0x9: {  	s4 =	sshll.u32 s4, $0x1;
	s31 =	sadd.s32 $0x7A2A00, s0;
	s0 =	sadd.s32 $0xF43C00, s0  }
0xa: {  	v0 =	vlaneseq.u32;
	s4 =	sor.u32 s3, s4;
	_ =	strace $0x80000047;
	[dreg:$0x5] =	wrdreg s6  }
0xb: {  	v0 =	vmul.u32 $0x40, v0;
	s3 =	ssub.s32 $0x2, s3;
	[dreg:$0x8] =	wrdreg s31;
	s25 =	smul.u32 $0x7B00, s4  }
0xc: {  	[dreg:$0x9] =	wrdreg s0;
	s10 =	sshrl.u32 s3, $0x1;
	s9 =	smul.u32 $0x7B, s4  }
.Ltmp0:
0xd: {  	v1 =	vor.u32 $0x400, v0;
	v2 =	vor.u32 $0x800, v0;
	v3 =	vor.u32 $0xC00, v0;
	p0 =	sne.s32 s4, $0x0;
	s3 =	ssub.s32 s3, s10;
	(pc) =	sbr.rel .LBB2_1-.Ltmp0, $4  }
0xe: {  	v4 =	vor.u32 $0x1000, v0;
	v5 =	vor.u32 $0x1400, v0;
	v6 =	vor.u32 $0x1800, v0;
	s14 =	sadd.s32 $0x100, s25;
	s26 =	sadd.s32 s1, s25;
	s12 =	sadd.s32 $0x2, s9  }
0xf: {  	v7 =	vor.u32 $0x1C00, v0;
	v8 =	vor.u32 $0x2000, v0;
	v9 =	vor.u32 $0x2400, v0;
	s13 =	sadd.s32 $0x3, s9;
	s15 =	sadd.s32 s2, s25;
	s18 =	smax.u32 s3, $0x1  }
0x10: {  	v10 =	vor.u32 $0x2800, v0;
	v11 =	vor.u32 $0x2C00, v0;
	v12 =	vor.u32 $0x3000, v0;
	s25 =	simm.s32 $0x4;
	[dreg:$0x6] =	wrdreg s26;
	s30 =	sadd.s32 s1, s14  }
0x11: {  	v13 =	vor.u32 $0x3400, v0;
	v14 =	vor.u32 $0x3800, v0;
	v15 =	vor.u32 $0x3C00, v0;
	s16 =	sadd.s32 s2, s14;
	s26 =	simm.s32 $0x3;
	[dreg:$0x7] =	wrdreg s30  }
.LBB2_23:
0x12: {  	_ =	swait.ge [sflag:s24], $0x4000  }
.Ltmp1:
0x13: {  	[sflag:s24] =	ssyncset.done $0x0;
	(pc) =	sbr.rel @!p0 .LBB2_24-.Ltmp1, $4  }
0x14: {  	[sflag:s24] =	ssyncadd.s32 $0xFFFFC000  }
0x15: {  	_ =	swait.ge [sflag:s25], $0x4000  }
0x16: {  	[sflag:s25] =	ssyncset.done $0x0  }
0x17: {  	[sflag:s25] =	ssyncadd.s32 $0xFFFFC000  }
.LBB2_27:
0x18: {  	s29 =	sadd.s32 $0x1, s29  }
0x19: {  	p1 =	sne.s32 s29, s18  }
.Ltmp2:
0x1a: {  	_ = 	snop;
	(pc) =	sbr.rel @!p1 .LBB2_28-.Ltmp2, $1  }
0x1b: {  	_ =	sdelay $0x3  }
.LBB2_1:
.Ltmp3:
0x1c: {  	(pc) =	sbr.rel .LBB2_2-.Ltmp3, $4  }
0x1d: {  	s0 =	rddreg [dreg:$0x6]  }
0x1e: {  	[tilespmem:s5], [sflag:$0x1] =	stream.strided.gather [hbm4b:s0+s19], $0x4000, s20, s19, $0x38;
	[tilespmem:$0x10000] =	vst v63  }
0x1f: {  	s31 =	rddreg [dreg:$0x7];
	s3 =	simm.s32 $0x8000;
	s30 =	simm.s32 $0x0  }
0x20: {  	[tilespmem:s3], [sflag:$0x3] =	stream.strided.gather [hbm4b:s31+s19], $0x4000, s20, s19, $0x38;
	[tilespmem:$0x10000] =	vst v63  }
.LBB2_9:
0x21: {  	s30 =	sadd.s32 $0x1, s30  }
0x22: {  	p1 =	sne.s32 s30, $0x3E  }
.Ltmp4:
0x23: {  	_ = 	snop;
	(pc) =	sbr.rel @!p1 .LBB2_10-.Ltmp4, $1  }
0x24: {  	_ =	sdelay $0x3  }
.LBB2_2:
0x25: {  	_ =	swait.ge [sflag:s22], $0x4000  }
0x26: {  	p1 =	seq.s32 s30, $0x0;
	[sflag:s22] =	ssyncset.done $0x0  }
0x27: {  	s0 =	simm.s32 @!p1 $0x2;
	[sflag:s22] =	ssyncadd.s32 $0xFFFFC000  }
0x28: {  	s3 =	simm.s32 $0x0;
	s4 =	simm.s32 $0x0;
	_ =	swait.ge @!p1 [sflag:s0], $0x4000  }
0x29: {  	s6 =	sand.u32 $0x3800, s3;
	s4 =	sand.u32 $0x300, s4;
	[sflag:s0] =	ssyncset.done @!p1 $0x0  }
0x2a: {  	s14 =	sor.u32 s4, s6;
	[sflag:s0] =	ssyncadd.s32 @!p1 $0xFFFFC000  }
0x2b: {  	v17 =	vor.u32 s3, v0;
	v16 =	vld [tilespmem:s14+$0x0];
	_ =	sdelay $0x4  }
0x2c: {  	[tilespmem:v17+s23+$0x0] =	vst.idx.msk $0xffff, v16  }
0x2d: {  	v17 =	vor.u32 s3, v1;
	v16 =	vld [tilespmem:s14+$0x10];
	_ =	sdelay $0x4  }
0x2e: {  	[tilespmem:v17+s23+$0x0] =	vst.idx.msk $0xffff, v16  }
0x2f: {  	v17 =	vor.u32 s3, v2;
	v16 =	vld [tilespmem:s14+$0x20];
	_ =	sdelay $0x4  }
0x30: {  	[tilespmem:v17+s23+$0x0] =	vst.idx.msk $0xffff, v16  }
0x31: {  	v17 =	vor.u32 s3, v3;
	v16 =	vld [tilespmem:s14+$0x30];
	_ =	sdelay $0x4  }
0x32: {  	[tilespmem:v17+s23+$0x0] =	vst.idx.msk $0xffff, v16  }
0x33: {  	v17 =	vor.u32 s3, v4;
	v16 =	vld [tilespmem:s14+$0x40];
	_ =	sdelay $0x4  }
0x34: {  	[tilespmem:v17+s23+$0x0] =	vst.idx.msk $0xffff, v16  }
0x35: {  	v17 =	vor.u32 s3, v5;
	v16 =	vld [tilespmem:s14+$0x50];
	_ =	sdelay $0x4  }
0x36: {  	[tilespmem:v17+s23+$0x0] =	vst.idx.msk $0xffff, v16  }
0x37: {  	v17 =	vor.u32 s3, v6;
	v16 =	vld [tilespmem:s14+$0x60];
	_ =	sdelay $0x4  }
0x38: {  	[tilespmem:v17+s23+$0x0] =	vst.idx.msk $0xffff, v16  }
0x39: {  	v17 =	vor.u32 s3, v7;
	v16 =	vld [tilespmem:s14+$0x70];
	_ =	sdelay $0x4  }
0x3a: {  	[tilespmem:v17+s23+$0x0] =	vst.idx.msk $0xffff, v16  }
0x3b: {  	v17 =	vor.u32 s3, v8;
	v16 =	vld [tilespmem:s14+$0x400];
	_ =	sdelay $0x4  }
0x3c: {  	[tilespmem:v17+s23+$0x0] =	vst.idx.msk $0xffff, v16  }
0x3d: {  	v17 =	vor.u32 s3, v9;
	v16 =	vld [tilespmem:s14+$0x410];
	_ =	sdelay $0x4  }
0x3e: {  	[tilespmem:v17+s23+$0x0] =	vst.idx.msk $0xffff, v16  }
0x3f: {  	v17 =	vor.u32 s3, v10;
	v16 =	vld [tilespmem:s14+$0x420];
	_ =	sdelay $0x4  }
0x40: {  	[tilespmem:v17+s23+$0x0] =	vst.idx.msk $0xffff, v16  }
0x41: {  	v17 =	vor.u32 s3, v11;
	v16 =	vld [tilespmem:s14+$0x430];
	_ =	sdelay $0x4  }
0x42: {  	[tilespmem:v17+s23+$0x0] =	vst.idx.msk $0xffff, v16  }
0x43: {  	v17 =	vor.u32 s3, v12;
	v16 =	vld [tilespmem:s14+$0x440];
	_ =	sdelay $0x4  }
0x44: {  	[tilespmem:v17+s23+$0x0] =	vst.idx.msk $0xffff, v16  }
0x45: {  	v17 =	vor.u32 s3, v13;
	v16 =	vld [tilespmem:s14+$0x450];
	_ =	sdelay $0x4  }
0x46: {  	[tilespmem:v17+s23+$0x0] =	vst.idx.msk $0xffff, v16  }
0x47: {  	v17 =	vor.u32 s3, v14;
	v16 =	vld [tilespmem:s14+$0x460];
	_ =	sdelay $0x4  }
0x48: {  	[tilespmem:v17+s23+$0x0] =	vst.idx.msk $0xffff, v16  }
0x49: {  	v17 =	vor.u32 s3, v15;
	v16 =	vld [tilespmem:s14+$0x470];
	_ =	sdelay $0x2  }
0x4a: {  	s17 =	simm.s32 $0x80  }
0x4b: {  	s0 =	sand.u32 $0x380, s17  }
0x4c: {  	s10 =	simm.s32 $0x1;
	s6 =	sor.u32 s0, s6;
	[tilespmem:v17+s23+$0x0] =	vst.idx.msk $0xffff, v16  }
0x4d: {  	v17 =	vor.u32 s10, v0;
	v16 =	vld [tilespmem:s6+$0x0];
	_ =	sdelay $0x4  }
0x4e: {  	[tilespmem:v17+s23+$0x0] =	vst.idx.msk $0xffff, v16  }
0x4f: {  	v17 =	vor.u32 s10, v1;
	v16 =	vld [tilespmem:s6+$0x10];
	_ =	sdelay $0x4  }
0x50: {  	[tilespmem:v17+s23+$0x0] =	vst.idx.msk $0xffff, v16  }
0x51: {  	v17 =	vor.u32 s10, v2;
	v16 =	vld [tilespmem:s6+$0x20];
	_ =	sdelay $0x4  }
0x52: {  	[tilespmem:v17+s23+$0x0] =	vst.idx.msk $0xffff, v16  }
0x53: {  	v17 =	vor.u32 s10, v3;
	v16 =	vld [tilespmem:s6+$0x30];
	_ =	sdelay $0x4  }
0x54: {  	[tilespmem:v17+s23+$0x0] =	vst.idx.msk $0xffff, v16  }
0x55: {  	v17 =	vor.u32 s10, v4;
	v16 =	vld [tilespmem:s6+$0x40];
	_ =	sdelay $0x4  }
0x56: {  	[tilespmem:v17+s23+$0x0] =	vst.idx.msk $0xffff, v16  }
0x57: {  	v17 =	vor.u32 s10, v5;
	v16 =	vld [tilespmem:s6+$0x50];
	_ =	sdelay $0x4  }
0x58: {  	[tilespmem:v17+s23+$0x0] =	vst.idx.msk $0xffff, v16  }
0x59: {  	v17 =	vor.u32 s10, v6;
	v16 =	vld [tilespmem:s6+$0x60];
	_ =	sdelay $0x4  }
0x5a: {  	[tilespmem:v17+s23+$0x0] =	vst.idx.msk $0xffff, v16  }
0x5b: {  	v17 =	vor.u32 s10, v7;
	v16 =	vld [tilespmem:s6+$0x70];
	_ =	sdelay $0x4  }
0x5c: {  	[tilespmem:v17+s23+$0x0] =	vst.idx.msk $0xffff, v16  }
0x5d: {  	v17 =	vor.u32 s10, v8;
	v16 =	vld [tilespmem:s6+$0x400];
	_ =	sdelay $0x4  }
0x5e: {  	[tilespmem:v17+s23+$0x0] =	vst.idx.msk $0xffff, v16  }
0x5f: {  	v17 =	vor.u32 s10, v9;
	v16 =	vld [tilespmem:s6+$0x410];
	_ =	sdelay $0x4  }
0x60: {  	[tilespmem:v17+s23+$0x0] =	vst.idx.msk $0xffff, v16  }
0x61: {  	v17 =	vor.u32 s10, v10;
	v16 =	vld [tilespmem:s6+$0x420];
	_ =	sdelay $0x4  }
0x62: {  	[tilespmem:v17+s23+$0x0] =	vst.idx.msk $0xffff, v16  }
0x63: {  	v17 =	vor.u32 s10, v11;
	v16 =	vld [tilespmem:s6+$0x430];
	_ =	sdelay $0x4  }
0x64: {  	[tilespmem:v17+s23+$0x0] =	vst.idx.msk $0xffff, v16  }
0x65: {  	v17 =	vor.u32 s10, v12;
	v16 =	vld [tilespmem:s6+$0x440];
	_ =	sdelay $0x4  }
0x66: {  	[tilespmem:v17+s23+$0x0] =	vst.idx.msk $0xffff, v16  }
0x67: {  	v17 =	vor.u32 s10, v13;
	v16 =	vld [tilespmem:s6+$0x450];
	_ =	sdelay $0x4  }
0x68: {  	[tilespmem:v17+s23+$0x0] =	vst.idx.msk $0xffff, v16  }
0x69: {  	v17 =	vor.u32 s10, v14;
	v16 =	vld [tilespmem:s6+$0x460];
	_ =	sdelay $0x4  }
0x6a: {  	[tilespmem:v17+s23+$0x0] =	vst.idx.msk $0xffff, v16  }
0x6b: {  	s31 =	sshll.u32 s30, $0x1;
	v17 =	vor.u32 s10, v15;
	v16 =	vld [tilespmem:s6+$0x470]  }
0x6c: {  	s21 =	sadd.s32 s9, s31  }
0x6d: {  	s4 =	simm.s32 $0x180;
	s0 =	smin.u32 s21, $0xF41;
	s3 =	simm.s32 $0x2  }
0x6e: {  	s14 =	simm.s32 $0x4;
	s10 =	simm.s32 $0x100;
	s6 =	simm.s32 $0x200  }
.LBB2_3:
0x6f: {  	p2 =	slt.u32 s14, $0x3E;
	s17 =	sand.u32 $0x3800, s6;
	s10 =	sand.u32 $0x300, s10  }
0x70: {  	s10 =	sor.u32 s10, s17;
	[tilespmem:v17+s23+$0x0] =	vst.idx.msk $0xffff, v16  }
0x71: {  	v17 =	vor.u32 s3, v0;
	v16 =	vld [tilespmem:s10+$0x0];
	_ =	sdelay $0x4  }
0x72: {  	[tilespmem:v17+s23+$0x0] =	vst.idx.msk $0xffff, v16  }
0x73: {  	v17 =	vor.u32 s3, v1;
	v16 =	vld [tilespmem:s10+$0x10];
	_ =	sdelay $0x4  }
0x74: {  	[tilespmem:v17+s23+$0x0] =	vst.idx.msk $0xffff, v16  }
0x75: {  	v17 =	vor.u32 s3, v2;
	v16 =	vld [tilespmem:s10+$0x20];
	_ =	sdelay $0x4  }
0x76: {  	[tilespmem:v17+s23+$0x0] =	vst.idx.msk $0xffff, v16  }
0x77: {  	v17 =	vor.u32 s3, v3;
	v16 =	vld [tilespmem:s10+$0x30];
	_ =	sdelay $0x4  }
0x78: {  	[tilespmem:v17+s23+$0x0] =	vst.idx.msk $0xffff, v16  }
0x79: {  	v17 =	vor.u32 s3, v4;
	v16 =	vld [tilespmem:s10+$0x40];
	_ =	sdelay $0x4  }
0x7a: {  	[tilespmem:v17+s23+$0x0] =	vst.idx.msk $0xffff, v16  }
0x7b: {  	v17 =	vor.u32 s3, v5;
	v16 =	vld [tilespmem:s10+$0x50];
	_ =	sdelay $0x4  }
0x7c: {  	[tilespmem:v17+s23+$0x0] =	vst.idx.msk $0xffff, v16  }
0x7d: {  	v17 =	vor.u32 s3, v6;
	v16 =	vld [tilespmem:s10+$0x60];
	_ =	sdelay $0x4  }
0x7e: {  	[tilespmem:v17+s23+$0x0] =	vst.idx.msk $0xffff, v16  }
0x7f: {  	v17 =	vor.u32 s3, v7;
	v16 =	vld [tilespmem:s10+$0x70];
	_ =	sdelay $0x4  }
0x80: {  	[tilespmem:v17+s23+$0x0] =	vst.idx.msk $0xffff, v16  }
0x81: {  	v17 =	vor.u32 s3, v8;
	v16 =	vld [tilespmem:s10+$0x400];
	_ =	sdelay $0x4  }
0x82: {  	[tilespmem:v17+s23+$0x0] =	vst.idx.msk $0xffff, v16  }
0x83: {  	v17 =	vor.u32 s3, v9;
	v16 =	vld [tilespmem:s10+$0x410];
	_ =	sdelay $0x4  }
0x84: {  	[tilespmem:v17+s23+$0x0] =	vst.idx.msk $0xffff, v16  }
0x85: {  	v17 =	vor.u32 s3, v10;
	v16 =	vld [tilespmem:s10+$0x420];
	_ =	sdelay $0x4  }
0x86: {  	[tilespmem:v17+s23+$0x0] =	vst.idx.msk $0xffff, v16  }
0x87: {  	v17 =	vor.u32 s3, v11;
	v16 =	vld [tilespmem:s10+$0x430];
	_ =	sdelay $0x4  }
0x88: {  	[tilespmem:v17+s23+$0x0] =	vst.idx.msk $0xffff, v16  }
0x89: {  	v17 =	vor.u32 s3, v12;
	v16 =	vld [tilespmem:s10+$0x440];
	_ =	sdelay $0x4  }
0x8a: {  	[tilespmem:v17+s23+$0x0] =	vst.idx.msk $0xffff, v16  }
0x8b: {  	v17 =	vor.u32 s3, v13;
	v16 =	vld [tilespmem:s10+$0x450];
	_ =	sdelay $0x4  }
0x8c: {  	[tilespmem:v17+s23+$0x0] =	vst.idx.msk $0xffff, v16  }
0x8d: {  	v17 =	vor.u32 s3, v14;
	v16 =	vld [tilespmem:s10+$0x460];
	_ =	sdelay $0x4  }
0x8e: {  	[tilespmem:v17+s23+$0x0] =	vst.idx.msk $0xffff, v16  }
0x8f: {  	v17 =	vor.u32 s3, v15;
	v16 =	vld [tilespmem:s10+$0x470];
	_ =	sdelay $0x3  }
0x90: {  	s10 =	sand.u32 $0x380, s4  }
0x91: {  	s21 =	sadd.s32 $0x1, s3;
	s3 =	smov.u32 s14;
	s17 =	sor.u32 s10, s17;
	[tilespmem:v17+s23+$0x0] =	vst.idx.msk $0xffff, v16  }
0x92: {  	v17 =	vor.u32 s21, v0;
	v16 =	vld [tilespmem:s17+$0x0];
	_ =	sdelay $0x4  }
0x93: {  	[tilespmem:v17+s23+$0x0] =	vst.idx.msk $0xffff, v16  }
0x94: {  	v17 =	vor.u32 s21, v1;
	v16 =	vld [tilespmem:s17+$0x10];
	_ =	sdelay $0x4  }
0x95: {  	[tilespmem:v17+s23+$0x0] =	vst.idx.msk $0xffff, v16  }
0x96: {  	v17 =	vor.u32 s21, v2;
	v16 =	vld [tilespmem:s17+$0x20];
	_ =	sdelay $0x4  }
0x97: {  	[tilespmem:v17+s23+$0x0] =	vst.idx.msk $0xffff, v16  }
0x98: {  	v17 =	vor.u32 s21, v3;
	v16 =	vld [tilespmem:s17+$0x30];
	_ =	sdelay $0x4  }
0x99: {  	[tilespmem:v17+s23+$0x0] =	vst.idx.msk $0xffff, v16  }
0x9a: {  	v17 =	vor.u32 s21, v4;
	v16 =	vld [tilespmem:s17+$0x40];
	_ =	sdelay $0x4  }
0x9b: {  	[tilespmem:v17+s23+$0x0] =	vst.idx.msk $0xffff, v16  }
0x9c: {  	v17 =	vor.u32 s21, v5;
	v16 =	vld [tilespmem:s17+$0x50];
	_ =	sdelay $0x4  }
0x9d: {  	[tilespmem:v17+s23+$0x0] =	vst.idx.msk $0xffff, v16  }
0x9e: {  	v17 =	vor.u32 s21, v6;
	v16 =	vld [tilespmem:s17+$0x60];
	_ =	sdelay $0x4  }
0x9f: {  	[tilespmem:v17+s23+$0x0] =	vst.idx.msk $0xffff, v16  }
0xa0: {  	v17 =	vor.u32 s21, v7;
	v16 =	vld [tilespmem:s17+$0x70];
	_ =	sdelay $0x4  }
0xa1: {  	[tilespmem:v17+s23+$0x0] =	vst.idx.msk $0xffff, v16  }
0xa2: {  	v17 =	vor.u32 s21, v8;
	v16 =	vld [tilespmem:s17+$0x400];
	_ =	sdelay $0x4  }
0xa3: {  	[tilespmem:v17+s23+$0x0] =	vst.idx.msk $0xffff, v16  }
0xa4: {  	v17 =	vor.u32 s21, v9;
	v16 =	vld [tilespmem:s17+$0x410];
	_ =	sdelay $0x4  }
0xa5: {  	[tilespmem:v17+s23+$0x0] =	vst.idx.msk $0xffff, v16  }
0xa6: {  	v17 =	vor.u32 s21, v10;
	v16 =	vld [tilespmem:s17+$0x420];
	_ =	sdelay $0x4  }
0xa7: {  	[tilespmem:v17+s23+$0x0] =	vst.idx.msk $0xffff, v16  }
0xa8: {  	v17 =	vor.u32 s21, v11;
	v16 =	vld [tilespmem:s17+$0x430];
	_ =	sdelay $0x4  }
0xa9: {  	[tilespmem:v17+s23+$0x0] =	vst.idx.msk $0xffff, v16  }
0xaa: {  	v17 =	vor.u32 s21, v12;
	v16 =	vld [tilespmem:s17+$0x440];
	_ =	sdelay $0x4  }
0xab: {  	[tilespmem:v17+s23+$0x0] =	vst.idx.msk $0xffff, v16  }
0xac: {  	v17 =	vor.u32 s21, v13;
	v16 =	vld [tilespmem:s17+$0x450];
	_ =	sdelay $0x4  }
0xad: {  	[tilespmem:v17+s23+$0x0] =	vst.idx.msk $0xffff, v16  }
0xae: {  	v17 =	vor.u32 s21, v14;
	v16 =	vld [tilespmem:s17+$0x460];
	_ =	sdelay $0x4  }
.Ltmp5:
0xaf: {  	[tilespmem:v17+s23+$0x0] =	vst.idx.msk $0xffff, v16;
	(pc) =	sbr.rel @p2 .LBB2_3-.Ltmp5, $3  }
0xb0: {  	v17 =	vor.u32 s21, v15;
	v16 =	vld [tilespmem:s17+$0x470];
	_ =	sdelay $0x1  }
0xb1: {  	s4 =	sadd.s32 $0x100, s4  }
0xb2: {  	s6 =	sadd.s32 $0x200, s6;
	s14 =	sadd.s32 $0x2, s14;
	s10 =	sadd.s32 $0xFFFFFF80, s4  }
0xb3: {  	_ =	sdelay $0x2  }
0xb4: {  	s6 =	sand.u32 $0x3800, s6;
	s10 =	sand.u32 $0x300, s10  }
0xb5: {  	s10 =	sor.u32 s10, s6;
	[tilespmem:v17+s23+$0x0] =	vst.idx.msk $0xffff, v16  }
0xb6: {  	v17 =	vor.u32 s3, v0;
	v16 =	vld [tilespmem:s10+$0x0];
	_ =	sdelay $0x4  }
0xb7: {  	[tilespmem:v17+s23+$0x0] =	vst.idx.msk $0xffff, v16  }
0xb8: {  	v17 =	vor.u32 s3, v1;
	v16 =	vld [tilespmem:s10+$0x10];
	_ =	sdelay $0x4  }
0xb9: {  	[tilespmem:v17+s23+$0x0] =	vst.idx.msk $0xffff, v16  }
0xba: {  	v17 =	vor.u32 s3, v2;
	v16 =	vld [tilespmem:s10+$0x20];
	_ =	sdelay $0x4  }
0xbb: {  	[tilespmem:v17+s23+$0x0] =	vst.idx.msk $0xffff, v16  }
0xbc: {  	v17 =	vor.u32 s3, v3;
	v16 =	vld [tilespmem:s10+$0x30];
	_ =	sdelay $0x4  }
0xbd: {  	[tilespmem:v17+s23+$0x0] =	vst.idx.msk $0xffff, v16  }
0xbe: {  	v17 =	vor.u32 s3, v4;
	v16 =	vld [tilespmem:s10+$0x40];
	_ =	sdelay $0x4  }
0xbf: {  	[tilespmem:v17+s23+$0x0] =	vst.idx.msk $0xffff, v16  }
0xc0: {  	v17 =	vor.u32 s3, v5;
	v16 =	vld [tilespmem:s10+$0x50];
	_ =	sdelay $0x4  }
0xc1: {  	[tilespmem:v17+s23+$0x0] =	vst.idx.msk $0xffff, v16  }
0xc2: {  	v17 =	vor.u32 s3, v6;
	v16 =	vld [tilespmem:s10+$0x60];
	_ =	sdelay $0x4  }
0xc3: {  	[tilespmem:v17+s23+$0x0] =	vst.idx.msk $0xffff, v16  }
0xc4: {  	v17 =	vor.u32 s3, v7;
	v16 =	vld [tilespmem:s10+$0x70];
	_ =	sdelay $0x4  }
0xc5: {  	[tilespmem:v17+s23+$0x0] =	vst.idx.msk $0xffff, v16  }
0xc6: {  	v17 =	vor.u32 s3, v8;
	v16 =	vld [tilespmem:s10+$0x400];
	_ =	sdelay $0x4  }
0xc7: {  	[tilespmem:v17+s23+$0x0] =	vst.idx.msk $0xffff, v16  }
0xc8: {  	v17 =	vor.u32 s3, v9;
	v16 =	vld [tilespmem:s10+$0x410];
	_ =	sdelay $0x4  }
0xc9: {  	[tilespmem:v17+s23+$0x0] =	vst.idx.msk $0xffff, v16  }
0xca: {  	v17 =	vor.u32 s3, v10;
	v16 =	vld [tilespmem:s10+$0x420];
	_ =	sdelay $0x4  }
0xcb: {  	[tilespmem:v17+s23+$0x0] =	vst.idx.msk $0xffff, v16  }
0xcc: {  	v17 =	vor.u32 s3, v11;
	v16 =	vld [tilespmem:s10+$0x430];
	_ =	sdelay $0x4  }
0xcd: {  	[tilespmem:v17+s23+$0x0] =	vst.idx.msk $0xffff, v16  }
0xce: {  	v17 =	vor.u32 s3, v12;
	v16 =	vld [tilespmem:s10+$0x440];
	_ =	sdelay $0x4  }
0xcf: {  	[tilespmem:v17+s23+$0x0] =	vst.idx.msk $0xffff, v16  }
0xd0: {  	v17 =	vor.u32 s3, v13;
	v16 =	vld [tilespmem:s10+$0x450];
	_ =	sdelay $0x4  }
0xd1: {  	[tilespmem:v17+s23+$0x0] =	vst.idx.msk $0xffff, v16  }
0xd2: {  	v17 =	vor.u32 s3, v14;
	v16 =	vld [tilespmem:s10+$0x460];
	_ =	sdelay $0x4  }
0xd3: {  	[tilespmem:v17+s23+$0x0] =	vst.idx.msk $0xffff, v16  }
0xd4: {  	v17 =	vor.u32 s3, v15;
	v16 =	vld [tilespmem:s10+$0x470];
	_ =	sdelay $0x3  }
0xd5: {  	s4 =	sand.u32 $0x380, s4  }
0xd6: {  	s21 =	sadd.s32 $0x1, s3;
	s4 =	sor.u32 s4, s6;
	[tilespmem:v17+s23+$0x0] =	vst.idx.msk $0xffff, v16  }
0xd7: {  	v17 =	vor.u32 s21, v0;
	v16 =	vld [tilespmem:s4+$0x0];
	_ =	sdelay $0x4  }
0xd8: {  	[tilespmem:v17+s23+$0x0] =	vst.idx.msk $0xffff, v16  }
0xd9: {  	v17 =	vor.u32 s21, v1;
	v16 =	vld [tilespmem:s4+$0x10];
	_ =	sdelay $0x4  }
0xda: {  	[tilespmem:v17+s23+$0x0] =	vst.idx.msk $0xffff, v16  }
0xdb: {  	v17 =	vor.u32 s21, v2;
	v16 =	vld [tilespmem:s4+$0x20];
	_ =	sdelay $0x4  }
0xdc: {  	[tilespmem:v17+s23+$0x0] =	vst.idx.msk $0xffff, v16  }
0xdd: {  	v17 =	vor.u32 s21, v3;
	v16 =	vld [tilespmem:s4+$0x30];
	_ =	sdelay $0x4  }
0xde: {  	[tilespmem:v17+s23+$0x0] =	vst.idx.msk $0xffff, v16  }
0xdf: {  	v17 =	vor.u32 s21, v4;
	v16 =	vld [tilespmem:s4+$0x40];
	_ =	sdelay $0x4  }
0xe0: {  	[tilespmem:v17+s23+$0x0] =	vst.idx.msk $0xffff, v16  }
0xe1: {  	v17 =	vor.u32 s21, v5;
	v16 =	vld [tilespmem:s4+$0x50];
	_ =	sdelay $0x4  }
0xe2: {  	[tilespmem:v17+s23+$0x0] =	vst.idx.msk $0xffff, v16  }
0xe3: {  	v17 =	vor.u32 s21, v6;
	v16 =	vld [tilespmem:s4+$0x60];
	_ =	sdelay $0x4  }
0xe4: {  	[tilespmem:v17+s23+$0x0] =	vst.idx.msk $0xffff, v16  }
0xe5: {  	v17 =	vor.u32 s21, v7;
	v16 =	vld [tilespmem:s4+$0x70];
	_ =	sdelay $0x4  }
0xe6: {  	[tilespmem:v17+s23+$0x0] =	vst.idx.msk $0xffff, v16  }
0xe7: {  	v17 =	vor.u32 s21, v8;
	v16 =	vld [tilespmem:s4+$0x400];
	_ =	sdelay $0x4  }
0xe8: {  	[tilespmem:v17+s23+$0x0] =	vst.idx.msk $0xffff, v16  }
0xe9: {  	v17 =	vor.u32 s21, v9;
	v16 =	vld [tilespmem:s4+$0x410];
	_ =	sdelay $0x4  }
0xea: {  	[tilespmem:v17+s23+$0x0] =	vst.idx.msk $0xffff, v16  }
0xeb: {  	v17 =	vor.u32 s21, v10;
	v16 =	vld [tilespmem:s4+$0x420];
	_ =	sdelay $0x4  }
0xec: {  	[tilespmem:v17+s23+$0x0] =	vst.idx.msk $0xffff, v16  }
0xed: {  	v17 =	vor.u32 s21, v11;
	v16 =	vld [tilespmem:s4+$0x430];
	_ =	sdelay $0x4  }
0xee: {  	[tilespmem:v17+s23+$0x0] =	vst.idx.msk $0xffff, v16  }
0xef: {  	v17 =	vor.u32 s21, v12;
	v16 =	vld [tilespmem:s4+$0x440];
	_ =	sdelay $0x4  }
0xf0: {  	[tilespmem:v17+s23+$0x0] =	vst.idx.msk $0xffff, v16  }
0xf1: {  	v17 =	vor.u32 s21, v13;
	v16 =	vld [tilespmem:s4+$0x450];
	_ =	sdelay $0x4  }
0xf2: {  	[tilespmem:v17+s23+$0x0] =	vst.idx.msk $0xffff, v16  }
0xf3: {  	v17 =	vor.u32 s21, v14;
	v16 =	vld [tilespmem:s4+$0x460];
	_ =	sdelay $0x4  }
0xf4: {  	[tilespmem:v17+s23+$0x0] =	vst.idx.msk $0xffff, v16  }
0xf5: {  	v17 =	vor.u32 s21, v15;
	v16 =	vld [tilespmem:s4+$0x470]  }
0xf6: {  	p2 =	seq.s32 s30, $0x3D  }
.Ltmp6:
0xf7: {  	_ = 	snop;
	(pc) =	sbr.rel @p2 .LBB2_10-.Ltmp6, $4  }
0xf8: {  	_ = 	snop  }
0xf9: {  	s0 =	sshll.u32 s0, $0xB  }
0xfa: {  	s0 =	sadd.s32 s7, s0;
	[tilespmem:v17+s23+$0x0] =	vst.idx.msk $0xffff, v16  }
0xfb: {  	[hbm4b:s0+s5] =	stream.linear.scatter [tilespmem:s23], [sflag:$0x2], $0x4000, $0x38;
	[tilespmem:$0x10000] =	vst v63  }
0xfc: {  	s0 =	sadd.s32 s31, s12  }
0xfd: {  	s0 =	smin.u32 s0, $0xF41  }
0xfe: {  	s0 =	sshll.u32 s0, $0x8  }
0xff: {  	s0 =	sadd.s32 s1, s0  }
0x100: {  	[tilespmem:s5], [sflag:$0x1] =	stream.strided.gather [hbm4b:s0+s19], $0x4000, s20, s19, $0x38;
	[tilespmem:$0x10000] =	vst v63  }
0x101: {  	s0 =	sor.u32 $0x1, s31  }
0x102: {  	p2 =	sgt.u32 s0, $0x7A  }
.Ltmp7:
0x103: {  	_ = 	snop;
	(pc) =	sbr.rel @p2 .LBB2_9-.Ltmp7, $1  }
0x104: {  	_ =	sdelay $0x3  }
0x105: {  	_ =	swait.ge [sflag:s26], $0x4000  }
0x106: {  	[sflag:s26] =	ssyncset.done $0x0  }
0x107: {  	s3 =	simm.s32 @!p1 $0x4;
	s4 =	simm.s32 $0x0;
	[sflag:s26] =	ssyncadd.s32 $0xFFFFC000  }
0x108: {  	s10 =	simm.s32 $0x0;
	s6 =	sand.u32 $0x3800, s4;
	_ =	swait.ge @!p1 [sflag:s3], $0x4000  }
0x109: {  	s10 =	sand.u32 $0x300, s10;
	s6 =	sor.u32 $0x8000, s6;
	[sflag:s3] =	ssyncset.done @!p1 $0x0  }
0x10a: {  	s14 =	sor.u32 s10, s6;
	[sflag:s3] =	ssyncadd.s32 @!p1 $0xFFFFC000  }
0x10b: {  	v17 =	vor.u32 s4, v0;
	v16 =	vld [tilespmem:s14+$0x0];
	_ =	sdelay $0x4  }
0x10c: {  	[tilespmem:v17+s28+$0x0] =	vst.idx.msk $0xffff, v16  }
0x10d: {  	v17 =	vor.u32 s4, v1;
	v16 =	vld [tilespmem:s14+$0x10];
	_ =	sdelay $0x4  }
0x10e: {  	[tilespmem:v17+s28+$0x0] =	vst.idx.msk $0xffff, v16  }
0x10f: {  	v17 =	vor.u32 s4, v2;
	v16 =	vld [tilespmem:s14+$0x20];
	_ =	sdelay $0x4  }
0x110: {  	[tilespmem:v17+s28+$0x0] =	vst.idx.msk $0xffff, v16  }
0x111: {  	v17 =	vor.u32 s4, v3;
	v16 =	vld [tilespmem:s14+$0x30];
	_ =	sdelay $0x4  }
0x112: {  	[tilespmem:v17+s28+$0x0] =	vst.idx.msk $0xffff, v16  }
0x113: {  	v17 =	vor.u32 s4, v4;
	v16 =	vld [tilespmem:s14+$0x40];
	_ =	sdelay $0x4  }
0x114: {  	[tilespmem:v17+s28+$0x0] =	vst.idx.msk $0xffff, v16  }
0x115: {  	v17 =	vor.u32 s4, v5;
	v16 =	vld [tilespmem:s14+$0x50];
	_ =	sdelay $0x4  }
0x116: {  	[tilespmem:v17+s28+$0x0] =	vst.idx.msk $0xffff, v16  }
0x117: {  	v17 =	vor.u32 s4, v6;
	v16 =	vld [tilespmem:s14+$0x60];
	_ =	sdelay $0x4  }
0x118: {  	[tilespmem:v17+s28+$0x0] =	vst.idx.msk $0xffff, v16  }
0x119: {  	v17 =	vor.u32 s4, v7;
	v16 =	vld [tilespmem:s14+$0x70];
	_ =	sdelay $0x4  }
0x11a: {  	[tilespmem:v17+s28+$0x0] =	vst.idx.msk $0xffff, v16  }
0x11b: {  	v17 =	vor.u32 s4, v8;
	v16 =	vld [tilespmem:s14+$0x400];
	_ =	sdelay $0x4  }
0x11c: {  	[tilespmem:v17+s28+$0x0] =	vst.idx.msk $0xffff, v16  }
0x11d: {  	v17 =	vor.u32 s4, v9;
	v16 =	vld [tilespmem:s14+$0x410];
	_ =	sdelay $0x4  }
0x11e: {  	[tilespmem:v17+s28+$0x0] =	vst.idx.msk $0xffff, v16  }
0x11f: {  	v17 =	vor.u32 s4, v10;
	v16 =	vld [tilespmem:s14+$0x420];
	_ =	sdelay $0x4  }
0x120: {  	[tilespmem:v17+s28+$0x0] =	vst.idx.msk $0xffff, v16  }
0x121: {  	v17 =	vor.u32 s4, v11;
	v16 =	vld [tilespmem:s14+$0x430];
	_ =	sdelay $0x4  }
0x122: {  	[tilespmem:v17+s28+$0x0] =	vst.idx.msk $0xffff, v16  }
0x123: {  	v17 =	vor.u32 s4, v12;
	v16 =	vld [tilespmem:s14+$0x440];
	_ =	sdelay $0x4  }
0x124: {  	[tilespmem:v17+s28+$0x0] =	vst.idx.msk $0xffff, v16  }
0x125: {  	v17 =	vor.u32 s4, v13;
	v16 =	vld [tilespmem:s14+$0x450];
	_ =	sdelay $0x4  }
0x126: {  	[tilespmem:v17+s28+$0x0] =	vst.idx.msk $0xffff, v16  }
0x127: {  	v17 =	vor.u32 s4, v14;
	v16 =	vld [tilespmem:s14+$0x460];
	_ =	sdelay $0x4  }
0x128: {  	[tilespmem:v17+s28+$0x0] =	vst.idx.msk $0xffff, v16  }
0x129: {  	v17 =	vor.u32 s4, v15;
	v16 =	vld [tilespmem:s14+$0x470];
	_ =	sdelay $0x2  }
0x12a: {  	s17 =	simm.s32 $0x80  }
0x12b: {  	s3 =	sand.u32 $0x380, s17  }
0x12c: {  	s21 =	sor.u32 s3, s6;
	s14 =	simm.s32 $0x1;
	[tilespmem:v17+s28+$0x0] =	vst.idx.msk $0xffff, v16  }
0x12d: {  	v17 =	vor.u32 s14, v0;
	v16 =	vld [tilespmem:s21+$0x0];
	_ =	sdelay $0x4  }
0x12e: {  	[tilespmem:v17+s28+$0x0] =	vst.idx.msk $0xffff, v16  }
0x12f: {  	v17 =	vor.u32 s14, v1;
	v16 =	vld [tilespmem:s21+$0x10];
	_ =	sdelay $0x4  }
0x130: {  	[tilespmem:v17+s28+$0x0] =	vst.idx.msk $0xffff, v16  }
0x131: {  	v17 =	vor.u32 s14, v2;
	v16 =	vld [tilespmem:s21+$0x20];
	_ =	sdelay $0x4  }
0x132: {  	[tilespmem:v17+s28+$0x0] =	vst.idx.msk $0xffff, v16  }
0x133: {  	v17 =	vor.u32 s14, v3;
	v16 =	vld [tilespmem:s21+$0x30];
	_ =	sdelay $0x4  }
0x134: {  	[tilespmem:v17+s28+$0x0] =	vst.idx.msk $0xffff, v16  }
0x135: {  	v17 =	vor.u32 s14, v4;
	v16 =	vld [tilespmem:s21+$0x40];
	_ =	sdelay $0x4  }
0x136: {  	[tilespmem:v17+s28+$0x0] =	vst.idx.msk $0xffff, v16  }
0x137: {  	v17 =	vor.u32 s14, v5;
	v16 =	vld [tilespmem:s21+$0x50];
	_ =	sdelay $0x4  }
0x138: {  	[tilespmem:v17+s28+$0x0] =	vst.idx.msk $0xffff, v16  }
0x139: {  	v17 =	vor.u32 s14, v6;
	v16 =	vld [tilespmem:s21+$0x60];
	_ =	sdelay $0x4  }
0x13a: {  	[tilespmem:v17+s28+$0x0] =	vst.idx.msk $0xffff, v16  }
0x13b: {  	v17 =	vor.u32 s14, v7;
	v16 =	vld [tilespmem:s21+$0x70];
	_ =	sdelay $0x4  }
0x13c: {  	[tilespmem:v17+s28+$0x0] =	vst.idx.msk $0xffff, v16  }
0x13d: {  	v17 =	vor.u32 s14, v8;
	v16 =	vld [tilespmem:s21+$0x400];
	_ =	sdelay $0x4  }
0x13e: {  	[tilespmem:v17+s28+$0x0] =	vst.idx.msk $0xffff, v16  }
0x13f: {  	v17 =	vor.u32 s14, v9;
	v16 =	vld [tilespmem:s21+$0x410];
	_ =	sdelay $0x4  }
0x140: {  	[tilespmem:v17+s28+$0x0] =	vst.idx.msk $0xffff, v16  }
0x141: {  	v17 =	vor.u32 s14, v10;
	v16 =	vld [tilespmem:s21+$0x420];
	_ =	sdelay $0x4  }
0x142: {  	[tilespmem:v17+s28+$0x0] =	vst.idx.msk $0xffff, v16  }
0x143: {  	v17 =	vor.u32 s14, v11;
	v16 =	vld [tilespmem:s21+$0x430];
	_ =	sdelay $0x4  }
0x144: {  	[tilespmem:v17+s28+$0x0] =	vst.idx.msk $0xffff, v16  }
0x145: {  	v17 =	vor.u32 s14, v12;
	v16 =	vld [tilespmem:s21+$0x440];
	_ =	sdelay $0x4  }
0x146: {  	[tilespmem:v17+s28+$0x0] =	vst.idx.msk $0xffff, v16  }
0x147: {  	v17 =	vor.u32 s14, v13;
	v16 =	vld [tilespmem:s21+$0x450];
	_ =	sdelay $0x4  }
0x148: {  	[tilespmem:v17+s28+$0x0] =	vst.idx.msk $0xffff, v16  }
0x149: {  	v17 =	vor.u32 s14, v14;
	v16 =	vld [tilespmem:s21+$0x460];
	_ =	sdelay $0x4  }
0x14a: {  	[tilespmem:v17+s28+$0x0] =	vst.idx.msk $0xffff, v16  }
0x14b: {  	s0 =	sadd.s32 s9, s0;
	v17 =	vor.u32 s14, v15;
	v16 =	vld [tilespmem:s21+$0x470]  }
0x14c: {  	s0 =	smin.u32 s0, $0xF41  }
0x14d: {  	s17 =	simm.s32 $0x100;
	s3 =	simm.s32 $0x2;
	s6 =	simm.s32 $0x200  }
0x14e: {  	s10 =	sand.u32 $0x3800, s6;
	s4 =	simm.s32 $0x180;
	s14 =	simm.s32 $0x4  }
.LBB2_7:
0x14f: {  	p1 =	slt.u32 s14, $0x3E;
	s21 =	sand.u32 $0x300, s17;
	s17 =	sor.u32 $0x8000, s10  }
0x150: {  	s10 =	sor.u32 s21, s17;
	[tilespmem:v17+s28+$0x0] =	vst.idx.msk $0xffff, v16  }
0x151: {  	v17 =	vor.u32 s3, v0;
	v16 =	vld [tilespmem:s10+$0x0];
	_ =	sdelay $0x4  }
0x152: {  	[tilespmem:v17+s28+$0x0] =	vst.idx.msk $0xffff, v16  }
0x153: {  	v17 =	vor.u32 s3, v1;
	v16 =	vld [tilespmem:s10+$0x10];
	_ =	sdelay $0x4  }
0x154: {  	[tilespmem:v17+s28+$0x0] =	vst.idx.msk $0xffff, v16  }
0x155: {  	v17 =	vor.u32 s3, v2;
	v16 =	vld [tilespmem:s10+$0x20];
	_ =	sdelay $0x4  }
0x156: {  	[tilespmem:v17+s28+$0x0] =	vst.idx.msk $0xffff, v16  }
0x157: {  	v17 =	vor.u32 s3, v3;
	v16 =	vld [tilespmem:s10+$0x30];
	_ =	sdelay $0x4  }
0x158: {  	[tilespmem:v17+s28+$0x0] =	vst.idx.msk $0xffff, v16  }
0x159: {  	v17 =	vor.u32 s3, v4;
	v16 =	vld [tilespmem:s10+$0x40];
	_ =	sdelay $0x4  }
0x15a: {  	[tilespmem:v17+s28+$0x0] =	vst.idx.msk $0xffff, v16  }
0x15b: {  	v17 =	vor.u32 s3, v5;
	v16 =	vld [tilespmem:s10+$0x50];
	_ =	sdelay $0x4  }
0x15c: {  	[tilespmem:v17+s28+$0x0] =	vst.idx.msk $0xffff, v16  }
0x15d: {  	v17 =	vor.u32 s3, v6;
	v16 =	vld [tilespmem:s10+$0x60];
	_ =	sdelay $0x4  }
0x15e: {  	[tilespmem:v17+s28+$0x0] =	vst.idx.msk $0xffff, v16  }
0x15f: {  	v17 =	vor.u32 s3, v7;
	v16 =	vld [tilespmem:s10+$0x70];
	_ =	sdelay $0x4  }
0x160: {  	[tilespmem:v17+s28+$0x0] =	vst.idx.msk $0xffff, v16  }
0x161: {  	v17 =	vor.u32 s3, v8;
	v16 =	vld [tilespmem:s10+$0x400];
	_ =	sdelay $0x4  }
0x162: {  	[tilespmem:v17+s28+$0x0] =	vst.idx.msk $0xffff, v16  }
0x163: {  	v17 =	vor.u32 s3, v9;
	v16 =	vld [tilespmem:s10+$0x410];
	_ =	sdelay $0x4  }
0x164: {  	[tilespmem:v17+s28+$0x0] =	vst.idx.msk $0xffff, v16  }
0x165: {  	v17 =	vor.u32 s3, v10;
	v16 =	vld [tilespmem:s10+$0x420];
	_ =	sdelay $0x4  }
0x166: {  	[tilespmem:v17+s28+$0x0] =	vst.idx.msk $0xffff, v16  }
0x167: {  	v17 =	vor.u32 s3, v11;
	v16 =	vld [tilespmem:s10+$0x430];
	_ =	sdelay $0x4  }
0x168: {  	[tilespmem:v17+s28+$0x0] =	vst.idx.msk $0xffff, v16  }
0x169: {  	v17 =	vor.u32 s3, v12;
	v16 =	vld [tilespmem:s10+$0x440];
	_ =	sdelay $0x4  }
0x16a: {  	[tilespmem:v17+s28+$0x0] =	vst.idx.msk $0xffff, v16  }
0x16b: {  	v17 =	vor.u32 s3, v13;
	v16 =	vld [tilespmem:s10+$0x450];
	_ =	sdelay $0x4  }
0x16c: {  	[tilespmem:v17+s28+$0x0] =	vst.idx.msk $0xffff, v16  }
0x16d: {  	v17 =	vor.u32 s3, v14;
	v16 =	vld [tilespmem:s10+$0x460];
	_ =	sdelay $0x4  }
0x16e: {  	[tilespmem:v17+s28+$0x0] =	vst.idx.msk $0xffff, v16  }
0x16f: {  	v17 =	vor.u32 s3, v15;
	v16 =	vld [tilespmem:s10+$0x470];
	_ =	sdelay $0x3  }
0x170: {  	s10 =	sand.u32 $0x380, s4  }
0x171: {  	s21 =	sadd.s32 $0x1, s3;
	s3 =	smov.u32 s14;
	s17 =	sor.u32 s10, s17;
	[tilespmem:v17+s28+$0x0] =	vst.idx.msk $0xffff, v16  }
0x172: {  	v17 =	vor.u32 s21, v0;
	v16 =	vld [tilespmem:s17+$0x0];
	_ =	sdelay $0x4  }
0x173: {  	[tilespmem:v17+s28+$0x0] =	vst.idx.msk $0xffff, v16  }
0x174: {  	v17 =	vor.u32 s21, v1;
	v16 =	vld [tilespmem:s17+$0x10];
	_ =	sdelay $0x4  }
0x175: {  	[tilespmem:v17+s28+$0x0] =	vst.idx.msk $0xffff, v16  }
0x176: {  	v17 =	vor.u32 s21, v2;
	v16 =	vld [tilespmem:s17+$0x20];
	_ =	sdelay $0x4  }
0x177: {  	[tilespmem:v17+s28+$0x0] =	vst.idx.msk $0xffff, v16  }
0x178: {  	v17 =	vor.u32 s21, v3;
	v16 =	vld [tilespmem:s17+$0x30];
	_ =	sdelay $0x4  }
0x179: {  	[tilespmem:v17+s28+$0x0] =	vst.idx.msk $0xffff, v16  }
0x17a: {  	v17 =	vor.u32 s21, v4;
	v16 =	vld [tilespmem:s17+$0x40];
	_ =	sdelay $0x4  }
0x17b: {  	[tilespmem:v17+s28+$0x0] =	vst.idx.msk $0xffff, v16  }
0x17c: {  	v17 =	vor.u32 s21, v5;
	v16 =	vld [tilespmem:s17+$0x50];
	_ =	sdelay $0x4  }
0x17d: {  	[tilespmem:v17+s28+$0x0] =	vst.idx.msk $0xffff, v16  }
0x17e: {  	v17 =	vor.u32 s21, v6;
	v16 =	vld [tilespmem:s17+$0x60];
	_ =	sdelay $0x4  }
0x17f: {  	[tilespmem:v17+s28+$0x0] =	vst.idx.msk $0xffff, v16  }
0x180: {  	v17 =	vor.u32 s21, v7;
	v16 =	vld [tilespmem:s17+$0x70];
	_ =	sdelay $0x4  }
0x181: {  	[tilespmem:v17+s28+$0x0] =	vst.idx.msk $0xffff, v16  }
0x182: {  	v17 =	vor.u32 s21, v8;
	v16 =	vld [tilespmem:s17+$0x400];
	_ =	sdelay $0x4  }
0x183: {  	[tilespmem:v17+s28+$0x0] =	vst.idx.msk $0xffff, v16  }
0x184: {  	v17 =	vor.u32 s21, v9;
	v16 =	vld [tilespmem:s17+$0x410];
	_ =	sdelay $0x4  }
0x185: {  	[tilespmem:v17+s28+$0x0] =	vst.idx.msk $0xffff, v16  }
0x186: {  	v17 =	vor.u32 s21, v10;
	v16 =	vld [tilespmem:s17+$0x420];
	_ =	sdelay $0x4  }
0x187: {  	[tilespmem:v17+s28+$0x0] =	vst.idx.msk $0xffff, v16  }
0x188: {  	v17 =	vor.u32 s21, v11;
	v16 =	vld [tilespmem:s17+$0x430];
	_ =	sdelay $0x4  }
0x189: {  	[tilespmem:v17+s28+$0x0] =	vst.idx.msk $0xffff, v16  }
0x18a: {  	v17 =	vor.u32 s21, v12;
	v16 =	vld [tilespmem:s17+$0x440];
	_ =	sdelay $0x4  }
0x18b: {  	[tilespmem:v17+s28+$0x0] =	vst.idx.msk $0xffff, v16  }
0x18c: {  	v17 =	vor.u32 s21, v13;
	v16 =	vld [tilespmem:s17+$0x450];
	_ =	sdelay $0x4  }
0x18d: {  	[tilespmem:v17+s28+$0x0] =	vst.idx.msk $0xffff, v16  }
0x18e: {  	v17 =	vor.u32 s21, v14;
	v16 =	vld [tilespmem:s17+$0x460];
	_ =	sdelay $0x4  }
.Ltmp8:
0x18f: {  	[tilespmem:v17+s28+$0x0] =	vst.idx.msk $0xffff, v16;
	(pc) =	sbr.rel @p1 .LBB2_7-.Ltmp8, $3  }
0x190: {  	v17 =	vor.u32 s21, v15;
	v16 =	vld [tilespmem:s17+$0x470];
	_ =	sdelay $0x1  }
0x191: {  	s6 =	sadd.s32 $0x200, s6;
	s4 =	sadd.s32 $0x100, s4  }
0x192: {  	s14 =	sadd.s32 $0x2, s14;
	s10 =	sand.u32 $0x3800, s6;
	s17 =	sadd.s32 $0xFFFFFF80, s4  }
0x193: {  	_ =	sdelay $0x2  }
0x194: {  	s6 =	sand.u32 $0x300, s17;
	s10 =	sor.u32 $0x8000, s10  }
0x195: {  	s6 =	sor.u32 s6, s10;
	[tilespmem:v17+s28+$0x0] =	vst.idx.msk $0xffff, v16  }
0x196: {  	v17 =	vor.u32 s3, v0;
	v16 =	vld [tilespmem:s6+$0x0];
	_ =	sdelay $0x4  }
0x197: {  	[tilespmem:v17+s28+$0x0] =	vst.idx.msk $0xffff, v16  }
0x198: {  	v17 =	vor.u32 s3, v1;
	v16 =	vld [tilespmem:s6+$0x10];
	_ =	sdelay $0x4  }
0x199: {  	[tilespmem:v17+s28+$0x0] =	vst.idx.msk $0xffff, v16  }
0x19a: {  	v17 =	vor.u32 s3, v2;
	v16 =	vld [tilespmem:s6+$0x20];
	_ =	sdelay $0x4  }
0x19b: {  	[tilespmem:v17+s28+$0x0] =	vst.idx.msk $0xffff, v16  }
0x19c: {  	v17 =	vor.u32 s3, v3;
	v16 =	vld [tilespmem:s6+$0x30];
	_ =	sdelay $0x4  }
0x19d: {  	[tilespmem:v17+s28+$0x0] =	vst.idx.msk $0xffff, v16  }
0x19e: {  	v17 =	vor.u32 s3, v4;
	v16 =	vld [tilespmem:s6+$0x40];
	_ =	sdelay $0x4  }
0x19f: {  	[tilespmem:v17+s28+$0x0] =	vst.idx.msk $0xffff, v16  }
0x1a0: {  	v17 =	vor.u32 s3, v5;
	v16 =	vld [tilespmem:s6+$0x50];
	_ =	sdelay $0x4  }
0x1a1: {  	[tilespmem:v17+s28+$0x0] =	vst.idx.msk $0xffff, v16  }
0x1a2: {  	v17 =	vor.u32 s3, v6;
	v16 =	vld [tilespmem:s6+$0x60];
	_ =	sdelay $0x4  }
0x1a3: {  	[tilespmem:v17+s28+$0x0] =	vst.idx.msk $0xffff, v16  }
0x1a4: {  	v17 =	vor.u32 s3, v7;
	v16 =	vld [tilespmem:s6+$0x70];
	_ =	sdelay $0x4  }
0x1a5: {  	[tilespmem:v17+s28+$0x0] =	vst.idx.msk $0xffff, v16  }
0x1a6: {  	v17 =	vor.u32 s3, v8;
	v16 =	vld [tilespmem:s6+$0x400];
	_ =	sdelay $0x4  }
0x1a7: {  	[tilespmem:v17+s28+$0x0] =	vst.idx.msk $0xffff, v16  }
0x1a8: {  	v17 =	vor.u32 s3, v9;
	v16 =	vld [tilespmem:s6+$0x410];
	_ =	sdelay $0x4  }
0x1a9: {  	[tilespmem:v17+s28+$0x0] =	vst.idx.msk $0xffff, v16  }
0x1aa: {  	v17 =	vor.u32 s3, v10;
	v16 =	vld [tilespmem:s6+$0x420];
	_ =	sdelay $0x4  }
0x1ab: {  	[tilespmem:v17+s28+$0x0] =	vst.idx.msk $0xffff, v16  }
0x1ac: {  	v17 =	vor.u32 s3, v11;
	v16 =	vld [tilespmem:s6+$0x430];
	_ =	sdelay $0x4  }
0x1ad: {  	[tilespmem:v17+s28+$0x0] =	vst.idx.msk $0xffff, v16  }
0x1ae: {  	v17 =	vor.u32 s3, v12;
	v16 =	vld [tilespmem:s6+$0x440];
	_ =	sdelay $0x4  }
0x1af: {  	[tilespmem:v17+s28+$0x0] =	vst.idx.msk $0xffff, v16  }
0x1b0: {  	v17 =	vor.u32 s3, v13;
	v16 =	vld [tilespmem:s6+$0x450];
	_ =	sdelay $0x4  }
0x1b1: {  	[tilespmem:v17+s28+$0x0] =	vst.idx.msk $0xffff, v16  }
0x1b2: {  	v17 =	vor.u32 s3, v14;
	v16 =	vld [tilespmem:s6+$0x460];
	_ =	sdelay $0x4  }
0x1b3: {  	[tilespmem:v17+s28+$0x0] =	vst.idx.msk $0xffff, v16  }
0x1b4: {  	v17 =	vor.u32 s3, v15;
	v16 =	vld [tilespmem:s6+$0x470];
	_ =	sdelay $0x3  }
0x1b5: {  	s4 =	sand.u32 $0x380, s4  }
0x1b6: {  	s21 =	sadd.s32 $0x1, s3;
	s4 =	sor.u32 s4, s10;
	[tilespmem:v17+s28+$0x0] =	vst.idx.msk $0xffff, v16  }
0x1b7: {  	v17 =	vor.u32 s21, v0;
	v16 =	vld [tilespmem:s4+$0x0];
	_ =	sdelay $0x4  }
0x1b8: {  	[tilespmem:v17+s28+$0x0] =	vst.idx.msk $0xffff, v16  }
0x1b9: {  	v17 =	vor.u32 s21, v1;
	v16 =	vld [tilespmem:s4+$0x10];
	_ =	sdelay $0x4  }
0x1ba: {  	[tilespmem:v17+s28+$0x0] =	vst.idx.msk $0xffff, v16  }
0x1bb: {  	v17 =	vor.u32 s21, v2;
	v16 =	vld [tilespmem:s4+$0x20];
	_ =	sdelay $0x4  }
0x1bc: {  	[tilespmem:v17+s28+$0x0] =	vst.idx.msk $0xffff, v16  }
0x1bd: {  	v17 =	vor.u32 s21, v3;
	v16 =	vld [tilespmem:s4+$0x30];
	_ =	sdelay $0x4  }
0x1be: {  	[tilespmem:v17+s28+$0x0] =	vst.idx.msk $0xffff, v16  }
0x1bf: {  	v17 =	vor.u32 s21, v4;
	v16 =	vld [tilespmem:s4+$0x40];
	_ =	sdelay $0x4  }
0x1c0: {  	[tilespmem:v17+s28+$0x0] =	vst.idx.msk $0xffff, v16  }
0x1c1: {  	v17 =	vor.u32 s21, v5;
	v16 =	vld [tilespmem:s4+$0x50];
	_ =	sdelay $0x4  }
0x1c2: {  	[tilespmem:v17+s28+$0x0] =	vst.idx.msk $0xffff, v16  }
0x1c3: {  	v17 =	vor.u32 s21, v6;
	v16 =	vld [tilespmem:s4+$0x60];
	_ =	sdelay $0x4  }
0x1c4: {  	[tilespmem:v17+s28+$0x0] =	vst.idx.msk $0xffff, v16  }
0x1c5: {  	v17 =	vor.u32 s21, v7;
	v16 =	vld [tilespmem:s4+$0x70];
	_ =	sdelay $0x4  }
0x1c6: {  	[tilespmem:v17+s28+$0x0] =	vst.idx.msk $0xffff, v16  }
0x1c7: {  	v17 =	vor.u32 s21, v8;
	v16 =	vld [tilespmem:s4+$0x400];
	_ =	sdelay $0x4  }
0x1c8: {  	[tilespmem:v17+s28+$0x0] =	vst.idx.msk $0xffff, v16  }
0x1c9: {  	v17 =	vor.u32 s21, v9;
	v16 =	vld [tilespmem:s4+$0x410];
	_ =	sdelay $0x4  }
0x1ca: {  	[tilespmem:v17+s28+$0x0] =	vst.idx.msk $0xffff, v16  }
0x1cb: {  	v17 =	vor.u32 s21, v10;
	v16 =	vld [tilespmem:s4+$0x420];
	_ =	sdelay $0x4  }
0x1cc: {  	[tilespmem:v17+s28+$0x0] =	vst.idx.msk $0xffff, v16  }
0x1cd: {  	v17 =	vor.u32 s21, v11;
	v16 =	vld [tilespmem:s4+$0x430];
	_ =	sdelay $0x4  }
0x1ce: {  	[tilespmem:v17+s28+$0x0] =	vst.idx.msk $0xffff, v16  }
0x1cf: {  	v17 =	vor.u32 s21, v12;
	v16 =	vld [tilespmem:s4+$0x440];
	_ =	sdelay $0x4  }
0x1d0: {  	[tilespmem:v17+s28+$0x0] =	vst.idx.msk $0xffff, v16  }
0x1d1: {  	v17 =	vor.u32 s21, v13;
	v16 =	vld [tilespmem:s4+$0x450];
	_ =	sdelay $0x4  }
0x1d2: {  	[tilespmem:v17+s28+$0x0] =	vst.idx.msk $0xffff, v16  }
0x1d3: {  	v17 =	vor.u32 s21, v14;
	v16 =	vld [tilespmem:s4+$0x460];
	_ =	sdelay $0x4  }
0x1d4: {  	[tilespmem:v17+s28+$0x0] =	vst.idx.msk $0xffff, v16  }
0x1d5: {  	v17 =	vor.u32 s21, v15;
	v16 =	vld [tilespmem:s4+$0x470];
	_ =	sdelay $0x3  }
0x1d6: {  	s0 =	sshll.u32 s0, $0xB  }
0x1d7: {  	p1 =	sgt.u32 s30, $0x3B;
	s0 =	sadd.s32 s7, s0;
	[tilespmem:v17+s28+$0x0] =	vst.idx.msk $0xffff, v16  }
0x1d8: {  	[hbm4b:s0+s5] =	stream.linear.scatter [tilespmem:s28], [sflag:$0x4], $0x4000, $0x38;
	[tilespmem:$0x10000] =	vst v63  }
.Ltmp9:
0x1d9: {  	s0 =	sadd.s32 @!p1 s31, s13;
	(pc) =	sbr.rel .LBB2_9-.Ltmp9, $4  }
0x1da: {  	s0 =	smin.u32 @!p1 s0, $0xF41  }
0x1db: {  	s3 =	simm.s32 @!p1 $0x800;
	s0 =	sshll.u32 @!p1 s0, $0x8  }
0x1dc: {  	s6 =	simm.s32 @!p1 $0x8000;
	s4 =	simm.s32 @!p1 $0x7A1400;
	s0 =	sadd.s32 @!p1 s1, s0  }
0x1dd: {  	[tilespmem:s6], [sflag:$0x3] =	stream.strided.gather @!p1 [hbm4b:s0+s3], $0x4000, s4, s3, $0x38;
	[tilespmem:$0x10000] =	vst v63  }
.LBB2_10:
0x1de: {  	_ =	swait.ge [sflag:s24], $0x4000  }
.Ltmp10:
0x1df: {  	[sflag:s24] =	ssyncset.done $0x0;
	(pc) =	sbr.rel @p0 .LBB2_14-.Ltmp10, $4  }
0x1e0: {  	[sflag:s24] =	ssyncadd.s32 $0xFFFFC000  }
0x1e1: {  	_ =	swait.ge [sflag:s25], $0x4000  }
0x1e2: {  	[sflag:s25] =	ssyncset.done $0x0  }
0x1e3: {  	[sflag:s25] =	ssyncadd.s32 $0xFFFFC000  }
0x1e4: {  	s0 =	simm.s32 $0x0;
	s3 =	rddreg [dreg:$0x2]  }
0x1e5: {  	[tilespmem:s0], [sflag:$0x1] =	stream.linear.gather [hbm4b:s3+s0], $0x4000, $0x38;
	[tilespmem:$0x10000] =	vst v63  }
0x1e6: {  	s30 =	simm.s32 $0x0;
	_ =	swait.ge [sflag:s22], $0x4000  }
0x1e7: {  	s4 =	sand.u32 $0x3800, s0;
	s3 =	sand.u32 $0x300, s30;
	[sflag:s22] =	ssyncset.done $0x0  }
0x1e8: {  	s3 =	sor.u32 s3, s4;
	[sflag:s22] =	ssyncadd.s32 $0xFFFFC000  }
0x1e9: {  	v17 =	vor.u32 s0, v0;
	v16 =	vld [tilespmem:s3+$0x0];
	_ =	sdelay $0x4  }
0x1ea: {  	[tilespmem:v17+s23+$0x0] =	vst.idx.msk $0xffff, v16  }
0x1eb: {  	v17 =	vor.u32 s0, v1;
	v16 =	vld [tilespmem:s3+$0x10];
	_ =	sdelay $0x4  }
0x1ec: {  	[tilespmem:v17+s23+$0x0] =	vst.idx.msk $0xffff, v16  }
0x1ed: {  	v17 =	vor.u32 s0, v2;
	v16 =	vld [tilespmem:s3+$0x20];
	_ =	sdelay $0x4  }
0x1ee: {  	[tilespmem:v17+s23+$0x0] =	vst.idx.msk $0xffff, v16  }
0x1ef: {  	v17 =	vor.u32 s0, v3;
	v16 =	vld [tilespmem:s3+$0x30];
	_ =	sdelay $0x2  }
0x1f0: {  	s31 =	simm.s32 $0x80  }
0x1f1: {  	s0 =	sand.u32 $0x380, s31  }
0x1f2: {  	s6 =	simm.s32 $0x1;
	s4 =	sor.u32 s0, s4;
	[tilespmem:v17+s23+$0x0] =	vst.idx.msk $0xffff, v16  }
0x1f3: {  	v17 =	vor.u32 s6, v0;
	v16 =	vld [tilespmem:s4+$0x0];
	_ =	sdelay $0x4  }
0x1f4: {  	[tilespmem:v17+s23+$0x0] =	vst.idx.msk $0xffff, v16  }
0x1f5: {  	v17 =	vor.u32 s6, v1;
	v16 =	vld [tilespmem:s4+$0x10];
	_ =	sdelay $0x4  }
0x1f6: {  	[tilespmem:v17+s23+$0x0] =	vst.idx.msk $0xffff, v16  }
0x1f7: {  	v17 =	vor.u32 s6, v2;
	v16 =	vld [tilespmem:s4+$0x20];
	_ =	sdelay $0x4  }
0x1f8: {  	[tilespmem:v17+s23+$0x0] =	vst.idx.msk $0xffff, v16  }
0x1f9: {  	v17 =	vor.u32 s6, v3;
	v16 =	vld [tilespmem:s4+$0x30];
	_ =	sdelay $0x1  }
0x1fa: {  	s10 =	simm.s32 $0x100;
	s0 =	simm.s32 $0x2  }
0x1fb: {  	s3 =	simm.s32 $0x180;
	s6 =	simm.s32 $0x4;
	s4 =	simm.s32 $0x200  }
.LBB2_12:
0x1fc: {  	p1 =	slt.u32 s6, $0x3E;
	s14 =	sand.u32 $0x3800, s4;
	s10 =	sand.u32 $0x300, s10  }
0x1fd: {  	s10 =	sor.u32 s10, s14;
	[tilespmem:v17+s23+$0x0] =	vst.idx.msk $0xffff, v16  }
0x1fe: {  	v17 =	vor.u32 s0, v0;
	v16 =	vld [tilespmem:s10+$0x0];
	_ =	sdelay $0x4  }
0x1ff: {  	[tilespmem:v17+s23+$0x0] =	vst.idx.msk $0xffff, v16  }
0x200: {  	v17 =	vor.u32 s0, v1;
	v16 =	vld [tilespmem:s10+$0x10];
	_ =	sdelay $0x4  }
0x201: {  	[tilespmem:v17+s23+$0x0] =	vst.idx.msk $0xffff, v16  }
0x202: {  	v17 =	vor.u32 s0, v2;
	v16 =	vld [tilespmem:s10+$0x20];
	_ =	sdelay $0x4  }
0x203: {  	[tilespmem:v17+s23+$0x0] =	vst.idx.msk $0xffff, v16  }
0x204: {  	v17 =	vor.u32 s0, v3;
	v16 =	vld [tilespmem:s10+$0x30];
	_ =	sdelay $0x3  }
0x205: {  	s10 =	sand.u32 $0x380, s3  }
0x206: {  	s10 =	sor.u32 s10, s14;
	s14 =	sadd.s32 $0x1, s0;
	s0 =	smov.u32 s6;
	[tilespmem:v17+s23+$0x0] =	vst.idx.msk $0xffff, v16  }
0x207: {  	v17 =	vor.u32 s14, v0;
	v16 =	vld [tilespmem:s10+$0x0];
	_ =	sdelay $0x4  }
0x208: {  	[tilespmem:v17+s23+$0x0] =	vst.idx.msk $0xffff, v16  }
0x209: {  	v17 =	vor.u32 s14, v1;
	v16 =	vld [tilespmem:s10+$0x10];
	_ =	sdelay $0x4  }
0x20a: {  	[tilespmem:v17+s23+$0x0] =	vst.idx.msk $0xffff, v16  }
0x20b: {  	v17 =	vor.u32 s14, v2;
	v16 =	vld [tilespmem:s10+$0x20];
	_ =	sdelay $0x4  }
.Ltmp11:
0x20c: {  	[tilespmem:v17+s23+$0x0] =	vst.idx.msk $0xffff, v16;
	(pc) =	sbr.rel @p1 .LBB2_12-.Ltmp11, $3  }
0x20d: {  	v17 =	vor.u32 s14, v3;
	v16 =	vld [tilespmem:s10+$0x30];
	_ =	sdelay $0x1  }
0x20e: {  	s3 =	sadd.s32 $0x100, s3  }
0x20f: {  	s4 =	sadd.s32 $0x200, s4;
	s6 =	sadd.s32 $0x2, s6;
	s10 =	sadd.s32 $0xFFFFFF80, s3  }
0x210: {  	_ =	sdelay $0x2  }
0x211: {  	s4 =	sand.u32 $0x3800, s4;
	s6 =	sand.u32 $0x300, s10  }
0x212: {  	s6 =	sor.u32 s6, s4;
	[tilespmem:v17+s23+$0x0] =	vst.idx.msk $0xffff, v16  }
0x213: {  	v17 =	vor.u32 s0, v0;
	v16 =	vld [tilespmem:s6+$0x0];
	_ =	sdelay $0x4  }
0x214: {  	[tilespmem:v17+s23+$0x0] =	vst.idx.msk $0xffff, v16  }
0x215: {  	v17 =	vor.u32 s0, v1;
	v16 =	vld [tilespmem:s6+$0x10];
	_ =	sdelay $0x4  }
0x216: {  	[tilespmem:v17+s23+$0x0] =	vst.idx.msk $0xffff, v16  }
0x217: {  	v17 =	vor.u32 s0, v2;
	v16 =	vld [tilespmem:s6+$0x20];
	_ =	sdelay $0x4  }
0x218: {  	[tilespmem:v17+s23+$0x0] =	vst.idx.msk $0xffff, v16  }
0x219: {  	v17 =	vor.u32 s0, v3;
	v16 =	vld [tilespmem:s6+$0x30];
	_ =	sdelay $0x3  }
0x21a: {  	s3 =	sand.u32 $0x380, s3  }
0x21b: {  	s30 =	sadd.s32 $0x1, s0;
	s3 =	sor.u32 s3, s4;
	[tilespmem:v17+s23+$0x0] =	vst.idx.msk $0xffff, v16  }
0x21c: {  	v17 =	vor.u32 s30, v0;
	v16 =	vld [tilespmem:s3+$0x0];
	_ =	sdelay $0x4  }
0x21d: {  	[tilespmem:v17+s23+$0x0] =	vst.idx.msk $0xffff, v16  }
0x21e: {  	v17 =	vor.u32 s30, v1;
	v16 =	vld [tilespmem:s3+$0x10];
	_ =	sdelay $0x4  }
0x21f: {  	[tilespmem:v17+s23+$0x0] =	vst.idx.msk $0xffff, v16  }
0x220: {  	v17 =	vor.u32 s30, v2;
	v16 =	vld [tilespmem:s3+$0x20];
	_ =	sdelay $0x4  }
0x221: {  	[tilespmem:v17+s23+$0x0] =	vst.idx.msk $0xffff, v16  }
0x222: {  	v17 =	vor.u32 s30, v3;
	v16 =	vld [tilespmem:s3+$0x30];
	_ =	sdelay $0x4  }
0x223: {  	s31 =	rddreg [dreg:$0x8];
	[tilespmem:v17+s23+$0x0] =	vst.idx.msk $0xffff, v16  }
0x224: {  	[hbm4b:s31+s5] =	stream.linear.scatter [tilespmem:s23], [sflag:$0x2], $0x1000, $0x38;
	[tilespmem:$0x10000] =	vst v63  }
0x225: {  	_ =	swait.ge [sflag:s24], $0x1000  }
0x226: {  	[sflag:s24] =	ssyncset.done $0x0  }
0x227: {  	[sflag:s24] =	ssyncadd.s32 $0xFFFFF000  }
.LBB2_14:
.Ltmp12:
0x228: {  	(pc) =	sbr.rel .LBB2_15-.Ltmp12, $4  }
0x229: {  	s30 =	simm.s32 $0x0  }
0x22a: {  	[tilespmem:s30], [sflag:$0x1] =	stream.strided.gather [hbm4b:s15+s19], $0x4000, s20, s19, $0x38;
	[tilespmem:$0x10000] =	vst v63  }
0x22b: {  	s0 =	simm.s32 $0x8000;
	s31 =	simm.s32 $0x0  }
0x22c: {  	[tilespmem:s0], [sflag:$0x3] =	stream.strided.gather [hbm4b:s16+s19], $0x4000, s20, s19, $0x38;
	[tilespmem:$0x10000] =	vst v63  }
.LBB2_22:
0x22d: {  	s31 =	sadd.s32 $0x1, s31  }
0x22e: {  	p1 =	sne.s32 s31, $0x3E  }
.Ltmp13:
0x22f: {  	_ = 	snop;
	(pc) =	sbr.rel @!p1 .LBB2_23-.Ltmp13, $1  }
0x230: {  	_ =	sdelay $0x3  }
.LBB2_15:
0x231: {  	_ =	swait.ge [sflag:s22], $0x4000  }
0x232: {  	p1 =	seq.s32 s31, $0x0;
	[sflag:s22] =	ssyncset.done $0x0  }
0x233: {  	s0 =	simm.s32 @!p1 $0x2;
	[sflag:s22] =	ssyncadd.s32 $0xFFFFC000  }
0x234: {  	s3 =	simm.s32 $0x0;
	_ =	swait.ge @!p1 [sflag:s0], $0x4000  }
0x235: {  	s4 =	sand.u32 $0x3800, s30;
	s3 =	sand.u32 $0x300, s3;
	[sflag:s0] =	ssyncset.done @!p1 $0x0  }
0x236: {  	s14 =	sor.u32 s3, s4;
	[sflag:s0] =	ssyncadd.s32 @!p1 $0xFFFFC000  }
0x237: {  	v17 =	vor.u32 s30, v0;
	v16 =	vld [tilespmem:s14+$0x0];
	_ =	sdelay $0x4  }
0x238: {  	[tilespmem:v17+s23+$0x0] =	vst.idx.msk $0xffff, v16  }
0x239: {  	v17 =	vor.u32 s30, v1;
	v16 =	vld [tilespmem:s14+$0x10];
	_ =	sdelay $0x4  }
0x23a: {  	[tilespmem:v17+s23+$0x0] =	vst.idx.msk $0xffff, v16  }
0x23b: {  	v17 =	vor.u32 s30, v2;
	v16 =	vld [tilespmem:s14+$0x20];
	_ =	sdelay $0x4  }
0x23c: {  	[tilespmem:v17+s23+$0x0] =	vst.idx.msk $0xffff, v16  }
0x23d: {  	v17 =	vor.u32 s30, v3;
	v16 =	vld [tilespmem:s14+$0x30];
	_ =	sdelay $0x4  }
0x23e: {  	[tilespmem:v17+s23+$0x0] =	vst.idx.msk $0xffff, v16  }
0x23f: {  	v17 =	vor.u32 s30, v4;
	v16 =	vld [tilespmem:s14+$0x40];
	_ =	sdelay $0x4  }
0x240: {  	[tilespmem:v17+s23+$0x0] =	vst.idx.msk $0xffff, v16  }
0x241: {  	v17 =	vor.u32 s30, v5;
	v16 =	vld [tilespmem:s14+$0x50];
	_ =	sdelay $0x4  }
0x242: {  	[tilespmem:v17+s23+$0x0] =	vst.idx.msk $0xffff, v16  }
0x243: {  	v17 =	vor.u32 s30, v6;
	v16 =	vld [tilespmem:s14+$0x60];
	_ =	sdelay $0x4  }
0x244: {  	[tilespmem:v17+s23+$0x0] =	vst.idx.msk $0xffff, v16  }
0x245: {  	v17 =	vor.u32 s30, v7;
	v16 =	vld [tilespmem:s14+$0x70];
	_ =	sdelay $0x4  }
0x246: {  	[tilespmem:v17+s23+$0x0] =	vst.idx.msk $0xffff, v16  }
0x247: {  	v17 =	vor.u32 s30, v8;
	v16 =	vld [tilespmem:s14+$0x400];
	_ =	sdelay $0x4  }
0x248: {  	[tilespmem:v17+s23+$0x0] =	vst.idx.msk $0xffff, v16  }
0x249: {  	v17 =	vor.u32 s30, v9;
	v16 =	vld [tilespmem:s14+$0x410];
	_ =	sdelay $0x4  }
0x24a: {  	[tilespmem:v17+s23+$0x0] =	vst.idx.msk $0xffff, v16  }
0x24b: {  	v17 =	vor.u32 s30, v10;
	v16 =	vld [tilespmem:s14+$0x420];
	_ =	sdelay $0x4  }
0x24c: {  	[tilespmem:v17+s23+$0x0] =	vst.idx.msk $0xffff, v16  }
0x24d: {  	v17 =	vor.u32 s30, v11;
	v16 =	vld [tilespmem:s14+$0x430];
	_ =	sdelay $0x4  }
0x24e: {  	[tilespmem:v17+s23+$0x0] =	vst.idx.msk $0xffff, v16  }
0x24f: {  	v17 =	vor.u32 s30, v12;
	v16 =	vld [tilespmem:s14+$0x440];
	_ =	sdelay $0x4  }
0x250: {  	[tilespmem:v17+s23+$0x0] =	vst.idx.msk $0xffff, v16  }
0x251: {  	v17 =	vor.u32 s30, v13;
	v16 =	vld [tilespmem:s14+$0x450];
	_ =	sdelay $0x4  }
0x252: {  	[tilespmem:v17+s23+$0x0] =	vst.idx.msk $0xffff, v16  }
0x253: {  	v17 =	vor.u32 s30, v14;
	v16 =	vld [tilespmem:s14+$0x460];
	_ =	sdelay $0x4  }
0x254: {  	[tilespmem:v17+s23+$0x0] =	vst.idx.msk $0xffff, v16  }
0x255: {  	v17 =	vor.u32 s30, v15;
	v16 =	vld [tilespmem:s14+$0x470];
	_ =	sdelay $0x2  }
0x256: {  	s17 =	simm.s32 $0x80  }
0x257: {  	s0 =	sand.u32 $0x380, s17  }
0x258: {  	s10 =	sor.u32 s0, s4;
	s14 =	simm.s32 $0x1;
	[tilespmem:v17+s23+$0x0] =	vst.idx.msk $0xffff, v16  }
0x259: {  	v17 =	vor.u32 s14, v0;
	v16 =	vld [tilespmem:s10+$0x0];
	_ =	sdelay $0x4  }
0x25a: {  	[tilespmem:v17+s23+$0x0] =	vst.idx.msk $0xffff, v16  }
0x25b: {  	v17 =	vor.u32 s14, v1;
	v16 =	vld [tilespmem:s10+$0x10];
	_ =	sdelay $0x4  }
0x25c: {  	[tilespmem:v17+s23+$0x0] =	vst.idx.msk $0xffff, v16  }
0x25d: {  	v17 =	vor.u32 s14, v2;
	v16 =	vld [tilespmem:s10+$0x20];
	_ =	sdelay $0x4  }
0x25e: {  	[tilespmem:v17+s23+$0x0] =	vst.idx.msk $0xffff, v16  }
0x25f: {  	v17 =	vor.u32 s14, v3;
	v16 =	vld [tilespmem:s10+$0x30];
	_ =	sdelay $0x4  }
0x260: {  	[tilespmem:v17+s23+$0x0] =	vst.idx.msk $0xffff, v16  }
0x261: {  	v17 =	vor.u32 s14, v4;
	v16 =	vld [tilespmem:s10+$0x40];
	_ =	sdelay $0x4  }
0x262: {  	[tilespmem:v17+s23+$0x0] =	vst.idx.msk $0xffff, v16  }
0x263: {  	v17 =	vor.u32 s14, v5;
	v16 =	vld [tilespmem:s10+$0x50];
	_ =	sdelay $0x4  }
0x264: {  	[tilespmem:v17+s23+$0x0] =	vst.idx.msk $0xffff, v16  }
0x265: {  	v17 =	vor.u32 s14, v6;
	v16 =	vld [tilespmem:s10+$0x60];
	_ =	sdelay $0x4  }
0x266: {  	[tilespmem:v17+s23+$0x0] =	vst.idx.msk $0xffff, v16  }
0x267: {  	v17 =	vor.u32 s14, v7;
	v16 =	vld [tilespmem:s10+$0x70];
	_ =	sdelay $0x4  }
0x268: {  	[tilespmem:v17+s23+$0x0] =	vst.idx.msk $0xffff, v16  }
0x269: {  	v17 =	vor.u32 s14, v8;
	v16 =	vld [tilespmem:s10+$0x400];
	_ =	sdelay $0x4  }
0x26a: {  	[tilespmem:v17+s23+$0x0] =	vst.idx.msk $0xffff, v16  }
0x26b: {  	v17 =	vor.u32 s14, v9;
	v16 =	vld [tilespmem:s10+$0x410];
	_ =	sdelay $0x4  }
0x26c: {  	[tilespmem:v17+s23+$0x0] =	vst.idx.msk $0xffff, v16  }
0x26d: {  	v17 =	vor.u32 s14, v10;
	v16 =	vld [tilespmem:s10+$0x420];
	_ =	sdelay $0x4  }
0x26e: {  	[tilespmem:v17+s23+$0x0] =	vst.idx.msk $0xffff, v16  }
0x26f: {  	v17 =	vor.u32 s14, v11;
	v16 =	vld [tilespmem:s10+$0x430];
	_ =	sdelay $0x4  }
0x270: {  	[tilespmem:v17+s23+$0x0] =	vst.idx.msk $0xffff, v16  }
0x271: {  	v17 =	vor.u32 s14, v12;
	v16 =	vld [tilespmem:s10+$0x440];
	_ =	sdelay $0x4  }
0x272: {  	[tilespmem:v17+s23+$0x0] =	vst.idx.msk $0xffff, v16  }
0x273: {  	v17 =	vor.u32 s14, v13;
	v16 =	vld [tilespmem:s10+$0x450];
	_ =	sdelay $0x4  }
0x274: {  	[tilespmem:v17+s23+$0x0] =	vst.idx.msk $0xffff, v16  }
0x275: {  	v17 =	vor.u32 s14, v14;
	v16 =	vld [tilespmem:s10+$0x460];
	_ =	sdelay $0x4  }
0x276: {  	[tilespmem:v17+s23+$0x0] =	vst.idx.msk $0xffff, v16  }
0x277: {  	v17 =	vor.u32 s14, v15;
	v16 =	vld [tilespmem:s10+$0x470]  }
0x278: {  	s6 =	simm.s32 $0x180;
	s0 =	sshll.u32 s31, $0x1  }
0x279: {  	s17 =	simm.s32 $0x4;
	s4 =	simm.s32 $0x2;
	s21 =	sadd.s32 s9, s0  }
0x27a: {  	s3 =	smin.u32 s21, $0xF41;
	s14 =	simm.s32 $0x200;
	s10 =	simm.s32 $0x100  }
.LBB2_16:
0x27b: {  	p2 =	slt.u32 s17, $0x3E;
	s21 =	sand.u32 $0x3800, s14;
	s10 =	sand.u32 $0x300, s10  }
0x27c: {  	s10 =	sor.u32 s10, s21;
	[tilespmem:v17+s23+$0x0] =	vst.idx.msk $0xffff, v16  }
0x27d: {  	v17 =	vor.u32 s4, v0;
	v16 =	vld [tilespmem:s10+$0x0];
	_ =	sdelay $0x4  }
0x27e: {  	[tilespmem:v17+s23+$0x0] =	vst.idx.msk $0xffff, v16  }
0x27f: {  	v17 =	vor.u32 s4, v1;
	v16 =	vld [tilespmem:s10+$0x10];
	_ =	sdelay $0x4  }
0x280: {  	[tilespmem:v17+s23+$0x0] =	vst.idx.msk $0xffff, v16  }
0x281: {  	v17 =	vor.u32 s4, v2;
	v16 =	vld [tilespmem:s10+$0x20];
	_ =	sdelay $0x4  }
0x282: {  	[tilespmem:v17+s23+$0x0] =	vst.idx.msk $0xffff, v16  }
0x283: {  	v17 =	vor.u32 s4, v3;
	v16 =	vld [tilespmem:s10+$0x30];
	_ =	sdelay $0x4  }
0x284: {  	[tilespmem:v17+s23+$0x0] =	vst.idx.msk $0xffff, v16  }
0x285: {  	v17 =	vor.u32 s4, v4;
	v16 =	vld [tilespmem:s10+$0x40];
	_ =	sdelay $0x4  }
0x286: {  	[tilespmem:v17+s23+$0x0] =	vst.idx.msk $0xffff, v16  }
0x287: {  	v17 =	vor.u32 s4, v5;
	v16 =	vld [tilespmem:s10+$0x50];
	_ =	sdelay $0x4  }
0x288: {  	[tilespmem:v17+s23+$0x0] =	vst.idx.msk $0xffff, v16  }
0x289: {  	v17 =	vor.u32 s4, v6;
	v16 =	vld [tilespmem:s10+$0x60];
	_ =	sdelay $0x4  }
0x28a: {  	[tilespmem:v17+s23+$0x0] =	vst.idx.msk $0xffff, v16  }
0x28b: {  	v17 =	vor.u32 s4, v7;
	v16 =	vld [tilespmem:s10+$0x70];
	_ =	sdelay $0x4  }
0x28c: {  	[tilespmem:v17+s23+$0x0] =	vst.idx.msk $0xffff, v16  }
0x28d: {  	v17 =	vor.u32 s4, v8;
	v16 =	vld [tilespmem:s10+$0x400];
	_ =	sdelay $0x4  }
0x28e: {  	[tilespmem:v17+s23+$0x0] =	vst.idx.msk $0xffff, v16  }
0x28f: {  	v17 =	vor.u32 s4, v9;
	v16 =	vld [tilespmem:s10+$0x410];
	_ =	sdelay $0x4  }
0x290: {  	[tilespmem:v17+s23+$0x0] =	vst.idx.msk $0xffff, v16  }
0x291: {  	v17 =	vor.u32 s4, v10;
	v16 =	vld [tilespmem:s10+$0x420];
	_ =	sdelay $0x4  }
0x292: {  	[tilespmem:v17+s23+$0x0] =	vst.idx.msk $0xffff, v16  }
0x293: {  	v17 =	vor.u32 s4, v11;
	v16 =	vld [tilespmem:s10+$0x430];
	_ =	sdelay $0x4  }
0x294: {  	[tilespmem:v17+s23+$0x0] =	vst.idx.msk $0xffff, v16  }
0x295: {  	v17 =	vor.u32 s4, v12;
	v16 =	vld [tilespmem:s10+$0x440];
	_ =	sdelay $0x4  }
0x296: {  	[tilespmem:v17+s23+$0x0] =	vst.idx.msk $0xffff, v16  }
0x297: {  	v17 =	vor.u32 s4, v13;
	v16 =	vld [tilespmem:s10+$0x450];
	_ =	sdelay $0x4  }
0x298: {  	[tilespmem:v17+s23+$0x0] =	vst.idx.msk $0xffff, v16  }
0x299: {  	v17 =	vor.u32 s4, v14;
	v16 =	vld [tilespmem:s10+$0x460];
	_ =	sdelay $0x4  }
0x29a: {  	[tilespmem:v17+s23+$0x0] =	vst.idx.msk $0xffff, v16  }
0x29b: {  	v17 =	vor.u32 s4, v15;
	v16 =	vld [tilespmem:s10+$0x470];
	_ =	sdelay $0x3  }
0x29c: {  	s10 =	sand.u32 $0x380, s6  }
0x29d: {  	s21 =	sor.u32 s10, s21;
	s10 =	sadd.s32 $0x1, s4;
	s4 =	smov.u32 s17;
	[tilespmem:v17+s23+$0x0] =	vst.idx.msk $0xffff, v16  }
0x29e: {  	v17 =	vor.u32 s10, v0;
	v16 =	vld [tilespmem:s21+$0x0];
	_ =	sdelay $0x4  }
0x29f: {  	[tilespmem:v17+s23+$0x0] =	vst.idx.msk $0xffff, v16  }
0x2a0: {  	v17 =	vor.u32 s10, v1;
	v16 =	vld [tilespmem:s21+$0x10];
	_ =	sdelay $0x4  }
0x2a1: {  	[tilespmem:v17+s23+$0x0] =	vst.idx.msk $0xffff, v16  }
0x2a2: {  	v17 =	vor.u32 s10, v2;
	v16 =	vld [tilespmem:s21+$0x20];
	_ =	sdelay $0x4  }
0x2a3: {  	[tilespmem:v17+s23+$0x0] =	vst.idx.msk $0xffff, v16  }
0x2a4: {  	v17 =	vor.u32 s10, v3;
	v16 =	vld [tilespmem:s21+$0x30];
	_ =	sdelay $0x4  }
0x2a5: {  	[tilespmem:v17+s23+$0x0] =	vst.idx.msk $0xffff, v16  }
0x2a6: {  	v17 =	vor.u32 s10, v4;
	v16 =	vld [tilespmem:s21+$0x40];
	_ =	sdelay $0x4  }
0x2a7: {  	[tilespmem:v17+s23+$0x0] =	vst.idx.msk $0xffff, v16  }
0x2a8: {  	v17 =	vor.u32 s10, v5;
	v16 =	vld [tilespmem:s21+$0x50];
	_ =	sdelay $0x4  }
0x2a9: {  	[tilespmem:v17+s23+$0x0] =	vst.idx.msk $0xffff, v16  }
0x2aa: {  	v17 =	vor.u32 s10, v6;
	v16 =	vld [tilespmem:s21+$0x60];
	_ =	sdelay $0x4  }
0x2ab: {  	[tilespmem:v17+s23+$0x0] =	vst.idx.msk $0xffff, v16  }
0x2ac: {  	v17 =	vor.u32 s10, v7;
	v16 =	vld [tilespmem:s21+$0x70];
	_ =	sdelay $0x4  }
0x2ad: {  	[tilespmem:v17+s23+$0x0] =	vst.idx.msk $0xffff, v16  }
0x2ae: {  	v17 =	vor.u32 s10, v8;
	v16 =	vld [tilespmem:s21+$0x400];
	_ =	sdelay $0x4  }
0x2af: {  	[tilespmem:v17+s23+$0x0] =	vst.idx.msk $0xffff, v16  }
0x2b0: {  	v17 =	vor.u32 s10, v9;
	v16 =	vld [tilespmem:s21+$0x410];
	_ =	sdelay $0x4  }
0x2b1: {  	[tilespmem:v17+s23+$0x0] =	vst.idx.msk $0xffff, v16  }
0x2b2: {  	v17 =	vor.u32 s10, v10;
	v16 =	vld [tilespmem:s21+$0x420];
	_ =	sdelay $0x4  }
0x2b3: {  	[tilespmem:v17+s23+$0x0] =	vst.idx.msk $0xffff, v16  }
0x2b4: {  	v17 =	vor.u32 s10, v11;
	v16 =	vld [tilespmem:s21+$0x430];
	_ =	sdelay $0x4  }
0x2b5: {  	[tilespmem:v17+s23+$0x0] =	vst.idx.msk $0xffff, v16  }
0x2b6: {  	v17 =	vor.u32 s10, v12;
	v16 =	vld [tilespmem:s21+$0x440];
	_ =	sdelay $0x4  }
0x2b7: {  	[tilespmem:v17+s23+$0x0] =	vst.idx.msk $0xffff, v16  }
0x2b8: {  	v17 =	vor.u32 s10, v13;
	v16 =	vld [tilespmem:s21+$0x450];
	_ =	sdelay $0x4  }
0x2b9: {  	[tilespmem:v17+s23+$0x0] =	vst.idx.msk $0xffff, v16  }
0x2ba: {  	v17 =	vor.u32 s10, v14;
	v16 =	vld [tilespmem:s21+$0x460];
	_ =	sdelay $0x4  }
.Ltmp14:
0x2bb: {  	[tilespmem:v17+s23+$0x0] =	vst.idx.msk $0xffff, v16;
	(pc) =	sbr.rel @p2 .LBB2_16-.Ltmp14, $3  }
0x2bc: {  	v17 =	vor.u32 s10, v15;
	v16 =	vld [tilespmem:s21+$0x470];
	_ =	sdelay $0x1  }
0x2bd: {  	s6 =	sadd.s32 $0x100, s6  }
0x2be: {  	s14 =	sadd.s32 $0x200, s14;
	s17 =	sadd.s32 $0x2, s17;
	s10 =	sadd.s32 $0xFFFFFF80, s6  }
0x2bf: {  	_ =	sdelay $0x2  }
0x2c0: {  	s14 =	sand.u32 $0x3800, s14;
	s10 =	sand.u32 $0x300, s10  }
0x2c1: {  	s10 =	sor.u32 s10, s14;
	[tilespmem:v17+s23+$0x0] =	vst.idx.msk $0xffff, v16  }
0x2c2: {  	v17 =	vor.u32 s4, v0;
	v16 =	vld [tilespmem:s10+$0x0];
	_ =	sdelay $0x4  }
0x2c3: {  	[tilespmem:v17+s23+$0x0] =	vst.idx.msk $0xffff, v16  }
0x2c4: {  	v17 =	vor.u32 s4, v1;
	v16 =	vld [tilespmem:s10+$0x10];
	_ =	sdelay $0x4  }
0x2c5: {  	[tilespmem:v17+s23+$0x0] =	vst.idx.msk $0xffff, v16  }
0x2c6: {  	v17 =	vor.u32 s4, v2;
	v16 =	vld [tilespmem:s10+$0x20];
	_ =	sdelay $0x4  }
0x2c7: {  	[tilespmem:v17+s23+$0x0] =	vst.idx.msk $0xffff, v16  }
0x2c8: {  	v17 =	vor.u32 s4, v3;
	v16 =	vld [tilespmem:s10+$0x30];
	_ =	sdelay $0x4  }
0x2c9: {  	[tilespmem:v17+s23+$0x0] =	vst.idx.msk $0xffff, v16  }
0x2ca: {  	v17 =	vor.u32 s4, v4;
	v16 =	vld [tilespmem:s10+$0x40];
	_ =	sdelay $0x4  }
0x2cb: {  	[tilespmem:v17+s23+$0x0] =	vst.idx.msk $0xffff, v16  }
0x2cc: {  	v17 =	vor.u32 s4, v5;
	v16 =	vld [tilespmem:s10+$0x50];
	_ =	sdelay $0x4  }
0x2cd: {  	[tilespmem:v17+s23+$0x0] =	vst.idx.msk $0xffff, v16  }
0x2ce: {  	v17 =	vor.u32 s4, v6;
	v16 =	vld [tilespmem:s10+$0x60];
	_ =	sdelay $0x4  }
0x2cf: {  	[tilespmem:v17+s23+$0x0] =	vst.idx.msk $0xffff, v16  }
0x2d0: {  	v17 =	vor.u32 s4, v7;
	v16 =	vld [tilespmem:s10+$0x70];
	_ =	sdelay $0x4  }
0x2d1: {  	[tilespmem:v17+s23+$0x0] =	vst.idx.msk $0xffff, v16  }
0x2d2: {  	v17 =	vor.u32 s4, v8;
	v16 =	vld [tilespmem:s10+$0x400];
	_ =	sdelay $0x4  }
0x2d3: {  	[tilespmem:v17+s23+$0x0] =	vst.idx.msk $0xffff, v16  }
0x2d4: {  	v17 =	vor.u32 s4, v9;
	v16 =	vld [tilespmem:s10+$0x410];
	_ =	sdelay $0x4  }
0x2d5: {  	[tilespmem:v17+s23+$0x0] =	vst.idx.msk $0xffff, v16  }
0x2d6: {  	v17 =	vor.u32 s4, v10;
	v16 =	vld [tilespmem:s10+$0x420];
	_ =	sdelay $0x4  }
0x2d7: {  	[tilespmem:v17+s23+$0x0] =	vst.idx.msk $0xffff, v16  }
0x2d8: {  	v17 =	vor.u32 s4, v11;
	v16 =	vld [tilespmem:s10+$0x430];
	_ =	sdelay $0x4  }
0x2d9: {  	[tilespmem:v17+s23+$0x0] =	vst.idx.msk $0xffff, v16  }
0x2da: {  	v17 =	vor.u32 s4, v12;
	v16 =	vld [tilespmem:s10+$0x440];
	_ =	sdelay $0x4  }
0x2db: {  	[tilespmem:v17+s23+$0x0] =	vst.idx.msk $0xffff, v16  }
0x2dc: {  	v17 =	vor.u32 s4, v13;
	v16 =	vld [tilespmem:s10+$0x450];
	_ =	sdelay $0x4  }
0x2dd: {  	[tilespmem:v17+s23+$0x0] =	vst.idx.msk $0xffff, v16  }
0x2de: {  	v17 =	vor.u32 s4, v14;
	v16 =	vld [tilespmem:s10+$0x460];
	_ =	sdelay $0x4  }
0x2df: {  	[tilespmem:v17+s23+$0x0] =	vst.idx.msk $0xffff, v16  }
0x2e0: {  	v17 =	vor.u32 s4, v15;
	v16 =	vld [tilespmem:s10+$0x470];
	_ =	sdelay $0x3  }
0x2e1: {  	s6 =	sand.u32 $0x380, s6  }
0x2e2: {  	s21 =	sadd.s32 $0x1, s4;
	s6 =	sor.u32 s6, s14;
	[tilespmem:v17+s23+$0x0] =	vst.idx.msk $0xffff, v16  }
0x2e3: {  	v17 =	vor.u32 s21, v0;
	v16 =	vld [tilespmem:s6+$0x0];
	_ =	sdelay $0x4  }
0x2e4: {  	[tilespmem:v17+s23+$0x0] =	vst.idx.msk $0xffff, v16  }
0x2e5: {  	v17 =	vor.u32 s21, v1;
	v16 =	vld [tilespmem:s6+$0x10];
	_ =	sdelay $0x4  }
0x2e6: {  	[tilespmem:v17+s23+$0x0] =	vst.idx.msk $0xffff, v16  }
0x2e7: {  	v17 =	vor.u32 s21, v2;
	v16 =	vld [tilespmem:s6+$0x20];
	_ =	sdelay $0x4  }
0x2e8: {  	[tilespmem:v17+s23+$0x0] =	vst.idx.msk $0xffff, v16  }
0x2e9: {  	v17 =	vor.u32 s21, v3;
	v16 =	vld [tilespmem:s6+$0x30];
	_ =	sdelay $0x4  }
0x2ea: {  	[tilespmem:v17+s23+$0x0] =	vst.idx.msk $0xffff, v16  }
0x2eb: {  	v17 =	vor.u32 s21, v4;
	v16 =	vld [tilespmem:s6+$0x40];
	_ =	sdelay $0x4  }
0x2ec: {  	[tilespmem:v17+s23+$0x0] =	vst.idx.msk $0xffff, v16  }
0x2ed: {  	v17 =	vor.u32 s21, v5;
	v16 =	vld [tilespmem:s6+$0x50];
	_ =	sdelay $0x4  }
0x2ee: {  	[tilespmem:v17+s23+$0x0] =	vst.idx.msk $0xffff, v16  }
0x2ef: {  	v17 =	vor.u32 s21, v6;
	v16 =	vld [tilespmem:s6+$0x60];
	_ =	sdelay $0x4  }
0x2f0: {  	[tilespmem:v17+s23+$0x0] =	vst.idx.msk $0xffff, v16  }
0x2f1: {  	v17 =	vor.u32 s21, v7;
	v16 =	vld [tilespmem:s6+$0x70];
	_ =	sdelay $0x4  }
0x2f2: {  	[tilespmem:v17+s23+$0x0] =	vst.idx.msk $0xffff, v16  }
0x2f3: {  	v17 =	vor.u32 s21, v8;
	v16 =	vld [tilespmem:s6+$0x400];
	_ =	sdelay $0x4  }
0x2f4: {  	[tilespmem:v17+s23+$0x0] =	vst.idx.msk $0xffff, v16  }
0x2f5: {  	v17 =	vor.u32 s21, v9;
	v16 =	vld [tilespmem:s6+$0x410];
	_ =	sdelay $0x4  }
0x2f6: {  	[tilespmem:v17+s23+$0x0] =	vst.idx.msk $0xffff, v16  }
0x2f7: {  	v17 =	vor.u32 s21, v10;
	v16 =	vld [tilespmem:s6+$0x420];
	_ =	sdelay $0x4  }
0x2f8: {  	[tilespmem:v17+s23+$0x0] =	vst.idx.msk $0xffff, v16  }
0x2f9: {  	v17 =	vor.u32 s21, v11;
	v16 =	vld [tilespmem:s6+$0x430];
	_ =	sdelay $0x4  }
0x2fa: {  	[tilespmem:v17+s23+$0x0] =	vst.idx.msk $0xffff, v16  }
0x2fb: {  	v17 =	vor.u32 s21, v12;
	v16 =	vld [tilespmem:s6+$0x440];
	_ =	sdelay $0x4  }
0x2fc: {  	[tilespmem:v17+s23+$0x0] =	vst.idx.msk $0xffff, v16  }
0x2fd: {  	v17 =	vor.u32 s21, v13;
	v16 =	vld [tilespmem:s6+$0x450];
	_ =	sdelay $0x4  }
0x2fe: {  	[tilespmem:v17+s23+$0x0] =	vst.idx.msk $0xffff, v16  }
0x2ff: {  	v17 =	vor.u32 s21, v14;
	v16 =	vld [tilespmem:s6+$0x460];
	_ =	sdelay $0x4  }
0x300: {  	[tilespmem:v17+s23+$0x0] =	vst.idx.msk $0xffff, v16  }
0x301: {  	v17 =	vor.u32 s21, v15;
	v16 =	vld [tilespmem:s6+$0x470]  }
0x302: {  	p2 =	seq.s32 s31, $0x3D  }
.Ltmp15:
0x303: {  	_ = 	snop;
	(pc) =	sbr.rel @p2 .LBB2_23-.Ltmp15, $4  }
0x304: {  	_ = 	snop  }
0x305: {  	s3 =	sshll.u32 s3, $0xB  }
0x306: {  	s3 =	sadd.s32 s8, s3;
	[tilespmem:v17+s23+$0x0] =	vst.idx.msk $0xffff, v16  }
0x307: {  	[hbm4b:s3+s5] =	stream.linear.scatter [tilespmem:s23], [sflag:$0x2], $0x4000, $0x38;
	[tilespmem:$0x10000] =	vst v63  }
0x308: {  	s3 =	sadd.s32 s0, s12  }
0x309: {  	s3 =	smin.u32 s3, $0xF41  }
0x30a: {  	s3 =	sshll.u32 s3, $0x8  }
0x30b: {  	s3 =	sadd.s32 s2, s3  }
0x30c: {  	[tilespmem:s5], [sflag:$0x1] =	stream.strided.gather [hbm4b:s3+s19], $0x4000, s20, s19, $0x38;
	[tilespmem:$0x10000] =	vst v63  }
0x30d: {  	s3 =	sor.u32 $0x1, s0  }
0x30e: {  	p2 =	sgt.u32 s3, $0x7A  }
.Ltmp16:
0x30f: {  	_ = 	snop;
	(pc) =	sbr.rel @p2 .LBB2_22-.Ltmp16, $1  }
0x310: {  	_ =	sdelay $0x3  }
0x311: {  	_ =	swait.ge [sflag:s26], $0x4000  }
0x312: {  	[sflag:s26] =	ssyncset.done $0x0  }
0x313: {  	s4 =	simm.s32 @!p1 $0x4;
	s6 =	simm.s32 $0x0;
	[sflag:s26] =	ssyncadd.s32 $0xFFFFC000  }
0x314: {  	s14 =	simm.s32 $0x0;
	s10 =	sand.u32 $0x3800, s6;
	_ =	swait.ge @!p1 [sflag:s4], $0x4000  }
0x315: {  	s14 =	sand.u32 $0x300, s14;
	s10 =	sor.u32 $0x8000, s10;
	[sflag:s4] =	ssyncset.done @!p1 $0x0  }
0x316: {  	s17 =	sor.u32 s14, s10;
	[sflag:s4] =	ssyncadd.s32 @!p1 $0xFFFFC000  }
0x317: {  	v17 =	vor.u32 s6, v0;
	v16 =	vld [tilespmem:s17+$0x0];
	_ =	sdelay $0x4  }
0x318: {  	[tilespmem:v17+s28+$0x0] =	vst.idx.msk $0xffff, v16  }
0x319: {  	v17 =	vor.u32 s6, v1;
	v16 =	vld [tilespmem:s17+$0x10];
	_ =	sdelay $0x4  }
0x31a: {  	[tilespmem:v17+s28+$0x0] =	vst.idx.msk $0xffff, v16  }
0x31b: {  	v17 =	vor.u32 s6, v2;
	v16 =	vld [tilespmem:s17+$0x20];
	_ =	sdelay $0x4  }
0x31c: {  	[tilespmem:v17+s28+$0x0] =	vst.idx.msk $0xffff, v16  }
0x31d: {  	v17 =	vor.u32 s6, v3;
	v16 =	vld [tilespmem:s17+$0x30];
	_ =	sdelay $0x4  }
0x31e: {  	[tilespmem:v17+s28+$0x0] =	vst.idx.msk $0xffff, v16  }
0x31f: {  	v17 =	vor.u32 s6, v4;
	v16 =	vld [tilespmem:s17+$0x40];
	_ =	sdelay $0x4  }
0x320: {  	[tilespmem:v17+s28+$0x0] =	vst.idx.msk $0xffff, v16  }
0x321: {  	v17 =	vor.u32 s6, v5;
	v16 =	vld [tilespmem:s17+$0x50];
	_ =	sdelay $0x4  }
0x322: {  	[tilespmem:v17+s28+$0x0] =	vst.idx.msk $0xffff, v16  }
0x323: {  	v17 =	vor.u32 s6, v6;
	v16 =	vld [tilespmem:s17+$0x60];
	_ =	sdelay $0x4  }
0x324: {  	[tilespmem:v17+s28+$0x0] =	vst.idx.msk $0xffff, v16  }
0x325: {  	v17 =	vor.u32 s6, v7;
	v16 =	vld [tilespmem:s17+$0x70];
	_ =	sdelay $0x4  }
0x326: {  	[tilespmem:v17+s28+$0x0] =	vst.idx.msk $0xffff, v16  }
0x327: {  	v17 =	vor.u32 s6, v8;
	v16 =	vld [tilespmem:s17+$0x400];
	_ =	sdelay $0x4  }
0x328: {  	[tilespmem:v17+s28+$0x0] =	vst.idx.msk $0xffff, v16  }
0x329: {  	v17 =	vor.u32 s6, v9;
	v16 =	vld [tilespmem:s17+$0x410];
	_ =	sdelay $0x4  }
0x32a: {  	[tilespmem:v17+s28+$0x0] =	vst.idx.msk $0xffff, v16  }
0x32b: {  	v17 =	vor.u32 s6, v10;
	v16 =	vld [tilespmem:s17+$0x420];
	_ =	sdelay $0x4  }
0x32c: {  	[tilespmem:v17+s28+$0x0] =	vst.idx.msk $0xffff, v16  }
0x32d: {  	v17 =	vor.u32 s6, v11;
	v16 =	vld [tilespmem:s17+$0x430];
	_ =	sdelay $0x4  }
0x32e: {  	[tilespmem:v17+s28+$0x0] =	vst.idx.msk $0xffff, v16  }
0x32f: {  	v17 =	vor.u32 s6, v12;
	v16 =	vld [tilespmem:s17+$0x440];
	_ =	sdelay $0x4  }
0x330: {  	[tilespmem:v17+s28+$0x0] =	vst.idx.msk $0xffff, v16  }
0x331: {  	v17 =	vor.u32 s6, v13;
	v16 =	vld [tilespmem:s17+$0x450];
	_ =	sdelay $0x4  }
0x332: {  	[tilespmem:v17+s28+$0x0] =	vst.idx.msk $0xffff, v16  }
0x333: {  	v17 =	vor.u32 s6, v14;
	v16 =	vld [tilespmem:s17+$0x460];
	_ =	sdelay $0x4  }
0x334: {  	[tilespmem:v17+s28+$0x0] =	vst.idx.msk $0xffff, v16  }
0x335: {  	v17 =	vor.u32 s6, v15;
	v16 =	vld [tilespmem:s17+$0x470];
	_ =	sdelay $0x2  }
0x336: {  	s21 =	simm.s32 $0x80  }
0x337: {  	s4 =	sand.u32 $0x380, s21  }
0x338: {  	s10 =	sor.u32 s4, s10;
	s17 =	simm.s32 $0x1;
	[tilespmem:v17+s28+$0x0] =	vst.idx.msk $0xffff, v16  }
0x339: {  	v17 =	vor.u32 s17, v0;
	v16 =	vld [tilespmem:s10+$0x0];
	_ =	sdelay $0x4  }
0x33a: {  	[tilespmem:v17+s28+$0x0] =	vst.idx.msk $0xffff, v16  }
0x33b: {  	v17 =	vor.u32 s17, v1;
	v16 =	vld [tilespmem:s10+$0x10];
	_ =	sdelay $0x4  }
0x33c: {  	[tilespmem:v17+s28+$0x0] =	vst.idx.msk $0xffff, v16  }
0x33d: {  	v17 =	vor.u32 s17, v2;
	v16 =	vld [tilespmem:s10+$0x20];
	_ =	sdelay $0x4  }
0x33e: {  	[tilespmem:v17+s28+$0x0] =	vst.idx.msk $0xffff, v16  }
0x33f: {  	v17 =	vor.u32 s17, v3;
	v16 =	vld [tilespmem:s10+$0x30];
	_ =	sdelay $0x4  }
0x340: {  	[tilespmem:v17+s28+$0x0] =	vst.idx.msk $0xffff, v16  }
0x341: {  	v17 =	vor.u32 s17, v4;
	v16 =	vld [tilespmem:s10+$0x40];
	_ =	sdelay $0x4  }
0x342: {  	[tilespmem:v17+s28+$0x0] =	vst.idx.msk $0xffff, v16  }
0x343: {  	v17 =	vor.u32 s17, v5;
	v16 =	vld [tilespmem:s10+$0x50];
	_ =	sdelay $0x4  }
0x344: {  	[tilespmem:v17+s28+$0x0] =	vst.idx.msk $0xffff, v16  }
0x345: {  	v17 =	vor.u32 s17, v6;
	v16 =	vld [tilespmem:s10+$0x60];
	_ =	sdelay $0x4  }
0x346: {  	[tilespmem:v17+s28+$0x0] =	vst.idx.msk $0xffff, v16  }
0x347: {  	v17 =	vor.u32 s17, v7;
	v16 =	vld [tilespmem:s10+$0x70];
	_ =	sdelay $0x4  }
0x348: {  	[tilespmem:v17+s28+$0x0] =	vst.idx.msk $0xffff, v16  }
0x349: {  	v17 =	vor.u32 s17, v8;
	v16 =	vld [tilespmem:s10+$0x400];
	_ =	sdelay $0x4  }
0x34a: {  	[tilespmem:v17+s28+$0x0] =	vst.idx.msk $0xffff, v16  }
0x34b: {  	v17 =	vor.u32 s17, v9;
	v16 =	vld [tilespmem:s10+$0x410];
	_ =	sdelay $0x4  }
0x34c: {  	[tilespmem:v17+s28+$0x0] =	vst.idx.msk $0xffff, v16  }
0x34d: {  	v17 =	vor.u32 s17, v10;
	v16 =	vld [tilespmem:s10+$0x420];
	_ =	sdelay $0x4  }
0x34e: {  	[tilespmem:v17+s28+$0x0] =	vst.idx.msk $0xffff, v16  }
0x34f: {  	v17 =	vor.u32 s17, v11;
	v16 =	vld [tilespmem:s10+$0x430];
	_ =	sdelay $0x4  }
0x350: {  	[tilespmem:v17+s28+$0x0] =	vst.idx.msk $0xffff, v16  }
0x351: {  	v17 =	vor.u32 s17, v12;
	v16 =	vld [tilespmem:s10+$0x440];
	_ =	sdelay $0x4  }
0x352: {  	[tilespmem:v17+s28+$0x0] =	vst.idx.msk $0xffff, v16  }
0x353: {  	v17 =	vor.u32 s17, v13;
	v16 =	vld [tilespmem:s10+$0x450];
	_ =	sdelay $0x4  }
0x354: {  	[tilespmem:v17+s28+$0x0] =	vst.idx.msk $0xffff, v16  }
0x355: {  	v17 =	vor.u32 s17, v14;
	v16 =	vld [tilespmem:s10+$0x460];
	_ =	sdelay $0x4  }
0x356: {  	[tilespmem:v17+s28+$0x0] =	vst.idx.msk $0xffff, v16  }
0x357: {  	s3 =	sadd.s32 s9, s3;
	v17 =	vor.u32 s17, v15;
	v16 =	vld [tilespmem:s10+$0x470]  }
0x358: {  	s3 =	smin.u32 s3, $0xF41  }
0x359: {  	s14 =	simm.s32 $0x200;
	s21 =	simm.s32 $0x100;
	s4 =	simm.s32 $0x2  }
0x35a: {  	s6 =	simm.s32 $0x180;
	s17 =	simm.s32 $0x4;
	s10 =	sand.u32 $0x3800, s14  }
.LBB2_20:
0x35b: {  	p1 =	slt.u32 s17, $0x3E;
	s11 =	sand.u32 $0x300, s21;
	s21 =	sor.u32 $0x8000, s10  }
0x35c: {  	s10 =	sor.u32 s11, s21;
	[tilespmem:v17+s28+$0x0] =	vst.idx.msk $0xffff, v16  }
0x35d: {  	v17 =	vor.u32 s4, v0;
	v16 =	vld [tilespmem:s10+$0x0];
	_ =	sdelay $0x4  }
0x35e: {  	[tilespmem:v17+s28+$0x0] =	vst.idx.msk $0xffff, v16  }
0x35f: {  	v17 =	vor.u32 s4, v1;
	v16 =	vld [tilespmem:s10+$0x10];
	_ =	sdelay $0x4  }
0x360: {  	[tilespmem:v17+s28+$0x0] =	vst.idx.msk $0xffff, v16  }
0x361: {  	v17 =	vor.u32 s4, v2;
	v16 =	vld [tilespmem:s10+$0x20];
	_ =	sdelay $0x4  }
0x362: {  	[tilespmem:v17+s28+$0x0] =	vst.idx.msk $0xffff, v16  }
0x363: {  	v17 =	vor.u32 s4, v3;
	v16 =	vld [tilespmem:s10+$0x30];
	_ =	sdelay $0x4  }
0x364: {  	[tilespmem:v17+s28+$0x0] =	vst.idx.msk $0xffff, v16  }
0x365: {  	v17 =	vor.u32 s4, v4;
	v16 =	vld [tilespmem:s10+$0x40];
	_ =	sdelay $0x4  }
0x366: {  	[tilespmem:v17+s28+$0x0] =	vst.idx.msk $0xffff, v16  }
0x367: {  	v17 =	vor.u32 s4, v5;
	v16 =	vld [tilespmem:s10+$0x50];
	_ =	sdelay $0x4  }
0x368: {  	[tilespmem:v17+s28+$0x0] =	vst.idx.msk $0xffff, v16  }
0x369: {  	v17 =	vor.u32 s4, v6;
	v16 =	vld [tilespmem:s10+$0x60];
	_ =	sdelay $0x4  }
0x36a: {  	[tilespmem:v17+s28+$0x0] =	vst.idx.msk $0xffff, v16  }
0x36b: {  	v17 =	vor.u32 s4, v7;
	v16 =	vld [tilespmem:s10+$0x70];
	_ =	sdelay $0x4  }
0x36c: {  	[tilespmem:v17+s28+$0x0] =	vst.idx.msk $0xffff, v16  }
0x36d: {  	v17 =	vor.u32 s4, v8;
	v16 =	vld [tilespmem:s10+$0x400];
	_ =	sdelay $0x4  }
0x36e: {  	[tilespmem:v17+s28+$0x0] =	vst.idx.msk $0xffff, v16  }
0x36f: {  	v17 =	vor.u32 s4, v9;
	v16 =	vld [tilespmem:s10+$0x410];
	_ =	sdelay $0x4  }
0x370: {  	[tilespmem:v17+s28+$0x0] =	vst.idx.msk $0xffff, v16  }
0x371: {  	v17 =	vor.u32 s4, v10;
	v16 =	vld [tilespmem:s10+$0x420];
	_ =	sdelay $0x4  }
0x372: {  	[tilespmem:v17+s28+$0x0] =	vst.idx.msk $0xffff, v16  }
0x373: {  	v17 =	vor.u32 s4, v11;
	v16 =	vld [tilespmem:s10+$0x430];
	_ =	sdelay $0x4  }
0x374: {  	[tilespmem:v17+s28+$0x0] =	vst.idx.msk $0xffff, v16  }
0x375: {  	v17 =	vor.u32 s4, v12;
	v16 =	vld [tilespmem:s10+$0x440];
	_ =	sdelay $0x4  }
0x376: {  	[tilespmem:v17+s28+$0x0] =	vst.idx.msk $0xffff, v16  }
0x377: {  	v17 =	vor.u32 s4, v13;
	v16 =	vld [tilespmem:s10+$0x450];
	_ =	sdelay $0x4  }
0x378: {  	[tilespmem:v17+s28+$0x0] =	vst.idx.msk $0xffff, v16  }
0x379: {  	v17 =	vor.u32 s4, v14;
	v16 =	vld [tilespmem:s10+$0x460];
	_ =	sdelay $0x4  }
0x37a: {  	[tilespmem:v17+s28+$0x0] =	vst.idx.msk $0xffff, v16  }
0x37b: {  	v17 =	vor.u32 s4, v15;
	v16 =	vld [tilespmem:s10+$0x470];
	_ =	sdelay $0x3  }
0x37c: {  	s10 =	sand.u32 $0x380, s6  }
0x37d: {  	s10 =	sor.u32 s10, s21;
	s21 =	sadd.s32 $0x1, s4;
	s4 =	smov.u32 s17;
	[tilespmem:v17+s28+$0x0] =	vst.idx.msk $0xffff, v16  }
0x37e: {  	v17 =	vor.u32 s21, v0;
	v16 =	vld [tilespmem:s10+$0x0];
	_ =	sdelay $0x4  }
0x37f: {  	[tilespmem:v17+s28+$0x0] =	vst.idx.msk $0xffff, v16  }
0x380: {  	v17 =	vor.u32 s21, v1;
	v16 =	vld [tilespmem:s10+$0x10];
	_ =	sdelay $0x4  }
0x381: {  	[tilespmem:v17+s28+$0x0] =	vst.idx.msk $0xffff, v16  }
0x382: {  	v17 =	vor.u32 s21, v2;
	v16 =	vld [tilespmem:s10+$0x20];
	_ =	sdelay $0x4  }
0x383: {  	[tilespmem:v17+s28+$0x0] =	vst.idx.msk $0xffff, v16  }
0x384: {  	v17 =	vor.u32 s21, v3;
	v16 =	vld [tilespmem:s10+$0x30];
	_ =	sdelay $0x4  }
0x385: {  	[tilespmem:v17+s28+$0x0] =	vst.idx.msk $0xffff, v16  }
0x386: {  	v17 =	vor.u32 s21, v4;
	v16 =	vld [tilespmem:s10+$0x40];
	_ =	sdelay $0x4  }
0x387: {  	[tilespmem:v17+s28+$0x0] =	vst.idx.msk $0xffff, v16  }
0x388: {  	v17 =	vor.u32 s21, v5;
	v16 =	vld [tilespmem:s10+$0x50];
	_ =	sdelay $0x4  }
0x389: {  	[tilespmem:v17+s28+$0x0] =	vst.idx.msk $0xffff, v16  }
0x38a: {  	v17 =	vor.u32 s21, v6;
	v16 =	vld [tilespmem:s10+$0x60];
	_ =	sdelay $0x4  }
0x38b: {  	[tilespmem:v17+s28+$0x0] =	vst.idx.msk $0xffff, v16  }
0x38c: {  	v17 =	vor.u32 s21, v7;
	v16 =	vld [tilespmem:s10+$0x70];
	_ =	sdelay $0x4  }
0x38d: {  	[tilespmem:v17+s28+$0x0] =	vst.idx.msk $0xffff, v16  }
0x38e: {  	v17 =	vor.u32 s21, v8;
	v16 =	vld [tilespmem:s10+$0x400];
	_ =	sdelay $0x4  }
0x38f: {  	[tilespmem:v17+s28+$0x0] =	vst.idx.msk $0xffff, v16  }
0x390: {  	v17 =	vor.u32 s21, v9;
	v16 =	vld [tilespmem:s10+$0x410];
	_ =	sdelay $0x4  }
0x391: {  	[tilespmem:v17+s28+$0x0] =	vst.idx.msk $0xffff, v16  }
0x392: {  	v17 =	vor.u32 s21, v10;
	v16 =	vld [tilespmem:s10+$0x420];
	_ =	sdelay $0x4  }
0x393: {  	[tilespmem:v17+s28+$0x0] =	vst.idx.msk $0xffff, v16  }
0x394: {  	v17 =	vor.u32 s21, v11;
	v16 =	vld [tilespmem:s10+$0x430];
	_ =	sdelay $0x4  }
0x395: {  	[tilespmem:v17+s28+$0x0] =	vst.idx.msk $0xffff, v16  }
0x396: {  	v17 =	vor.u32 s21, v12;
	v16 =	vld [tilespmem:s10+$0x440];
	_ =	sdelay $0x4  }
0x397: {  	[tilespmem:v17+s28+$0x0] =	vst.idx.msk $0xffff, v16  }
0x398: {  	v17 =	vor.u32 s21, v13;
	v16 =	vld [tilespmem:s10+$0x450];
	_ =	sdelay $0x4  }
0x399: {  	[tilespmem:v17+s28+$0x0] =	vst.idx.msk $0xffff, v16  }
0x39a: {  	v17 =	vor.u32 s21, v14;
	v16 =	vld [tilespmem:s10+$0x460];
	_ =	sdelay $0x4  }
.Ltmp17:
0x39b: {  	[tilespmem:v17+s28+$0x0] =	vst.idx.msk $0xffff, v16;
	(pc) =	sbr.rel @p1 .LBB2_20-.Ltmp17, $3  }
0x39c: {  	v17 =	vor.u32 s21, v15;
	v16 =	vld [tilespmem:s10+$0x470];
	_ =	sdelay $0x1  }
0x39d: {  	s14 =	sadd.s32 $0x200, s14;
	s6 =	sadd.s32 $0x100, s6  }
0x39e: {  	s17 =	sadd.s32 $0x2, s17;
	s21 =	sadd.s32 $0xFFFFFF80, s6;
	s10 =	sand.u32 $0x3800, s14  }
0x39f: {  	_ =	sdelay $0x2  }
0x3a0: {  	s11 =	sand.u32 $0x300, s21;
	s10 =	sor.u32 $0x8000, s10  }
0x3a1: {  	s11 =	sor.u32 s11, s10;
	[tilespmem:v17+s28+$0x0] =	vst.idx.msk $0xffff, v16  }
0x3a2: {  	v17 =	vor.u32 s4, v0;
	v16 =	vld [tilespmem:s11+$0x0];
	_ =	sdelay $0x4  }
0x3a3: {  	[tilespmem:v17+s28+$0x0] =	vst.idx.msk $0xffff, v16  }
0x3a4: {  	v17 =	vor.u32 s4, v1;
	v16 =	vld [tilespmem:s11+$0x10];
	_ =	sdelay $0x4  }
0x3a5: {  	[tilespmem:v17+s28+$0x0] =	vst.idx.msk $0xffff, v16  }
0x3a6: {  	v17 =	vor.u32 s4, v2;
	v16 =	vld [tilespmem:s11+$0x20];
	_ =	sdelay $0x4  }
0x3a7: {  	[tilespmem:v17+s28+$0x0] =	vst.idx.msk $0xffff, v16  }
0x3a8: {  	v17 =	vor.u32 s4, v3;
	v16 =	vld [tilespmem:s11+$0x30];
	_ =	sdelay $0x4  }
0x3a9: {  	[tilespmem:v17+s28+$0x0] =	vst.idx.msk $0xffff, v16  }
0x3aa: {  	v17 =	vor.u32 s4, v4;
	v16 =	vld [tilespmem:s11+$0x40];
	_ =	sdelay $0x4  }
0x3ab: {  	[tilespmem:v17+s28+$0x0] =	vst.idx.msk $0xffff, v16  }
0x3ac: {  	v17 =	vor.u32 s4, v5;
	v16 =	vld [tilespmem:s11+$0x50];
	_ =	sdelay $0x4  }
0x3ad: {  	[tilespmem:v17+s28+$0x0] =	vst.idx.msk $0xffff, v16  }
0x3ae: {  	v17 =	vor.u32 s4, v6;
	v16 =	vld [tilespmem:s11+$0x60];
	_ =	sdelay $0x4  }
0x3af: {  	[tilespmem:v17+s28+$0x0] =	vst.idx.msk $0xffff, v16  }
0x3b0: {  	v17 =	vor.u32 s4, v7;
	v16 =	vld [tilespmem:s11+$0x70];
	_ =	sdelay $0x4  }
0x3b1: {  	[tilespmem:v17+s28+$0x0] =	vst.idx.msk $0xffff, v16  }
0x3b2: {  	v17 =	vor.u32 s4, v8;
	v16 =	vld [tilespmem:s11+$0x400];
	_ =	sdelay $0x4  }
0x3b3: {  	[tilespmem:v17+s28+$0x0] =	vst.idx.msk $0xffff, v16  }
0x3b4: {  	v17 =	vor.u32 s4, v9;
	v16 =	vld [tilespmem:s11+$0x410];
	_ =	sdelay $0x4  }
0x3b5: {  	[tilespmem:v17+s28+$0x0] =	vst.idx.msk $0xffff, v16  }
0x3b6: {  	v17 =	vor.u32 s4, v10;
	v16 =	vld [tilespmem:s11+$0x420];
	_ =	sdelay $0x4  }
0x3b7: {  	[tilespmem:v17+s28+$0x0] =	vst.idx.msk $0xffff, v16  }
0x3b8: {  	v17 =	vor.u32 s4, v11;
	v16 =	vld [tilespmem:s11+$0x430];
	_ =	sdelay $0x4  }
0x3b9: {  	[tilespmem:v17+s28+$0x0] =	vst.idx.msk $0xffff, v16  }
0x3ba: {  	v17 =	vor.u32 s4, v12;
	v16 =	vld [tilespmem:s11+$0x440];
	_ =	sdelay $0x4  }
0x3bb: {  	[tilespmem:v17+s28+$0x0] =	vst.idx.msk $0xffff, v16  }
0x3bc: {  	v17 =	vor.u32 s4, v13;
	v16 =	vld [tilespmem:s11+$0x450];
	_ =	sdelay $0x4  }
0x3bd: {  	[tilespmem:v17+s28+$0x0] =	vst.idx.msk $0xffff, v16  }
0x3be: {  	v17 =	vor.u32 s4, v14;
	v16 =	vld [tilespmem:s11+$0x460];
	_ =	sdelay $0x4  }
0x3bf: {  	[tilespmem:v17+s28+$0x0] =	vst.idx.msk $0xffff, v16  }
0x3c0: {  	v17 =	vor.u32 s4, v15;
	v16 =	vld [tilespmem:s11+$0x470];
	_ =	sdelay $0x3  }
0x3c1: {  	s6 =	sand.u32 $0x380, s6  }
0x3c2: {  	s21 =	sadd.s32 $0x1, s4;
	s6 =	sor.u32 s6, s10;
	[tilespmem:v17+s28+$0x0] =	vst.idx.msk $0xffff, v16  }
0x3c3: {  	v17 =	vor.u32 s21, v0;
	v16 =	vld [tilespmem:s6+$0x0];
	_ =	sdelay $0x4  }
0x3c4: {  	[tilespmem:v17+s28+$0x0] =	vst.idx.msk $0xffff, v16  }
0x3c5: {  	v17 =	vor.u32 s21, v1;
	v16 =	vld [tilespmem:s6+$0x10];
	_ =	sdelay $0x4  }
0x3c6: {  	[tilespmem:v17+s28+$0x0] =	vst.idx.msk $0xffff, v16  }
0x3c7: {  	v17 =	vor.u32 s21, v2;
	v16 =	vld [tilespmem:s6+$0x20];
	_ =	sdelay $0x4  }
0x3c8: {  	[tilespmem:v17+s28+$0x0] =	vst.idx.msk $0xffff, v16  }
0x3c9: {  	v17 =	vor.u32 s21, v3;
	v16 =	vld [tilespmem:s6+$0x30];
	_ =	sdelay $0x4  }
0x3ca: {  	[tilespmem:v17+s28+$0x0] =	vst.idx.msk $0xffff, v16  }
0x3cb: {  	v17 =	vor.u32 s21, v4;
	v16 =	vld [tilespmem:s6+$0x40];
	_ =	sdelay $0x4  }
0x3cc: {  	[tilespmem:v17+s28+$0x0] =	vst.idx.msk $0xffff, v16  }
0x3cd: {  	v17 =	vor.u32 s21, v5;
	v16 =	vld [tilespmem:s6+$0x50];
	_ =	sdelay $0x4  }
0x3ce: {  	[tilespmem:v17+s28+$0x0] =	vst.idx.msk $0xffff, v16  }
0x3cf: {  	v17 =	vor.u32 s21, v6;
	v16 =	vld [tilespmem:s6+$0x60];
	_ =	sdelay $0x4  }
0x3d0: {  	[tilespmem:v17+s28+$0x0] =	vst.idx.msk $0xffff, v16  }
0x3d1: {  	v17 =	vor.u32 s21, v7;
	v16 =	vld [tilespmem:s6+$0x70];
	_ =	sdelay $0x4  }
0x3d2: {  	[tilespmem:v17+s28+$0x0] =	vst.idx.msk $0xffff, v16  }
0x3d3: {  	v17 =	vor.u32 s21, v8;
	v16 =	vld [tilespmem:s6+$0x400];
	_ =	sdelay $0x4  }
0x3d4: {  	[tilespmem:v17+s28+$0x0] =	vst.idx.msk $0xffff, v16  }
0x3d5: {  	v17 =	vor.u32 s21, v9;
	v16 =	vld [tilespmem:s6+$0x410];
	_ =	sdelay $0x4  }
0x3d6: {  	[tilespmem:v17+s28+$0x0] =	vst.idx.msk $0xffff, v16  }
0x3d7: {  	v17 =	vor.u32 s21, v10;
	v16 =	vld [tilespmem:s6+$0x420];
	_ =	sdelay $0x4  }
0x3d8: {  	[tilespmem:v17+s28+$0x0] =	vst.idx.msk $0xffff, v16  }
0x3d9: {  	v17 =	vor.u32 s21, v11;
	v16 =	vld [tilespmem:s6+$0x430];
	_ =	sdelay $0x4  }
0x3da: {  	[tilespmem:v17+s28+$0x0] =	vst.idx.msk $0xffff, v16  }
0x3db: {  	v17 =	vor.u32 s21, v12;
	v16 =	vld [tilespmem:s6+$0x440];
	_ =	sdelay $0x4  }
0x3dc: {  	[tilespmem:v17+s28+$0x0] =	vst.idx.msk $0xffff, v16  }
0x3dd: {  	v17 =	vor.u32 s21, v13;
	v16 =	vld [tilespmem:s6+$0x450];
	_ =	sdelay $0x4  }
0x3de: {  	[tilespmem:v17+s28+$0x0] =	vst.idx.msk $0xffff, v16  }
0x3df: {  	v17 =	vor.u32 s21, v14;
	v16 =	vld [tilespmem:s6+$0x460];
	_ =	sdelay $0x4  }
0x3e0: {  	[tilespmem:v17+s28+$0x0] =	vst.idx.msk $0xffff, v16  }
0x3e1: {  	v17 =	vor.u32 s21, v15;
	v16 =	vld [tilespmem:s6+$0x470]  }
0x3e2: {  	p1 =	sgt.u32 s31, $0x3B  }
0x3e3: {  	s0 =	sadd.s32 @!p1 s0, s13  }
0x3e4: {  	s0 =	smin.u32 @!p1 s0, $0xF41  }
.Ltmp18:
0x3e5: {  	s3 =	sshll.u32 s3, $0xB;
	s0 =	sshll.u32 @!p1 s0, $0x8;
	(pc) =	sbr.rel .LBB2_22-.Ltmp18, $4  }
0x3e6: {  	s3 =	sadd.s32 s8, s3;
	s0 =	sadd.s32 @!p1 s2, s0;
	[tilespmem:v17+s28+$0x0] =	vst.idx.msk $0xffff, v16  }
0x3e7: {  	[hbm4b:s3+s5] =	stream.linear.scatter [tilespmem:s28], [sflag:$0x4], $0x4000, $0x38;
	[tilespmem:$0x10000] =	vst v63  }
0x3e8: {  	s4 =	simm.s32 @!p1 $0x7A1400;
	s6 =	simm.s32 @!p1 $0x8000;
	s3 =	simm.s32 @!p1 $0x800  }
0x3e9: {  	[tilespmem:s6], [sflag:$0x3] =	stream.strided.gather @!p1 [hbm4b:s0+s3], $0x4000, s4, s3, $0x38;
	[tilespmem:$0x10000] =	vst v63  }
.LBB2_24:
0x3ea: {  	s0 =	simm.s32 $0x0;
	s3 =	rddreg [dreg:$0x5]  }
0x3eb: {  	[tilespmem:s0], [sflag:$0x1] =	stream.linear.gather [hbm4b:s3+s0], $0x4000, $0x38;
	[tilespmem:$0x10000] =	vst v63  }
0x3ec: {  	s30 =	simm.s32 $0x0;
	_ =	swait.ge [sflag:s22], $0x4000  }
0x3ed: {  	s4 =	sand.u32 $0x3800, s0;
	s3 =	sand.u32 $0x300, s30;
	[sflag:s22] =	ssyncset.done $0x0  }
0x3ee: {  	s3 =	sor.u32 s3, s4;
	[sflag:s22] =	ssyncadd.s32 $0xFFFFC000  }
0x3ef: {  	v17 =	vor.u32 s0, v0;
	v16 =	vld [tilespmem:s3+$0x0];
	_ =	sdelay $0x4  }
0x3f0: {  	[tilespmem:v17+s23+$0x0] =	vst.idx.msk $0xffff, v16  }
0x3f1: {  	v17 =	vor.u32 s0, v1;
	v16 =	vld [tilespmem:s3+$0x10];
	_ =	sdelay $0x4  }
0x3f2: {  	[tilespmem:v17+s23+$0x0] =	vst.idx.msk $0xffff, v16  }
0x3f3: {  	v17 =	vor.u32 s0, v2;
	v16 =	vld [tilespmem:s3+$0x20];
	_ =	sdelay $0x4  }
0x3f4: {  	[tilespmem:v17+s23+$0x0] =	vst.idx.msk $0xffff, v16  }
0x3f5: {  	v17 =	vor.u32 s0, v3;
	v16 =	vld [tilespmem:s3+$0x30];
	_ =	sdelay $0x2  }
0x3f6: {  	s31 =	simm.s32 $0x80  }
0x3f7: {  	s0 =	sand.u32 $0x380, s31  }
0x3f8: {  	s6 =	simm.s32 $0x1;
	s4 =	sor.u32 s0, s4;
	[tilespmem:v17+s23+$0x0] =	vst.idx.msk $0xffff, v16  }
0x3f9: {  	v17 =	vor.u32 s6, v0;
	v16 =	vld [tilespmem:s4+$0x0];
	_ =	sdelay $0x4  }
0x3fa: {  	[tilespmem:v17+s23+$0x0] =	vst.idx.msk $0xffff, v16  }
0x3fb: {  	v17 =	vor.u32 s6, v1;
	v16 =	vld [tilespmem:s4+$0x10];
	_ =	sdelay $0x4  }
0x3fc: {  	[tilespmem:v17+s23+$0x0] =	vst.idx.msk $0xffff, v16  }
0x3fd: {  	v17 =	vor.u32 s6, v2;
	v16 =	vld [tilespmem:s4+$0x20];
	_ =	sdelay $0x4  }
0x3fe: {  	[tilespmem:v17+s23+$0x0] =	vst.idx.msk $0xffff, v16  }
0x3ff: {  	v17 =	vor.u32 s6, v3;
	v16 =	vld [tilespmem:s4+$0x30];
	_ =	sdelay $0x1  }
0x400: {  	s10 =	simm.s32 $0x100;
	s0 =	simm.s32 $0x2  }
0x401: {  	s3 =	simm.s32 $0x180;
	s6 =	simm.s32 $0x4;
	s4 =	simm.s32 $0x200  }
.LBB2_25:
0x402: {  	p1 =	slt.u32 s6, $0x3E;
	s11 =	sand.u32 $0x3800, s4;
	s10 =	sand.u32 $0x300, s10  }
0x403: {  	s10 =	sor.u32 s10, s11;
	[tilespmem:v17+s23+$0x0] =	vst.idx.msk $0xffff, v16  }
0x404: {  	v17 =	vor.u32 s0, v0;
	v16 =	vld [tilespmem:s10+$0x0];
	_ =	sdelay $0x4  }
0x405: {  	[tilespmem:v17+s23+$0x0] =	vst.idx.msk $0xffff, v16  }
0x406: {  	v17 =	vor.u32 s0, v1;
	v16 =	vld [tilespmem:s10+$0x10];
	_ =	sdelay $0x4  }
0x407: {  	[tilespmem:v17+s23+$0x0] =	vst.idx.msk $0xffff, v16  }
0x408: {  	v17 =	vor.u32 s0, v2;
	v16 =	vld [tilespmem:s10+$0x20];
	_ =	sdelay $0x4  }
0x409: {  	[tilespmem:v17+s23+$0x0] =	vst.idx.msk $0xffff, v16  }
0x40a: {  	v17 =	vor.u32 s0, v3;
	v16 =	vld [tilespmem:s10+$0x30];
	_ =	sdelay $0x3  }
0x40b: {  	s10 =	sand.u32 $0x380, s3  }
0x40c: {  	s10 =	sor.u32 s10, s11;
	s11 =	sadd.s32 $0x1, s0;
	s0 =	smov.u32 s6;
	[tilespmem:v17+s23+$0x0] =	vst.idx.msk $0xffff, v16  }
0x40d: {  	v17 =	vor.u32 s11, v0;
	v16 =	vld [tilespmem:s10+$0x0];
	_ =	sdelay $0x4  }
0x40e: {  	[tilespmem:v17+s23+$0x0] =	vst.idx.msk $0xffff, v16  }
0x40f: {  	v17 =	vor.u32 s11, v1;
	v16 =	vld [tilespmem:s10+$0x10];
	_ =	sdelay $0x4  }
0x410: {  	[tilespmem:v17+s23+$0x0] =	vst.idx.msk $0xffff, v16  }
0x411: {  	v17 =	vor.u32 s11, v2;
	v16 =	vld [tilespmem:s10+$0x20];
	_ =	sdelay $0x4  }
.Ltmp19:
0x412: {  	[tilespmem:v17+s23+$0x0] =	vst.idx.msk $0xffff, v16;
	(pc) =	sbr.rel @p1 .LBB2_25-.Ltmp19, $3  }
0x413: {  	v17 =	vor.u32 s11, v3;
	v16 =	vld [tilespmem:s10+$0x30];
	_ =	sdelay $0x1  }
0x414: {  	s3 =	sadd.s32 $0x100, s3  }
0x415: {  	s4 =	sadd.s32 $0x200, s4;
	s6 =	sadd.s32 $0x2, s6;
	s10 =	sadd.s32 $0xFFFFFF80, s3  }
0x416: {  	_ =	sdelay $0x2  }
0x417: {  	s4 =	sand.u32 $0x3800, s4;
	s6 =	sand.u32 $0x300, s10  }
0x418: {  	s6 =	sor.u32 s6, s4;
	[tilespmem:v17+s23+$0x0] =	vst.idx.msk $0xffff, v16  }
0x419: {  	v17 =	vor.u32 s0, v0;
	v16 =	vld [tilespmem:s6+$0x0];
	_ =	sdelay $0x4  }
0x41a: {  	[tilespmem:v17+s23+$0x0] =	vst.idx.msk $0xffff, v16  }
0x41b: {  	v17 =	vor.u32 s0, v1;
	v16 =	vld [tilespmem:s6+$0x10];
	_ =	sdelay $0x4  }
0x41c: {  	[tilespmem:v17+s23+$0x0] =	vst.idx.msk $0xffff, v16  }
0x41d: {  	v17 =	vor.u32 s0, v2;
	v16 =	vld [tilespmem:s6+$0x20];
	_ =	sdelay $0x4  }
0x41e: {  	[tilespmem:v17+s23+$0x0] =	vst.idx.msk $0xffff, v16  }
0x41f: {  	v17 =	vor.u32 s0, v3;
	v16 =	vld [tilespmem:s6+$0x30];
	_ =	sdelay $0x3  }
0x420: {  	s3 =	sand.u32 $0x380, s3  }
0x421: {  	s30 =	sadd.s32 $0x1, s0;
	s3 =	sor.u32 s3, s4;
	[tilespmem:v17+s23+$0x0] =	vst.idx.msk $0xffff, v16  }
0x422: {  	v17 =	vor.u32 s30, v0;
	v16 =	vld [tilespmem:s3+$0x0];
	_ =	sdelay $0x4  }
0x423: {  	[tilespmem:v17+s23+$0x0] =	vst.idx.msk $0xffff, v16  }
0x424: {  	v17 =	vor.u32 s30, v1;
	v16 =	vld [tilespmem:s3+$0x10];
	_ =	sdelay $0x4  }
0x425: {  	[tilespmem:v17+s23+$0x0] =	vst.idx.msk $0xffff, v16  }
0x426: {  	v17 =	vor.u32 s30, v2;
	v16 =	vld [tilespmem:s3+$0x20];
	_ =	sdelay $0x4  }
0x427: {  	[tilespmem:v17+s23+$0x0] =	vst.idx.msk $0xffff, v16  }
0x428: {  	v17 =	vor.u32 s30, v3;
	v16 =	vld [tilespmem:s3+$0x30];
	_ =	sdelay $0x4  }
.Ltmp20:
0x429: {  	s31 =	rddreg [dreg:$0x9];
	[tilespmem:v17+s23+$0x0] =	vst.idx.msk $0xffff, v16;
	(pc) =	sbr.rel .LBB2_27-.Ltmp20, $4  }
0x42a: {  	[hbm4b:s31+s5] =	stream.linear.scatter [tilespmem:s23], [sflag:$0x2], $0x1000, $0x38;
	[tilespmem:$0x10000] =	vst v63  }
0x42b: {  	_ =	swait.ge [sflag:s24], $0x1000  }
0x42c: {  	[sflag:s24] =	ssyncset.done $0x0  }
0x42d: {  	[sflag:s24] =	ssyncadd.s32 $0xFFFFF000  }
.LBB2_28:
0x42e: {  	_ =	sfence.sel $0x180000  }
0x42f: {  	[bflag:$0x0] =	sbarrier.arrive $0xFFFF  }
0x430: {  	_ =	strace $0x90000047  }
0x431: {  	s0 =	stileid.u32;
	[bflag:$0x2] =	sbarrier.arrive $0xFFFF  }
0x432: {  	p0 =	sne.s32 s0, $0x0;
	s0 =	rddreg [dreg:$0x4]  }
0x433: {  	s0 =	sadd.s32 @!p0 $0x100000, s0  }
0x434: {  	[sflag:s0] =	ssyncadd.tile.s32 @!p0 $0x1;
	_ =	shalt  }
.Lfunc_end2:
_tile_overlayer_lowered:
.L_overlay_start_2:
0x435: {  	(tag) =	ssettag $0x2  }
0x436: {  	s0 =	rddreg [dreg:$0x0];
	s2 =	stileid.u32  }
0x437: {  	s1 =	rddreg [dreg:$0x1];
	p0 =	sne.s32 s2, $0x0  }
0x438: {  	s3 =	rddreg [dreg:$0x2];
	[bflag:$0x3] =	sbarrier.arrive $0xFFFF;
	s2 =	simm.s32 @!p0 $0x1C05  }
0x439: {  	[timem:s3], [sflag:s2] =	dma.local @!p0 [hbm:s0], s1  }
0x43a: {  	s0 =	simm.s32 @!p0 $0x5  }
0x43b: {  	_ =	swait.ge @!p0 [sflag:s0], s1  }
0x43c: {  	s1 =	ssub.s32 @!p0 $0x0, s1;
	[sflag:s0] =	ssyncset.done @!p0 $0x0  }
0x43d: {  	[sflag:s0] =	ssyncadd.s32 @!p0 s1  }
0x43e: {  	[bflag:$0x3] =	sbarrier.arrive $0xFFFF  }
0x43f: {  	_ =	shalt  }

// kernel: kernel.7.cloned.1.call-start
scs
__scs_entry_jumppad:
0x0: {  	(pc) =	sbr.rel $0x88, $3  }
0x1: {  	(tag) =	ssettag $0x0;
	lr =	simm.s32 $0x1  }
0x2: {  	[smem:$0x3F9C] =	sst lr;
	_ =	strace $0xD0000000  }
0x3: {  	_ = 	snop  }
0x4: {  	_ = 	snop  }
0x5: {  	_ = 	snop  }
0x6: {  	_ = 	snop  }
0x7: {  	_ = 	snop  }
__scs_overlays_trampoline_lowered:
0x8: {  	[smem:$0x3FAB] =	sst s0  }
0x9: {  	[smem:$0x3FAC] =	sst s1  }
0xa: {  	[smem:$0x3FAD] =	sst s2  }
0xb: {  	[smem:$0x3FAE] =	sst s3  }
0xc: {  	[smem:$0x3FAF] =	sst s4  }
0xd: {  	[smem:$0x3FB0] =	sst s5  }
0xe: {  	[smem:$0x3FB1] =	sst s6  }
0xf: {  	[smem:$0x3FB2] =	sst s7  }
0x10: {  	[smem:$0x3FB3] =	sst s8  }
0x11: {  	[smem:$0x3FB4] =	sst s9;
	s0 =	simm.s32 @!p0 $0x0  }
0x12: {  	s1 =	sld [smem:$0x3F9A];
	s0 =	simm.s32 @p0 $0x1  }
0x13: {  	[smem:$0x3FB5] =	sst s0;
	s0 =	simm.s32 @!p1 $0x0  }
0x14: {  	s2 =	sld [smem:$0x3F99];
	s0 =	simm.s32 @p1 $0x1  }
0x15: {  	[smem:$0x3FB6] =	sst s0;
	s0 =	simm.s32 @!p2 $0x0  }
0x16: {  	s3 =	sld [smem:$0x3FDB];
	s0 =	simm.s32 @p2 $0x1  }
0x17: {  	s4 =	simm.s32 $0x1BF5;
	[smem:$0x3FB8] =	sst s0  }
0x18: {  	s0 =	sld [smem:$0x3F9B];
	_ =	swait.ge [sflag:s4], $0x0  }
0x19: {  	s7 =	sld [smem:$0x3F9C]  }
0x1a: {  	s8 =	sadd.s32 $0xFFFFE003, lr  }
0x1b: {  	s9 =	sadd.s32 $0xFFFFFEF7, lr;
	s5 =	simm.s32 $0xFFFFFFFF;
	p2 =	slt.u32 s8, $0xFFFFF086  }
0x1c: {  	p1 =	slt.u32 s9, $0xF7A;
	s5 =	simm.s32 @!p2 $0x0  }
0x1d: {  	s5 =	simm.s32 @p1 $0x1;
	p0 =	seq.s32 s7, s2  }
0x1e: {  	s7 =	smul.u32 @!p0 $0xF7A, s2;
	p2 =	seq.s32 @!p0 s5, $0x0  }
0x1f: {  	s9 =	smul.u32 $0xF7A, s1;
	s8 =	simm.s32 @!p0 $0x1BF5;
	p2 =	por !p2, p0  }
0x20: {  	[sflag:s8] =	ssyncset.s32 @!p0 $0xFFFFF086;
	s6 =	sadd.s32 @!p0 s3, s7;
	s7 =	simm.s32 @!p0 $0x108  }
0x21: {  	s3 =	sadd.s32 s3, s9;
	s6 =	sadd.s32 @!p0 $0x88, s6;
	s7 =	simm.s32 @p2 $0x1082  }
0x22: {  	[simem:s7], [sflag:s8] =	dma.local @!p0 [hbm:s6], $0xF7A  }
0x23: {  	s9 =	sor.u32 $0xD0000000, s2;
	s6 =	simm.s32 $0x108;
	_ =	swait.ge @!p0 [sflag:s8], $0x0  }
0x24: {  	s3 =	sadd.s32 $0x88, s3;
	s6 =	simm.s32 @!p1 $0x1082;
	[sflag:s4] =	ssyncset.s32 $0xFFFFF086  }
0x25: {  	[simem:s6], [sflag:s4] =	dma.local [hbm:s3], $0xF7A  }
0x26: {  	[smem:$0x3F9C] =	sst s1;
	(tag) =	ssettag s2;
	_ =	strace s9  }
0x27: {  	s1 =	sld [smem:$0x3FAC]  }
0x28: {  	s2 =	sld [smem:$0x3FAD]  }
0x29: {  	s4 =	sld [smem:$0x3FAF]  }
0x2a: {  	p0 =	seq.s32 s5, $0x0;
	s5 =	sld [smem:$0x3FB0]  }
0x2b: {  	s6 =	sld [smem:$0x3FB1]  }
0x2c: {  	s7 =	sld [smem:$0x3FB2]  }
0x2d: {  	s3 =	simm.s32 $0x108;
	s8 =	sld [smem:$0x3FB3]  }
0x2e: {  	s3 =	simm.s32 @!p0 $0x1082;
	s9 =	sld [smem:$0x3FB4]  }
0x2f: {  	lr =	sadd.s32 s0, s3;
	s0 =	sld [smem:$0x3FAB]  }
0x30: {  	s3 =	sld [smem:$0x3FAE]  }
0x31: {  	[smem:$0x3FB7] =	sst s10  }
0x32: {  	s10 =	sld [smem:$0x3FB5];
	_ =	sdelay $0x3  }
0x33: {  	p0 =	seq.s32 s10, $0x1;
	s10 =	sld [smem:$0x3FB7];
	_ =	sdelay $0x3  }
0x34: {  	[smem:$0x3FB7] =	sst s10  }
0x35: {  	s10 =	sld [smem:$0x3FB6];
	_ =	sdelay $0x3  }
0x36: {  	p1 =	seq.s32 s10, $0x1;
	s10 =	sld [smem:$0x3FB7];
	_ =	sdelay $0x3  }
0x37: {  	[smem:$0x3FB7] =	sst s10  }
0x38: {  	s10 =	sld [smem:$0x3FB8]  }
0x39: {  	_ = 	snop;
	(pc) =	sbr.ind lr, $3  }
0x3a: {  	_ = 	snop  }
0x3b: {  	_ = 	snop  }
0x3c: {  	p2 =	seq.s32 s10, $0x1;
	s10 =	sld [smem:$0x3FB7]  }
0x3d: {  	_ =	shalt  }
0x3e: {  	_ =	shalt  }
0x3f: {  	_ =	shalt  }
0x40: {  	_ =	shalt  }
0x41: {  	_ =	shalt  }
0x42: {  	_ =	shalt  }
0x43: {  	_ =	shalt  }
0x44: {  	_ =	shalt  }
0x45: {  	_ =	shalt  }
0x46: {  	_ =	shalt  }
0x47: {  	_ =	shalt  }
0x48: {  	_ =	shalt  }
0x49: {  	_ =	shalt  }
0x4a: {  	_ =	shalt  }
0x4b: {  	_ =	shalt  }
0x4c: {  	_ =	shalt  }
0x4d: {  	_ =	shalt  }
0x4e: {  	_ =	shalt  }
0x4f: {  	_ =	shalt  }
0x50: {  	_ =	shalt  }
0x51: {  	_ =	shalt  }
0x52: {  	_ =	shalt  }
0x53: {  	_ =	shalt  }
0x54: {  	_ =	shalt  }
0x55: {  	_ =	shalt  }
0x56: {  	_ =	shalt  }
0x57: {  	_ =	shalt  }
0x58: {  	_ =	shalt  }
0x59: {  	_ =	shalt  }
0x5a: {  	_ =	shalt  }
0x5b: {  	_ =	shalt  }
0x5c: {  	_ =	shalt  }
0x5d: {  	_ =	shalt  }
0x5e: {  	_ =	shalt  }
0x5f: {  	_ =	shalt  }
0x60: {  	_ =	shalt  }
0x61: {  	_ =	shalt  }
0x62: {  	_ =	shalt  }
0x63: {  	_ =	shalt  }
0x64: {  	_ =	shalt  }
0x65: {  	_ =	shalt  }
0x66: {  	_ =	shalt  }
0x67: {  	_ =	shalt  }
0x68: {  	_ =	shalt  }
0x69: {  	_ =	shalt  }
0x6a: {  	_ =	shalt  }
0x6b: {  	_ =	shalt  }
0x6c: {  	_ =	shalt  }
0x6d: {  	_ =	shalt  }
0x6e: {  	_ =	shalt  }
0x6f: {  	_ =	shalt  }
0x70: {  	_ =	shalt  }
0x71: {  	_ =	shalt  }
0x72: {  	_ =	shalt  }
0x73: {  	_ =	shalt  }
0x74: {  	_ =	shalt  }
0x75: {  	_ =	shalt  }
0x76: {  	_ =	shalt  }
0x77: {  	_ =	shalt  }
0x78: {  	_ =	shalt  }
0x79: {  	_ =	shalt  }
0x7a: {  	_ =	shalt  }
0x7b: {  	_ =	shalt  }
0x7c: {  	_ =	shalt  }
0x7d: {  	_ =	shalt  }
0x7e: {  	_ =	shalt  }
0x7f: {  	_ =	shalt  }
0x80: {  	_ =	shalt  }
0x81: {  	_ =	shalt  }
0x82: {  	_ =	shalt  }
0x83: {  	_ =	shalt  }
0x84: {  	_ =	shalt  }
0x85: {  	_ =	shalt  }
0x86: {  	_ =	shalt  }
0x87: {  	_ =	shalt  }
.Lfunc_end0:
.L_simem_size_0:
called_computation.1_lowered:
.L_overlay_start_0:
0x88: {  	s2 =	sld [smem:$0x3FD9]  }
0x89: {  	s3 =	sld [smem:$0x3FFE];
	_ =	sdelay $0x1  }
0x8a: {  	s1 =	srdreg.scid  }
0x8b: {  	s0 =	sand.u32 $0x1, s1  }
0x8c: {  	s14 =	sshll.u32 s0, $0xA;
	s2 =	sadd.s32 s3, s2  }
0x8d: {  	s2 =	sadd.s32 s2, s14  }
0x8e: {  	[smem:$0x3FC3] =	sst s2  }
0x8f: {  	_ = 	snop  }
0x90: {  	s2 =	sld [smem:$0x3FD0];
	_ =	sdelay $0x1  }
0x91: {  	s15 =	sld [smem:$0x3FC9]  }
0x92: {  	s5 =	simm.s32 $0xA;
	s6 =	simm.s32 $0x10;
	s4 =	sld [smem:$0x3FC8]  }
0x93: {  	[smem:s6], [sflag:s5] =	dma.local [hbm:s2], $0x1  }
0x94: {  	_ =	swait.eq [sflag:s5], $0x1  }
0x95: {  	[sflag:s5] =	ssyncset.done $0x0  }
0x96: {  	s16 =	sld [smem:$0x10];
	[sflag:s5] =	ssyncadd.s32 $0xFFFFFFFF  }
0x97: {  	s17 =	sld [smem:$0x11];
	(tm) =	ssettm $0x1  }
0x98: {  	s18 =	sld [smem:$0x3FFB];
	_ =	sdelay $0x3  }
0x99: {  	_ =	strace s18  }
0x9a: {  	s6 =	sld [smem:$0x3FFC];
	_ =	sdelay $0x3  }
0x9b: {  	_ =	strace s6  }
0x9c: {  	s6 =	sld [smem:$0x3FFD];
	_ =	sdelay $0x3  }
0x9d: {  	_ =	strace s6  }
0x9e: {  	_ =	strace $0x8FFFFFFF  }
0x9f: {  	s19 =	sld [smem:$0x3FDB];
	_ =	sdelay $0x1  }
0xa0: {  	s7 =	simm.s32 $_scs_section_size  }
0xa1: {  	s8 =	simm.s32 $_size__tile_overlayer_lowered;
	s9 =	simm.s32 $_tile_overlayer_lowered  }
0xa2: {  	s22 =	simm.s32 $0x1BFF;
	s21 =	sshll.u32 s9, $0x1;
	s6 =	sadd.s32 s7, s19  }
0xa3: {  	s10 =	simm.s32 $0x0;
	s20 =	sshll.u32 s8, $0x1;
	s8 =	sadd.s32 s21, s6  }
0xa4: {  	[timem:s10], [sflag:s22] =	dma.local [hbm:s8], s20  }
0xa5: {  	_ =	swait.ge [sflag:s22], s20  }
0xa6: {  	s7 =	ssub.s32 $0x0, s20;
	[sflag:s22] =	ssyncset.done $0x0  }
0xa7: {  	[sflag:s22] =	ssyncadd.s32 s7;
	_ =	sdelay $0x1  }
0xa8: {  	s23 =	simm.s32 $0x1B8B  }
0xa9: {  	_ =	swait.ge [sflag:s23], $0x1  }
0xaa: {  	[sflag:s23] =	ssyncset.done $0x0  }
0xab: {  	s25 =	simm.s32 $0x1B8E;
	s24 =	sld [smem:$0x3FFE];
	[sflag:s23] =	ssyncadd.s32 $0xFFFFFFFF  }
0xac: {  	s26 =	simm.s32 $execute0_lowered;
	[smem:$0x3FD2] =	sst s25  }
0xad: {  	s8 =	sshll.u32 s26, $0x1;
	_ =	strace $0x80000049;
	[dreg:$0x1] =	wrdreg $0xFFFFFFFF  }
0xae: {  	s28 =	simm.s32 $_size_execute0_lowered;
	s6 =	sadd.s32 s6, s8;
	[dreg:$0x0] =	wrdreg $0x0  }
0xaf: {  	s8 =	sshll.u32 s28, $0x1;
	[dreg:$0x2] =	wrdreg s6  }
0xb0: {  	[dreg:$0x3] =	wrdreg s8  }
0xb1: {  	[dreg:$0x4] =	wrdreg $0xC0  }
0xb2: {  	_ =	task [dreg:s10], $0x5FFFF  }
0xb3: {  	[dreg:$0x1] =	wrdreg $0xFFFFFFFF  }
0xb4: {  	[dreg:$0x0] =	wrdreg $0x60  }
0xb5: {  	[dreg:$0x2] =	wrdreg s15  }
0xb6: {  	[dreg:$0x3] =	wrdreg s4  }
0xb7: {  	[dreg:$0x4] =	wrdreg s17  }
0xb8: {  	[dreg:$0x5] =	wrdreg s24  }
0xb9: {  	[dreg:$0x6] =	wrdreg s16  }
0xba: {  	[dreg:$0x7] =	wrdreg $0x9  }
0xbb: {  	_ =	task.clear_ibuf [dreg:s10], $0x8FFFF;
	_ =	strace $0x90000049  }
0xbc: {  	s29 =	simm.s32 $0x9;
	_ =	strace $0x8000004B  }
0xbd: {  	_ =	swait.ge [sflag:s29], $0x1  }
0xbe: {  	[sflag:s29] =	ssyncadd.s32 $0xFFFFFFFF  }
0xbf: {  	_ =	strace $0x9000004B  }
0xc0: {  	_ =	sfence  }
0xc1: {  	s30 =	sld [smem:$0x0];
	_ =	sdelay $0x2  }
0xc2: {  	s31 =	sshll.u32 s1, $0xD;
	s1 =	sshrl.u32 s1, $0x2  }
0xc3: {  	s3 =	sand.u32 $0x4000, s31;
	s1 =	sadd.s32 s1, s30  }
0xc4: {  	s0 =	sor.u32 s3, s0;
	s1 =	sshll.u32 s1, $0x11  }
0xc5: {  	s0 =	sor.u32 s1, s0  }
0xc6: {  	s0 =	sadd.s32 $0x8F2B, s0  }
0xc7: {  	[sflag:s0] =	ssyncadd.remote.s32 $0x1  }
0xc8: {  	_ =	sfence.sel $0xFFFF  }
0xc9: {  	[dreg:$0x0] =	wrdreg $0xFFFFFFFF;
	(pc) =	sbr.abs _section_cstart, $3  }
0xca: {  	[dreg:$0x1] =	wrdreg $0xFFFFFFFF  }
0xcb: {  	_ =	task.clear_ibuf [dreg:s10], $0x2FFFF;
	_ =	strace $0x9FFFFFFF  }
0xcc: {  	(tm) =	ssettm $0x7FFFFFFF  }
0xcd: {  	_ =	shalt  }
tec
execute0_lowered:
.L_overlay_start_1:
0x0: {  	(tag) =	ssettag $0x1  }
0x1: {  	s3 =	rddreg [dreg:$0x0]  }
0x2: {  	s5 =	rddreg [dreg:$0x1]  }
0x3: {  	s10 =	rddreg [dreg:$0x2];
	v0 =	vlaneseq.u32  }
0x4: {  	s0 =	rddreg [dreg:$0x3];
	s6 =	simm.s32 $0x0;
	v41 =	vmul.u32 $0x500, v0;
	v54 =	vmul.u32 $0x40, v0;
	v0 =	vmul.u32 $0x14, v0  }
0x5: {  	[smem:$0x7FF] =	sst s6  }
0x6: {  	s18 =	rddreg [dreg:$0x4];
	_ =	strace $0x8000004A;
	[tilespmem:$0x1FD90] =	vst v0  }
0x7: {  	[tilespmem:$0x1FFD0] =	vst v41  }
0x8: {  	v1 =	vadd.s32 $0x380, v41;
	[tilespmem:$0x1FFF0] =	vst v54  }
0x9: {  	v7 =	vor.u32 $0x1, v0;
	[tilespmem:$0x1FC60] =	vst v1  }
0xa: {  	v8 =	vor.u32 $0x2, v0;
	[tilespmem:$0x1FC70] =	vst v7  }
0xb: {  	v9 =	vor.u32 $0x3, v0;
	[tilespmem:$0x1FC80] =	vst v8  }
0xc: {  	v10 =	vadd.s32 $0x4, v0;
	[tilespmem:$0x1FC90] =	vst v9  }
0xd: {  	v11 =	vadd.s32 $0x5, v0;
	[tilespmem:$0x1FCA0] =	vst v10  }
0xe: {  	v12 =	vadd.s32 $0x6, v0;
	[tilespmem:$0x1FCB0] =	vst v11  }
0xf: {  	v13 =	vadd.s32 $0x7, v0;
	[tilespmem:$0x1FCC0] =	vst v12  }
0x10: {  	v14 =	vadd.s32 $0x8, v0;
	[tilespmem:$0x1FCD0] =	vst v13  }
0x11: {  	v24 =	vadd.s32 $0x9, v0;
	[tilespmem:$0x1FCE0] =	vst v14  }
0x12: {  	v25 =	vadd.s32 $0xA, v0;
	[tilespmem:$0x1FCF0] =	vst v24  }
0x13: {  	v26 =	vadd.s32 $0xB, v0;
	[tilespmem:$0x1FD00] =	vst v25  }
0x14: {  	v27 =	vadd.s32 $0xC, v0;
	[tilespmem:$0x1FD10] =	vst v26  }
0x15: {  	v28 =	vadd.s32 $0xD, v0;
	[tilespmem:$0x1FD20] =	vst v27  }
0x16: {  	v29 =	vadd.s32 $0xE, v0;
	[tilespmem:$0x1FD30] =	vst v28  }
0x17: {  	v30 =	vadd.s32 $0xF, v0;
	[tilespmem:$0x1FD40] =	vst v29  }
0x18: {  	v31 =	vadd.s32 $0x10, v0;
	[tilespmem:$0x1FD50] =	vst v30  }
0x19: {  	v32 =	vadd.s32 $0x11, v0;
	[tilespmem:$0x1FD60] =	vst v31  }
0x1a: {  	v34 =	vadd.s32 $0x12, v0;
	[tilespmem:$0x1FD70] =	vst v32  }
0x1b: {  	v0 =	vadd.s32 $0x13, v0;
	[tilespmem:$0x1FD80] =	vst v34  }
0x1c: {  	v35 =	vor.u32 $0x400, v54;
	[tilespmem:$0x1FDA0] =	vst v0  }
0x1d: {  	v36 =	vadd.s32 $0x5000, v41;
	[tilespmem:$0x1FDB0] =	vst v35  }
0x1e: {  	v37 =	vadd.s32 $0x5040, v41;
	[tilespmem:$0x1FDC0] =	vst v36  }
0x1f: {  	v39 =	vadd.s32 $0x5080, v41;
	[tilespmem:$0x1FDD0] =	vst v37  }
0x20: {  	v40 =	vadd.s32 $0x50C0, v41;
	[tilespmem:$0x1FDE0] =	vst v39  }
0x21: {  	v55 =	vadd.s32 $0x5100, v41;
	[tilespmem:$0x1FDF0] =	vst v40  }
0x22: {  	v56 =	vadd.s32 $0x5140, v41;
	[tilespmem:$0x1FE00] =	vst v55  }
0x23: {  	v57 =	vadd.s32 $0x5180, v41;
	[tilespmem:$0x1FE10] =	vst v56  }
0x24: {  	v58 =	vadd.s32 $0x51C0, v41;
	[tilespmem:$0x1FE20] =	vst v57  }
0x25: {  	v59 =	vadd.s32 $0x5200, v41;
	[tilespmem:$0x1FE30] =	vst v58  }
0x26: {  	v60 =	vadd.s32 $0x5240, v41;
	[tilespmem:$0x1FE40] =	vst v59  }
0x27: {  	v61 =	vadd.s32 $0x5280, v41;
	[tilespmem:$0x1FE50] =	vst v60  }
0x28: {  	v62 =	vadd.s32 $0x52C0, v41;
	[tilespmem:$0x1FE60] =	vst v61  }
0x29: {  	v63 =	vadd.s32 $0x5300, v41;
	[tilespmem:$0x1FE70] =	vst v62  }
0x2a: {  	v45 =	vor.u32 $0x40, v41;
	[tilespmem:$0x1FE80] =	vst v63  }
0x2b: {  	v33 =	vor.u32 $0x80, v41;
	[tilespmem:$0x1FE90] =	vst v45  }
0x2c: {  	v42 =	vor.u32 $0xC0, v41;
	[tilespmem:$0x1FEA0] =	vst v33  }
0x2d: {  	v43 =	vadd.s32 $0x100, v41;
	[tilespmem:$0x1FEB0] =	vst v42  }
0x2e: {  	s1 =	srdreg.scid;
	s2 =	stileid.u32;
	s28 =	simm.s32 $0xAC0;
	v44 =	vadd.s32 $0x140, v41;
	[tilespmem:$0x1FEC0] =	vst v43  }
0x2f: {  	s29 =	simm.s32 $0x80;
	s30 =	simm.s32 $0x12C0;
	s31 =	simm.s32 $0xB820;
	v47 =	vadd.s32 $0x180, v41;
	[tilespmem:$0x1FED0] =	vst v44  }
0x30: {  	s14 =	simm.s32 $0x5;
	s15 =	simm.s32 $0x16840;
	s1 =	sand.u32 $0x1, s1;
	v46 =	vadd.s32 $0x1C0, v41;
	[tilespmem:$0x1FEE0] =	vst v47  }
0x31: {  	s2 =	sshll.u32 s2, $0x1;
	s7 =	sadd.s32 $0x7A2C00, s0;
	s8 =	sadd.s32 $0x1A00, s0;
	v48 =	vadd.s32 $0x200, v41;
	[tilespmem:$0x1FEF0] =	vst v46  }
0x32: {  	s9 =	sadd.s32 $0xF43E00, s0;
	s2 =	sor.u32 s1, s2;
	s20 =	ssub.s32 $0x2, s1;
	v49 =	vadd.s32 $0x240, v41;
	[tilespmem:$0x1FF00] =	vst v48  }
0x33: {  	s13 =	sshll.u32 s2, $0x9;
	s21 =	smul.u32 $0x500, s2;
	s11 =	sshrl.u32 s20, $0x1;
	v50 =	vadd.s32 $0x280, v41;
	[tilespmem:$0x1FF10] =	vst v49  }
0x34: {  	s2 =	sshll.u32 s2, $0x6;
	v51 =	vadd.s32 $0x2C0, v41;
	s4 =	sor.u32 $0x20, s13;
	s0 =	ssub.s32 s20, s11;
	[tilespmem:$0x1FF20] =	vst v50  }
0x35: {  	v53 =	vadd.s32 $0x300, v41;
	s22 =	sadd.s32 s3, s2;
	s2 =	sadd.s32 s5, s2;
	s17 =	sor.u32 $0x40, s13;
	[tilespmem:$0x1FF30] =	vst v51  }
0x36: {  	v52 =	vadd.s32 $0x3C0, v41;
	s26 =	sor.u32 $0x60, s13;
	s20 =	simm.s32 $0x20;
	[tilespmem:$0x1FF40] =	vst v53;
	[dreg:$0x6] =	wrdreg s22  }
0x37: {  	v17 =	vadd.s32 $0x400, v41;
	s11 =	simm.s32 $0x2;
	[tilespmem:$0x1FF50] =	vst v52;
	s12 =	smul.u32 $0x14, s4;
	[dreg:$0x7] =	wrdreg s2  }
0x38: {  	v19 =	vadd.s32 $0x440, v41;
	[tilespmem:$0x1FF60] =	vst v17;
	s1 =	sadd.s32 s10, s21;
	s23 =	sshrl.u32 s4, $0x3;
	[dreg:$0xc] =	wrdreg s26  }
0x39: {  	v20 =	vadd.s32 $0x480, v41;
	[tilespmem:$0x1FF70] =	vst v19;
	s0 =	smax.u32 s0, $0x1;
	s22 =	simm.s32 $0xB560;
	s26 =	simm.s32 $0x2C0  }
0x3a: {  	v21 =	vadd.s32 $0x4C0, v41;
	[tilespmem:$0x1FF80] =	vst v20;
	s4 =	simm.s32 $0x4;
	s21 =	simm.s32 $0xC820;
	[dreg:$0x8] =	wrdreg s1  }
.Ltmp0:
0x3b: {  	v38 =	vadd.s32 $0x340, v41;
	[tilespmem:$0x1FF90] =	vst v21;
	s3 =	sadd.s32 s3, s23;
	s1 =	sadd.s32 s5, s23;
	(pc) =	sbr.rel .LBB2_1-.Ltmp0, $4  }
0x3c: {  	v11 =	vadd.s32 $0x5340, v41;
	[tilespmem:$0x1FFE0] =	vst v38;
	s5 =	smov.u32 s13;
	[dreg:$0xd] =	wrdreg s0;
	s23 =	simm.s32 $0xB580  }
0x3d: {  	v10 =	vadd.s32 $0x5380, v41;
	[tilespmem:$0x1FFA0] =	vst v11;
	s0 =	simm.s32 $0xC020;
	s24 =	sshrl.u32 s12, $0x3;
	[dreg:$0x9] =	wrdreg s3  }
0x3e: {  	v9 =	vadd.s32 $0x53C0, v41;
	[tilespmem:$0x1FFB0] =	vst v10;
	[dreg:$0xa] =	wrdreg s1;
	s12 =	simm.s32 $0xB2E0;
	s25 =	sadd.s32 s10, s24  }
0x3f: {  	[tilespmem:$0x1FFC0] =	vst v9;
	s3 =	simm.s32 $0x0;
	s24 =	simm.s32 $0xB5A0;
	[dreg:$0xb] =	wrdreg s25  }
.LBB2_12:
0x40: {  	s1 =	simm.s32 $0x3  }
0x41: {  	_ =	swait.ge [sflag:s1], $0x20  }
0x42: {  	[sflag:s1] =	ssyncset.done $0x0  }
0x43: {  	[sflag:s1] =	ssyncadd.s32 $0xFFFFFFE0  }
0x44: {  	_ =	swait.ge [sflag:s1], $0x280  }
0x45: {  	[sflag:s1] =	ssyncset.done $0x0  }
0x46: {  	s2 =	simm.s32 $0x6;
	[sflag:s1] =	ssyncadd.s32 $0xFFFFFD80  }
0x47: {  	_ =	swait.ge [sflag:s2], $0x20  }
0x48: {  	[sflag:s2] =	ssyncset.done $0x0  }
0x49: {  	[sflag:s2] =	ssyncadd.s32 $0xFFFFFFE0  }
0x4a: {  	_ =	swait.ge [sflag:s2], $0x280  }
0x4b: {  	v45 =	vld [tilespmem:$0x1FE90]  }
0x4c: {  	v33 =	vld [tilespmem:$0x1FEA0]  }
0x4d: {  	v42 =	vld [tilespmem:$0x1FEB0]  }
0x4e: {  	v43 =	vld [tilespmem:$0x1FEC0]  }
0x4f: {  	v44 =	vld [tilespmem:$0x1FED0]  }
0x50: {  	v47 =	vld [tilespmem:$0x1FEE0]  }
0x51: {  	v46 =	vld [tilespmem:$0x1FEF0]  }
0x52: {  	v48 =	vld [tilespmem:$0x1FF00]  }
0x53: {  	v49 =	vld [tilespmem:$0x1FF10]  }
0x54: {  	v50 =	vld [tilespmem:$0x1FF20]  }
0x55: {  	s3 =	rddreg [dreg:$0xe];
	v51 =	vld [tilespmem:$0x1FF30]  }
0x56: {  	s25 =	rddreg [dreg:$0xd];
	v53 =	vld [tilespmem:$0x1FF40];
	s3 =	sadd.s32 $0x1, s3  }
0x57: {  	v52 =	vld [tilespmem:$0x1FF50];
	p0 =	sne.s32 s3, s25  }
.Ltmp1:
0x58: {  	v17 =	vld [tilespmem:$0x1FF60];
	(pc) =	sbr.rel @!p0 .LBB2_13-.Ltmp1, $4  }
0x59: {  	v19 =	vld [tilespmem:$0x1FF70]  }
0x5a: {  	v20 =	vld [tilespmem:$0x1FF80]  }
0x5b: {  	[sflag:s2] =	ssyncset.done $0x0;
	v21 =	vld [tilespmem:$0x1FF90]  }
0x5c: {  	v41 =	vmov v58;
	v54 =	vmov v59;
	v38 =	vld [tilespmem:$0x1FFE0];
	[sflag:s2] =	ssyncadd.s32 $0xFFFFFD80  }
.LBB2_1:
0x5d: {  	[dreg:$0xe] =	wrdreg s3  }
0x5e: {  	s1 =	rddreg [dreg:$0x6]  }
0x5f: {  	[tilespmem:s6], [sflag:$0x1] =	stream.linear.gather [hbm4b:s1+s6], $0x20, $0x38;
	[tilespmem:$0x16AC0] =	vst v63  }
0x60: {  	s19 =	rddreg [dreg:$0x7]  }
0x61: {  	[tilespmem:s20], [sflag:$0x1] =	stream.linear.gather [hbm4b:s19+s6], $0x20, $0x38;
	[tilespmem:$0x16AC0] =	vst v63  }
0x62: {  	s25 =	rddreg [dreg:$0x8];
	s2 =	simm.s32 $0x40  }
0x63: {  	[tilespmem:s2], [sflag:$0x1] =	stream.linear.gather [hbm4b:s25+s6], $0x280, $0x38;
	[tilespmem:$0x16AC0] =	vst v63  }
0x64: {  	s3 =	rddreg [dreg:$0x9]  }
0x65: {  	[tilespmem:s22], [sflag:$0x4] =	stream.linear.gather [hbm4b:s3+s6], $0x20, $0x38;
	[tilespmem:$0x16AC0] =	vst v63  }
0x66: {  	s10 =	rddreg [dreg:$0xa]  }
0x67: {  	[tilespmem:s23], [sflag:$0x4] =	stream.linear.gather [hbm4b:s10+s6], $0x20, $0x38;
	[tilespmem:$0x16AC0] =	vst v63  }
0x68: {  	s13 =	rddreg [dreg:$0xb];
	s16 =	simm.s32 $0x1  }
0x69: {  	[tilespmem:s24], [sflag:$0x4] =	stream.linear.gather [hbm4b:s13+s6], $0x280, $0x38;
	[tilespmem:$0x16AC0] =	vst v63  }
0x6a: {  	_ =	swait.ge [sflag:s16], $0x20  }
0x6b: {  	[sflag:s16] =	ssyncset.done $0x0  }
0x6c: {  	[sflag:s16] =	ssyncadd.s32 $0xFFFFFFE0  }
0x6d: {  	_ =	swait.ge [sflag:s16], $0x20  }
0x6e: {  	[sflag:s16] =	ssyncset.done $0x0  }
0x6f: {  	[sflag:s16] =	ssyncadd.s32 $0xFFFFFFE0  }
0x70: {  	_ =	swait.ge [sflag:s16], $0x280  }
0x71: {  	[sflag:s16] =	ssyncset.done $0x0  }
0x72: {  	[sflag:s16] =	ssyncadd.s32 $0xFFFFFD80  }
0x73: {  	[tilespmem:s26], [sflag:$0x2] =	stream.indirect.gather [hbm4b:s8+s20], $0x40, s6, s20, $0xb8;
	[tilespmem:$0x16AC0] =	vst v63  }
0x74: {  	_ = 	snop  }
0x75: {  	[tilespmem:s28], [sflag:$0x2] =	stream.indirect.gather [hbm4b:s7+s20], $0x40, s20, s20, $0xb8;
	[tilespmem:$0x16AC0] =	vst v63  }
0x76: {  	_ = 	snop  }
0x77: {  	[tilespmem:s30], [sflag:$0x2] =	stream.indirect.gather [hbm4b:s7+s29], $0x40, s2, s29, $0xb8;
	[tilespmem:$0x16AC0] =	vst v63  }
0x78: {  	s19 =	simm.s32 $0xC0;
	s25 =	simm.s32 $0x32C0  }
0x79: {  	[tilespmem:s25], [sflag:$0x2] =	stream.indirect.gather [hbm4b:s7+s29], $0x40, s19, s29, $0xb8;
	[tilespmem:$0x16AC0] =	vst v63  }
0x7a: {  	s3 =	simm.s32 $0x140;
	s10 =	simm.s32 $0x52C0  }
0x7b: {  	[tilespmem:s10], [sflag:$0x2] =	stream.indirect.gather [hbm4b:s7+s29], $0x40, s3, s29, $0xb8;
	[tilespmem:$0x16AC0] =	vst v63  }
0x7c: {  	s13 =	simm.s32 $0x1C0;
	s16 =	simm.s32 $0x72C0  }
0x7d: {  	[tilespmem:s16], [sflag:$0x2] =	stream.indirect.gather [hbm4b:s7+s29], $0x40, s13, s29, $0xb8;
	[tilespmem:$0x16AC0] =	vst v63  }
0x7e: {  	s19 =	simm.s32 $0x240;
	s25 =	simm.s32 $0x92C0  }
0x7f: {  	[tilespmem:s25], [sflag:$0x2] =	stream.indirect.gather [hbm4b:s7+s29], $0x40, s19, s29, $0xb8;
	[tilespmem:$0x16AC0] =	vst v63  }
0x80: {  	s19 =	simm.s32 $0x0  }
.LBB2_2:
0x81: {  	_ =	swait.ge [sflag:s4], $0x20  }
0x82: {  	[sflag:s4] =	ssyncset.done $0x0  }
0x83: {  	[sflag:s4] =	ssyncadd.s32 $0xFFFFFFE0  }
0x84: {  	_ =	swait.ge [sflag:s4], $0x20  }
0x85: {  	[sflag:s4] =	ssyncset.done $0x0  }
0x86: {  	[sflag:s4] =	ssyncadd.s32 $0xFFFFFFE0  }
0x87: {  	_ =	swait.ge [sflag:s4], $0x280  }
0x88: {  	[sflag:s4] =	ssyncset.done $0x0  }
0x89: {  	[sflag:s4] =	ssyncadd.s32 $0xFFFFFD80  }
0x8a: {  	[tilespmem:s31], [sflag:$0x5] =	stream.indirect.gather [hbm4b:s8+s20], $0x40, s22, s20, $0xb8;
	[tilespmem:$0x16AC0] =	vst v63  }
0x8b: {  	_ = 	snop  }
0x8c: {  	[tilespmem:s0], [sflag:$0x5] =	stream.indirect.gather [hbm4b:s7+s20], $0x40, s23, s20, $0xb8;
	[tilespmem:$0x16AC0] =	vst v63  }
0x8d: {  	_ = 	snop  }
0x8e: {  	[tilespmem:s21], [sflag:$0x5] =	stream.indirect.gather [hbm4b:s7+s29], $0x40, s24, s29, $0xb8;
	[tilespmem:$0x16AC0] =	vst v63  }
0x8f: {  	s1 =	simm.s32 $0xB620;
	s2 =	simm.s32 $0xE820  }
0x90: {  	[tilespmem:s2], [sflag:$0x5] =	stream.indirect.gather [hbm4b:s7+s29], $0x40, s1, s29, $0xb8;
	[tilespmem:$0x16AC0] =	vst v63  }
0x91: {  	s10 =	simm.s32 $0xB6A0;
	s13 =	simm.s32 $0x10820  }
0x92: {  	[tilespmem:s13], [sflag:$0x5] =	stream.indirect.gather [hbm4b:s7+s29], $0x40, s10, s29, $0xb8;
	[tilespmem:$0x16AC0] =	vst v63  }
0x93: {  	s16 =	simm.s32 $0xB720;
	s25 =	simm.s32 $0x12820  }
0x94: {  	[tilespmem:s25], [sflag:$0x5] =	stream.indirect.gather [hbm4b:s7+s29], $0x40, s16, s29, $0xb8;
	[tilespmem:$0x16AC0] =	vst v63  }
0x95: {  	s3 =	simm.s32 $0x14820;
	s2 =	simm.s32 $0xB7A0  }
0x96: {  	[tilespmem:s3], [sflag:$0x5] =	stream.indirect.gather [hbm4b:s7+s29], $0x40, s2, s29, $0xb8;
	[tilespmem:$0x16AC0] =	vst v63  }
0x97: {  	_ =	swait.ge [sflag:s11], $0x800  }
0x98: {  	[sflag:s11] =	ssyncset.done $0x0  }
0x99: {  	[sflag:s11] =	ssyncadd.s32 $0xFFFFF800  }
0x9a: {  	_ =	swait.ge [sflag:s11], $0x800  }
0x9b: {  	[sflag:s11] =	ssyncset.done $0x0  }
0x9c: {  	[sflag:s11] =	ssyncadd.s32 $0xFFFFF800  }
0x9d: {  	_ =	swait.ge [sflag:s11], $0x2000  }
0x9e: {  	[sflag:s11] =	ssyncset.done $0x0  }
0x9f: {  	[sflag:s11] =	ssyncadd.s32 $0xFFFFE000  }
0xa0: {  	_ =	swait.ge [sflag:s11], $0x2000  }
0xa1: {  	[sflag:s11] =	ssyncset.done $0x0  }
0xa2: {  	[sflag:s11] =	ssyncadd.s32 $0xFFFFE000  }
0xa3: {  	_ =	swait.ge [sflag:s11], $0x2000  }
0xa4: {  	[sflag:s11] =	ssyncset.done $0x0  }
0xa5: {  	[sflag:s11] =	ssyncadd.s32 $0xFFFFE000  }
0xa6: {  	_ =	swait.ge [sflag:s11], $0x2000  }
0xa7: {  	[sflag:s11] =	ssyncset.done $0x0  }
0xa8: {  	s10 =	simm.s32 $0x0;
	[sflag:s11] =	ssyncadd.s32 $0xFFFFE000  }
0xa9: {  	v0 =	vmov s10;
	_ =	swait.ge [sflag:s11], $0x2000  }
0xaa: {  	p1 =	seq.s32 s19, $0x0;
	v0 =	vand.u32 $0x3F, v0;
	[sflag:s11] =	ssyncset.done $0x0  }
0xab: {  	s1 =	simm.s32 @!p1 $0x3;
	v0 =	vbroadcast v0, $0x0;
	[sflag:s11] =	ssyncadd.s32 $0xFFFFE000  }
0xac: {  	_ =	swait.ge @!p1 [sflag:s1], $0x20  }
0xad: {  	v1 =	vor.u32 v54, v0;
	[sflag:s1] =	ssyncset.done @!p1 $0x0  }
0xae: {  	v2 =	vor.u32 v21, v0;
	[sflag:s1] =	ssyncadd.s32 @!p1 $0xFFFFFFE0  }
0xaf: {  	_ =	swait.ge @!p1 [sflag:s1], $0x280  }
0xb0: {  	v3 =	vor.u32 v41, v0;
	[sflag:s1] =	ssyncset.done @!p1 $0x0  }
0xb1: {  	v4 =	vor.u32 v45, v0;
	v39 =	vld [tilespmem:$0x1FC60];
	[sflag:s1] =	ssyncadd.s32 @!p1 $0xFFFFFD80  }
0xb2: {  	v5 =	vor.u32 v33, v0;
	v6 =	vld.idx.msk [tilespmem:v1+s26+$0x0], $0xffff  }
0xb3: {  	v7 =	vor.u32 v42, v0;
	v2 =	vld.idx.msk [tilespmem:v2+s30+$0x0], $0xffff  }
0xb4: {  	v8 =	vor.u32 v43, v0;
	v1 =	vld.idx.msk [tilespmem:v1+s28+$0x0], $0xffff  }
0xb5: {  	v9 =	vor.u32 v44, v0;
	v3 =	vld.idx.msk [tilespmem:v3+s30+$0x0], $0xffff  }
0xb6: {  	v10 =	vor.u32 v47, v0;
	v4 =	vld.idx.msk [tilespmem:v4+s30+$0x0], $0xffff  }
0xb7: {  	v11 =	vor.u32 v46, v0;
	v5 =	vld.idx.msk [tilespmem:v5+s30+$0x0], $0xffff  }
0xb8: {  	v12 =	vor.u32 v48, v0;
	v7 =	vld.idx.msk [tilespmem:v7+s30+$0x0], $0xffff  }
0xb9: {  	v13 =	vor.u32 v49, v0;
	v8 =	vld.idx.msk [tilespmem:v8+s30+$0x0], $0xffff  }
0xba: {  	s13 =	simm.s32 $0x1;
	v14 =	vor.u32 v50, v0;
	v9 =	vld.idx.msk [tilespmem:v9+s30+$0x0], $0xffff  }
0xbb: {  	v27 =	vmov s13;
	v15 =	vor.u32 v51, v0;
	v10 =	vld.idx.msk [tilespmem:v10+s30+$0x0], $0xffff  }
0xbc: {  	v27 =	vand.u32 $0x3F, v27;
	v24 =	vor.u32 v52, v0;
	v11 =	vld.idx.msk [tilespmem:v11+s30+$0x0], $0xffff  }
0xbd: {  	v23 =	vimm.f32 $0.0e+00;
	v31 =	vbroadcast v27, $0x0;
	v18 =	vor.u32 v38, v0;
	v12 =	vld.idx.msk [tilespmem:v12+s30+$0x0], $0xffff  }
0xbe: {  	v16 =	vor.u32 v53, v0;
	v25 =	vor.u32 v17, v0;
	v26 =	vor.u32 v19, v0;
	v13 =	vld.idx.msk [tilespmem:v13+s30+$0x0], $0xffff  }
0xbf: {  	v28 =	vor.u32 v21, v31;
	v34 =	vor.u32 v42, v31;
	v35 =	vor.u32 v43, v31;
	v14 =	vld.idx.msk [tilespmem:v14+s30+$0x0], $0xffff  }
0xc0: {  	v36 =	vor.u32 v44, v31;
	v15 =	vld.idx.msk [tilespmem:v15+s30+$0x0], $0xffff;
	v22 =	vor.u32 v39, v0;
	v2 =	vmul.f32 v2, v6  }
0xc1: {  	v37 =	vor.u32 v47, v31;
	v32 =	vld.idx.msk [tilespmem:v24+s30+$0x0], $0xffff;
	v0 =	vor.u32 v20, v0;
	v8 =	vmul.f32 v8, v6  }
0xc2: {  	v7 =	vmul.f32 v7, v6;
	v27 =	vadd.f32 v2, v23;
	v2 =	vmul.f32 v4, v6;
	v4 =	vld.idx.msk [tilespmem:v18+s30+$0x0], $0xffff  }
0xc3: {  	v63 =	vor.u32 v46, v31;
	v18 =	vor.u32 v54, v31;
	v30 =	vadd.f32 v8, v23;
	v8 =	vld.idx.msk [tilespmem:v26+s30+$0x0], $0xffff  }
0xc4: {  	v55 =	vadd.f32 v7, v23;
	v26 =	vld.idx.msk [tilespmem:v28+s30+$0x0], $0xffff;
	v40 =	vadd.f32 v2, v23;
	v2 =	vmul.f32 v9, v6  }
0xc5: {  	v7 =	vmul.f32 v10, v6;
	v10 =	vmul.f32 v11, v6;
	v11 =	vor.u32 v45, v31;
	v22 =	vld.idx.msk [tilespmem:v22+s30+$0x0], $0xffff  }
0xc6: {  	v62 =	vor.u32 v48, v31;
	v0 =	vld.idx.msk [tilespmem:v0+s30+$0x0], $0xffff;
	v29 =	vadd.f32 v2, v23;
	v2 =	vor.u32 v41, v31  }
0xc7: {  	v57 =	vor.u32 v50, v31;
	v1 =	vmul.f32 v1, v6;
	v3 =	vmul.f32 v3, v6;
	v9 =	vld.idx.msk [tilespmem:v25+s30+$0x0], $0xffff  }
0xc8: {  	v56 =	vor.u32 v51, v31;
	v5 =	vmul.f32 v5, v6;
	v12 =	vmul.f32 v12, v6;
	v24 =	vld.idx.msk [tilespmem:v18+s26+$0x0], $0xffff  }
0xc9: {  	v60 =	vor.u32 v38, v31;
	v13 =	vmul.f32 v13, v6;
	v14 =	vmul.f32 v14, v6;
	v18 =	vld.idx.msk [tilespmem:v18+s28+$0x0], $0xffff  }
0xca: {  	v15 =	vmul.f32 v15, v6;
	v25 =	vor.u32 v33, v31;
	v33 =	vmul.f32 v4, v6;
	v4 =	vld.idx.msk [tilespmem:v11+s30+$0x0], $0xffff  }
0xcb: {  	v32 =	vmul.f32 v32, v6;
	v1 =	vadd.f32 v1, v23;
	v3 =	vadd.f32 v3, v23;
	v28 =	vld.idx.msk [tilespmem:v2+s30+$0x0], $0xffff  }
0xcc: {  	v58 =	vadd.f32 v5, v23;
	v59 =	vadd.f32 v7, v23;
	v7 =	vld.idx.msk [tilespmem:v34+s30+$0x0], $0xffff;
	v8 =	vmul.f32 v8, v6  }
0xcd: {  	v16 =	vld.idx.msk [tilespmem:v16+s30+$0x0], $0xffff;
	v38 =	vadd.f32 v12, v23;
	v5 =	vmul.f32 v22, v6;
	v61 =	vmul.f32 v0, v6  }
0xce: {  	v12 =	vld.idx.msk [tilespmem:v35+s30+$0x0], $0xffff;
	v34 =	vadd.f32 v32, v23;
	v9 =	vmul.f32 v9, v6;
	v0 =	vmul.f32 v18, v24  }
0xcf: {  	v11 =	vld.idx.msk [tilespmem:v25+s30+$0x0], $0xffff;
	v35 =	vadd.f32 v33, v23;
	v2 =	vor.u32 v49, v31;
	v4 =	vmul.f32 v4, v24  }
0xd0: {  	[tilespmem:$0x1FC50] =	vst v2;
	v22 =	vmul.f32 v26, v24;
	v26 =	vadd.f32 v0, v1;
	v1 =	vmul.f32 v28, v24  }
0xd1: {  	v28 =	vadd.f32 v4, v40;
	v40 =	vadd.f32 v14, v23;
	v14 =	vmul.f32 v7, v24;
	v7 =	vld [tilespmem:$0x1FC50]  }
0xd2: {  	s16 =	simm.s32 $0x2;
	v16 =	vmul.f32 v16, v6;
	v32 =	vadd.f32 v8, v23;
	v33 =	vadd.f32 v9, v23  }
0xd3: {  	v9 =	vmov s16;
	v2 =	vor.u32 v53, v31;
	v18 =	vadd.f32 v10, v23;
	v10 =	vld.idx.msk [tilespmem:v37+s30+$0x0], $0xffff  }
0xd4: {  	v37 =	vadd.f32 v16, v23;
	v0 =	vor.u32 v39, v31;
	v39 =	vadd.f32 v13, v23;
	v13 =	vld.idx.msk [tilespmem:v36+s30+$0x0], $0xffff  }
0xd5: {  	v6 =	vld.idx.msk [tilespmem:v62+s30+$0x0], $0xffff;
	v22 =	vadd.f32 v22, v27;
	v27 =	vadd.f32 v1, v3;
	v1 =	vmul.f32 v11, v24  }
0xd6: {  	s25 =	sshll.u32 s19, $0x6;
	v8 =	vld.idx.msk [tilespmem:v57+s30+$0x0], $0xffff;
	v12 =	vmul.f32 v12, v24;
	v36 =	vadd.f32 v5, v23;
	v5 =	vor.u32 v20, v31  }
0xd7: {  	s1 =	sor.u32 s25, s5;
	v4 =	vor.u32 v17, v31;
	v3 =	vor.u32 v52, v31;
	v11 =	vld.idx.msk [tilespmem:v63+s30+$0x0], $0xffff;
	v25 =	vadd.f32 v1, v58  }
0xd8: {  	s13 =	sor.u32 $0x20, s1;
	v53 =	vmovc v17;
	v1 =	vor.u32 v19, v31;
	v31 =	vadd.f32 v14, v55;
	v14 =	vand.u32 $0x3F, v9;
	v9 =	vld.idx.msk [tilespmem:v56+s30+$0x0], $0xffff  }
0xd9: {  	s2 =	simm.s32 $0x3;
	s16 =	smul.u32 $0x14, s13;
	v52 =	vmovc v19;
	v13 =	vmul.f32 v13, v24;
	v58 =	vadd.f32 v15, v23;
	v55 =	vmov v41;
	v7 =	vld.idx.msk [tilespmem:v7+s30+$0x0], $0xffff  }
.LBB2_3:
0xda: {  	v62 =	vld.idx.msk [tilespmem:v0+s30+$0x0], $0xffff  }
0xdb: {  	v0 =	vld [tilespmem:$0x1FEA0]  }
0xdc: {  	v20 =	vld.idx.msk [tilespmem:v3+s30+$0x0], $0xffff  }
0xdd: {  	v14 =	vbroadcast v14, $0x0;
	v30 =	vadd.f32 v12, v30;
	v12 =	vld.idx.msk [tilespmem:v2+s30+$0x0], $0xffff  }
0xde: {  	v23 =	vadd.f32 v61, v23;
	v29 =	vadd.f32 v13, v29;
	v13 =	vld.idx.msk [tilespmem:v60+s30+$0x0], $0xffff  }
0xdf: {  	v57 =	vmovc v42;
	v56 =	vmov v45;
	v19 =	vor.u32 v21, v14;
	v21 =	vor.u32 v43, v14;
	v43 =	vld.idx.msk [tilespmem:v4+s30+$0x0], $0xffff  }
0xe0: {  	v15 =	vor.u32 v54, v14;
	v17 =	vor.u32 v42, v14;
	v42 =	vor.u32 v47, v14;
	v47 =	vld.idx.msk [tilespmem:v1+s30+$0x0], $0xffff  }
0xe1: {  	v61 =	vor.u32 v45, v14;
	v45 =	vor.u32 v48, v14;
	v48 =	vor.u32 v50, v14;
	v50 =	vld.idx.msk [tilespmem:v5+s30+$0x0], $0xffff  }
0xe2: {  	v16 =	vor.u32 v55, v14;
	v1 =	vld [tilespmem:$0x1FF50]  }
0xe3: {  	v5 =	vld [tilespmem:$0x1FF80]  }
0xe4: {  	v10 =	vmul.f32 v10, v24;
	v41 =	vor.u32 v44, v14;
	v63 =	vor.u32 v0, v14;
	v0 =	vld [tilespmem:$0x1FF40]  }
0xe5: {  	v44 =	vor.u32 v46, v14;
	v46 =	vor.u32 v49, v14;
	v49 =	vor.u32 v51, v14;
	v51 =	vld.idx.msk [tilespmem:v15+s26+$0x0], $0xffff  }
0xe6: {  	v11 =	vmul.f32 v11, v24;
	v15 =	vld.idx.msk [tilespmem:v15+s28+$0x0], $0xffff  }
0xe7: {  	v59 =	vadd.f32 v10, v59;
	v10 =	vld.idx.msk [tilespmem:v16+s30+$0x0], $0xffff  }
0xe8: {  	v8 =	vmul.f32 v8, v24;
	v18 =	vadd.f32 v11, v18;
	v11 =	vld.idx.msk [tilespmem:v61+s30+$0x0], $0xffff  }
0xe9: {  	v17 =	vld.idx.msk [tilespmem:v17+s30+$0x0], $0xffff  }
0xea: {  	v40 =	vadd.f32 v8, v40;
	v8 =	vmul.f32 v43, v24;
	v43 =	vld [tilespmem:$0x1FEC0]  }
0xeb: {  	v16 =	vmul.f32 v20, v24;
	v20 =	vld.idx.msk [tilespmem:v21+s30+$0x0], $0xffff  }
0xec: {  	v2 =	vor.u32 v0, v14;
	v0 =	vld [tilespmem:$0x1FFE0]  }
0xed: {  	v6 =	vmul.f32 v6, v24;
	v21 =	vld [tilespmem:$0x1FF90]  }
0xee: {  	v61 =	vmul.f32 v50, v24;
	v50 =	vld [tilespmem:$0x1FF20]  }
0xef: {  	v38 =	vadd.f32 v6, v38;
	v6 =	vmul.f32 v12, v24;
	v12 =	vmul.f32 v13, v24;
	v13 =	vld.idx.msk [tilespmem:v63+s30+$0x0], $0xffff  }
0xf0: {  	v7 =	vmul.f32 v7, v24;
	v33 =	vadd.f32 v8, v33;
	v8 =	vld.idx.msk [tilespmem:v48+s30+$0x0], $0xffff  }
0xf1: {  	v9 =	vmul.f32 v9, v24;
	v60 =	vor.u32 v0, v14;
	v0 =	vld [tilespmem:$0x1FC60]  }
0xf2: {  	v39 =	vadd.f32 v7, v39;
	v48 =	vld [tilespmem:$0x1FF00]  }
0xf3: {  	v7 =	vmul.f32 v62, v24;
	v58 =	vadd.f32 v9, v58;
	v9 =	vmul.f32 v15, v51;
	v15 =	vld.idx.msk [tilespmem:v41+s30+$0x0], $0xffff  }
0xf4: {  	v4 =	vor.u32 v53, v14;
	v37 =	vadd.f32 v6, v37;
	v6 =	vmul.f32 v10, v51;
	v10 =	vld.idx.msk [tilespmem:v42+s30+$0x0], $0xffff  }
0xf5: {  	v36 =	vadd.f32 v7, v36;
	v3 =	vor.u32 v1, v14;
	v7 =	vmul.f32 v11, v51;
	v11 =	vld.idx.msk [tilespmem:v44+s30+$0x0], $0xffff  }
0xf6: {  	v1 =	vor.u32 v52, v14;
	v5 =	vor.u32 v5, v14;
	v0 =	vor.u32 v0, v14;
	v14 =	vld.idx.msk [tilespmem:v19+s30+$0x0], $0xffff  }
0xf7: {  	v44 =	vld [tilespmem:$0x1FED0]  }
0xf8: {  	v27 =	vadd.f32 v6, v27;
	v6 =	vld.idx.msk [tilespmem:v45+s30+$0x0], $0xffff  }
0xf9: {  	p0 =	sne.s32 s2, $0x3F;
	v26 =	vadd.f32 v9, v26;
	v28 =	vadd.f32 v7, v28;
	v7 =	vld.idx.msk [tilespmem:v46+s30+$0x0], $0xffff;
	v9 =	vmul.f32 v13, v51  }
.Ltmp2:
0xfa: {  	v35 =	vadd.f32 v12, v35;
	v46 =	vld [tilespmem:$0x1FEF0];
	(pc) =	sbr.rel @p0 .LBB2_3-.Ltmp2, $4  }
0xfb: {  	v13 =	vmul.f32 v17, v51;
	v25 =	vadd.f32 v9, v25;
	v9 =	vld.idx.msk [tilespmem:v49+s30+$0x0], $0xffff;
	v14 =	vmul.f32 v14, v51  }
0xfc: {  	v34 =	vadd.f32 v16, v34;
	v12 =	vmul.f32 v20, v51;
	v49 =	vld [tilespmem:$0x1FF10];
	v19 =	vmul.f32 v47, v24  }
0xfd: {  	v31 =	vadd.f32 v13, v31;
	v47 =	vld [tilespmem:$0x1FEE0];
	v24 =	vmovc v51;
	v22 =	vadd.f32 v14, v22;
	v14 =	vmov s2  }
0xfe: {  	v42 =	vmovc v57;
	v45 =	vmovc v56;
	v13 =	vmul.f32 v15, v24;
	v32 =	vadd.f32 v19, v32;
	v51 =	vld [tilespmem:$0x1FF30];
	s2 =	sadd.s32 $0x1, s2;
	v14 =	vand.u32 $0x3F, v14  }
0xff: {  	_ =	sdelay $0x3  }
0x100: {  	v2 =	vld.idx.msk [tilespmem:v2+s30+$0x0], $0xffff  }
0x101: {  	v15 =	vld.idx.msk [tilespmem:v60+s30+$0x0], $0xffff  }
0x102: {  	v0 =	vld.idx.msk [tilespmem:v0+s30+$0x0], $0xffff  }
0x103: {  	v3 =	vld.idx.msk [tilespmem:v3+s30+$0x0], $0xffff  }
0x104: {  	v14 =	vbroadcast v14, $0x0;
	v4 =	vld.idx.msk [tilespmem:v4+s30+$0x0], $0xffff  }
0x105: {  	v1 =	vld.idx.msk [tilespmem:v1+s30+$0x0], $0xffff  }
0x106: {  	v5 =	vld.idx.msk [tilespmem:v5+s30+$0x0], $0xffff;
	v16 =	vor.u32 v54, v14  }
0x107: {  	v56 =	vld [tilespmem:$0x1FF40];
	v17 =	vor.u32 v21, v14  }
0x108: {  	v60 =	vld [tilespmem:$0x1FFE0]  }
0x109: {  	v23 =	vadd.f32 v61, v23;
	v61 =	vld [tilespmem:$0x1FC60];
	v19 =	vor.u32 v55, v14  }
0x10a: {  	v20 =	vor.u32 v45, v14;
	v21 =	vld [tilespmem:$0x1FEA0]  }
0x10b: {  	v42 =	vor.u32 v42, v14;
	v41 =	vld.idx.msk [tilespmem:v16+s26+$0x0], $0xffff  }
0x10c: {  	v43 =	vor.u32 v43, v14;
	v17 =	vld.idx.msk [tilespmem:v17+s30+$0x0], $0xffff  }
0x10d: {  	v44 =	vor.u32 v44, v14;
	v16 =	vld.idx.msk [tilespmem:v16+s28+$0x0], $0xffff  }
0x10e: {  	v46 =	vor.u32 v46, v14;
	v19 =	vld.idx.msk [tilespmem:v19+s30+$0x0], $0xffff  }
0x10f: {  	v63 =	vor.u32 v48, v14;
	v20 =	vld.idx.msk [tilespmem:v20+s30+$0x0], $0xffff  }
0x110: {  	v12 =	vadd.f32 v12, v30;
	v30 =	vor.u32 v49, v14;
	v42 =	vld.idx.msk [tilespmem:v42+s30+$0x0], $0xffff  }
0x111: {  	v11 =	vmul.f32 v11, v24;
	v13 =	vadd.f32 v13, v29;
	v29 =	vor.u32 v50, v14;
	v43 =	vld.idx.msk [tilespmem:v43+s30+$0x0], $0xffff  }
0x112: {  	v62 =	vor.u32 v47, v14;
	v44 =	vld.idx.msk [tilespmem:v44+s30+$0x0], $0xffff  }
0x113: {  	v10 =	vmul.f32 v10, v24;
	v11 =	vadd.f32 v11, v18;
	v18 =	vld.idx.msk [tilespmem:v46+s30+$0x0], $0xffff  }
0x114: {  	v6 =	vmul.f32 v6, v24;
	v7 =	vmul.f32 v7, v24;
	v47 =	vld.idx.msk [tilespmem:v63+s30+$0x0], $0xffff  }
0x115: {  	v8 =	vmul.f32 v8, v24;
	v10 =	vadd.f32 v10, v59;
	v59 =	vor.u32 v52, v14;
	v30 =	vld.idx.msk [tilespmem:v30+s30+$0x0], $0xffff  }
0x116: {  	v9 =	vmul.f32 v9, v24;
	v48 =	vor.u32 v51, v14;
	v2 =	vmul.f32 v2, v24;
	v29 =	vld.idx.msk [tilespmem:v29+s30+$0x0], $0xffff  }
0x117: {  	v15 =	vmul.f32 v15, v24;
	v0 =	vmul.f32 v0, v24;
	v45 =	vld.idx.msk [tilespmem:v62+s30+$0x0], $0xffff  }
0x118: {  	v56 =	vor.u32 v56, v14;
	v3 =	vmul.f32 v3, v24;
	v4 =	vmul.f32 v4, v24;
	v62 =	vld [tilespmem:$0x1FF50]  }
0x119: {  	v1 =	vmul.f32 v1, v24;
	v21 =	vor.u32 v21, v14;
	v46 =	vor.u32 v60, v14;
	v60 =	vld [tilespmem:$0x1FF80]  }
0x11a: {  	v5 =	vmul.f32 v5, v24;
	v24 =	vld.idx.msk [tilespmem:v59+s30+$0x0], $0xffff;
	v20 =	vmul.f32 v20, v41  }
0x11b: {  	v63 =	vor.u32 v53, v14;
	v48 =	vld.idx.msk [tilespmem:v48+s30+$0x0], $0xffff  }
0x11c: {  	v6 =	vadd.f32 v6, v38;
	v38 =	vor.u32 v61, v14;
	v20 =	vadd.f32 v20, v28;
	v28 =	vld [tilespmem:$0x1FD90]  }
0x11d: {  	v7 =	vadd.f32 v7, v39;
	v49 =	vld.idx.msk [tilespmem:v56+s30+$0x0], $0xffff;
	v39 =	vor.u32 v62, v14  }
0x11e: {  	v21 =	vld.idx.msk [tilespmem:v21+s30+$0x0], $0xffff;
	v14 =	vor.u32 v60, v14  }
0x11f: {  	v16 =	vmul.f32 v16, v41;
	v61 =	vld.idx.msk [tilespmem:v46+s30+$0x0], $0xffff  }
0x120: {  	v19 =	vmul.f32 v19, v41;
	v63 =	vld.idx.msk [tilespmem:v63+s30+$0x0], $0xffff  }
0x121: {  	v62 =	vld.idx.msk [tilespmem:v38+s30+$0x0], $0xffff;
	v16 =	vadd.f32 v16, v26  }
0x122: {  	v19 =	vadd.f32 v19, v27;
	v26 =	vld.idx.msk [tilespmem:v39+s30+$0x0], $0xffff  }
0x123: {  	v14 =	vld.idx.msk [tilespmem:v14+s30+$0x0], $0xffff;
	[tilespmem:$0xB2C0] =	vst v16  }
0x124: {  	[tilespmem:v28+s12+$0x0] =	vst.idx.msk $0xffff, v19;
	v19 =	vld [tilespmem:$0x1FC70];
	_ =	sdelay $0x7  }
0x125: {  	[tilespmem:v19+s12+$0x0] =	vst.idx.msk $0xffff, v20;
	v20 =	vld [tilespmem:$0x1FC80];
	_ =	sdelay $0x3  }
0x126: {  	v21 =	vmul.f32 v21, v41;
	_ =	sdelay $0x1  }
0x127: {  	v21 =	vadd.f32 v21, v25  }
0x128: {  	v19 =	vmul.f32 v45, v41  }
0x129: {  	[tilespmem:v20+s12+$0x0] =	vst.idx.msk $0xffff, v21;
	v20 =	vld [tilespmem:$0x1FC90]  }
0x12a: {  	v10 =	vadd.f32 v19, v10;
	v19 =	vld [tilespmem:$0x1FCA0];
	_ =	sdelay $0x2  }
0x12b: {  	v16 =	vmul.f32 v42, v41  }
0x12c: {  	v27 =	vmul.f32 v43, v41  }
0x12d: {  	v16 =	vadd.f32 v16, v31  }
0x12e: {  	v18 =	vmul.f32 v18, v41;
	v12 =	vadd.f32 v27, v12  }
0x12f: {  	[tilespmem:v20+s12+$0x0] =	vst.idx.msk $0xffff, v16;
	v16 =	vmul.f32 v47, v41  }
0x130: {  	v11 =	vadd.f32 v18, v11;
	v18 =	vld [tilespmem:$0x1FCB0];
	[tilespmem:v19+s12+$0x0] =	vst.idx.msk $0xffff, v12;
	v12 =	vmul.f32 v30, v41  }
0x131: {  	v6 =	vadd.f32 v16, v6;
	v16 =	vld [tilespmem:$0x1FCC0]  }
0x132: {  	v7 =	vadd.f32 v12, v7;
	v12 =	vld [tilespmem:$0x1FCD0];
	_ =	sdelay $0x1  }
0x133: {  	v25 =	vmul.f32 v44, v41;
	_ =	sdelay $0x1  }
0x134: {  	v13 =	vadd.f32 v25, v13;
	_ =	sdelay $0x1  }
0x135: {  	[tilespmem:v18+s12+$0x0] =	vst.idx.msk $0xffff, v13  }
0x136: {  	v9 =	vadd.f32 v9, v58;
	[tilespmem:v16+s12+$0x0] =	vst.idx.msk $0xffff, v10;
	v10 =	vmul.f32 v48, v41  }
0x137: {  	[tilespmem:v12+s12+$0x0] =	vst.idx.msk $0xffff, v11;
	v12 =	vld [tilespmem:$0x1FCE0]  }
0x138: {  	v9 =	vadd.f32 v10, v9;
	v10 =	vld [tilespmem:$0x1FCF0];
	_ =	sdelay $0x6  }
0x139: {  	[tilespmem:v12+s12+$0x0] =	vst.idx.msk $0xffff, v6  }
0x13a: {  	[tilespmem:v10+s12+$0x0] =	vst.idx.msk $0xffff, v7;
	v10 =	vld [tilespmem:$0x1FD00];
	_ =	sdelay $0x3  }
0x13b: {  	v8 =	vadd.f32 v8, v40;
	v13 =	vmul.f32 v29, v41;
	_ =	sdelay $0x1  }
0x13c: {  	v8 =	vadd.f32 v13, v8  }
0x13d: {  	v0 =	vadd.f32 v0, v36;
	v7 =	vmul.f32 v62, v41  }
0x13e: {  	v3 =	vadd.f32 v3, v34;
	[tilespmem:v10+s12+$0x0] =	vst.idx.msk $0xffff, v8;
	v8 =	vmul.f32 v26, v41;
	v10 =	vld [tilespmem:$0x1FD10]  }
0x13f: {  	v0 =	vadd.f32 v7, v0;
	v7 =	vld [tilespmem:$0x1FD20]  }
0x140: {  	v3 =	vadd.f32 v8, v3;
	v8 =	vld [tilespmem:$0x1FD30];
	_ =	sdelay $0x2  }
0x141: {  	v2 =	vadd.f32 v2, v37;
	v11 =	vmul.f32 v49, v41  }
0x142: {  	v15 =	vadd.f32 v15, v35;
	v6 =	vmul.f32 v61, v41  }
0x143: {  	v2 =	vadd.f32 v11, v2  }
0x144: {  	v6 =	vadd.f32 v6, v15;
	[tilespmem:v10+s12+$0x0] =	vst.idx.msk $0xffff, v9  }
0x145: {  	[tilespmem:v7+s12+$0x0] =	vst.idx.msk $0xffff, v2  }
0x146: {  	[tilespmem:v8+s12+$0x0] =	vst.idx.msk $0xffff, v6;
	v8 =	vld [tilespmem:$0x1FD40];
	_ =	sdelay $0x5  }
0x147: {  	v1 =	vadd.f32 v1, v32;
	v7 =	vmul.f32 v24, v41;
	_ =	sdelay $0x1  }
0x148: {  	[tilespmem:v8+s12+$0x0] =	vst.idx.msk $0xffff, v0;
	v0 =	vadd.f32 v7, v1;
	v1 =	vld [tilespmem:$0x1FD50];
	_ =	sdelay $0x5  }
0x149: {  	v5 =	vadd.f32 v5, v23;
	v6 =	vmul.f32 v14, v41;
	_ =	sdelay $0x1  }
0x14a: {  	[tilespmem:v1+s12+$0x0] =	vst.idx.msk $0xffff, v3;
	v3 =	vadd.f32 v6, v5;
	v5 =	vld [tilespmem:$0x1FD60]  }
0x14b: {  	v6 =	vld [tilespmem:$0x1FD70];
	_ =	sdelay $0x2  }
0x14c: {  	v4 =	vadd.f32 v4, v33;
	v10 =	vmul.f32 v63, v41;
	_ =	sdelay $0x1  }
0x14d: {  	v4 =	vadd.f32 v10, v4  }
0x14e: {  	v50 =	vld [tilespmem:$0x1FE60]  }
0x14f: {  	v58 =	vld [tilespmem:$0x1FDC0];
	[tilespmem:v5+s12+$0x0] =	vst.idx.msk $0xffff, v4  }
0x150: {  	[tilespmem:v6+s12+$0x0] =	vst.idx.msk $0xffff, v0;
	v0 =	vld [tilespmem:$0x1FD80]  }
0x151: {  	v51 =	vld [tilespmem:$0x1FE70]  }
0x152: {  	v59 =	vld [tilespmem:$0x1FDD0]  }
0x153: {  	v53 =	vld [tilespmem:$0x1FE80]  }
0x154: {  	v56 =	vld [tilespmem:$0x1FDB0]  }
0x155: {  	v46 =	vld [tilespmem:$0x1FE20]  }
0x156: {  	v60 =	vld [tilespmem:$0x1FFC0]  }
0x157: {  	s2 =	simm.s32 $0x0;
	v43 =	vld [tilespmem:$0x1FDF0]  }
0x158: {  	v9 =	vmov s2;
	[tilespmem:v0+s12+$0x0] =	vst.idx.msk $0xffff, v3;
	v3 =	vld [tilespmem:$0x1FDA0]  }
0x159: {  	v42 =	vld [tilespmem:$0x1FDE0];
	v2 =	vand.u32 $0x3F, v9  }
0x15a: {  	v44 =	vld [tilespmem:$0x1FE00];
	v2 =	vbroadcast v2, $0x0  }
0x15b: {  	v54 =	vmov v55;
	v45 =	vld [tilespmem:$0x1FE10]  }
0x15c: {  	v17 =	vmul.f32 v17, v41;
	v47 =	vld [tilespmem:$0x1FE30];
	v41 =	vadd.s32 $0x54C0, v54;
	v1 =	vor.u32 v56, v2  }
0x15d: {  	v18 =	vld [tilespmem:$0x1FFB0];
	v4 =	vor.u32 v41, v2  }
0x15e: {  	v48 =	vld [tilespmem:$0x1FE40];
	v5 =	vadd.f32 v17, v22  }
0x15f: {  	v49 =	vld [tilespmem:$0x1FE50];
	v0 =	vor.u32 v58, v2  }
0x160: {  	v17 =	vld [tilespmem:$0x1FFA0];
	v6 =	vor.u32 v43, v2;
	[tilespmem:v3+s12+$0x0] =	vst.idx.msk $0xffff, v5  }
0x161: {  	v55 =	vadd.s32 $0x5400, v54;
	v3 =	vor.u32 v59, v2;
	v29 =	vld.idx.msk [tilespmem:v1+s26+$0x0], $0xffff  }
0x162: {  	v37 =	vimm.f32 $0.0e+00;
	v36 =	vimm.f32 $0.0e+00;
	v5 =	vor.u32 v42, v2;
	v7 =	vld.idx.msk [tilespmem:v4+s30+$0x0], $0xffff  }
0x163: {  	v34 =	vimm.f32 $0.0e+00;
	v35 =	vimm.f32 $0.0e+00;
	v4 =	vor.u32 v44, v2;
	v1 =	vld.idx.msk [tilespmem:v1+s28+$0x0], $0xffff  }
0x164: {  	v32 =	vimm.f32 $0.0e+00;
	v11 =	vadd.s32 $0x5440, v54;
	v9 =	vor.u32 v46, v2;
	v0 =	vld.idx.msk [tilespmem:v0+s30+$0x0], $0xffff  }
0x165: {  	v12 =	vor.u32 v48, v2;
	v13 =	vor.u32 v49, v2;
	v14 =	vor.u32 v50, v2;
	v6 =	vld.idx.msk [tilespmem:v6+s30+$0x0], $0xffff  }
0x166: {  	v15 =	vor.u32 v51, v2;
	v16 =	vor.u32 v53, v2;
	v8 =	vor.u32 v45, v2;
	v10 =	vld.idx.msk [tilespmem:v3+s30+$0x0], $0xffff  }
0x167: {  	v63 =	vor.u32 v18, v2;
	v62 =	vor.u32 v60, v2;
	v17 =	vor.u32 v17, v2;
	v5 =	vld.idx.msk [tilespmem:v5+s30+$0x0], $0xffff  }
0x168: {  	v19 =	vadd.s32 $0x5480, v54;
	v3 =	vmovc v11;
	v11 =	vor.u32 v47, v2;
	v18 =	vld.idx.msk [tilespmem:v4+s30+$0x0], $0xffff;
	v4 =	vor.u32 v55, v2  }
0x169: {  	v33 =	vimm.f32 $0.0e+00;
	v54 =	vmovc v19;
	v61 =	vmovc v3;
	v3 =	vor.u32 v3, v2;
	v2 =	vor.u32 v19, v2;
	v19 =	vld.idx.msk [tilespmem:v9+s30+$0x0], $0xffff  }
0x16a: {  	v38 =	vimm.f32 $0.0e+00;
	v39 =	vimm.f32 $0.0e+00;
	v7 =	vmul.f32 v7, v29  }
0x16b: {  	v31 =	vimm.f32 $0.0e+00;
	v30 =	vimm.f32 $0.0e+00;
	v8 =	vld.idx.msk [tilespmem:v8+s30+$0x0], $0xffff;
	v1 =	vmul.f32 v1, v29  }
0x16c: {  	v0 =	vmul.f32 v0, v29;
	v9 =	vld.idx.msk [tilespmem:v12+s30+$0x0], $0xffff;
	v40 =	vadd.f32 v7, v30;
	v7 =	vmul.f32 v10, v29  }
0x16d: {  	v28 =	vadd.f32 v1, v30;
	v20 =	vld.idx.msk [tilespmem:v11+s30+$0x0], $0xffff;
	v1 =	vmul.f32 v5, v29;
	v5 =	vmul.f32 v6, v29  }
0x16e: {  	v27 =	vadd.f32 v0, v30;
	v10 =	vld.idx.msk [tilespmem:v13+s30+$0x0], $0xffff;
	v0 =	vmul.f32 v18, v29;
	v11 =	vmul.f32 v19, v29  }
0x16f: {  	s10 =	simm.s32 $0x1;
	v6 =	vld.idx.msk [tilespmem:v15+s30+$0x0], $0xffff;
	v18 =	vimm.f32 $0.0e+00;
	v26 =	vadd.f32 v7, v30;
	v25 =	vadd.f32 v1, v30  }
0x170: {  	v22 =	vadd.f32 v5, v30;
	v1 =	vmul.f32 v8, v29;
	v5 =	vmov s10;
	v7 =	vld.idx.msk [tilespmem:v16+s30+$0x0], $0xffff  }
0x171: {  	v8 =	vld.idx.msk [tilespmem:v17+s30+$0x0], $0xffff;
	v23 =	vadd.f32 v0, v30;
	v13 =	vand.u32 $0x3F, v5;
	v0 =	vimm.f32 $0.0e+00  }
0x172: {  	s2 =	simm.s32 $0x2;
	[tilespmem:$0x1FC40] =	vst v41;
	v5 =	vld.idx.msk [tilespmem:v14+s30+$0x0], $0xffff;
	v24 =	vadd.f32 v1, v30;
	v1 =	vimm.f32 $0.0e+00;
	v12 =	vmul.f32 v20, v29  }
.LBB2_5:
0x173: {  	v13 =	vbroadcast v13, $0x0  }
0x174: {  	v16 =	vld.idx.msk [tilespmem:v4+s30+$0x0], $0xffff  }
0x175: {  	v21 =	vld.idx.msk [tilespmem:v3+s30+$0x0], $0xffff;
	v14 =	vor.u32 v56, v13  }
0x176: {  	v30 =	vadd.f32 v11, v30;
	v11 =	vld.idx.msk [tilespmem:v63+s30+$0x0], $0xffff;
	v1 =	vadd.f32 v12, v1;
	v17 =	vor.u32 v59, v13  }
0x177: {  	v9 =	vmul.f32 v9, v29;
	v19 =	vor.u32 v42, v13;
	v42 =	vor.u32 v44, v13;
	v44 =	vld.idx.msk [tilespmem:v2+s30+$0x0], $0xffff  }
0x178: {  	v20 =	vor.u32 v41, v13;
	v41 =	vor.u32 v43, v13;
	v43 =	vor.u32 v45, v13;
	v2 =	vld [tilespmem:$0x1FFA0]  }
0x179: {  	v12 =	vld.idx.msk [tilespmem:v62+s30+$0x0], $0xffff;
	v45 =	vor.u32 v46, v13;
	v46 =	vor.u32 v47, v13;
	v47 =	vor.u32 v48, v13  }
0x17a: {  	v48 =	vor.u32 v49, v13;
	v49 =	vor.u32 v50, v13;
	v50 =	vor.u32 v51, v13;
	v51 =	vld.idx.msk [tilespmem:v14+s26+$0x0], $0xffff  }
0x17b: {  	v14 =	vld.idx.msk [tilespmem:v14+s28+$0x0], $0xffff  }
0x17c: {  	v39 =	vadd.f32 v9, v39;
	v9 =	vld.idx.msk [tilespmem:v17+s30+$0x0], $0xffff  }
0x17d: {  	v10 =	vmul.f32 v10, v29;
	v52 =	vor.u32 v53, v13;
	v53 =	vor.u32 v2, v13;
	v2 =	vld [tilespmem:$0x1FFB0]  }
0x17e: {  	v5 =	vmul.f32 v5, v29;
	v20 =	vld.idx.msk [tilespmem:v20+s30+$0x0], $0xffff  }
0x17f: {  	v38 =	vadd.f32 v10, v38;
	v10 =	vmul.f32 v11, v29;
	v11 =	vmul.f32 v12, v29;
	v12 =	vld.idx.msk [tilespmem:v19+s30+$0x0], $0xffff  }
0x180: {  	v7 =	vmul.f32 v7, v29;
	v37 =	vadd.f32 v5, v37;
	v5 =	vmul.f32 v16, v29;
	v16 =	vld.idx.msk [tilespmem:v41+s30+$0x0], $0xffff  }
0x181: {  	v41 =	vld [tilespmem:$0x1FC40]  }
0x182: {  	v34 =	vadd.f32 v7, v34;
	v7 =	vld.idx.msk [tilespmem:v42+s30+$0x0], $0xffff  }
0x183: {  	v31 =	vadd.f32 v11, v31;
	v11 =	vld.idx.msk [tilespmem:v45+s30+$0x0], $0xffff  }
0x184: {  	v45 =	vld [tilespmem:$0x1FE10]  }
0x185: {  	v42 =	vld [tilespmem:$0x1FDE0]  }
0x186: {  	v15 =	vor.u32 v58, v13;
	v6 =	vmul.f32 v6, v29;
	v32 =	vadd.f32 v10, v32;
	v10 =	vld.idx.msk [tilespmem:v48+s30+$0x0], $0xffff  }
0x187: {  	v8 =	vmul.f32 v8, v29;
	v48 =	vld [tilespmem:$0x1FE40]  }
0x188: {  	v36 =	vadd.f32 v6, v36;
	v6 =	vmul.f32 v44, v29;
	v44 =	vld [tilespmem:$0x1FE00]  }
0x189: {  	v35 =	vadd.f32 v8, v35;
	v8 =	vmul.f32 v14, v51;
	v14 =	vld.idx.msk [tilespmem:v43+s30+$0x0], $0xffff  }
0x18a: {  	v62 =	vor.u32 v60, v13;
	v4 =	vor.u32 v55, v13;
	v43 =	vld [tilespmem:$0x1FDF0]  }
0x18b: {  	v3 =	vor.u32 v61, v13;
	v63 =	vor.u32 v2, v13;
	v2 =	vor.u32 v54, v13;
	v13 =	vld.idx.msk [tilespmem:v15+s30+$0x0], $0xffff  }
0x18c: {  	v15 =	vmul.f32 v21, v29;
	v28 =	vadd.f32 v8, v28;
	v8 =	vmul.f32 v9, v51;
	v9 =	vld.idx.msk [tilespmem:v47+s30+$0x0], $0xffff  }
0x18d: {  	v47 =	vld [tilespmem:$0x1FE30];
	v29 =	vmov v51  }
0x18e: {  	v18 =	vadd.f32 v6, v18;
	v6 =	vmul.f32 v16, v29;
	v0 =	vadd.f32 v15, v0;
	v15 =	vld.idx.msk [tilespmem:v46+s30+$0x0], $0xffff  }
0x18f: {  	v46 =	vld [tilespmem:$0x1FE20]  }
0x190: {  	v7 =	vmul.f32 v7, v29;
	v22 =	vadd.f32 v6, v22;
	v6 =	vld.idx.msk [tilespmem:v50+s30+$0x0], $0xffff  }
0x191: {  	v26 =	vadd.f32 v8, v26;
	v8 =	vmul.f32 v14, v29;
	v50 =	vld [tilespmem:$0x1FE60]  }
0x192: {  	p0 =	sne.s32 s2, $0x3F;
	v33 =	vadd.f32 v5, v33;
	v23 =	vadd.f32 v7, v23;
	v7 =	vld.idx.msk [tilespmem:v52+s30+$0x0], $0xffff;
	v5 =	vmul.f32 v13, v51  }
.Ltmp3:
0x193: {  	v24 =	vadd.f32 v8, v24;
	v8 =	vld.idx.msk [tilespmem:v53+s30+$0x0], $0xffff;
	(pc) =	sbr.rel @p0 .LBB2_5-.Ltmp3, $4  }
0x194: {  	v53 =	vld [tilespmem:$0x1FE80];
	v27 =	vadd.f32 v5, v27;
	v5 =	vmul.f32 v12, v51  }
0x195: {  	v17 =	vmul.f32 v20, v51;
	v51 =	vld [tilespmem:$0x1FE70]  }
0x196: {  	v11 =	vmul.f32 v11, v29;
	v12 =	vmov s2;
	v25 =	vadd.f32 v5, v25;
	v5 =	vld.idx.msk [tilespmem:v49+s30+$0x0], $0xffff  }
0x197: {  	v40 =	vadd.f32 v17, v40;
	s2 =	sadd.s32 $0x1, s2;
	v13 =	vand.u32 $0x3F, v12;
	v12 =	vmul.f32 v15, v29;
	v49 =	vld [tilespmem:$0x1FE50]  }
0x198: {  	_ =	sdelay $0x2  }
0x199: {  	v13 =	vbroadcast v13, $0x0  }
0x19a: {  	v14 =	vld.idx.msk [tilespmem:v63+s30+$0x0], $0xffff  }
0x19b: {  	v16 =	vld.idx.msk [tilespmem:v62+s30+$0x0], $0xffff;
	v15 =	vor.u32 v56, v13  }
0x19c: {  	v4 =	vld.idx.msk [tilespmem:v4+s30+$0x0], $0xffff;
	v17 =	vor.u32 v41, v13  }
0x19d: {  	v20 =	vld.idx.msk [tilespmem:v3+s30+$0x0], $0xffff  }
0x19e: {  	v62 =	vld [tilespmem:$0x1FFA0];
	v19 =	vor.u32 v58, v13  }
0x19f: {  	v21 =	vor.u32 v59, v13;
	v41 =	vld.idx.msk [tilespmem:v2+s30+$0x0], $0xffff  }
0x1a0: {  	v42 =	vor.u32 v42, v13;
	v2 =	vld.idx.msk [tilespmem:v15+s26+$0x0], $0xffff  }
0x1a1: {  	v43 =	vor.u32 v43, v13;
	v3 =	vld.idx.msk [tilespmem:v17+s30+$0x0], $0xffff  }
0x1a2: {  	v63 =	vor.u32 v45, v13;
	v15 =	vld.idx.msk [tilespmem:v15+s28+$0x0], $0xffff  }
0x1a3: {  	v52 =	vor.u32 v46, v13;
	v19 =	vld.idx.msk [tilespmem:v19+s30+$0x0], $0xffff  }
0x1a4: {  	v21 =	vld.idx.msk [tilespmem:v21+s30+$0x0], $0xffff  }
0x1a5: {  	v59 =	vor.u32 v53, v13;
	v42 =	vld.idx.msk [tilespmem:v42+s30+$0x0], $0xffff  }
0x1a6: {  	v43 =	vld.idx.msk [tilespmem:v43+s30+$0x0], $0xffff  }
0x1a7: {  	v46 =	vor.u32 v47, v13;
	v17 =	vor.u32 v44, v13;
	v44 =	vld.idx.msk [tilespmem:v63+s30+$0x0], $0xffff  }
0x1a8: {  	v11 =	vadd.f32 v11, v30;
	v9 =	vmul.f32 v9, v29;
	v56 =	vor.u32 v48, v13;
	v45 =	vld.idx.msk [tilespmem:v52+s30+$0x0], $0xffff  }
0x1a9: {  	v10 =	vmul.f32 v10, v29;
	v1 =	vadd.f32 v12, v1;
	v12 =	vor.u32 v50, v13;
	v63 =	vld [tilespmem:$0x1FFB0]  }
0x1aa: {  	[tilespmem:$0x1FAD0] =	vst v55;
	v6 =	vmul.f32 v6, v29;
	v53 =	vor.u32 v55, v13;
	v55 =	vld.idx.msk [tilespmem:v59+s30+$0x0], $0xffff  }
0x1ab: {  	[tilespmem:$0x1FAE0] =	vst v61;
	v7 =	vmul.f32 v7, v29;
	v8 =	vmul.f32 v8, v29;
	v30 =	vor.u32 v49, v13;
	v59 =	vld [tilespmem:$0x1FD90]  }
0x1ac: {  	v5 =	vmul.f32 v5, v29;
	v50 =	vor.u32 v62, v13;
	v14 =	vmul.f32 v14, v29;
	v46 =	vld.idx.msk [tilespmem:v46+s30+$0x0], $0xffff  }
0x1ad: {  	v58 =	vor.u32 v51, v13;
	v16 =	vmul.f32 v16, v29;
	v20 =	vmul.f32 v20, v29;
	v47 =	vld.idx.msk [tilespmem:v56+s30+$0x0], $0xffff  }
0x1ae: {  	v62 =	vor.u32 v61, v13;
	v4 =	vmul.f32 v4, v29;
	v12 =	vld.idx.msk [tilespmem:v12+s30+$0x0], $0xffff;
	v29 =	vmul.f32 v41, v29  }
0x1af: {  	v5 =	vadd.f32 v5, v37;
	v52 =	vor.u32 v60, v13;
	v0 =	vadd.f32 v20, v0;
	v20 =	vld.idx.msk [tilespmem:v53+s30+$0x0], $0xffff  }
0x1b0: {  	[tilespmem:$0x1FAF0] =	vst v54;
	v16 =	vadd.f32 v16, v31;
	v30 =	vld.idx.msk [tilespmem:v30+s30+$0x0], $0xffff;
	v18 =	vadd.f32 v29, v18;
	v60 =	vadd.s32 $0x140, v59  }
0x1b1: {  	v56 =	vld.idx.msk [tilespmem:v50+s30+$0x0], $0xffff;
	v51 =	vor.u32 v63, v13;
	v13 =	vor.u32 v54, v13;
	v61 =	vadd.s32 $0x141, v59;
	[tilespmem:$0x1FB00] =	vst v60  }
0x1b2: {  	v17 =	vld.idx.msk [tilespmem:v17+s30+$0x0], $0xffff;
	v15 =	vmul.f32 v15, v2;
	v21 =	vmul.f32 v21, v2;
	v63 =	vadd.s32 $0x142, v59;
	[tilespmem:$0x1FB10] =	vst v61  }
0x1b3: {  	v54 =	vld.idx.msk [tilespmem:v58+s30+$0x0], $0xffff;
	v19 =	vmul.f32 v19, v2;
	v29 =	vadd.s32 $0x143, v59;
	v12 =	vmul.f32 v12, v2;
	[tilespmem:$0x1FB20] =	vst v63  }
0x1b4: {  	v58 =	vld.idx.msk [tilespmem:v52+s30+$0x0], $0xffff;
	[tilespmem:$0x1FB30] =	vst v29;
	v21 =	vadd.f32 v21, v26;
	v26 =	vmul.f32 v43, v2;
	v43 =	vadd.s32 $0x144, v59  }
0x1b5: {  	v15 =	vadd.f32 v15, v28;
	v28 =	vld.idx.msk [tilespmem:v62+s30+$0x0], $0xffff;
	v5 =	vadd.f32 v12, v5;
	v12 =	vadd.s32 $0x14D, v59;
	[tilespmem:$0x1FB40] =	vst v43  }
0x1b6: {  	v19 =	vadd.f32 v19, v27;
	v27 =	vmul.f32 v42, v2;
	[tilespmem:$0x1FBD0] =	vst v12;
	v31 =	vld.idx.msk [tilespmem:v51+s30+$0x0], $0xffff  }
0x1b7: {  	v13 =	vld.idx.msk [tilespmem:v13+s30+$0x0], $0xffff;
	[tilespmem:$0xB2D0] =	vst v15  }
0x1b8: {  	v15 =	vadd.f32 v27, v25;
	v25 =	vadd.s32 $0x145, v59;
	[tilespmem:v60+s12+$0x0] =	vst.idx.msk $0xffff, v19  }
0x1b9: {  	[tilespmem:$0x1FB50] =	vst v25  }
0x1ba: {  	v17 =	vmul.f32 v17, v2;
	v19 =	vadd.f32 v26, v22;
	v26 =	vadd.s32 $0x146, v59;
	[tilespmem:v61+s12+$0x0] =	vst.idx.msk $0xffff, v21  }
0x1bb: {  	[tilespmem:$0x1FB60] =	vst v26  }
0x1bc: {  	v22 =	vmul.f32 v44, v2;
	v17 =	vadd.f32 v17, v23;
	v23 =	vadd.s32 $0x147, v59;
	[tilespmem:v63+s12+$0x0] =	vst.idx.msk $0xffff, v15  }
0x1bd: {  	v9 =	vadd.f32 v9, v39;
	[tilespmem:$0x1FB70] =	vst v23  }
0x1be: {  	v21 =	vmul.f32 v45, v2;
	v15 =	vadd.f32 v22, v24;
	v24 =	vadd.s32 $0x148, v59;
	[tilespmem:v29+s12+$0x0] =	vst.idx.msk $0xffff, v19  }
0x1bf: {  	v10 =	vadd.f32 v10, v38;
	v6 =	vadd.f32 v6, v36;
	[tilespmem:$0x1FB80] =	vst v24  }
0x1c0: {  	v22 =	vmul.f32 v46, v2;
	v11 =	vadd.f32 v21, v11;
	v21 =	vadd.s32 $0x149, v59;
	[tilespmem:v43+s12+$0x0] =	vst.idx.msk $0xffff, v17  }
0x1c1: {  	v7 =	vadd.f32 v7, v34;
	v8 =	vadd.f32 v8, v35;
	v19 =	vmul.f32 v47, v2;
	[tilespmem:$0x1FB90] =	vst v21  }
0x1c2: {  	v1 =	vadd.f32 v22, v1;
	v17 =	vmul.f32 v30, v2;
	v22 =	vadd.s32 $0x14A, v59;
	[tilespmem:v25+s12+$0x0] =	vst.idx.msk $0xffff, v15  }
0x1c3: {  	v14 =	vadd.f32 v14, v32;
	v9 =	vadd.f32 v19, v9;
	v15 =	vadd.s32 $0x14B, v59;
	[tilespmem:v26+s12+$0x0] =	vst.idx.msk $0xffff, v11  }
0x1c4: {  	v11 =	vmul.f32 v54, v2;
	v10 =	vadd.f32 v17, v10;
	v17 =	vadd.s32 $0x14C, v59;
	[tilespmem:v23+s12+$0x0] =	vst.idx.msk $0xffff, v1  }
0x1c5: {  	v4 =	vadd.f32 v4, v33;
	v1 =	vmul.f32 v55, v2;
	[tilespmem:v24+s12+$0x0] =	vst.idx.msk $0xffff, v9  }
0x1c6: {  	v19 =	vadd.s32 $0x14E, v59;
	v9 =	vmul.f32 v56, v2;
	v6 =	vadd.f32 v11, v6;
	[tilespmem:v21+s12+$0x0] =	vst.idx.msk $0xffff, v10  }
0x1c7: {  	v11 =	vadd.s32 $0x14F, v59;
	v10 =	vmul.f32 v31, v2;
	v1 =	vadd.f32 v1, v7;
	[tilespmem:v22+s12+$0x0] =	vst.idx.msk $0xffff, v5  }
0x1c8: {  	v5 =	vmul.f32 v58, v2;
	v7 =	vadd.f32 v9, v8;
	v9 =	vadd.s32 $0x150, v59;
	[tilespmem:v15+s12+$0x0] =	vst.idx.msk $0xffff, v6  }
0x1c9: {  	v6 =	vmul.f32 v20, v2;
	v8 =	vadd.f32 v10, v14;
	v10 =	vadd.s32 $0x151, v59;
	[tilespmem:v17+s12+$0x0] =	vst.idx.msk $0xffff, v1  }
0x1ca: {  	v1 =	vmul.f32 v28, v2;
	v5 =	vadd.f32 v5, v16;
	[tilespmem:v12+s12+$0x0] =	vst.idx.msk $0xffff, v7;
	v12 =	vadd.s32 $0x152, v59  }
0x1cb: {  	v7 =	vmul.f32 v13, v2;
	v4 =	vadd.f32 v6, v4;
	v6 =	vadd.s32 $0x153, v59;
	[tilespmem:v19+s12+$0x0] =	vst.idx.msk $0xffff, v8  }
0x1cc: {  	v2 =	vmul.f32 v3, v2;
	v0 =	vadd.f32 v1, v0;
	[tilespmem:v11+s12+$0x0] =	vst.idx.msk $0xffff, v5  }
0x1cd: {  	v1 =	vadd.f32 v7, v18;
	[tilespmem:v9+s12+$0x0] =	vst.idx.msk $0xffff, v4  }
0x1ce: {  	s2 =	sshrl.u32 s1, $0x3;
	s1 =	smul.u32 $0x14, s1;
	v2 =	vadd.f32 v2, v40;
	[tilespmem:v10+s12+$0x0] =	vst.idx.msk $0xffff, v0  }
0x1cf: {  	[tilespmem:v12+s12+$0x0] =	vst.idx.msk $0xffff, v1  }
0x1d0: {  	s3 =	simm.s32 $0xB2C0;
	s2 =	sadd.s32 s18, s2;
	s1 =	sshrl.u32 s1, $0x3;
	[tilespmem:v6+s12+$0x0] =	vst.idx.msk $0xffff, v2  }
0x1d1: {  	[hbm4b:s2+s6] =	stream.linear.scatter [tilespmem:s3], [sflag:$0x3], $0x20, $0x38;
	[tilespmem:$0x16AC0] =	vst v63  }
0x1d2: {  	p0 =	seq.s32 s19, $0x7;
	s1 =	sadd.s32 s9, s1;
	[tilespmem:$0x1FBA0] =	vst v22  }
0x1d3: {  	[hbm4b:s1+s6] =	stream.linear.scatter [tilespmem:s12], [sflag:$0x3], $0x280, $0x38;
	[tilespmem:$0x16AC0] =	vst v63  }
0x1d4: {  	[tilespmem:$0x1FBB0] =	vst v15;
	s1 =	sadd.s32 @!p0 s25, s17  }
0x1d5: {  	[tilespmem:$0x1FBE0] =	vst v19;
	s3 =	rddreg [dreg:$0x0];
	s2 =	sshrl.u32 @!p0 s1, $0x3  }
0x1d6: {  	s10 =	smov.u32 s18;
	s18 =	simm.s32 @!p0 $0x0;
	[tilespmem:$0x1FBC0] =	vst v17;
	s3 =	sadd.s32 @!p0 s3, s2  }
0x1d7: {  	[tilespmem:s18], [sflag:$0x1] =	stream.linear.gather @!p0 [hbm4b:s3+s18], $0x20, $0x38;
	[tilespmem:$0x16AC0] =	vst v63  }
0x1d8: {  	[tilespmem:$0x1FBF0] =	vst v11;
	s3 =	rddreg [dreg:$0x1]  }
0x1d9: {  	[tilespmem:$0x1FC00] =	vst v9;
	s1 =	smul.u32 @!p0 $0x14, s1;
	s2 =	sadd.s32 @!p0 s3, s2;
	s3 =	simm.s32 @!p0 $0x20  }
0x1da: {  	[tilespmem:s3], [sflag:$0x1] =	stream.linear.gather @!p0 [hbm4b:s2+s18], $0x20, $0x38;
	[tilespmem:$0x16AC0] =	vst v63  }
0x1db: {  	[tilespmem:$0x1FC10] =	vst v10;
	s1 =	sshrl.u32 @!p0 s1, $0x3;
	s2 =	rddreg [dreg:$0x2]  }
0x1dc: {  	[tilespmem:$0x1FC20] =	vst v12;
	s1 =	sadd.s32 @!p0 s2, s1;
	s2 =	simm.s32 @!p0 $0x40  }
0x1dd: {  	[tilespmem:s2], [sflag:$0x1] =	stream.linear.gather @!p0 [hbm4b:s1+s18], $0x280, $0x38;
	[tilespmem:$0x16AC0] =	vst v63  }
0x1de: {  	[tilespmem:$0x1FC30] =	vst v6;
	s1 =	simm.s32 @!p0 $0x1  }
0x1df: {  	_ =	swait.ge @!p0 [sflag:s1], $0x20  }
0x1e0: {  	[sflag:s1] =	ssyncset.done @!p0 $0x0  }
0x1e1: {  	[sflag:s1] =	ssyncadd.s32 @!p0 $0xFFFFFFE0  }
0x1e2: {  	_ =	swait.ge @!p0 [sflag:s1], $0x20  }
0x1e3: {  	[sflag:s1] =	ssyncset.done @!p0 $0x0  }
0x1e4: {  	[sflag:s1] =	ssyncadd.s32 @!p0 $0xFFFFFFE0  }
0x1e5: {  	_ =	swait.ge @!p0 [sflag:s1], $0x280  }
0x1e6: {  	[sflag:s1] =	ssyncset.done @!p0 $0x0  }
0x1e7: {  	[sflag:s1] =	ssyncadd.s32 @!p0 $0xFFFFFD80;
	s1 =	simm.s32 @!p0 $0x2C0  }
0x1e8: {  	[tilespmem:s1], [sflag:$0x2] =	stream.indirect.gather @!p0 [hbm4b:s8+s3], $0x40, s18, s3, $0xb8;
	[tilespmem:$0x16AC0] =	vst v63  }
0x1e9: {  	s1 =	simm.s32 @!p0 $0xAC0  }
0x1ea: {  	[tilespmem:s1], [sflag:$0x2] =	stream.indirect.gather @!p0 [hbm4b:s7+s3], $0x40, s3, s3, $0xb8;
	[tilespmem:$0x16AC0] =	vst v63  }
0x1eb: {  	s1 =	simm.s32 @!p0 $0x80;
	s3 =	simm.s32 @!p0 $0x12C0  }
0x1ec: {  	[tilespmem:s3], [sflag:$0x2] =	stream.indirect.gather @!p0 [hbm4b:s7+s1], $0x40, s2, s1, $0xb8;
	[tilespmem:$0x16AC0] =	vst v63  }
0x1ed: {  	s2 =	simm.s32 @!p0 $0xC0;
	s3 =	simm.s32 @!p0 $0x32C0  }
0x1ee: {  	[tilespmem:s3], [sflag:$0x2] =	stream.indirect.gather @!p0 [hbm4b:s7+s1], $0x40, s2, s1, $0xb8;
	[tilespmem:$0x16AC0] =	vst v63  }
0x1ef: {  	s2 =	simm.s32 @!p0 $0x140;
	s3 =	simm.s32 @!p0 $0x52C0  }
0x1f0: {  	[tilespmem:s3], [sflag:$0x2] =	stream.indirect.gather @!p0 [hbm4b:s7+s1], $0x40, s2, s1, $0xb8;
	[tilespmem:$0x16AC0] =	vst v63  }
0x1f1: {  	s2 =	simm.s32 @!p0 $0x1C0;
	s3 =	simm.s32 @!p0 $0x72C0  }
0x1f2: {  	[tilespmem:s3], [sflag:$0x2] =	stream.indirect.gather @!p0 [hbm4b:s7+s1], $0x40, s2, s1, $0xb8;
	[tilespmem:$0x16AC0] =	vst v63  }
0x1f3: {  	s2 =	simm.s32 @!p0 $0x240;
	s3 =	simm.s32 @!p0 $0x92C0  }
0x1f4: {  	[tilespmem:s3], [sflag:$0x2] =	stream.indirect.gather @!p0 [hbm4b:s7+s1], $0x40, s2, s1, $0xb8;
	[tilespmem:$0x16AC0] =	vst v63  }
0x1f5: {  	_ =	swait.ge [sflag:s14], $0x800  }
0x1f6: {  	[sflag:s14] =	ssyncset.done $0x0  }
0x1f7: {  	[sflag:s14] =	ssyncadd.s32 $0xFFFFF800  }
0x1f8: {  	_ =	swait.ge [sflag:s14], $0x800  }
0x1f9: {  	[sflag:s14] =	ssyncset.done $0x0  }
0x1fa: {  	[sflag:s14] =	ssyncadd.s32 $0xFFFFF800  }
0x1fb: {  	_ =	swait.ge [sflag:s14], $0x2000  }
0x1fc: {  	[sflag:s14] =	ssyncset.done $0x0  }
0x1fd: {  	[sflag:s14] =	ssyncadd.s32 $0xFFFFE000  }
0x1fe: {  	_ =	swait.ge [sflag:s14], $0x2000  }
0x1ff: {  	[sflag:s14] =	ssyncset.done $0x0  }
0x200: {  	[sflag:s14] =	ssyncadd.s32 $0xFFFFE000  }
0x201: {  	_ =	swait.ge [sflag:s14], $0x2000  }
0x202: {  	[sflag:s14] =	ssyncset.done $0x0  }
0x203: {  	[sflag:s14] =	ssyncadd.s32 $0xFFFFE000  }
0x204: {  	_ =	swait.ge [sflag:s14], $0x2000  }
0x205: {  	[sflag:s14] =	ssyncset.done $0x0  }
0x206: {  	[sflag:s14] =	ssyncadd.s32 $0xFFFFE000  }
0x207: {  	_ =	swait.ge [sflag:s14], $0x2000  }
0x208: {  	[sflag:s14] =	ssyncset.done $0x0  }
0x209: {  	s1 =	simm.s32 @!p1 $0x6;
	[sflag:s14] =	ssyncadd.s32 $0xFFFFE000  }
0x20a: {  	_ =	swait.ge @!p1 [sflag:s1], $0x20  }
0x20b: {  	[sflag:s1] =	ssyncset.done @!p1 $0x0  }
0x20c: {  	s2 =	simm.s32 $0x0;
	v55 =	vld [tilespmem:$0x1FFF0];
	[sflag:s1] =	ssyncadd.s32 @!p1 $0xFFFFFFE0  }
0x20d: {  	v0 =	vmov s2;
	v23 =	vld [tilespmem:$0x1FF90];
	_ =	swait.ge @!p1 [sflag:s1], $0x280  }
0x20e: {  	v0 =	vand.u32 $0x3F, v0;
	v54 =	vld [tilespmem:$0x1FFD0]  }
0x20f: {  	v0 =	vbroadcast v0, $0x0;
	v48 =	vld [tilespmem:$0x1FE90]  }
0x210: {  	v47 =	vld [tilespmem:$0x1FEA0]  }
0x211: {  	v56 =	vmov v57;
	v7 =	vor.u32 v57, v0;
	v57 =	vld [tilespmem:$0x1FEC0]  }
0x212: {  	v49 =	vld [tilespmem:$0x1FED0]  }
0x213: {  	v50 =	vld [tilespmem:$0x1FEE0]  }
0x214: {  	v51 =	vld [tilespmem:$0x1FEF0]  }
0x215: {  	v45 =	vld [tilespmem:$0x1FF00]  }
0x216: {  	v46 =	vld [tilespmem:$0x1FF10]  }
0x217: {  	v36 =	vld [tilespmem:$0x1FF20]  }
0x218: {  	v35 =	vld [tilespmem:$0x1FF30]  }
0x219: {  	v61 =	vld [tilespmem:$0x1FF40]  }
0x21a: {  	v60 =	vld [tilespmem:$0x1FFE0]  }
0x21b: {  	v59 =	vld [tilespmem:$0x1FC60]  }
0x21c: {  	v53 =	vld [tilespmem:$0x1FF50];
	v1 =	vor.u32 v55, v0  }
0x21d: {  	v38 =	vld [tilespmem:$0x1FF60];
	v2 =	vor.u32 v23, v0  }
0x21e: {  	[sflag:s1] =	ssyncset.done @!p1 $0x0;
	v39 =	vld [tilespmem:$0x1FF70]  }
0x21f: {  	v58 =	vld [tilespmem:$0x1FF80];
	[sflag:s1] =	ssyncadd.s32 @!p1 $0xFFFFFD80;
	v3 =	vor.u32 v54, v0  }
0x220: {  	v7 =	vld.idx.msk [tilespmem:v7+s21+$0x0], $0xffff;
	v4 =	vor.u32 v48, v0  }
0x221: {  	v5 =	vor.u32 v47, v0;
	v6 =	vld.idx.msk [tilespmem:v1+s31+$0x0], $0xffff  }
0x222: {  	v8 =	vor.u32 v57, v0;
	v2 =	vld.idx.msk [tilespmem:v2+s21+$0x0], $0xffff  }
0x223: {  	v9 =	vor.u32 v49, v0;
	v1 =	vld.idx.msk [tilespmem:v1+s0+$0x0], $0xffff  }
0x224: {  	v10 =	vor.u32 v50, v0;
	v3 =	vld.idx.msk [tilespmem:v3+s21+$0x0], $0xffff  }
0x225: {  	v11 =	vor.u32 v51, v0;
	v4 =	vld.idx.msk [tilespmem:v4+s21+$0x0], $0xffff  }
0x226: {  	s3 =	simm.s32 $0x1;
	v12 =	vor.u32 v45, v0;
	v5 =	vld.idx.msk [tilespmem:v5+s21+$0x0], $0xffff  }
0x227: {  	v22 =	vmov s3;
	v13 =	vor.u32 v46, v0;
	v8 =	vld.idx.msk [tilespmem:v8+s21+$0x0], $0xffff  }
0x228: {  	v22 =	vand.u32 $0x3F, v22;
	v14 =	vor.u32 v36, v0;
	v9 =	vld.idx.msk [tilespmem:v9+s21+$0x0], $0xffff  }
0x229: {  	v29 =	vbroadcast v22, $0x0;
	v15 =	vor.u32 v35, v0;
	v10 =	vld.idx.msk [tilespmem:v10+s21+$0x0], $0xffff  }
0x22a: {  	v62 =	vimm.f32 $0.0e+00;
	v16 =	vor.u32 v61, v0;
	v11 =	vld.idx.msk [tilespmem:v11+s21+$0x0], $0xffff  }
0x22b: {  	v23 =	vor.u32 v23, v29;
	v17 =	vor.u32 v60, v0;
	v18 =	vor.u32 v59, v0;
	v12 =	vld.idx.msk [tilespmem:v12+s21+$0x0], $0xffff  }
0x22c: {  	v19 =	vor.u32 v53, v0;
	v20 =	vor.u32 v38, v0;
	v21 =	vor.u32 v39, v0;
	v13 =	vld.idx.msk [tilespmem:v13+s21+$0x0], $0xffff  }
0x22d: {  	v0 =	vor.u32 v58, v0;
	v30 =	vor.u32 v57, v29;
	v31 =	vor.u32 v49, v29;
	v14 =	vld.idx.msk [tilespmem:v14+s21+$0x0], $0xffff  }
0x22e: {  	v32 =	vor.u32 v50, v29;
	v33 =	vor.u32 v51, v29;
	v41 =	vor.u32 v45, v29;
	v15 =	vld.idx.msk [tilespmem:v15+s21+$0x0], $0xffff  }
0x22f: {  	v43 =	vor.u32 v46, v29;
	v16 =	vld.idx.msk [tilespmem:v16+s21+$0x0], $0xffff;
	v2 =	vmul.f32 v2, v6;
	v3 =	vmul.f32 v3, v6  }
0x230: {  	v45 =	vor.u32 v36, v29;
	v17 =	vld.idx.msk [tilespmem:v17+s21+$0x0], $0xffff;
	v4 =	vmul.f32 v4, v6;
	v8 =	vmul.f32 v8, v6  }
0x231: {  	v18 =	vld.idx.msk [tilespmem:v18+s21+$0x0], $0xffff;
	v24 =	vadd.f32 v3, v62;
	v3 =	vmul.f32 v5, v6;
	v5 =	vor.u32 v55, v29  }
0x232: {  	v52 =	vor.u32 v35, v29;
	v19 =	vld.idx.msk [tilespmem:v19+s21+$0x0], $0xffff;
	v1 =	vmul.f32 v1, v6;
	v7 =	vmul.f32 v7, v6  }
0x233: {  	v0 =	vld.idx.msk [tilespmem:v0+s21+$0x0], $0xffff;
	v25 =	vadd.f32 v4, v62;
	v28 =	vadd.f32 v8, v62;
	v8 =	vmul.f32 v10, v6  }
0x234: {  	v4 =	vld.idx.msk [tilespmem:v20+s21+$0x0], $0xffff;
	v10 =	vor.u32 v48, v29;
	v26 =	vadd.f32 v3, v62;
	v3 =	vmul.f32 v9, v6  }
0x235: {  	v20 =	vadd.f32 v7, v62;
	v7 =	vld.idx.msk [tilespmem:v21+s21+$0x0], $0xffff;
	v9 =	vmul.f32 v11, v6;
	v11 =	vor.u32 v47, v29  }
0x236: {  	v12 =	vmul.f32 v12, v6;
	v27 =	vadd.f32 v3, v62;
	v3 =	vor.u32 v54, v29;
	v22 =	vld.idx.msk [tilespmem:v5+s31+$0x0], $0xffff  }
0x237: {  	v2 =	vadd.f32 v2, v62;
	v13 =	vmul.f32 v13, v6;
	v14 =	vmul.f32 v14, v6;
	v5 =	vld.idx.msk [tilespmem:v5+s0+$0x0], $0xffff  }
0x238: {  	v23 =	vld.idx.msk [tilespmem:v23+s21+$0x0], $0xffff;
	v1 =	vadd.f32 v1, v62;
	v15 =	vmul.f32 v15, v6;
	v16 =	vmul.f32 v16, v6  }
0x239: {  	v17 =	vmul.f32 v17, v6;
	v42 =	vmul.f32 v18, v6;
	v21 =	vor.u32 v56, v29;
	v10 =	vld.idx.msk [tilespmem:v10+s21+$0x0], $0xffff  }
0x23a: {  	v19 =	vmul.f32 v19, v6;
	v35 =	vadd.f32 v12, v62;
	v44 =	vmul.f32 v4, v6;
	v4 =	vld.idx.msk [tilespmem:v11+s21+$0x0], $0xffff  }
0x23b: {  	v36 =	vadd.f32 v13, v62;
	v34 =	vadd.f32 v42, v62;
	v11 =	vmul.f32 v7, v6;
	v63 =	vld.idx.msk [tilespmem:v3+s21+$0x0], $0xffff  }
0x23c: {  	v13 =	vld.idx.msk [tilespmem:v32+s21+$0x0], $0xffff;
	v32 =	vadd.f32 v19, v62;
	v7 =	vmul.f32 v0, v6;
	v0 =	vmul.f32 v5, v22  }
0x23d: {  	v37 =	vadd.f32 v9, v62;
	v6 =	vor.u32 v60, v29;
	v18 =	vmul.f32 v23, v22  }
0x23e: {  	v5 =	vmul.f32 v10, v22;
	v23 =	vadd.f32 v0, v1;
	v0 =	vadd.f32 v8, v62;
	v8 =	vld.idx.msk [tilespmem:v21+s21+$0x0], $0xffff  }
0x23f: {  	v12 =	vld.idx.msk [tilespmem:v30+s21+$0x0], $0xffff;
	v3 =	vor.u32 v61, v29;
	v30 =	vadd.f32 v11, v62;
	v40 =	vadd.f32 v18, v2  }
0x240: {  	v1 =	vor.u32 v59, v29;
	v25 =	vadd.f32 v5, v25;
	v2 =	vmul.f32 v63, v22  }
0x241: {  	v21 =	vld.idx.msk [tilespmem:v31+s21+$0x0], $0xffff;
	v5 =	vor.u32 v38, v29;
	v38 =	vadd.f32 v14, v62;
	v18 =	vadd.f32 v16, v62  }
0x242: {  	v9 =	vld.idx.msk [tilespmem:v41+s21+$0x0], $0xffff;
	v31 =	vadd.f32 v44, v62;
	v24 =	vadd.f32 v2, v24;
	v2 =	vmul.f32 v4, v22  }
0x243: {  	v63 =	vld.idx.msk [tilespmem:v33+s21+$0x0], $0xffff;
	v33 =	vadd.f32 v17, v62;
	v4 =	vor.u32 v53, v29;
	v14 =	vmul.f32 v8, v22  }
0x244: {  	s18 =	simm.s32 $0x2;
	v11 =	vld.idx.msk [tilespmem:v45+s21+$0x0], $0xffff;
	v8 =	vor.u32 v58, v29;
	v26 =	vadd.f32 v2, v26;
	v2 =	vor.u32 v39, v29  }
0x245: {  	v10 =	vld.idx.msk [tilespmem:v43+s21+$0x0], $0xffff;
	v39 =	vadd.f32 v15, v62;
	v15 =	vmov s18;
	v29 =	vadd.f32 v14, v20  }
0x246: {  	s1 =	simm.s32 $0x3;
	v14 =	vmul.f32 v12, v22;
	v16 =	vand.u32 $0x3F, v15;
	v15 =	vmul.f32 v21, v22;
	v12 =	vld.idx.msk [tilespmem:v52+s21+$0x0], $0xffff  }
.LBB2_7:
0x247: {  	v21 =	vld.idx.msk [tilespmem:v1+s21+$0x0], $0xffff  }
0x248: {  	v1 =	vld [tilespmem:$0x1FF90];
	_ =	sdelay $0x2  }
0x249: {  	v16 =	vbroadcast v16, $0x0;
	_ =	sdelay $0x1  }
0x24a: {  	v43 =	vor.u32 v1, v16;
	v1 =	vld [tilespmem:$0x1FF00];
	_ =	sdelay $0x3  }
0x24b: {  	v17 =	vld.idx.msk [tilespmem:v6+s21+$0x0], $0xffff  }
0x24c: {  	v41 =	vor.u32 v47, v16;
	v47 =	vor.u32 v50, v16;
	v50 =	vor.u32 v1, v16;
	v1 =	vld [tilespmem:$0x1FF10]  }
0x24d: {  	v44 =	vld.idx.msk [tilespmem:v4+s21+$0x0], $0xffff  }
0x24e: {  	v52 =	vld.idx.msk [tilespmem:v2+s21+$0x0], $0xffff  }
0x24f: {  	v2 =	vld [tilespmem:$0x1FF50]  }
0x250: {  	v28 =	vadd.f32 v14, v28;
	v14 =	vld.idx.msk [tilespmem:v3+s21+$0x0], $0xffff  }
0x251: {  	v46 =	vor.u32 v49, v16;
	v49 =	vor.u32 v51, v16;
	v51 =	vor.u32 v1, v16;
	v1 =	vld [tilespmem:$0x1FF20]  }
0x252: {  	v62 =	vadd.f32 v7, v62;
	v7 =	vor.u32 v55, v16;
	v20 =	vor.u32 v48, v16;
	v48 =	vld.idx.msk [tilespmem:v5+s21+$0x0], $0xffff  }
0x253: {  	v27 =	vadd.f32 v15, v27;
	v45 =	vor.u32 v57, v16;
	v15 =	vmul.f32 v63, v22;
	v63 =	vld.idx.msk [tilespmem:v8+s21+$0x0], $0xffff  }
0x254: {  	v8 =	vld [tilespmem:$0x1FF80]  }
0x255: {  	v4 =	vor.u32 v2, v16;
	v2 =	vld [tilespmem:$0x1FF60]  }
0x256: {  	v53 =	vor.u32 v1, v16;
	v1 =	vld [tilespmem:$0x1FF30]  }
0x257: {  	v59 =	vmov v55;
	v55 =	vld.idx.msk [tilespmem:v7+s31+$0x0], $0xffff  }
0x258: {  	v42 =	vor.u32 v56, v16;
	v45 =	vld.idx.msk [tilespmem:v45+s21+$0x0], $0xffff  }
0x259: {  	v37 =	vadd.f32 v15, v37;
	v15 =	vld.idx.msk [tilespmem:v20+s21+$0x0], $0xffff  }
0x25a: {  	v13 =	vmul.f32 v13, v22;
	v5 =	vor.u32 v2, v16;
	v2 =	vld [tilespmem:$0x1FF70]  }
0x25b: {  	v58 =	vmovc v54;
	v19 =	vor.u32 v54, v16;
	v11 =	vmul.f32 v11, v22;
	v54 =	vor.u32 v1, v16;
	v1 =	vld [tilespmem:$0x1FC60]  }
0x25c: {  	v0 =	vadd.f32 v13, v0;
	v13 =	vmul.f32 v14, v22;
	v14 =	vmul.f32 v17, v22;
	v17 =	vld.idx.msk [tilespmem:v41+s21+$0x0], $0xffff  }
0x25d: {  	v20 =	vld.idx.msk [tilespmem:v42+s21+$0x0], $0xffff  }
0x25e: {  	v38 =	vadd.f32 v11, v38;
	v11 =	vmul.f32 v48, v22;
	v48 =	vld [tilespmem:$0x1FE90]  }
0x25f: {  	v3 =	vor.u32 v61, v16;
	v6 =	vor.u32 v60, v16;
	v42 =	vld.idx.msk [tilespmem:v46+s21+$0x0], $0xffff  }
0x260: {  	v8 =	vor.u32 v8, v16;
	v2 =	vor.u32 v2, v16;
	v1 =	vor.u32 v1, v16;
	v16 =	vld.idx.msk [tilespmem:v43+s21+$0x0], $0xffff  }
0x261: {  	v12 =	vmul.f32 v12, v22;
	v33 =	vadd.f32 v14, v33;
	v14 =	vmul.f32 v17, v55;
	v43 =	vld.idx.msk [tilespmem:v7+s0+$0x0], $0xffff  }
0x262: {  	v7 =	vmul.f32 v9, v22;
	v9 =	vmul.f32 v10, v22;
	v10 =	vld.idx.msk [tilespmem:v19+s21+$0x0], $0xffff  }
0x263: {  	v39 =	vadd.f32 v12, v39;
	v18 =	vadd.f32 v13, v18;
	v13 =	vld.idx.msk [tilespmem:v47+s21+$0x0], $0xffff  }
0x264: {  	v47 =	vld [tilespmem:$0x1FEA0];
	v31 =	vadd.f32 v11, v31;
	v26 =	vadd.f32 v14, v26;
	v14 =	vmul.f32 v45, v55  }
0x265: {  	v11 =	vld.idx.msk [tilespmem:v53+s21+$0x0], $0xffff;
	v19 =	vmul.f32 v44, v22;
	v36 =	vadd.f32 v9, v36;
	v9 =	vmul.f32 v21, v22  }
0x266: {  	v35 =	vadd.f32 v7, v35;
	v7 =	vmul.f32 v63, v22;
	v63 =	vld.idx.msk [tilespmem:v49+s21+$0x0], $0xffff;
	v12 =	vmul.f32 v43, v55  }
0x267: {  	p1 =	sne.s32 s1, $0x3F;
	v21 =	vmul.f32 v52, v22;
	v49 =	vld [tilespmem:$0x1FED0];
	v10 =	vmul.f32 v10, v55  }
.Ltmp4:
0x268: {  	v34 =	vadd.f32 v9, v34;
	v9 =	vld.idx.msk [tilespmem:v50+s21+$0x0], $0xffff;
	v23 =	vadd.f32 v12, v23;
	v12 =	vmul.f32 v15, v55;
	(pc) =	sbr.rel @p1 .LBB2_7-.Ltmp4, $4  }
0x269: {  	v32 =	vadd.f32 v19, v32;
	v50 =	vld [tilespmem:$0x1FEE0];
	v16 =	vmul.f32 v16, v55;
	v24 =	vadd.f32 v10, v24  }
0x26a: {  	v10 =	vld.idx.msk [tilespmem:v51+s21+$0x0], $0xffff;
	v15 =	vmov s1;
	v25 =	vadd.f32 v12, v25;
	v12 =	vmul.f32 v20, v55  }
0x26b: {  	v22 =	vmovc v55;
	v30 =	vadd.f32 v21, v30;
	v40 =	vadd.f32 v16, v40;
	v51 =	vld [tilespmem:$0x1FEF0];
	v16 =	vand.u32 $0x3F, v15  }
0x26c: {  	s1 =	sadd.s32 $0x1, s1;
	v15 =	vmul.f32 v42, v22;
	v55 =	vmovc v59;
	v29 =	vadd.f32 v12, v29;
	v12 =	vld.idx.msk [tilespmem:v54+s21+$0x0], $0xffff;
	v54 =	vmov v58  }
0x26d: {  	_ =	sdelay $0x3  }
0x26e: {  	v3 =	vld.idx.msk [tilespmem:v3+s21+$0x0], $0xffff  }
0x26f: {  	v6 =	vld.idx.msk [tilespmem:v6+s21+$0x0], $0xffff  }
0x270: {  	v1 =	vld.idx.msk [tilespmem:v1+s21+$0x0], $0xffff  }
0x271: {  	v19 =	vld [tilespmem:$0x1FF90]  }
0x272: {  	v4 =	vld.idx.msk [tilespmem:v4+s21+$0x0], $0xffff  }
0x273: {  	v5 =	vld.idx.msk [tilespmem:v5+s21+$0x0], $0xffff  }
0x274: {  	v2 =	vld.idx.msk [tilespmem:v2+s21+$0x0], $0xffff  }
0x275: {  	v16 =	vbroadcast v16, $0x0;
	v8 =	vld.idx.msk [tilespmem:v8+s21+$0x0], $0xffff  }
0x276: {  	v14 =	vadd.f32 v14, v28;
	v28 =	vld [tilespmem:$0x1FF10]  }
0x277: {  	v7 =	vadd.f32 v7, v62;
	v62 =	vld [tilespmem:$0x1FF70];
	v17 =	vor.u32 v55, v16  }
0x278: {  	v15 =	vadd.f32 v15, v27;
	v27 =	vmul.f32 v63, v22;
	v63 =	vld [tilespmem:$0x1FF30]  }
0x279: {  	v20 =	vor.u32 v54, v16;
	v43 =	vor.u32 v56, v16;
	v56 =	vld [tilespmem:$0x1FF00]  }
0x27a: {  	v21 =	vor.u32 v48, v16;
	v44 =	vor.u32 v57, v16;
	v57 =	vld [tilespmem:$0x1FF20]  }
0x27b: {  	v41 =	vor.u32 v47, v16;
	v54 =	vor.u32 v60, v16;
	v60 =	vld [tilespmem:$0x1FF60]  }
0x27c: {  	v42 =	vld.idx.msk [tilespmem:v17+s31+$0x0], $0xffff  }
0x27d: {  	v17 =	vld.idx.msk [tilespmem:v17+s0+$0x0], $0xffff  }
0x27e: {  	v45 =	vor.u32 v49, v16;
	v20 =	vld.idx.msk [tilespmem:v20+s21+$0x0], $0xffff  }
0x27f: {  	v46 =	vor.u32 v50, v16;
	v21 =	vld.idx.msk [tilespmem:v21+s21+$0x0], $0xffff  }
0x280: {  	v41 =	vld.idx.msk [tilespmem:v41+s21+$0x0], $0xffff  }
0x281: {  	v52 =	vor.u32 v61, v16;
	v43 =	vld.idx.msk [tilespmem:v43+s21+$0x0], $0xffff  }
0x282: {  	v13 =	vmul.f32 v13, v22;
	v44 =	vld.idx.msk [tilespmem:v44+s21+$0x0], $0xffff  }
0x283: {  	v55 =	vor.u32 v51, v16;
	v45 =	vld.idx.msk [tilespmem:v45+s21+$0x0], $0xffff  }
0x284: {  	v0 =	vadd.f32 v13, v0;
	v13 =	vld.idx.msk [tilespmem:v46+s21+$0x0], $0xffff  }
0x285: {  	v19 =	vor.u32 v19, v16;
	v3 =	vmul.f32 v3, v22;
	v48 =	vor.u32 v56, v16;
	v56 =	vld [tilespmem:$0x1FF50]  }
0x286: {  	v28 =	vor.u32 v28, v16;
	v46 =	vld.idx.msk [tilespmem:v52+s21+$0x0], $0xffff  }
0x287: {  	v50 =	vor.u32 v63, v16;
	v3 =	vadd.f32 v3, v18;
	v18 =	vld [tilespmem:$0x1FF80]  }
0x288: {  	v9 =	vmul.f32 v9, v22;
	v11 =	vmul.f32 v11, v22;
	v49 =	vor.u32 v57, v16;
	v53 =	vld.idx.msk [tilespmem:v55+s21+$0x0], $0xffff  }
0x289: {  	v10 =	vmul.f32 v10, v22;
	v12 =	vmul.f32 v12, v22;
	v55 =	vld [tilespmem:$0x1FC60]  }
0x28a: {  	v6 =	vmul.f32 v6, v22;
	v19 =	vld.idx.msk [tilespmem:v19+s21+$0x0], $0xffff;
	v20 =	vmul.f32 v20, v42  }
0x28b: {  	v10 =	vadd.f32 v10, v36;
	v1 =	vmul.f32 v1, v22;
	v4 =	vmul.f32 v4, v22;
	v28 =	vld.idx.msk [tilespmem:v28+s21+$0x0], $0xffff  }
0x28c: {  	v61 =	vld.idx.msk [tilespmem:v50+s21+$0x0], $0xffff;
	v50 =	vor.u32 v62, v16;
	v20 =	vadd.f32 v20, v24;
	v24 =	vmul.f32 v41, v42  }
0x28d: {  	v5 =	vmul.f32 v5, v22;
	v2 =	vmul.f32 v2, v22;
	v36 =	vor.u32 v56, v16;
	v57 =	vld.idx.msk [tilespmem:v49+s21+$0x0], $0xffff  }
0x28e: {  	v8 =	vmul.f32 v8, v22;
	v49 =	vor.u32 v60, v16;
	v22 =	vadd.f32 v24, v26;
	v26 =	vld [tilespmem:$0x1FD90]  }
0x28f: {  	v9 =	vadd.f32 v9, v35;
	v48 =	vld.idx.msk [tilespmem:v48+s21+$0x0], $0xffff;
	v35 =	vor.u32 v55, v16  }
0x290: {  	v17 =	vmul.f32 v17, v42;
	v16 =	vor.u32 v18, v16;
	v18 =	vld.idx.msk [tilespmem:v54+s21+$0x0], $0xffff  }
0x291: {  	v5 =	vadd.f32 v5, v31;
	v31 =	vld.idx.msk [tilespmem:v50+s21+$0x0], $0xffff  }
0x292: {  	v17 =	vadd.f32 v17, v23;
	v23 =	vld.idx.msk [tilespmem:v36+s21+$0x0], $0xffff  }
0x293: {  	v36 =	vld.idx.msk [tilespmem:v49+s21+$0x0], $0xffff  }
0x294: {  	v63 =	vld.idx.msk [tilespmem:v35+s21+$0x0], $0xffff  }
0x295: {  	v16 =	vld.idx.msk [tilespmem:v16+s21+$0x0], $0xffff;
	[tilespmem:$0x16820] =	vst v17  }
0x296: {  	[tilespmem:v26+s15+$0x0] =	vst.idx.msk $0xffff, v20;
	v20 =	vld [tilespmem:$0x1FC70];
	_ =	sdelay $0x3  }
0x297: {  	v21 =	vmul.f32 v21, v42;
	_ =	sdelay $0x1  }
0x298: {  	v21 =	vadd.f32 v21, v25;
	_ =	sdelay $0x1  }
0x299: {  	[tilespmem:v20+s15+$0x0] =	vst.idx.msk $0xffff, v21;
	v20 =	vld [tilespmem:$0x1FC80]  }
0x29a: {  	v7 =	vadd.f32 v8, v7;
	v8 =	vld [tilespmem:$0x1FC90];
	_ =	sdelay $0x3  }
0x29b: {  	v17 =	vmul.f32 v43, v42;
	_ =	sdelay $0x1  }
0x29c: {  	v13 =	vmul.f32 v13, v42;
	v17 =	vadd.f32 v17, v29  }
0x29d: {  	[tilespmem:v20+s15+$0x0] =	vst.idx.msk $0xffff, v22  }
0x29e: {  	v0 =	vadd.f32 v13, v0;
	v13 =	vld [tilespmem:$0x1FCA0];
	[tilespmem:v8+s15+$0x0] =	vst.idx.msk $0xffff, v17;
	v8 =	vmul.f32 v48, v42  }
0x29f: {  	v17 =	vld [tilespmem:$0x1FCB0]  }
0x2a0: {  	v8 =	vadd.f32 v8, v9;
	v9 =	vld [tilespmem:$0x1FCC0];
	_ =	sdelay $0x1  }
0x2a1: {  	v24 =	vmul.f32 v44, v42  }
0x2a2: {  	v25 =	vmul.f32 v45, v42  }
0x2a3: {  	v14 =	vadd.f32 v24, v14  }
0x2a4: {  	v15 =	vadd.f32 v25, v15  }
0x2a5: {  	[tilespmem:v13+s15+$0x0] =	vst.idx.msk $0xffff, v14;
	v13 =	vmul.f32 v28, v42  }
0x2a6: {  	v12 =	vadd.f32 v12, v39;
	[tilespmem:v17+s15+$0x0] =	vst.idx.msk $0xffff, v15  }
0x2a7: {  	[tilespmem:v9+s15+$0x0] =	vst.idx.msk $0xffff, v0;
	v0 =	vmul.f32 v61, v42;
	v9 =	vadd.f32 v13, v10;
	v10 =	vld [tilespmem:$0x1FCD0]  }
0x2a8: {  	v13 =	vld [tilespmem:$0x1FCE0]  }
0x2a9: {  	v0 =	vadd.f32 v0, v12;
	v12 =	vld [tilespmem:$0x1FCF0];
	_ =	sdelay $0x1  }
0x2aa: {  	v27 =	vadd.f32 v27, v37;
	v20 =	vmul.f32 v53, v42;
	_ =	sdelay $0x1  }
0x2ab: {  	v14 =	vadd.f32 v20, v27;
	_ =	sdelay $0x1  }
0x2ac: {  	v6 =	vadd.f32 v6, v33;
	[tilespmem:v10+s15+$0x0] =	vst.idx.msk $0xffff, v14;
	v10 =	vmul.f32 v46, v42  }
0x2ad: {  	v1 =	vadd.f32 v1, v34;
	[tilespmem:v13+s15+$0x0] =	vst.idx.msk $0xffff, v8;
	v8 =	vmul.f32 v18, v42  }
0x2ae: {  	[tilespmem:v12+s15+$0x0] =	vst.idx.msk $0xffff, v9;
	v9 =	vmul.f32 v63, v42;
	v3 =	vadd.f32 v10, v3;
	v10 =	vld [tilespmem:$0x1FD00]  }
0x2af: {  	v6 =	vadd.f32 v8, v6;
	v8 =	vld [tilespmem:$0x1FD10]  }
0x2b0: {  	v1 =	vadd.f32 v9, v1;
	v9 =	vld [tilespmem:$0x1FD20];
	_ =	sdelay $0x1  }
0x2b1: {  	v11 =	vadd.f32 v11, v38;
	v15 =	vmul.f32 v57, v42;
	_ =	sdelay $0x1  }
0x2b2: {  	v11 =	vadd.f32 v15, v11;
	_ =	sdelay $0x1  }
0x2b3: {  	[tilespmem:v10+s15+$0x0] =	vst.idx.msk $0xffff, v11  }
0x2b4: {  	[tilespmem:v8+s15+$0x0] =	vst.idx.msk $0xffff, v0;
	v8 =	vmul.f32 v36, v42  }
0x2b5: {  	[tilespmem:v9+s15+$0x0] =	vst.idx.msk $0xffff, v3;
	v9 =	vld [tilespmem:$0x1FD30]  }
0x2b6: {  	v5 =	vadd.f32 v8, v5;
	v8 =	vld [tilespmem:$0x1FD40];
	_ =	sdelay $0x5  }
0x2b7: {  	v2 =	vadd.f32 v2, v30;
	v3 =	vmul.f32 v31, v42  }
0x2b8: {  	[tilespmem:v9+s15+$0x0] =	vst.idx.msk $0xffff, v6  }
0x2b9: {  	[tilespmem:v8+s15+$0x0] =	vst.idx.msk $0xffff, v1;
	v1 =	vadd.f32 v3, v2;
	v2 =	vld [tilespmem:$0x1FD50];
	_ =	sdelay $0x3  }
0x2ba: {  	v4 =	vadd.f32 v4, v32;
	v10 =	vmul.f32 v23, v42;
	_ =	sdelay $0x1  }
0x2bb: {  	v4 =	vadd.f32 v10, v4  }
0x2bc: {  	v6 =	vmul.f32 v16, v42  }
0x2bd: {  	[tilespmem:v2+s15+$0x0] =	vst.idx.msk $0xffff, v4;
	v4 =	vld [tilespmem:$0x1FD60]  }
0x2be: {  	v3 =	vadd.f32 v6, v7;
	v6 =	vld [tilespmem:$0x1FD70];
	_ =	sdelay $0x1  }
0x2bf: {  	v47 =	vld [tilespmem:$0x1FE40]  }
0x2c0: {  	v38 =	vld [tilespmem:$0x1FE60]  }
0x2c1: {  	v51 =	vld [tilespmem:$0x1FDE0]  }
0x2c2: {  	v37 =	vld [tilespmem:$0x1FE50]  }
0x2c3: {  	v39 =	vld [tilespmem:$0x1FE70]  }
0x2c4: {  	v52 =	vld [tilespmem:$0x1FDF0];
	[tilespmem:v4+s15+$0x0] =	vst.idx.msk $0xffff, v5  }
0x2c5: {  	[tilespmem:v6+s15+$0x0] =	vst.idx.msk $0xffff, v1;
	v1 =	vld [tilespmem:$0x1FD80]  }
0x2c6: {  	v30 =	vld [tilespmem:$0x1FE10]  }
0x2c7: {  	v32 =	vld [tilespmem:$0x1FFA0]  }
0x2c8: {  	v34 =	vld [tilespmem:$0x1FFC0]  }
0x2c9: {  	v55 =	vld [tilespmem:$0x1FAE0]  }
0x2ca: {  	v49 =	vld [tilespmem:$0x1FE80]  }
0x2cb: {  	v26 =	vld [tilespmem:$0x1FC40]  }
0x2cc: {  	s1 =	simm.s32 $0x0;
	v23 =	vld [tilespmem:$0x1FDB0]  }
0x2cd: {  	v0 =	vmov s1;
	[tilespmem:v1+s15+$0x0] =	vst.idx.msk $0xffff, v3;
	v3 =	vld [tilespmem:$0x1FDA0]  }
0x2ce: {  	v29 =	vld [tilespmem:$0x1FDD0];
	v0 =	vand.u32 $0x3F, v0  }
0x2cf: {  	v28 =	vld [tilespmem:$0x1FDC0];
	v0 =	vbroadcast v0, $0x0  }
0x2d0: {  	v53 =	vld [tilespmem:$0x1FE00]  }
0x2d1: {  	v19 =	vmul.f32 v19, v42;
	v57 =	vld [tilespmem:$0x1FFB0];
	v2 =	vor.u32 v23, v0  }
0x2d2: {  	v61 =	vld [tilespmem:$0x1FAD0];
	v4 =	vor.u32 v26, v0  }
0x2d3: {  	v31 =	vld [tilespmem:$0x1FE20];
	v5 =	vadd.f32 v19, v40  }
0x2d4: {  	v46 =	vld [tilespmem:$0x1FE30];
	v1 =	vor.u32 v28, v0  }
0x2d5: {  	v42 =	vld [tilespmem:$0x1FAF0];
	v7 =	vor.u32 v52, v0;
	[tilespmem:v3+s15+$0x0] =	vst.idx.msk $0xffff, v5  }
0x2d6: {  	v8 =	vor.u32 v53, v0;
	v6 =	vld.idx.msk [tilespmem:v2+s31+$0x0], $0xffff  }
0x2d7: {  	v9 =	vor.u32 v30, v0;
	v4 =	vld.idx.msk [tilespmem:v4+s21+$0x0], $0xffff  }
0x2d8: {  	v10 =	vor.u32 v31, v0;
	v2 =	vld.idx.msk [tilespmem:v2+s0+$0x0], $0xffff  }
0x2d9: {  	v12 =	vor.u32 v47, v0;
	v1 =	vld.idx.msk [tilespmem:v1+s21+$0x0], $0xffff  }
0x2da: {  	v13 =	vor.u32 v37, v0;
	v7 =	vld.idx.msk [tilespmem:v7+s21+$0x0], $0xffff  }
0x2db: {  	s3 =	simm.s32 $0x1;
	v14 =	vor.u32 v38, v0;
	v8 =	vld.idx.msk [tilespmem:v8+s21+$0x0], $0xffff  }
0x2dc: {  	v22 =	vmov s3;
	v15 =	vor.u32 v39, v0;
	v9 =	vld.idx.msk [tilespmem:v9+s21+$0x0], $0xffff  }
0x2dd: {  	v22 =	vand.u32 $0x3F, v22;
	v16 =	vor.u32 v49, v0;
	v10 =	vld.idx.msk [tilespmem:v10+s21+$0x0], $0xffff  }
0x2de: {  	v24 =	vbroadcast v22, $0x0;
	v5 =	vor.u32 v51, v0;
	v12 =	vld.idx.msk [tilespmem:v12+s21+$0x0], $0xffff  }
0x2df: {  	v17 =	vor.u32 v32, v0;
	v13 =	vld.idx.msk [tilespmem:v13+s21+$0x0], $0xffff  }
0x2e0: {  	v43 =	vor.u32 v47, v24;
	v11 =	vor.u32 v46, v0;
	v14 =	vld.idx.msk [tilespmem:v14+s21+$0x0], $0xffff  }
0x2e1: {  	v45 =	vor.u32 v37, v24;
	v48 =	vor.u32 v39, v24;
	v18 =	vor.u32 v57, v0;
	v15 =	vld.idx.msk [tilespmem:v15+s21+$0x0], $0xffff  }
0x2e2: {  	v60 =	vor.u32 v46, v24;
	v20 =	vor.u32 v61, v0;
	v19 =	vor.u32 v34, v0;
	v16 =	vld.idx.msk [tilespmem:v16+s21+$0x0], $0xffff  }
0x2e3: {  	v21 =	vor.u32 v55, v0;
	v25 =	vor.u32 v23, v24;
	v47 =	vor.u32 v38, v24;
	v5 =	vld.idx.msk [tilespmem:v5+s21+$0x0], $0xffff  }
0x2e4: {  	v41 =	vor.u32 v31, v24;
	v17 =	vld.idx.msk [tilespmem:v17+s21+$0x0], $0xffff;
	v4 =	vmul.f32 v4, v6;
	v2 =	vmul.f32 v2, v6  }
0x2e5: {  	v3 =	vor.u32 v29, v0;
	v11 =	vld.idx.msk [tilespmem:v11+s21+$0x0], $0xffff;
	v1 =	vmul.f32 v1, v6;
	v7 =	vmul.f32 v7, v6  }
0x2e6: {  	v0 =	vor.u32 v42, v0;
	v18 =	vld.idx.msk [tilespmem:v18+s21+$0x0], $0xffff;
	v8 =	vmul.f32 v8, v6;
	v12 =	vmul.f32 v12, v6  }
0x2e7: {  	v30 =	vor.u32 v30, v24;
	v19 =	vld.idx.msk [tilespmem:v19+s21+$0x0], $0xffff;
	v13 =	vmul.f32 v13, v6;
	v14 =	vmul.f32 v14, v6  }
0x2e8: {  	v40 =	vimm.f32 $0.0e+00;
	v63 =	vld.idx.msk [tilespmem:v25+s31+$0x0], $0xffff;
	v15 =	vmul.f32 v15, v6;
	v5 =	vmul.f32 v5, v6  }
0x2e9: {  	v26 =	vor.u32 v26, v24;
	v25 =	vld.idx.msk [tilespmem:v25+s0+$0x0], $0xffff;
	v16 =	vmul.f32 v16, v6;
	v17 =	vmul.f32 v17, v6  }
0x2ea: {  	v3 =	vld.idx.msk [tilespmem:v3+s21+$0x0], $0xffff;
	v22 =	vadd.f32 v8, v40;
	v27 =	vadd.f32 v5, v40;
	v5 =	vmul.f32 v9, v6  }
0x2eb: {  	v0 =	vld.idx.msk [tilespmem:v0+s21+$0x0], $0xffff;
	v8 =	vmul.f32 v10, v6;
	v10 =	vmul.f32 v11, v6;
	v11 =	vor.u32 v29, v24  }
0x2ec: {  	v54 =	vld.idx.msk [tilespmem:v30+s21+$0x0], $0xffff;
	v44 =	vmul.f32 v18, v6;
	v23 =	vadd.f32 v5, v40;
	v5 =	vor.u32 v28, v24  }
0x2ed: {  	v19 =	vmul.f32 v19, v6;
	v4 =	vadd.f32 v4, v40;
	v2 =	vadd.f32 v2, v40;
	v9 =	vld.idx.msk [tilespmem:v20+s21+$0x0], $0xffff  }
0x2ee: {  	v1 =	vadd.f32 v1, v40;
	v20 =	vadd.f32 v7, v40;
	v7 =	vld.idx.msk [tilespmem:v21+s21+$0x0], $0xffff;
	v21 =	vor.u32 v51, v24  }
0x2ef: {  	v26 =	vld.idx.msk [tilespmem:v26+s21+$0x0], $0xffff;
	v29 =	vor.u32 v53, v24;
	v33 =	vadd.f32 v13, v40;
	v3 =	vmul.f32 v3, v6  }
0x2f0: {  	v36 =	vmul.f32 v0, v6;
	v0 =	vmul.f32 v25, v63;
	v18 =	vld.idx.msk [tilespmem:v11+s21+$0x0], $0xffff;
	v28 =	vor.u32 v52, v24  }
0x2f1: {  	v30 =	vadd.f32 v15, v40;
	v15 =	vmul.f32 v54, v63;
	v35 =	vadd.f32 v8, v40;
	v31 =	vld.idx.msk [tilespmem:v5+s21+$0x0], $0xffff  }
0x2f2: {  	v3 =	vadd.f32 v3, v40;
	v37 =	vadd.f32 v0, v2;
	v11 =	vor.u32 v32, v24  }
0x2f3: {  	v32 =	vadd.f32 v12, v40;
	v12 =	vor.u32 v42, v24;
	v46 =	vmul.f32 v9, v6;
	v9 =	vld.idx.msk [tilespmem:v21+s21+$0x0], $0xffff  }
0x2f4: {  	v21 =	vmul.f32 v7, v6;
	v7 =	vor.u32 v49, v24;
	v49 =	vld.idx.msk [tilespmem:v29+s21+$0x0], $0xffff;
	v5 =	vmul.f32 v26, v63  }
0x2f5: {  	v6 =	vor.u32 v55, v24;
	v29 =	vadd.f32 v16, v40;
	v2 =	vld.idx.msk [tilespmem:v28+s21+$0x0], $0xffff;
	v28 =	vadd.f32 v17, v40  }
0x2f6: {  	v56 =	vmovc v34;
	v62 =	vadd.f32 v5, v4;
	v4 =	vmul.f32 v18, v63;
	v0 =	vmul.f32 v31, v63  }
0x2f7: {  	v13 =	vld.idx.msk [tilespmem:v41+s21+$0x0], $0xffff;
	v26 =	vadd.f32 v19, v40;
	v25 =	vadd.f32 v21, v40;
	v5 =	vor.u32 v57, v24  }
0x2f8: {  	s18 =	simm.s32 $0x2;
	v8 =	vld.idx.msk [tilespmem:v60+s21+$0x0], $0xffff;
	v39 =	vadd.f32 v4, v3;
	v38 =	vadd.f32 v0, v1;
	v0 =	vmul.f32 v9, v63  }
0x2f9: {  	v60 =	vmovc v42;
	v57 =	vmovc v61;
	v3 =	vmov s18;
	v4 =	vld.idx.msk [tilespmem:v47+s21+$0x0], $0xffff;
	v31 =	vadd.f32 v10, v40;
	v10 =	vor.u32 v61, v24  }
0x2fa: {  	v61 =	vmovc v55;
	v16 =	vand.u32 $0x3F, v3;
	v3 =	vld.idx.msk [tilespmem:v48+s21+$0x0], $0xffff;
	v18 =	vadd.f32 v0, v27;
	v0 =	vmul.f32 v2, v63  }
0x2fb: {  	v9 =	vor.u32 v34, v24;
	v34 =	vadd.f32 v14, v40;
	v1 =	vld.idx.msk [tilespmem:v43+s21+$0x0], $0xffff;
	v24 =	vadd.f32 v46, v40  }
0x2fc: {  	s1 =	simm.s32 $0x3;
	v14 =	vmul.f32 v49, v63;
	v27 =	vadd.f32 v44, v40;
	v2 =	vld.idx.msk [tilespmem:v45+s21+$0x0], $0xffff;
	v0 =	vadd.f32 v0, v20  }
.LBB2_9:
0x2fd: {  	v21 =	vld.idx.msk [tilespmem:v5+s21+$0x0], $0xffff  }
0x2fe: {  	v5 =	vld [tilespmem:$0x1FC40];
	_ =	sdelay $0x2  }
0x2ff: {  	v16 =	vbroadcast v16, $0x0;
	_ =	sdelay $0x1  }
0x300: {  	v42 =	vor.u32 v5, v16;
	v5 =	vld [tilespmem:$0x1FE10];
	_ =	sdelay $0x4  }
0x301: {  	v45 =	vor.u32 v5, v16;
	v5 =	vld [tilespmem:$0x1FE20];
	_ =	sdelay $0x4  }
0x302: {  	v46 =	vor.u32 v5, v16;
	v5 =	vld [tilespmem:$0x1FE30];
	_ =	sdelay $0x4  }
0x303: {  	v48 =	vor.u32 v5, v16;
	v5 =	vld [tilespmem:$0x1FE40];
	_ =	sdelay $0x4  }
0x304: {  	v49 =	vor.u32 v5, v16;
	v5 =	vld [tilespmem:$0x1FE50];
	_ =	sdelay $0x2  }
0x305: {  	v22 =	vadd.f32 v14, v22;
	v14 =	vld.idx.msk [tilespmem:v7+s21+$0x0], $0xffff  }
0x306: {  	v7 =	vld [tilespmem:$0x1FDB0]  }
0x307: {  	v50 =	vor.u32 v5, v16;
	v5 =	vld [tilespmem:$0x1FE60];
	_ =	sdelay $0x3  }
0x308: {  	v17 =	vor.u32 v7, v16;
	v7 =	vld [tilespmem:$0x1FDC0]  }
0x309: {  	v41 =	vor.u32 v52, v16;
	v52 =	vor.u32 v5, v16;
	v5 =	vld [tilespmem:$0x1FE70];
	_ =	sdelay $0x1  }
0x30a: {  	v43 =	vld.idx.msk [tilespmem:v9+s21+$0x0], $0xffff  }
0x30b: {  	v23 =	vadd.f32 v15, v23;
	v15 =	vld.idx.msk [tilespmem:v11+s21+$0x0], $0xffff  }
0x30c: {  	v40 =	vadd.f32 v36, v40;
	v36 =	vor.u32 v51, v16;
	v19 =	vor.u32 v7, v16;
	v7 =	vld [tilespmem:$0x1FDD0]  }
0x30d: {  	v44 =	vor.u32 v53, v16;
	v53 =	vor.u32 v5, v16;
	v5 =	vld [tilespmem:$0x1FE80]  }
0x30e: {  	v51 =	vld.idx.msk [tilespmem:v6+s21+$0x0], $0xffff  }
0x30f: {  	v47 =	vld.idx.msk [tilespmem:v10+s21+$0x0], $0xffff;
	v1 =	vmul.f32 v1, v63  }
0x310: {  	v54 =	vld.idx.msk [tilespmem:v12+s21+$0x0], $0xffff;
	v2 =	vmul.f32 v2, v63  }
0x311: {  	v32 =	vadd.f32 v1, v32;
	v1 =	vmul.f32 v14, v63;
	v14 =	vmul.f32 v15, v63;
	v15 =	vld.idx.msk [tilespmem:v36+s21+$0x0], $0xffff  }
0x312: {  	v20 =	vor.u32 v7, v16;
	v7 =	vor.u32 v5, v16;
	v5 =	vld [tilespmem:$0x1FFA0]  }
0x313: {  	v33 =	vadd.f32 v2, v33;
	v2 =	vmul.f32 v21, v63;
	v21 =	vmul.f32 v51, v63;
	v51 =	vld [tilespmem:$0x1FDE0]  }
0x314: {  	v4 =	vmul.f32 v4, v63;
	v55 =	vld.idx.msk [tilespmem:v17+s31+$0x0], $0xffff  }
0x315: {  	v17 =	vld.idx.msk [tilespmem:v17+s0+$0x0], $0xffff  }
0x316: {  	v13 =	vmul.f32 v13, v63;
	v34 =	vadd.f32 v4, v34;
	v4 =	vmul.f32 v47, v63;
	v47 =	vld.idx.msk [tilespmem:v44+s21+$0x0], $0xffff  }
0x317: {  	v8 =	vmul.f32 v8, v63;
	v11 =	vor.u32 v5, v16;
	v5 =	vld [tilespmem:$0x1FFB0]  }
0x318: {  	v3 =	vmul.f32 v3, v63;
	v35 =	vadd.f32 v13, v35;
	v13 =	vld.idx.msk [tilespmem:v19+s21+$0x0], $0xffff  }
0x319: {  	v31 =	vadd.f32 v8, v31;
	v8 =	vld.idx.msk [tilespmem:v20+s21+$0x0], $0xffff  }
0x31a: {  	v30 =	vadd.f32 v3, v30;
	v3 =	vmul.f32 v17, v55;
	v17 =	vld.idx.msk [tilespmem:v45+s21+$0x0], $0xffff  }
0x31b: {  	v9 =	vor.u32 v56, v16;
	v10 =	vor.u32 v57, v16;
	v20 =	vld.idx.msk [tilespmem:v41+s21+$0x0], $0xffff  }
0x31c: {  	v12 =	vor.u32 v60, v16;
	v6 =	vor.u32 v61, v16;
	v5 =	vor.u32 v5, v16;
	v16 =	vld.idx.msk [tilespmem:v42+s21+$0x0], $0xffff  }
0x31d: {  	v29 =	vadd.f32 v1, v29;
	v1 =	vmul.f32 v13, v55;
	v13 =	vld.idx.msk [tilespmem:v46+s21+$0x0], $0xffff  }
0x31e: {  	v28 =	vadd.f32 v14, v28;
	v27 =	vadd.f32 v2, v27;
	v2 =	vmul.f32 v8, v55;
	v8 =	vld.idx.msk [tilespmem:v48+s21+$0x0], $0xffff  }
0x31f: {  	p1 =	sne.s32 s1, $0x3F;
	v24 =	vadd.f32 v4, v24;
	v36 =	vmul.f32 v54, v63;
	v38 =	vadd.f32 v1, v38;
	v1 =	vld.idx.msk [tilespmem:v49+s21+$0x0], $0xffff  }
.Ltmp5:
0x320: {  	v25 =	vadd.f32 v21, v25;
	v19 =	vmul.f32 v43, v63;
	v39 =	vadd.f32 v2, v39;
	v2 =	vld.idx.msk [tilespmem:v50+s21+$0x0], $0xffff;
	(pc) =	sbr.rel @p1 .LBB2_9-.Ltmp5, $4  }
0x321: {  	v37 =	vadd.f32 v3, v37;
	v3 =	vmul.f32 v15, v55;
	v4 =	vld.idx.msk [tilespmem:v52+s21+$0x0], $0xffff;
	v16 =	vmul.f32 v16, v55  }
0x322: {  	v14 =	vmul.f32 v47, v55;
	v26 =	vadd.f32 v19, v26;
	v15 =	vmul.f32 v20, v55;
	v52 =	vld [tilespmem:$0x1FDF0]  }
0x323: {  	v63 =	vmovc v55;
	v18 =	vadd.f32 v3, v18;
	v3 =	vld.idx.msk [tilespmem:v53+s21+$0x0], $0xffff;
	v62 =	vadd.f32 v16, v62;
	v16 =	vmov s1  }
0x324: {  	v0 =	vadd.f32 v15, v0;
	v15 =	vmul.f32 v17, v63;
	v53 =	vld [tilespmem:$0x1FE00];
	s1 =	sadd.s32 $0x1, s1;
	v16 =	vand.u32 $0x3F, v16  }
0x325: {  	_ =	sdelay $0x3  }
0x326: {  	v7 =	vld.idx.msk [tilespmem:v7+s21+$0x0], $0xffff  }
0x327: {  	v11 =	vld.idx.msk [tilespmem:v11+s21+$0x0], $0xffff  }
0x328: {  	v5 =	vld.idx.msk [tilespmem:v5+s21+$0x0], $0xffff  }
0x329: {  	v42 =	vld [tilespmem:$0x1FC40]  }
0x32a: {  	v19 =	vld [tilespmem:$0x1FDB0]  }
0x32b: {  	v9 =	vld.idx.msk [tilespmem:v9+s21+$0x0], $0xffff  }
0x32c: {  	v43 =	vld.idx.msk [tilespmem:v10+s21+$0x0], $0xffff  }
0x32d: {  	v6 =	vld.idx.msk [tilespmem:v6+s21+$0x0], $0xffff  }
0x32e: {  	v44 =	vld [tilespmem:$0x1FDC0]  }
0x32f: {  	v12 =	vld.idx.msk [tilespmem:v12+s21+$0x0], $0xffff  }
0x330: {  	v45 =	vld [tilespmem:$0x1FDD0]  }
0x331: {  	v46 =	vld [tilespmem:$0x1FE10]  }
0x332: {  	v47 =	vld [tilespmem:$0x1FE20]  }
0x333: {  	v48 =	vld [tilespmem:$0x1FE30]  }
0x334: {  	v49 =	vld [tilespmem:$0x1FE40]  }
0x335: {  	v16 =	vbroadcast v16, $0x0;
	v50 =	vld [tilespmem:$0x1FE50]  }
0x336: {  	v54 =	vld [tilespmem:$0x1FFA0]  }
0x337: {  	v55 =	vld [tilespmem:$0x1FFB0];
	v41 =	vor.u32 v51, v16  }
0x338: {  	v51 =	vld [tilespmem:$0x1FE60];
	v17 =	vor.u32 v42, v16  }
0x339: {  	v19 =	vor.u32 v19, v16;
	v42 =	vor.u32 v52, v16;
	v52 =	vld [tilespmem:$0x1FE70]  }
0x33a: {  	v20 =	vor.u32 v44, v16;
	v44 =	vor.u32 v53, v16;
	v53 =	vld [tilespmem:$0x1FE80]  }
0x33b: {  	[tilespmem:$0x1FAA0] =	vst v11;
	v11 =	vor.u32 v61, v16;
	v61 =	vld [tilespmem:$0x1FB20]  }
0x33c: {  	v21 =	vor.u32 v45, v16;
	v41 =	vld.idx.msk [tilespmem:v41+s21+$0x0], $0xffff  }
0x33d: {  	v17 =	vld.idx.msk [tilespmem:v17+s21+$0x0], $0xffff  }
0x33e: {  	[tilespmem:$0x1FAC0] =	vst v43;
	v43 =	vld.idx.msk [tilespmem:v19+s31+$0x0], $0xffff  }
0x33f: {  	v45 =	vor.u32 v46, v16;
	v19 =	vld.idx.msk [tilespmem:v19+s0+$0x0], $0xffff  }
0x340: {  	v46 =	vor.u32 v47, v16;
	v20 =	vld.idx.msk [tilespmem:v20+s21+$0x0], $0xffff  }
0x341: {  	v47 =	vor.u32 v48, v16;
	v21 =	vld.idx.msk [tilespmem:v21+s21+$0x0], $0xffff  }
0x342: {  	v48 =	vor.u32 v49, v16;
	v42 =	vld.idx.msk [tilespmem:v42+s21+$0x0], $0xffff  }
0x343: {  	v49 =	vor.u32 v50, v16;
	v44 =	vld.idx.msk [tilespmem:v44+s21+$0x0], $0xffff  }
0x344: {  	v57 =	vor.u32 v57, v16;
	v45 =	vld.idx.msk [tilespmem:v45+s21+$0x0], $0xffff  }
0x345: {  	v46 =	vld.idx.msk [tilespmem:v46+s21+$0x0], $0xffff  }
0x346: {  	v47 =	vld.idx.msk [tilespmem:v47+s21+$0x0], $0xffff  }
0x347: {  	v50 =	vor.u32 v51, v16;
	v48 =	vld.idx.msk [tilespmem:v48+s21+$0x0], $0xffff  }
0x348: {  	v51 =	vor.u32 v52, v16;
	v52 =	vor.u32 v53, v16;
	v53 =	vor.u32 v54, v16;
	v49 =	vld.idx.msk [tilespmem:v49+s21+$0x0], $0xffff  }
0x349: {  	v54 =	vor.u32 v55, v16;
	v55 =	vor.u32 v56, v16;
	v16 =	vor.u32 v60, v16;
	v60 =	vld.idx.msk [tilespmem:v57+s21+$0x0], $0xffff  }
0x34a: {  	v56 =	vld [tilespmem:$0x1FB00]  }
0x34b: {  	v57 =	vld [tilespmem:$0x1FB10]  }
0x34c: {  	v50 =	vld.idx.msk [tilespmem:v50+s21+$0x0], $0xffff  }
0x34d: {  	v51 =	vld.idx.msk [tilespmem:v51+s21+$0x0], $0xffff  }
0x34e: {  	v52 =	vld.idx.msk [tilespmem:v52+s21+$0x0], $0xffff  }
0x34f: {  	v53 =	vld.idx.msk [tilespmem:v53+s21+$0x0], $0xffff  }
0x350: {  	v13 =	vmul.f32 v13, v63;
	v54 =	vld.idx.msk [tilespmem:v54+s21+$0x0], $0xffff  }
0x351: {  	v14 =	vadd.f32 v14, v22;
	v1 =	vmul.f32 v1, v63;
	v2 =	vmul.f32 v2, v63;
	v55 =	vld.idx.msk [tilespmem:v55+s21+$0x0], $0xffff  }
0x352: {  	v15 =	vadd.f32 v15, v23;
	v19 =	vmul.f32 v19, v43;
	v21 =	vmul.f32 v21, v43;
	v16 =	vld.idx.msk [tilespmem:v16+s21+$0x0], $0xffff  }
0x353: {  	v13 =	vadd.f32 v13, v35;
	[tilespmem:$0x1FAB0] =	vst v9;
	v20 =	vmul.f32 v20, v43;
	v9 =	vmul.f32 v42, v43;
	v42 =	vld [tilespmem:$0x1FB40]  }
0x354: {  	v4 =	vmul.f32 v4, v63;
	v19 =	vadd.f32 v19, v37;
	v21 =	vadd.f32 v21, v39;
	v39 =	vld [tilespmem:$0x1FB30]  }
0x355: {  	v41 =	vmul.f32 v41, v43;
	v10 =	vmul.f32 v44, v43;
	v44 =	vld [tilespmem:$0x1FB50];
	v20 =	vadd.f32 v20, v38  }
0x356: {  	v1 =	vadd.f32 v1, v32;
	v37 =	vld.idx.msk [tilespmem:v11+s21+$0x0], $0xffff;
	v11 =	vmul.f32 v45, v43;
	[tilespmem:$0x16830] =	vst v19  }
0x357: {  	v18 =	vadd.f32 v41, v18;
	v38 =	vmul.f32 v46, v43;
	v46 =	vld [tilespmem:$0x1FB60];
	[tilespmem:v56+s15+$0x0] =	vst.idx.msk $0xffff, v20  }
0x358: {  	v2 =	vadd.f32 v2, v33;
	v41 =	vadd.f32 v11, v15;
	v11 =	vld [tilespmem:$0x1FB70];
	[tilespmem:v57+s15+$0x0] =	vst.idx.msk $0xffff, v21  }
0x359: {  	v4 =	vadd.f32 v4, v34;
	v23 =	vmul.f32 v7, v63;
	[tilespmem:v61+s15+$0x0] =	vst.idx.msk $0xffff, v18;
	v18 =	vld [tilespmem:$0x1FB80]  }
0x35a: {  	v33 =	vmul.f32 v5, v63;
	v0 =	vadd.f32 v9, v0;
	v45 =	vmul.f32 v8, v63;
	v20 =	vld [tilespmem:$0x1FB90]  }
0x35b: {  	v22 =	vld [tilespmem:$0x1FBA0];
	v14 =	vadd.f32 v10, v14;
	v10 =	vmul.f32 v50, v43;
	v13 =	vadd.f32 v38, v13  }
0x35c: {  	v56 =	vmul.f32 v47, v43;
	[tilespmem:v39+s15+$0x0] =	vst.idx.msk $0xffff, v0;
	v0 =	vadd.f32 v45, v31;
	v39 =	vld [tilespmem:$0x1FBB0]  }
0x35d: {  	v57 =	vmul.f32 v48, v43;
	v21 =	vmul.f32 v3, v63;
	v31 =	vld [tilespmem:$0x1FAA0];
	[tilespmem:v42+s15+$0x0] =	vst.idx.msk $0xffff, v14  }
0x35e: {  	v61 =	vmul.f32 v49, v43;
	v42 =	vld [tilespmem:$0x1FBC0];
	[tilespmem:v44+s15+$0x0] =	vst.idx.msk $0xffff, v41;
	v0 =	vadd.f32 v56, v0  }
0x35f: {  	v32 =	vmul.f32 v51, v43;
	v1 =	vadd.f32 v57, v1;
	[tilespmem:v46+s15+$0x0] =	vst.idx.msk $0xffff, v13;
	v46 =	vld [tilespmem:$0x1FAB0]  }
0x360: {  	v15 =	vadd.f32 v61, v2;
	v45 =	vld [tilespmem:$0x1FBD0];
	[tilespmem:v11+s15+$0x0] =	vst.idx.msk $0xffff, v0;
	v0 =	vadd.f32 v21, v30  }
0x361: {  	v19 =	vadd.f32 v10, v4;
	v34 =	vmul.f32 v52, v43;
	v47 =	vld [tilespmem:$0x1FBE0];
	[tilespmem:v18+s15+$0x0] =	vst.idx.msk $0xffff, v1  }
0x362: {  	v56 =	vld [tilespmem:$0x1FBF0];
	v2 =	vmul.f32 v31, v63;
	[tilespmem:v20+s15+$0x0] =	vst.idx.msk $0xffff, v15;
	v0 =	vadd.f32 v32, v0  }
0x363: {  	v35 =	vmul.f32 v53, v43;
	v1 =	vadd.f32 v23, v29;
	[tilespmem:v22+s15+$0x0] =	vst.idx.msk $0xffff, v19  }
0x364: {  	v2 =	vadd.f32 v2, v28;
	[tilespmem:v39+s15+$0x0] =	vst.idx.msk $0xffff, v0;
	v0 =	vmul.f32 v46, v63  }
0x365: {  	v4 =	vadd.f32 v33, v27;
	v38 =	vmul.f32 v54, v43;
	v49 =	vld [tilespmem:$0x1FAC0];
	v1 =	vadd.f32 v34, v1  }
0x366: {  	v51 =	vmul.f32 v55, v43;
	v41 =	vadd.f32 v35, v2;
	v0 =	vadd.f32 v0, v26  }
0x367: {  	v53 =	vmul.f32 v60, v43;
	v44 =	vadd.f32 v38, v4;
	[tilespmem:v42+s15+$0x0] =	vst.idx.msk $0xffff, v1  }
0x368: {  	v60 =	vld [tilespmem:$0x1FC00];
	v57 =	vmul.f32 v17, v43;
	[tilespmem:v45+s15+$0x0] =	vst.idx.msk $0xffff, v41;
	v0 =	vadd.f32 v51, v0  }
0x369: {  	v61 =	vld [tilespmem:$0x1FC10];
	[tilespmem:v47+s15+$0x0] =	vst.idx.msk $0xffff, v44  }
0x36a: {  	v2 =	vmul.f32 v49, v63;
	[tilespmem:v56+s15+$0x0] =	vst.idx.msk $0xffff, v0;
	v0 =	vadd.f32 v57, v62;
	v62 =	vld [tilespmem:$0x1FC20]  }
0x36b: {  	v50 =	vmul.f32 v6, v63;
	v52 =	vmul.f32 v12, v63;
	v63 =	vld [tilespmem:$0x1FC30]  }
0x36c: {  	v48 =	vadd.f32 v36, v40;
	v2 =	vadd.f32 v2, v24  }
0x36d: {  	v3 =	vadd.f32 v50, v25;
	v54 =	vmul.f32 v37, v43  }
0x36e: {  	v55 =	vmul.f32 v16, v43;
	v1 =	vadd.f32 v52, v48;
	v2 =	vadd.f32 v53, v2  }
0x36f: {  	v3 =	vadd.f32 v54, v3  }
0x370: {  	v1 =	vadd.f32 v55, v1;
	[tilespmem:v60+s15+$0x0] =	vst.idx.msk $0xffff, v2  }
0x371: {  	[tilespmem:v61+s15+$0x0] =	vst.idx.msk $0xffff, v3  }
.Ltmp6:
0x372: {  	s1 =	sshrl.u32 s13, $0x3;
	[tilespmem:v62+s15+$0x0] =	vst.idx.msk $0xffff, v1;
	(pc) =	sbr.rel @p0 .LBB2_12-.Ltmp6, $4  }
0x373: {  	s2 =	simm.s32 $0x16820;
	s16 =	sshrl.u32 s16, $0x3;
	s1 =	sadd.s32 s10, s1;
	[tilespmem:v63+s15+$0x0] =	vst.idx.msk $0xffff, v0  }
0x374: {  	[hbm4b:s1+s6] =	stream.linear.scatter [tilespmem:s2], [sflag:$0x6], $0x20, $0x38;
	[tilespmem:$0x16AC0] =	vst v63  }
0x375: {  	s18 =	smov.u32 s10;
	s1 =	sadd.s32 s9, s16  }
0x376: {  	[hbm4b:s1+s6] =	stream.linear.scatter [tilespmem:s15], [sflag:$0x6], $0x280, $0x38;
	[tilespmem:$0x16AC0] =	vst v63  }
0x377: {  	v45 =	vld [tilespmem:$0x1FE90]  }
0x378: {  	v33 =	vld [tilespmem:$0x1FEA0]  }
0x379: {  	v42 =	vld [tilespmem:$0x1FEB0]  }
0x37a: {  	v43 =	vld [tilespmem:$0x1FEC0]  }
0x37b: {  	v44 =	vld [tilespmem:$0x1FED0]  }
0x37c: {  	v47 =	vld [tilespmem:$0x1FEE0]  }
0x37d: {  	v46 =	vld [tilespmem:$0x1FEF0]  }
0x37e: {  	v48 =	vld [tilespmem:$0x1FF00]  }
0x37f: {  	s1 =	rddreg [dreg:$0xc];
	v49 =	vld [tilespmem:$0x1FF10]  }
0x380: {  	v50 =	vld [tilespmem:$0x1FF20];
	s1 =	sadd.s32 s25, s1  }
0x381: {  	s3 =	rddreg [dreg:$0x0];
	v51 =	vld [tilespmem:$0x1FF30];
	s2 =	sshrl.u32 s1, $0x3  }
0x382: {  	v53 =	vld [tilespmem:$0x1FF40];
	s1 =	smul.u32 $0x14, s1;
	s3 =	sadd.s32 s3, s2  }
0x383: {  	v52 =	vld [tilespmem:$0x1FF50];
	[tilespmem:s22], [sflag:$0x4] =	stream.linear.gather [hbm4b:s3+s6], $0x20, $0x38  }
.Ltmp7:
0x384: {  	s16 =	rddreg [dreg:$0x1];
	v17 =	vld [tilespmem:$0x1FF60];
	(pc) =	sbr.rel .LBB2_2-.Ltmp7, $4  }
0x385: {  	v19 =	vld [tilespmem:$0x1FF70];
	s25 =	rddreg [dreg:$0x2];
	s2 =	sadd.s32 s16, s2;
	s1 =	sshrl.u32 s1, $0x3  }
0x386: {  	v20 =	vld [tilespmem:$0x1FF80];
	[tilespmem:s23], [sflag:$0x4] =	stream.linear.gather [hbm4b:s2+s6], $0x20, $0x38  }
0x387: {  	s19 =	sadd.s32 $0x1, s19;
	v21 =	vld [tilespmem:$0x1FF90];
	s1 =	sadd.s32 s25, s1  }
0x388: {  	v41 =	vmov v58;
	v54 =	vmov v59;
	v38 =	vld [tilespmem:$0x1FFE0];
	[tilespmem:s24], [sflag:$0x4] =	stream.linear.gather [hbm4b:s1+s6], $0x280, $0x38  }
.LBB2_13:
0x389: {  	_ =	sfence.sel $0x180000  }
0x38a: {  	[bflag:$0x0] =	sbarrier.arrive $0xFFFF  }
0x38b: {  	_ =	strace $0x9000004A  }
0x38c: {  	s0 =	stileid.u32;
	[bflag:$0x2] =	sbarrier.arrive $0xFFFF  }
0x38d: {  	p0 =	sne.s32 s0, $0x0;
	s0 =	rddreg [dreg:$0x5]  }
0x38e: {  	s0 =	sadd.s32 @!p0 $0x100000, s0  }
0x38f: {  	[sflag:s0] =	ssyncadd.tile.s32 @!p0 $0x1;
	_ =	shalt  }
.Lfunc_end2:
_tile_overlayer_lowered:
.L_overlay_start_2:
0x390: {  	(tag) =	ssettag $0x2  }
0x391: {  	s0 =	rddreg [dreg:$0x0];
	s2 =	stileid.u32  }
0x392: {  	s1 =	rddreg [dreg:$0x1];
	p0 =	sne.s32 s2, $0x0  }
0x393: {  	s3 =	rddreg [dreg:$0x2];
	[bflag:$0x3] =	sbarrier.arrive $0xFFFF;
	s2 =	simm.s32 @!p0 $0x1C07  }
0x394: {  	[timem:s3], [sflag:s2] =	dma.local @!p0 [hbm:s0], s1  }
0x395: {  	s0 =	simm.s32 @!p0 $0x7  }
0x396: {  	_ =	swait.ge @!p0 [sflag:s0], s1  }
0x397: {  	s1 =	ssub.s32 @!p0 $0x0, s1;
	[sflag:s0] =	ssyncset.done @!p0 $0x0  }
0x398: {  	[sflag:s0] =	ssyncadd.s32 @!p0 s1  }
0x399: {  	[bflag:$0x3] =	sbarrier.arrive $0xFFFF  }
0x39a: {  	_ =	shalt  }

</sc_bundles>
